<compile_context>
chip_gen: v7x
topology: tpu7x:2x2x1
jax: 0.10.2.dev20260603
libtpu: 0.0.44.dev20260713+nightly
codegen_flags: <defaults>
</compile_context>

<pallas_src>
import functools

import jax
import jax.numpy as jnp
from jax import lax
from jax.experimental import pallas as pl
from jax.experimental.pallas import tpu as pltpu
from jax.experimental.pallas import tpu_sc as plsc

_NC = 2
_NS = 16
_CH = 1000
_CHD = 4000


def _fill_1d(ref, n, val):
    def body(i, c):
        ref[pl.ds(i * 16, 16)] = jnp.full((16,), val, ref.dtype)
        return c
    lax.fori_loop(0, n // 16, body, 0)


def _make_deg(E, NPAD):
    EC = E // _NC
    ET = EC // _NS
    NIT = ET // _CHD
    PT = NPAD // _NS
    mesh = plsc.VectorSubcoreMesh(core_axis_name="c", subcore_axis_name="s")

    @functools.partial(
        pl.kernel,
        out_type=(jax.ShapeDtypeStruct((NPAD,), jnp.float32),
                  jax.ShapeDtypeStruct((NPAD,), jnp.float32)),
        mesh=mesh,
        scratch_types=[
            pltpu.VMEM((_CHD,), jnp.int32),
            pltpu.VMEM((_CHD,), jnp.float32),
            pltpu.VMEM((PT,), jnp.float32),
            pltpu.VMEM_SHARED((NPAD,), jnp.float32),
        ],
        compiler_params=pltpu.CompilerParams(use_tc_tiling_on_sc=False),
    )
    def deg(dst_hbm, cnt0_hbm, cnt1_hbm, didx, ones, zeros, acc):
        c = lax.axis_index("c")
        s = lax.axis_index("s")
        _fill_1d(ones, _CHD, 1.0)
        _fill_1d(zeros, PT, 0.0)
        pltpu.sync_copy(zeros, acc.at[pl.ds(s * PT, PT)])
        plsc.subcore_barrier()
        tbase = c * EC + s * ET

        def body(i, carry):
            pltpu.sync_copy(dst_hbm.at[pl.ds(tbase + i * _CHD, _CHD)], didx)
            pltpu.sync_copy(ones, acc.at[didx], add=True)
            return carry

        lax.fori_loop(0, NIT, body, 0)
        plsc.subcore_barrier()
        pltpu.sync_copy(acc.at[pl.ds(s * PT, PT)], zeros)

        @pl.when(c == 0)
        def _():
            pltpu.sync_copy(zeros, cnt0_hbm.at[pl.ds(s * PT, PT)])

        @pl.when(c == 1)
        def _():
            pltpu.sync_copy(zeros, cnt1_hbm.at[pl.ds(s * PT, PT)])

    return deg


def _make_scatter(E, NPAD, F):
    EC = E // _NC
    ET = EC // _NS
    NIT = ET // _CH
    PT = NPAD // _NS
    ZR = PT // 17
    mesh = plsc.VectorSubcoreMesh(core_axis_name="c", subcore_axis_name="s")

    @functools.partial(
        pl.kernel,
        out_type=(jax.ShapeDtypeStruct((NPAD, F), jnp.float32),
                  jax.ShapeDtypeStruct((NPAD, F), jnp.float32)),
        mesh=mesh,
        scratch_types=[
            pltpu.VMEM((_CH,), jnp.int32),
            pltpu.VMEM((_CH,), jnp.int32),
            pltpu.VMEM((_CH, F), jnp.float32),
            pltpu.VMEM((ZR, F), jnp.float32),
            pltpu.VMEM_SHARED((NPAD, F), jnp.float32),
            pltpu.SemaphoreType.DMA,
        ],
        compiler_params=pltpu.CompilerParams(use_tc_tiling_on_sc=False),
    )
    def scat(src_hbm, dst_hbm, v_hbm, acc0_hbm, acc1_hbm,
             sidx, didx, rows, zrows, acc, gsem):
        c = lax.axis_index("c")
        s = lax.axis_index("s")

        def zb(i, carry):
            zrows[i, :] = jnp.zeros((16,), jnp.float32)
            return carry

        lax.fori_loop(0, ZR, zb, 0)
        for j in range(PT // ZR):
            pltpu.sync_copy(zrows, acc.at[pl.ds(s * PT + j * ZR, ZR)])
        plsc.subcore_barrier()
        tbase = c * EC + s * ET

        def body(i, carry):
            b = tbase + i * _CH
            pltpu.sync_copy(src_hbm.at[pl.ds(b, _CH)], sidx)
            pltpu.sync_copy(dst_hbm.at[pl.ds(b, _CH)], didx)
            pltpu.async_copy(v_hbm.at[sidx], rows, gsem).wait()
            pltpu.sync_copy(rows, acc.at[didx], add=True)
            return carry

        lax.fori_loop(0, NIT, body, 0)
        plsc.subcore_barrier()
        for j in range(PT // ZR):
            pltpu.sync_copy(acc.at[pl.ds(s * PT + j * ZR, ZR)], zrows)

            @pl.when(c == 0)
            def _():
                pltpu.sync_copy(zrows, acc0_hbm.at[pl.ds(s * PT + j * ZR, ZR)])

            @pl.when(c == 1)
            def _():
                pltpu.sync_copy(zrows, acc1_hbm.at[pl.ds(s * PT + j * ZR, ZR)])

    return scat


def _t1(cnt0, cnt1, x, W1, NPAD):
    BR = 3128
    NG = NPAD // BR

    def body(c0, c1, xr, w1, y1_ref, dinv_ref):
        deg = c0[...] + c1[...] + 1.0
        dinv = lax.rsqrt(deg)
        dinv_ref[...] = dinv
        y1_ref[...] = jnp.dot(xr[...] * dinv, w1[...],
                              preferred_element_type=jnp.float32)

    return pl.pallas_call(
        body,
        grid=(NG,),
        in_specs=[
            pl.BlockSpec((BR, 1), lambda i: (i, 0)),
            pl.BlockSpec((BR, 1), lambda i: (i, 0)),
            pl.BlockSpec((BR, 2), lambda i: (i, 0)),
            pl.BlockSpec((2, 16), lambda i: (0, 0)),
        ],
        out_specs=(pl.BlockSpec((BR, 16), lambda i: (i, 0)),
                   pl.BlockSpec((BR, 1), lambda i: (i, 0))),
        out_shape=(jax.ShapeDtypeStruct((NPAD, 16), jnp.float32),
                   jax.ShapeDtypeStruct((NPAD, 1), jnp.float32)),
    )(cnt0, cnt1, x, W1)


def _t2(acc0, acc1, y1, dinv, b1, W2, NPAD):
    BR = 3128
    NG = NPAD // BR

    def body(a0_ref, a1_ref, y1_ref, dinv_ref, b1_ref, w2_ref, y2_ref):
        ssum = a0_ref[...] + a1_ref[...] + y1_ref[...]
        h1 = jnp.maximum(dinv_ref[...] * ssum + b1_ref[...], 0.0)
        y2_ref[...] = dinv_ref[...] * jnp.dot(
            h1, w2_ref[...], preferred_element_type=jnp.float32)

    return pl.pallas_call(
        body,
        grid=(NG,),
        in_specs=[
            pl.BlockSpec((BR, 16), lambda i: (i, 0)),
            pl.BlockSpec((BR, 16), lambda i: (i, 0)),
            pl.BlockSpec((BR, 16), lambda i: (i, 0)),
            pl.BlockSpec((BR, 1), lambda i: (i, 0)),
            pl.BlockSpec((1, 16), lambda i: (0, 0)),
            pl.BlockSpec((16, 16), lambda i: (0, 0)),
        ],
        out_specs=pl.BlockSpec((BR, 16), lambda i: (i, 0)),
        out_shape=jax.ShapeDtypeStruct((NPAD, 16), jnp.float32),
    )(acc0, acc1, y1, dinv, b1, W2)


def _t3(acc0, acc1, y2, dinv, b2, fc_W, fc_b, N):
    NPAD = acc0.shape[0]
    BR = 3128
    NG = NPAD // BR

    def body(a0_ref, a1_ref, y2_ref, dinv_ref, b2_ref, fcw_ref, fcb_ref,
             out_ref, accum):
        i = pl.program_id(0)

        @pl.when(i == 0)
        def _():
            accum[...] = jnp.zeros_like(accum)

        ssum = a0_ref[...] + a1_ref[...] + y2_ref[...]
        h2 = jnp.maximum(dinv_ref[...] * ssum + b2_ref[...], 0.0)
        rid = lax.broadcasted_iota(jnp.int32, (BR, 16), 0) + i * BR
        h2 = jnp.where(rid < N, h2, 0.0)
        accum[...] += jnp.sum(h2, axis=0, keepdims=True)

        @pl.when(i == NG - 1)
        def _():
            m = accum[...] * (1.0 / N)
            logits = jnp.dot(m, fcw_ref[...],
                             preferred_element_type=jnp.float32) + fcb_ref[...]
            z = logits - jnp.max(logits, axis=1, keepdims=True)
            out_ref[...] = z - jnp.log(
                jnp.sum(jnp.exp(z), axis=1, keepdims=True))

    return pl.pallas_call(
        body,
        grid=(NG,),
        in_specs=[
            pl.BlockSpec((BR, 16), lambda i: (i, 0)),
            pl.BlockSpec((BR, 16), lambda i: (i, 0)),
            pl.BlockSpec((BR, 16), lambda i: (i, 0)),
            pl.BlockSpec((BR, 1), lambda i: (i, 0)),
            pl.BlockSpec((1, 16), lambda i: (0, 0)),
            pl.BlockSpec((16, fc_W.shape[1]), lambda i: (0, 0)),
            pl.BlockSpec((1, fc_W.shape[1]), lambda i: (0, 0)),
        ],
        out_specs=pl.BlockSpec((1, fc_W.shape[1]), lambda i: (0, 0)),
        out_shape=jax.ShapeDtypeStruct((1, fc_W.shape[1]), jnp.float32),
        scratch_shapes=[pltpu.VMEM((1, 16), jnp.float32)],
    )(acc0, acc1, y2, dinv, b2, fc_W, fc_b)


def kernel(x, edge_index, W1, b1, W2, b2, fc_W, fc_b):
    N, E = x.shape[0], edge_index.shape[1]
    NPAD = ((N + _NS * 16 - 1) // (_NS * 16)) * (_NS * 16)

    deg_call = _make_deg(E, NPAD)
    scat_call = _make_scatter(E, NPAD, 16)

    e_src = edge_index[0]
    e_dst = edge_index[1]
    cnt_a, cnt_b = deg_call(e_dst)
    cnt0 = cnt_a.reshape(NPAD, 1)
    cnt1 = cnt_b.reshape(NPAD, 1)
    xp = jnp.concatenate(
        [x, jnp.zeros((NPAD - N, x.shape[1]), x.dtype)], axis=0)
    b1r = b1.reshape(1, 16)
    b2r = b2.reshape(1, 16)
    fcbr = fc_b.reshape(1, fc_b.shape[0])

    y1, dinv = _t1(cnt0, cnt1, xp, W1, NPAD)
    s1a, s1b = scat_call(e_src, e_dst, y1)
    y2 = _t2(s1a, s1b, y1, dinv, b1r, W2, NPAD)
    s2a, s2b = scat_call(e_src, e_dst, y2)
    return _t3(s2a, s2b, y2, dinv, b2r, fc_W, fcbr, N)

# --- scband reference (transcript-rebuilt; emitter-appended) ---
"""Pipeline reference for scband-gcn-23467701305631 (READ-ONLY COPY).

The authoritative reference and input builder live on the scoring server;
editing this copy changes nothing except your own understanding.
"""

import jax, jax.numpy as jnp
import numpy as np

N = 100000
E = 3200000
NUM_CLASSES = 10

def setup_inputs(seed: int = 0):
    key = jax.random.key(seed)
    ks = jax.random.split(key, 9)
    x = jax.random.normal(ks[0], (N, 2), dtype=jnp.float32)
    edge_index = jax.random.randint(ks[1], (2, E), 0, N)
    W1 = jax.random.normal(ks[2], (2, 16), dtype=jnp.float32) * 0.5
    b1 = jnp.zeros((16,), dtype=jnp.float32)
    W2 = jax.random.normal(ks[3], (16, 16), dtype=jnp.float32) * 0.25
    b2 = jnp.zeros((16,), dtype=jnp.float32)
    fc_W = jax.random.normal(ks[4], (16, NUM_CLASSES), dtype=jnp.float32) * 0.25
    fc_b = jnp.zeros((NUM_CLASSES,), dtype=jnp.float32)
    return {"x": x, "edge_index": edge_index, "W1": W1, "b1": b1, "W2": W2, "b2": b2, "fc_W": fc_W, "fc_b": fc_b}

def gcn_conv(x, edge_index, W, b):
    # GCNConv: add self-loops, symmetric normalization D^-1/2 (A+I) D^-1/2, then X W + b
    n = x.shape[0]
    loop = jnp.arange(n, dtype=edge_index.dtype)
    src = jnp.concatenate([edge_index[0], loop])
    dst = jnp.concatenate([edge_index[1], loop])
    xw = x @ W
    deg = jnp.zeros((n,), dtype=xw.dtype).at[dst].add(1.0)
    dinv = jax.lax.rsqrt(jnp.maximum(deg, 1.0))
    norm = dinv[src] * dinv[dst]
    msg = xw[src] * norm[:, None]
    out = jnp.zeros((n, W.shape[1]), dtype=xw.dtype).at[dst].add(msg)
    return out + b

def reference(x, edge_index, W1, b1, W2, b2, fc_W, fc_b):
    h = jax.nn.relu(gcn_conv(x, edge_index, W1, b1))
    h = jax.nn.relu(gcn_conv(h, edge_index, W2, b2))
    h = jnp.mean(h, axis=0, keepdims=True)
    logits = h @ fc_W + fc_b
    return jax.nn.log_softmax(logits, axis=1)

if __name__ == "__main__":
    import jax
    _d = setup_inputs()
    print(jax.jit(kernel)(*tuple(_d.values())))

</pallas_src>

<mosaic_0001>
#map = affine_map<(d0, d1) -> (0)>
#map1 = affine_map<(d0, d1) -> (0, 0)>
module attributes {stable_mosaic.version = 14 : i64} {
  func.func @scat(%arg0: i32, %arg1: i32, %arg2: memref<3200000xi32, #tpu.memory_space<hbm>>, %arg3: memref<3200000xi32, #tpu.memory_space<hbm>>, %arg4: memref<100096x16xf32, #tpu.memory_space<hbm>>, %arg5: memref<100096x16xf32, #tpu.memory_space<hbm>>, %arg6: memref<100096x16xf32, #tpu.memory_space<hbm>>, %arg7: memref<1000xi32, #tpu.memory_space<vmem>>, %arg8: memref<1000xi32, #tpu.memory_space<vmem>>, %arg9: memref<1000x16xf32, #tpu.memory_space<vmem>>, %arg10: memref<368x16xf32, #tpu.memory_space<vmem>>, %arg11: memref<100096x16xf32, #tpu.memory_space<vmem_shared>>, %arg12: memref<!tpu.dma_semaphore, #tpu.memory_space<semaphore_mem>>) attributes {dimension_semantics = [#tpu.dimension_semantics<core_parallel>, #tpu.dimension_semantics<subcore_parallel>], iteration_bounds = array<i64: 2, 16>, scalar_prefetch = 0 : i64, scratch_operands = 6 : i64, tpu.core_type = #tpu.core_type<sc_vector_subcore>, window_params = [{transform_indices = #map}, {transform_indices = #map}, {transform_indices = #map1}, {transform_indices = #map1}, {transform_indices = #map1}]} {
    %scan3A = arith.constant 0 : i32
    %scan3A_0 = arith.constant 0 : i32
    %scan3A_1 = arith.constant 368 : i32
    %scan3A_2 = arith.addi %scan3A_0, %scan3A_1 : i32
    %scan3A_3 = arith.constant 1 : i32
    scf.for %scan3A_318 = %scan3A_0 to %scan3A_2 step %scan3A_3  : i32 {
      %broadcast_in_dim3A = arith.constant 0.000000e+00 : f32
      %broadcast_in_dim3A_319 = vector.broadcast %broadcast_in_dim3A : f32 to vector<16xf32>
      %swap3A = arith.index_cast %scan3A_318 : i32 to index
      %swap3A_320 = arith.constant 0 : index
      %swap3A_321 = tpu.vector_load %arg10[%swap3A, %swap3A_320] {strides = array<i32>} : memref<368x16xf32, #tpu.memory_space<vmem>>, vector<1x16xf32>,
      %swap3A_322 = vector.shape_cast %swap3A_321 : vector<1x16xf32> to vector<16xf32>
      %swap3A_323 = vector.shape_cast %broadcast_in_dim3A_319 : vector<16xf32> to vector<1x16xf32>
      tpu.vector_store %arg10[%swap3A, %swap3A_320], %swap3A_323 {strides = array<i32>} : memref<368x16xf32, #tpu.memory_space<vmem>>, vector<1x16xf32>,
    }
    %scan3A_4 = arith.constant 368 : i32
    %mul3A = arith.constant 6256 : i32
    %mul3A_5 = arith.muli %arg1, %mul3A : i32
    %add3A = arith.constant 0 : i32
    %add3A_6 = arith.addi %mul3A_5, %add3A : i32
    "tpu.region"() ({
      %run_scoped3A = tpu.sem_alloc : memref<!tpu.dma_semaphore, #tpu.memory_space<semaphore_mem>>
      %dma_start3A = arith.constant 0 : i32
      %dma_start3A_318 = tpu.memref_slice %arg11[%add3A_6, %dma_start3A] : memref<100096x16xf32, #tpu.memory_space<vmem_shared>> -> memref<368x16xf32, #tpu.memory_space<vmem_shared>>
      %dma_start3A_319 = arith.constant 0 : i32
      %dma_start3A_320 = tpu.memref_slice %arg11[%add3A_6, %dma_start3A_319] : memref<100096x16xf32, #tpu.memory_space<vmem_shared>> -> memref<368x16xf32, #tpu.memory_space<vmem_shared>>
      tpu.enqueue_dma source(%arg10 : memref<368x16xf32, #tpu.memory_space<vmem>>) target(%dma_start3A_320 : memref<368x16xf32, #tpu.memory_space<vmem_shared>>) target_semaphore(%run_scoped3A : memref<!tpu.dma_semaphore, #tpu.memory_space<semaphore_mem>>)
      %dma_wait3A = arith.constant 0 : i32
      %dma_wait3A_321 = tpu.memref_slice %arg11[%add3A_6, %dma_wait3A] : memref<100096x16xf32, #tpu.memory_space<vmem_shared>> -> memref<368x16xf32, #tpu.memory_space<vmem_shared>>
      %dma_wait3A_322 = arith.constant 0 : i32
      %dma_wait3A_323 = tpu.memref_slice %arg11[%add3A_6, %dma_wait3A_322] : memref<100096x16xf32, #tpu.memory_space<vmem_shared>> -> memref<368x16xf32, #tpu.memory_space<vmem_shared>>
      tpu.wait_dma2 semaphore(%run_scoped3A : memref<!tpu.dma_semaphore, #tpu.memory_space<semaphore_mem>>) src(%arg10 : memref<368x16xf32, #tpu.memory_space<vmem>>) dst(%dma_wait3A_323 : memref<368x16xf32, #tpu.memory_space<vmem_shared>>)
      tpu.yield
    }) : () -> ()
    %mul3A_7 = arith.constant 6256 : i32
    %mul3A_8 = arith.muli %arg1, %mul3A_7 : i32
    %add3A_9 = arith.constant 368 : i32
    %add3A_10 = arith.addi %mul3A_8, %add3A_9 : i32
    "tpu.region"() ({
      %run_scoped3A = tpu.sem_alloc : memref<!tpu.dma_semaphore, #tpu.memory_space<semaphore_mem>>
      %dma_start3A = arith.constant 0 : i32
      %dma_start3A_318 = tpu.memref_slice %arg11[%add3A_10, %dma_start3A] : memref<100096x16xf32, #tpu.memory_space<vmem_shared>> -> memref<368x16xf32, #tpu.memory_space<vmem_shared>>
      %dma_start3A_319 = arith.constant 0 : i32
      %dma_start3A_320 = tpu.memref_slice %arg11[%add3A_10, %dma_start3A_319] : memref<100096x16xf32, #tpu.memory_space<vmem_shared>> -> memref<368x16xf32, #tpu.memory_space<vmem_shared>>
      tpu.enqueue_dma source(%arg10 : memref<368x16xf32, #tpu.memory_space<vmem>>) target(%dma_start3A_320 : memref<368x16xf32, #tpu.memory_space<vmem_shared>>) target_semaphore(%run_scoped3A : memref<!tpu.dma_semaphore, #tpu.memory_space<semaphore_mem>>)
      %dma_wait3A = arith.constant 0 : i32
      %dma_wait3A_321 = tpu.memref_slice %arg11[%add3A_10, %dma_wait3A] : memref<100096x16xf32, #tpu.memory_space<vmem_shared>> -> memref<368x16xf32, #tpu.memory_space<vmem_shared>>
      %dma_wait3A_322 = arith.constant 0 : i32
      %dma_wait3A_323 = tpu.memref_slice %arg11[%add3A_10, %dma_wait3A_322] : memref<100096x16xf32, #tpu.memory_space<vmem_shared>> -> memref<368x16xf32, #tpu.memory_space<vmem_shared>>
      tpu.wait_dma2 semaphore(%run_scoped3A : memref<!tpu.dma_semaphore, #tpu.memory_space<semaphore_mem>>) src(%arg10 : memref<368x16xf32, #tpu.memory_space<vmem>>) dst(%dma_wait3A_323 : memref<368x16xf32, #tpu.memory_space<vmem_shared>>)
      tpu.yield
    }) : () -> ()
    %mul3A_11 = arith.constant 6256 : i32
    %mul3A_12 = arith.muli %arg1, %mul3A_11 : i32
    %add3A_13 = arith.constant 736 : i32
    %add3A_14 = arith.addi %mul3A_12, %add3A_13 : i32
    "tpu.region"() ({
      %run_scoped3A = tpu.sem_alloc : memref<!tpu.dma_semaphore, #tpu.memory_space<semaphore_mem>>
      %dma_start3A = arith.constant 0 : i32
      %dma_start3A_318 = tpu.memref_slice %arg11[%add3A_14, %dma_start3A] : memref<100096x16xf32, #tpu.memory_space<vmem_shared>> -> memref<368x16xf32, #tpu.memory_space<vmem_shared>>
      %dma_start3A_319 = arith.constant 0 : i32
      %dma_start3A_320 = tpu.memref_slice %arg11[%add3A_14, %dma_start3A_319] : memref<100096x16xf32, #tpu.memory_space<vmem_shared>> -> memref<368x16xf32, #tpu.memory_space<vmem_shared>>
      tpu.enqueue_dma source(%arg10 : memref<368x16xf32, #tpu.memory_space<vmem>>) target(%dma_start3A_320 : memref<368x16xf32, #tpu.memory_space<vmem_shared>>) target_semaphore(%run_scoped3A : memref<!tpu.dma_semaphore, #tpu.memory_space<semaphore_mem>>)
      %dma_wait3A = arith.constant 0 : i32
      %dma_wait3A_321 = tpu.memref_slice %arg11[%add3A_14, %dma_wait3A] : memref<100096x16xf32, #tpu.memory_space<vmem_shared>> -> memref<368x16xf32, #tpu.memory_space<vmem_shared>>
      %dma_wait3A_322 = arith.constant 0 : i32
      %dma_wait3A_323 = tpu.memref_slice %arg11[%add3A_14, %dma_wait3A_322] : memref<100096x16xf32, #tpu.memory_space<vmem_shared>> -> memref<368x16xf32, #tpu.memory_space<vmem_shared>>
      tpu.wait_dma2 semaphore(%run_scoped3A : memref<!tpu.dma_semaphore, #tpu.memory_space<semaphore_mem>>) src(%arg10 : memref<368x16xf32, #tpu.memory_space<vmem>>) dst(%dma_wait3A_323 : memref<368x16xf32, #tpu.memory_space<vmem_shared>>)
      tpu.yield
    }) : () -> ()
    %mul3A_15 = arith.constant 6256 : i32
    %mul3A_16 = arith.muli %arg1, %mul3A_15 : i32
    %add3A_17 = arith.constant 1104 : i32
    %add3A_18 = arith.addi %mul3A_16, %add3A_17 : i32
    "tpu.region"() ({
      %run_scoped3A = tpu.sem_alloc : memref<!tpu.dma_semaphore, #tpu.memory_space<semaphore_mem>>
      %dma_start3A = arith.constant 0 : i32
      %dma_start3A_318 = tpu.memref_slice %arg11[%add3A_18, %dma_start3A] : memref<100096x16xf32, #tpu.memory_space<vmem_shared>> -> memref<368x16xf32, #tpu.memory_space<vmem_shared>>
      %dma_start3A_319 = arith.constant 0 : i32
      %dma_start3A_320 = tpu.memref_slice %arg11[%add3A_18, %dma_start3A_319] : memref<100096x16xf32, #tpu.memory_space<vmem_shared>> -> memref<368x16xf32, #tpu.memory_space<vmem_shared>>
      tpu.enqueue_dma source(%arg10 : memref<368x16xf32, #tpu.memory_space<vmem>>) target(%dma_start3A_320 : memref<368x16xf32, #tpu.memory_space<vmem_shared>>) target_semaphore(%run_scoped3A : memref<!tpu.dma_semaphore, #tpu.memory_space<semaphore_mem>>)
      %dma_wait3A = arith.constant 0 : i32
      %dma_wait3A_321 = tpu.memref_slice %arg11[%add3A_18, %dma_wait3A] : memref<100096x16xf32, #tpu.memory_space<vmem_shared>> -> memref<368x16xf32, #tpu.memory_space<vmem_shared>>
      %dma_wait3A_322 = arith.constant 0 : i32
      %dma_wait3A_323 = tpu.memref_slice %arg11[%add3A_18, %dma_wait3A_322] : memref<100096x16xf32, #tpu.memory_space<vmem_shared>> -> memref<368x16xf32, #tpu.memory_space<vmem_shared>>
      tpu.wait_dma2 semaphore(%run_scoped3A : memref<!tpu.dma_semaphore, #tpu.memory_space<semaphore_mem>>) src(%arg10 : memref<368x16xf32, #tpu.memory_space<vmem>>) dst(%dma_wait3A_323 : memref<368x16xf32, #tpu.memory_space<vmem_shared>>)
      tpu.yield
    }) : () -> ()
    %mul3A_19 = arith.constant 6256 : i32
    %mul3A_20 = arith.muli %arg1, %mul3A_19 : i32
    %add3A_21 = arith.constant 1472 : i32
    %add3A_22 = arith.addi %mul3A_20, %add3A_21 : i32
    "tpu.region"() ({
      %run_scoped3A = tpu.sem_alloc : memref<!tpu.dma_semaphore, #tpu.memory_space<semaphore_mem>>
      %dma_start3A = arith.constant 0 : i32
      %dma_start3A_318 = tpu.memref_slice %arg11[%add3A_22, %dma_start3A] : memref<100096x16xf32, #tpu.memory_space<vmem_shared>> -> memref<368x16xf32, #tpu.memory_space<vmem_shared>>
      %dma_start3A_319 = arith.constant 0 : i32
      %dma_start3A_320 = tpu.memref_slice %arg11[%add3A_22, %dma_start3A_319] : memref<100096x16xf32, #tpu.memory_space<vmem_shared>> -> memref<368x16xf32, #tpu.memory_space<vmem_shared>>
      tpu.enqueue_dma source(%arg10 : memref<368x16xf32, #tpu.memory_space<vmem>>) target(%dma_start3A_320 : memref<368x16xf32, #tpu.memory_space<vmem_shared>>) target_semaphore(%run_scoped3A : memref<!tpu.dma_semaphore, #tpu.memory_space<semaphore_mem>>)
      %dma_wait3A = arith.constant 0 : i32
      %dma_wait3A_321 = tpu.memref_slice %arg11[%add3A_22, %dma_wait3A] : memref<100096x16xf32, #tpu.memory_space<vmem_shared>> -> memref<368x16xf32, #tpu.memory_space<vmem_shared>>
      %dma_wait3A_322 = arith.constant 0 : i32
      %dma_wait3A_323 = tpu.memref_slice %arg11[%add3A_22, %dma_wait3A_322] : memref<100096x16xf32, #tpu.memory_space<vmem_shared>> -> memref<368x16xf32, #tpu.memory_space<vmem_shared>>
      tpu.wait_dma2 semaphore(%run_scoped3A : memref<!tpu.dma_semaphore, #tpu.memory_space<semaphore_mem>>) src(%arg10 : memref<368x16xf32, #tpu.memory_space<vmem>>) dst(%dma_wait3A_323 : memref<368x16xf32, #tpu.memory_space<vmem_shared>>)
      tpu.yield
    }) : () -> ()
    %mul3A_23 = arith.constant 6256 : i32
    %mul3A_24 = arith.muli %arg1, %mul3A_23 : i32
    %add3A_25 = arith.constant 1840 : i32
    %add3A_26 = arith.addi %mul3A_24, %add3A_25 : i32
    "tpu.region"() ({
      %run_scoped3A = tpu.sem_alloc : memref<!tpu.dma_semaphore, #tpu.memory_space<semaphore_mem>>
      %dma_start3A = arith.constant 0 : i32
      %dma_start3A_318 = tpu.memref_slice %arg11[%add3A_26, %dma_start3A] : memref<100096x16xf32, #tpu.memory_space<vmem_shared>> -> memref<368x16xf32, #tpu.memory_space<vmem_shared>>
      %dma_start3A_319 = arith.constant 0 : i32
      %dma_start3A_320 = tpu.memref_slice %arg11[%add3A_26, %dma_start3A_319] : memref<100096x16xf32, #tpu.memory_space<vmem_shared>> -> memref<368x16xf32, #tpu.memory_space<vmem_shared>>
      tpu.enqueue_dma source(%arg10 : memref<368x16xf32, #tpu.memory_space<vmem>>) target(%dma_start3A_320 : memref<368x16xf32, #tpu.memory_space<vmem_shared>>) target_semaphore(%run_scoped3A : memref<!tpu.dma_semaphore, #tpu.memory_space<semaphore_mem>>)
      %dma_wait3A = arith.constant 0 : i32
      %dma_wait3A_321 = tpu.memref_slice %arg11[%add3A_26, %dma_wait3A] : memref<100096x16xf32, #tpu.memory_space<vmem_shared>> -> memref<368x16xf32, #tpu.memory_space<vmem_shared>>
      %dma_wait3A_322 = arith.constant 0 : i32
      %dma_wait3A_323 = tpu.memref_slice %arg11[%add3A_26, %dma_wait3A_322] : memref<100096x16xf32, #tpu.memory_space<vmem_shared>> -> memref<368x16xf32, #tpu.memory_space<vmem_shared>>
      tpu.wait_dma2 semaphore(%run_scoped3A : memref<!tpu.dma_semaphore, #tpu.memory_space<semaphore_mem>>) src(%arg10 : memref<368x16xf32, #tpu.memory_space<vmem>>) dst(%dma_wait3A_323 : memref<368x16xf32, #tpu.memory_space<vmem_shared>>)
      tpu.yield
    }) : () -> ()
    %mul3A_27 = arith.constant 6256 : i32
    %mul3A_28 = arith.muli %arg1, %mul3A_27 : i32
    %add3A_29 = arith.constant 2208 : i32
    %add3A_30 = arith.addi %mul3A_28, %add3A_29 : i32
    "tpu.region"() ({
      %run_scoped3A = tpu.sem_alloc : memref<!tpu.dma_semaphore, #tpu.memory_space<semaphore_mem>>
      %dma_start3A = arith.constant 0 : i32
      %dma_start3A_318 = tpu.memref_slice %arg11[%add3A_30, %dma_start3A] : memref<100096x16xf32, #tpu.memory_space<vmem_shared>> -> memref<368x16xf32, #tpu.memory_space<vmem_shared>>
      %dma_start3A_319 = arith.constant 0 : i32
      %dma_start3A_320 = tpu.memref_slice %arg11[%add3A_30, %dma_start3A_319] : memref<100096x16xf32, #tpu.memory_space<vmem_shared>> -> memref<368x16xf32, #tpu.memory_space<vmem_shared>>
      tpu.enqueue_dma source(%arg10 : memref<368x16xf32, #tpu.memory_space<vmem>>) target(%dma_start3A_320 : memref<368x16xf32, #tpu.memory_space<vmem_shared>>) target_semaphore(%run_scoped3A : memref<!tpu.dma_semaphore, #tpu.memory_space<semaphore_mem>>)
      %dma_wait3A = arith.constant 0 : i32
      %dma_wait3A_321 = tpu.memref_slice %arg11[%add3A_30, %dma_wait3A] : memref<100096x16xf32, #tpu.memory_space<vmem_shared>> -> memref<368x16xf32, #tpu.memory_space<vmem_shared>>
      %dma_wait3A_322 = arith.constant 0 : i32
      %dma_wait3A_323 = tpu.memref_slice %arg11[%add3A_30, %dma_wait3A_322] : memref<100096x16xf32, #tpu.memory_space<vmem_shared>> -> memref<368x16xf32, #tpu.memory_space<vmem_shared>>
      tpu.wait_dma2 semaphore(%run_scoped3A : memref<!tpu.dma_semaphore, #tpu.memory_space<semaphore_mem>>) src(%arg10 : memref<368x16xf32, #tpu.memory_space<vmem>>) dst(%dma_wait3A_323 : memref<368x16xf32, #tpu.memory_space<vmem_shared>>)
      tpu.yield
    }) : () -> ()
    %mul3A_31 = arith.constant 6256 : i32
    %mul3A_32 = arith.muli %arg1, %mul3A_31 : i32
    %add3A_33 = arith.constant 2576 : i32
    %add3A_34 = arith.addi %mul3A_32, %add3A_33 : i32
    "tpu.region"() ({
      %run_scoped3A = tpu.sem_alloc : memref<!tpu.dma_semaphore, #tpu.memory_space<semaphore_mem>>
      %dma_start3A = arith.constant 0 : i32
      %dma_start3A_318 = tpu.memref_slice %arg11[%add3A_34, %dma_start3A] : memref<100096x16xf32, #tpu.memory_space<vmem_shared>> -> memref<368x16xf32, #tpu.memory_space<vmem_shared>>
      %dma_start3A_319 = arith.constant 0 : i32
      %dma_start3A_320 = tpu.memref_slice %arg11[%add3A_34, %dma_start3A_319] : memref<100096x16xf32, #tpu.memory_space<vmem_shared>> -> memref<368x16xf32, #tpu.memory_space<vmem_shared>>
      tpu.enqueue_dma source(%arg10 : memref<368x16xf32, #tpu.memory_space<vmem>>) target(%dma_start3A_320 : memref<368x16xf32, #tpu.memory_space<vmem_shared>>) target_semaphore(%run_scoped3A : memref<!tpu.dma_semaphore, #tpu.memory_space<semaphore_mem>>)
      %dma_wait3A = arith.constant 0 : i32
      %dma_wait3A_321 = tpu.memref_slice %arg11[%add3A_34, %dma_wait3A] : memref<100096x16xf32, #tpu.memory_space<vmem_shared>> -> memref<368x16xf32, #tpu.memory_space<vmem_shared>>
      %dma_wait3A_322 = arith.constant 0 : i32
      %dma_wait3A_323 = tpu.memref_slice %arg11[%add3A_34, %dma_wait3A_322] : memref<100096x16xf32, #tpu.memory_space<vmem_shared>> -> memref<368x16xf32, #tpu.memory_space<vmem_shared>>
      tpu.wait_dma2 semaphore(%run_scoped3A : memref<!tpu.dma_semaphore, #tpu.memory_space<semaphore_mem>>) src(%arg10 : memref<368x16xf32, #tpu.memory_space<vmem>>) dst(%dma_wait3A_323 : memref<368x16xf32, #tpu.memory_space<vmem_shared>>)
      tpu.yield
    }) : () -> ()
    %mul3A_35 = arith.constant 6256 : i32
    %mul3A_36 = arith.muli %arg1, %mul3A_35 : i32
    %add3A_37 = arith.constant 2944 : i32
    %add3A_38 = arith.addi %mul3A_36, %add3A_37 : i32
    "tpu.region"() ({
      %run_scoped3A = tpu.sem_alloc : memref<!tpu.dma_semaphore, #tpu.memory_space<semaphore_mem>>
      %dma_start3A = arith.constant 0 : i32
      %dma_start3A_318 = tpu.memref_slice %arg11[%add3A_38, %dma_start3A] : memref<100096x16xf32, #tpu.memory_space<vmem_shared>> -> memref<368x16xf32, #tpu.memory_space<vmem_shared>>
      %dma_start3A_319 = arith.constant 0 : i32
      %dma_start3A_320 = tpu.memref_slice %arg11[%add3A_38, %dma_start3A_319] : memref<100096x16xf32, #tpu.memory_space<vmem_shared>> -> memref<368x16xf32, #tpu.memory_space<vmem_shared>>
      tpu.enqueue_dma source(%arg10 : memref<368x16xf32, #tpu.memory_space<vmem>>) target(%dma_start3A_320 : memref<368x16xf32, #tpu.memory_space<vmem_shared>>) target_semaphore(%run_scoped3A : memref<!tpu.dma_semaphore, #tpu.memory_space<semaphore_mem>>)
      %dma_wait3A = arith.constant 0 : i32
      %dma_wait3A_321 = tpu.memref_slice %arg11[%add3A_38, %dma_wait3A] : memref<100096x16xf32, #tpu.memory_space<vmem_shared>> -> memref<368x16xf32, #tpu.memory_space<vmem_shared>>
      %dma_wait3A_322 = arith.constant 0 : i32
      %dma_wait3A_323 = tpu.memref_slice %arg11[%add3A_38, %dma_wait3A_322] : memref<100096x16xf32, #tpu.memory_space<vmem_shared>> -> memref<368x16xf32, #tpu.memory_space<vmem_shared>>
      tpu.wait_dma2 semaphore(%run_scoped3A : memref<!tpu.dma_semaphore, #tpu.memory_space<semaphore_mem>>) src(%arg10 : memref<368x16xf32, #tpu.memory_space<vmem>>) dst(%dma_wait3A_323 : memref<368x16xf32, #tpu.memory_space<vmem_shared>>)
      tpu.yield
    }) : () -> ()
    %mul3A_39 = arith.constant 6256 : i32
    %mul3A_40 = arith.muli %arg1, %mul3A_39 : i32
    %add3A_41 = arith.constant 3312 : i32
    %add3A_42 = arith.addi %mul3A_40, %add3A_41 : i32
    "tpu.region"() ({
      %run_scoped3A = tpu.sem_alloc : memref<!tpu.dma_semaphore, #tpu.memory_space<semaphore_mem>>
      %dma_start3A = arith.constant 0 : i32
      %dma_start3A_318 = tpu.memref_slice %arg11[%add3A_42, %dma_start3A] : memref<100096x16xf32, #tpu.memory_space<vmem_shared>> -> memref<368x16xf32, #tpu.memory_space<vmem_shared>>
      %dma_start3A_319 = arith.constant 0 : i32
      %dma_start3A_320 = tpu.memref_slice %arg11[%add3A_42, %dma_start3A_319] : memref<100096x16xf32, #tpu.memory_space<vmem_shared>> -> memref<368x16xf32, #tpu.memory_space<vmem_shared>>
      tpu.enqueue_dma source(%arg10 : memref<368x16xf32, #tpu.memory_space<vmem>>) target(%dma_start3A_320 : memref<368x16xf32, #tpu.memory_space<vmem_shared>>) target_semaphore(%run_scoped3A : memref<!tpu.dma_semaphore, #tpu.memory_space<semaphore_mem>>)
      %dma_wait3A = arith.constant 0 : i32
      %dma_wait3A_321 = tpu.memref_slice %arg11[%add3A_42, %dma_wait3A] : memref<100096x16xf32, #tpu.memory_space<vmem_shared>> -> memref<368x16xf32, #tpu.memory_space<vmem_shared>>
      %dma_wait3A_322 = arith.constant 0 : i32
      %dma_wait3A_323 = tpu.memref_slice %arg11[%add3A_42, %dma_wait3A_322] : memref<100096x16xf32, #tpu.memory_space<vmem_shared>> -> memref<368x16xf32, #tpu.memory_space<vmem_shared>>
      tpu.wait_dma2 semaphore(%run_scoped3A : memref<!tpu.dma_semaphore, #tpu.memory_space<semaphore_mem>>) src(%arg10 : memref<368x16xf32, #tpu.memory_space<vmem>>) dst(%dma_wait3A_323 : memref<368x16xf32, #tpu.memory_space<vmem_shared>>)
      tpu.yield
    }) : () -> ()
    %mul3A_43 = arith.constant 6256 : i32
    %mul3A_44 = arith.muli %arg1, %mul3A_43 : i32
    %add3A_45 = arith.constant 3680 : i32
    %add3A_46 = arith.addi %mul3A_44, %add3A_45 : i32
    "tpu.region"() ({
      %run_scoped3A = tpu.sem_alloc : memref<!tpu.dma_semaphore, #tpu.memory_space<semaphore_mem>>
      %dma_start3A = arith.constant 0 : i32
      %dma_start3A_318 = tpu.memref_slice %arg11[%add3A_46, %dma_start3A] : memref<100096x16xf32, #tpu.memory_space<vmem_shared>> -> memref<368x16xf32, #tpu.memory_space<vmem_shared>>
      %dma_start3A_319 = arith.constant 0 : i32
      %dma_start3A_320 = tpu.memref_slice %arg11[%add3A_46, %dma_start3A_319] : memref<100096x16xf32, #tpu.memory_space<vmem_shared>> -> memref<368x16xf32, #tpu.memory_space<vmem_shared>>
      tpu.enqueue_dma source(%arg10 : memref<368x16xf32, #tpu.memory_space<vmem>>) target(%dma_start3A_320 : memref<368x16xf32, #tpu.memory_space<vmem_shared>>) target_semaphore(%run_scoped3A : memref<!tpu.dma_semaphore, #tpu.memory_space<semaphore_mem>>)
      %dma_wait3A = arith.constant 0 : i32
      %dma_wait3A_321 = tpu.memref_slice %arg11[%add3A_46, %dma_wait3A] : memref<100096x16xf32, #tpu.memory_space<vmem_shared>> -> memref<368x16xf32, #tpu.memory_space<vmem_shared>>
      %dma_wait3A_322 = arith.constant 0 : i32
      %dma_wait3A_323 = tpu.memref_slice %arg11[%add3A_46, %dma_wait3A_322] : memref<100096x16xf32, #tpu.memory_space<vmem_shared>> -> memref<368x16xf32, #tpu.memory_space<vmem_shared>>
      tpu.wait_dma2 semaphore(%run_scoped3A : memref<!tpu.dma_semaphore, #tpu.memory_space<semaphore_mem>>) src(%arg10 : memref<368x16xf32, #tpu.memory_space<vmem>>) dst(%dma_wait3A_323 : memref<368x16xf32, #tpu.memory_space<vmem_shared>>)
      tpu.yield
    }) : () -> ()
    %mul3A_47 = arith.constant 6256 : i32
    %mul3A_48 = arith.muli %arg1, %mul3A_47 : i32
    %add3A_49 = arith.constant 4048 : i32
    %add3A_50 = arith.addi %mul3A_48, %add3A_49 : i32
    "tpu.region"() ({
      %run_scoped3A = tpu.sem_alloc : memref<!tpu.dma_semaphore, #tpu.memory_space<semaphore_mem>>
      %dma_start3A = arith.constant 0 : i32
      %dma_start3A_318 = tpu.memref_slice %arg11[%add3A_50, %dma_start3A] : memref<100096x16xf32, #tpu.memory_space<vmem_shared>> -> memref<368x16xf32, #tpu.memory_space<vmem_shared>>
      %dma_start3A_319 = arith.constant 0 : i32
      %dma_start3A_320 = tpu.memref_slice %arg11[%add3A_50, %dma_start3A_319] : memref<100096x16xf32, #tpu.memory_space<vmem_shared>> -> memref<368x16xf32, #tpu.memory_space<vmem_shared>>
      tpu.enqueue_dma source(%arg10 : memref<368x16xf32, #tpu.memory_space<vmem>>) target(%dma_start3A_320 : memref<368x16xf32, #tpu.memory_space<vmem_shared>>) target_semaphore(%run_scoped3A : memref<!tpu.dma_semaphore, #tpu.memory_space<semaphore_mem>>)
      %dma_wait3A = arith.constant 0 : i32
      %dma_wait3A_321 = tpu.memref_slice %arg11[%add3A_50, %dma_wait3A] : memref<100096x16xf32, #tpu.memory_space<vmem_shared>> -> memref<368x16xf32, #tpu.memory_space<vmem_shared>>
      %dma_wait3A_322 = arith.constant 0 : i32
      %dma_wait3A_323 = tpu.memref_slice %arg11[%add3A_50, %dma_wait3A_322] : memref<100096x16xf32, #tpu.memory_space<vmem_shared>> -> memref<368x16xf32, #tpu.memory_space<vmem_shared>>
      tpu.wait_dma2 semaphore(%run_scoped3A : memref<!tpu.dma_semaphore, #tpu.memory_space<semaphore_mem>>) src(%arg10 : memref<368x16xf32, #tpu.memory_space<vmem>>) dst(%dma_wait3A_323 : memref<368x16xf32, #tpu.memory_space<vmem_shared>>)
      tpu.yield
    }) : () -> ()
    %mul3A_51 = arith.constant 6256 : i32
    %mul3A_52 = arith.muli %arg1, %mul3A_51 : i32
    %add3A_53 = arith.constant 4416 : i32
    %add3A_54 = arith.addi %mul3A_52, %add3A_53 : i32
    "tpu.region"() ({
      %run_scoped3A = tpu.sem_alloc : memref<!tpu.dma_semaphore, #tpu.memory_space<semaphore_mem>>
      %dma_start3A = arith.constant 0 : i32
      %dma_start3A_318 = tpu.memref_slice %arg11[%add3A_54, %dma_start3A] : memref<100096x16xf32, #tpu.memory_space<vmem_shared>> -> memref<368x16xf32, #tpu.memory_space<vmem_shared>>
      %dma_start3A_319 = arith.constant 0 : i32
      %dma_start3A_320 = tpu.memref_slice %arg11[%add3A_54, %dma_start3A_319] : memref<100096x16xf32, #tpu.memory_space<vmem_shared>> -> memref<368x16xf32, #tpu.memory_space<vmem_shared>>
      tpu.enqueue_dma source(%arg10 : memref<368x16xf32, #tpu.memory_space<vmem>>) target(%dma_start3A_320 : memref<368x16xf32, #tpu.memory_space<vmem_shared>>) target_semaphore(%run_scoped3A : memref<!tpu.dma_semaphore, #tpu.memory_space<semaphore_mem>>)
      %dma_wait3A = arith.constant 0 : i32
      %dma_wait3A_321 = tpu.memref_slice %arg11[%add3A_54, %dma_wait3A] : memref<100096x16xf32, #tpu.memory_space<vmem_shared>> -> memref<368x16xf32, #tpu.memory_space<vmem_shared>>
      %dma_wait3A_322 = arith.constant 0 : i32
      %dma_wait3A_323 = tpu.memref_slice %arg11[%add3A_54, %dma_wait3A_322] : memref<100096x16xf32, #tpu.memory_space<vmem_shared>> -> memref<368x16xf32, #tpu.memory_space<vmem_shared>>
      tpu.wait_dma2 semaphore(%run_scoped3A : memref<!tpu.dma_semaphore, #tpu.memory_space<semaphore_mem>>) src(%arg10 : memref<368x16xf32, #tpu.memory_space<vmem>>) dst(%dma_wait3A_323 : memref<368x16xf32, #tpu.memory_space<vmem_shared>>)
      tpu.yield
    }) : () -> ()
    %mul3A_55 = arith.constant 6256 : i32
    %mul3A_56 = arith.muli %arg1, %mul3A_55 : i32
    %add3A_57 = arith.constant 4784 : i32
    %add3A_58 = arith.addi %mul3A_56, %add3A_57 : i32
    "tpu.region"() ({
      %run_scoped3A = tpu.sem_alloc : memref<!tpu.dma_semaphore, #tpu.memory_space<semaphore_mem>>
      %dma_start3A = arith.constant 0 : i32
      %dma_start3A_318 = tpu.memref_slice %arg11[%add3A_58, %dma_start3A] : memref<100096x16xf32, #tpu.memory_space<vmem_shared>> -> memref<368x16xf32, #tpu.memory_space<vmem_shared>>
      %dma_start3A_319 = arith.constant 0 : i32
      %dma_start3A_320 = tpu.memref_slice %arg11[%add3A_58, %dma_start3A_319] : memref<100096x16xf32, #tpu.memory_space<vmem_shared>> -> memref<368x16xf32, #tpu.memory_space<vmem_shared>>
      tpu.enqueue_dma source(%arg10 : memref<368x16xf32, #tpu.memory_space<vmem>>) target(%dma_start3A_320 : memref<368x16xf32, #tpu.memory_space<vmem_shared>>) target_semaphore(%run_scoped3A : memref<!tpu.dma_semaphore, #tpu.memory_space<semaphore_mem>>)
      %dma_wait3A = arith.constant 0 : i32
      %dma_wait3A_321 = tpu.memref_slice %arg11[%add3A_58, %dma_wait3A] : memref<100096x16xf32, #tpu.memory_space<vmem_shared>> -> memref<368x16xf32, #tpu.memory_space<vmem_shared>>
      %dma_wait3A_322 = arith.constant 0 : i32
      %dma_wait3A_323 = tpu.memref_slice %arg11[%add3A_58, %dma_wait3A_322] : memref<100096x16xf32, #tpu.memory_space<vmem_shared>> -> memref<368x16xf32, #tpu.memory_space<vmem_shared>>
      tpu.wait_dma2 semaphore(%run_scoped3A : memref<!tpu.dma_semaphore, #tpu.memory_space<semaphore_mem>>) src(%arg10 : memref<368x16xf32, #tpu.memory_space<vmem>>) dst(%dma_wait3A_323 : memref<368x16xf32, #tpu.memory_space<vmem_shared>>)
      tpu.yield
    }) : () -> ()
    %mul3A_59 = arith.constant 6256 : i32
    %mul3A_60 = arith.muli %arg1, %mul3A_59 : i32
    %add3A_61 = arith.constant 5152 : i32
    %add3A_62 = arith.addi %mul3A_60, %add3A_61 : i32
    "tpu.region"() ({
      %run_scoped3A = tpu.sem_alloc : memref<!tpu.dma_semaphore, #tpu.memory_space<semaphore_mem>>
      %dma_start3A = arith.constant 0 : i32
      %dma_start3A_318 = tpu.memref_slice %arg11[%add3A_62, %dma_start3A] : memref<100096x16xf32, #tpu.memory_space<vmem_shared>> -> memref<368x16xf32, #tpu.memory_space<vmem_shared>>
      %dma_start3A_319 = arith.constant 0 : i32
      %dma_start3A_320 = tpu.memref_slice %arg11[%add3A_62, %dma_start3A_319] : memref<100096x16xf32, #tpu.memory_space<vmem_shared>> -> memref<368x16xf32, #tpu.memory_space<vmem_shared>>
      tpu.enqueue_dma source(%arg10 : memref<368x16xf32, #tpu.memory_space<vmem>>) target(%dma_start3A_320 : memref<368x16xf32, #tpu.memory_space<vmem_shared>>) target_semaphore(%run_scoped3A : memref<!tpu.dma_semaphore, #tpu.memory_space<semaphore_mem>>)
      %dma_wait3A = arith.constant 0 : i32
      %dma_wait3A_321 = tpu.memref_slice %arg11[%add3A_62, %dma_wait3A] : memref<100096x16xf32, #tpu.memory_space<vmem_shared>> -> memref<368x16xf32, #tpu.memory_space<vmem_shared>>
      %dma_wait3A_322 = arith.constant 0 : i32
      %dma_wait3A_323 = tpu.memref_slice %arg11[%add3A_62, %dma_wait3A_322] : memref<100096x16xf32, #tpu.memory_space<vmem_shared>> -> memref<368x16xf32, #tpu.memory_space<vmem_shared>>
      tpu.wait_dma2 semaphore(%run_scoped3A : memref<!tpu.dma_semaphore, #tpu.memory_space<semaphore_mem>>) src(%arg10 : memref<368x16xf32, #tpu.memory_space<vmem>>) dst(%dma_wait3A_323 : memref<368x16xf32, #tpu.memory_space<vmem_shared>>)
      tpu.yield
    }) : () -> ()
    %mul3A_63 = arith.constant 6256 : i32
    %mul3A_64 = arith.muli %arg1, %mul3A_63 : i32
    %add3A_65 = arith.constant 5520 : i32
    %add3A_66 = arith.addi %mul3A_64, %add3A_65 : i32
    "tpu.region"() ({
      %run_scoped3A = tpu.sem_alloc : memref<!tpu.dma_semaphore, #tpu.memory_space<semaphore_mem>>
      %dma_start3A = arith.constant 0 : i32
      %dma_start3A_318 = tpu.memref_slice %arg11[%add3A_66, %dma_start3A] : memref<100096x16xf32, #tpu.memory_space<vmem_shared>> -> memref<368x16xf32, #tpu.memory_space<vmem_shared>>
      %dma_start3A_319 = arith.constant 0 : i32
      %dma_start3A_320 = tpu.memref_slice %arg11[%add3A_66, %dma_start3A_319] : memref<100096x16xf32, #tpu.memory_space<vmem_shared>> -> memref<368x16xf32, #tpu.memory_space<vmem_shared>>
      tpu.enqueue_dma source(%arg10 : memref<368x16xf32, #tpu.memory_space<vmem>>) target(%dma_start3A_320 : memref<368x16xf32, #tpu.memory_space<vmem_shared>>) target_semaphore(%run_scoped3A : memref<!tpu.dma_semaphore, #tpu.memory_space<semaphore_mem>>)
      %dma_wait3A = arith.constant 0 : i32
      %dma_wait3A_321 = tpu.memref_slice %arg11[%add3A_66, %dma_wait3A] : memref<100096x16xf32, #tpu.memory_space<vmem_shared>> -> memref<368x16xf32, #tpu.memory_space<vmem_shared>>
      %dma_wait3A_322 = arith.constant 0 : i32
      %dma_wait3A_323 = tpu.memref_slice %arg11[%add3A_66, %dma_wait3A_322] : memref<100096x16xf32, #tpu.memory_space<vmem_shared>> -> memref<368x16xf32, #tpu.memory_space<vmem_shared>>
      tpu.wait_dma2 semaphore(%run_scoped3A : memref<!tpu.dma_semaphore, #tpu.memory_space<semaphore_mem>>) src(%arg10 : memref<368x16xf32, #tpu.memory_space<vmem>>) dst(%dma_wait3A_323 : memref<368x16xf32, #tpu.memory_space<vmem_shared>>)
      tpu.yield
    }) : () -> ()
    %mul3A_67 = arith.constant 6256 : i32
    %mul3A_68 = arith.muli %arg1, %mul3A_67 : i32
    %add3A_69 = arith.constant 5888 : i32
    %add3A_70 = arith.addi %mul3A_68, %add3A_69 : i32
    "tpu.region"() ({
      %run_scoped3A = tpu.sem_alloc : memref<!tpu.dma_semaphore, #tpu.memory_space<semaphore_mem>>
      %dma_start3A = arith.constant 0 : i32
      %dma_start3A_318 = tpu.memref_slice %arg11[%add3A_70, %dma_start3A] : memref<100096x16xf32, #tpu.memory_space<vmem_shared>> -> memref<368x16xf32, #tpu.memory_space<vmem_shared>>
      %dma_start3A_319 = arith.constant 0 : i32
      %dma_start3A_320 = tpu.memref_slice %arg11[%add3A_70, %dma_start3A_319] : memref<100096x16xf32, #tpu.memory_space<vmem_shared>> -> memref<368x16xf32, #tpu.memory_space<vmem_shared>>
      tpu.enqueue_dma source(%arg10 : memref<368x16xf32, #tpu.memory_space<vmem>>) target(%dma_start3A_320 : memref<368x16xf32, #tpu.memory_space<vmem_shared>>) target_semaphore(%run_scoped3A : memref<!tpu.dma_semaphore, #tpu.memory_space<semaphore_mem>>)
      %dma_wait3A = arith.constant 0 : i32
      %dma_wait3A_321 = tpu.memref_slice %arg11[%add3A_70, %dma_wait3A] : memref<100096x16xf32, #tpu.memory_space<vmem_shared>> -> memref<368x16xf32, #tpu.memory_space<vmem_shared>>
      %dma_wait3A_322 = arith.constant 0 : i32
      %dma_wait3A_323 = tpu.memref_slice %arg11[%add3A_70, %dma_wait3A_322] : memref<100096x16xf32, #tpu.memory_space<vmem_shared>> -> memref<368x16xf32, #tpu.memory_space<vmem_shared>>
      tpu.wait_dma2 semaphore(%run_scoped3A : memref<!tpu.dma_semaphore, #tpu.memory_space<semaphore_mem>>) src(%arg10 : memref<368x16xf32, #tpu.memory_space<vmem>>) dst(%dma_wait3A_323 : memref<368x16xf32, #tpu.memory_space<vmem_shared>>)
      tpu.yield
    }) : () -> ()
    %barrier3A = arith.constant 0 : index
    tpu.barrier barrier_id(%barrier3A)
    %mul3A_71 = arith.constant 1600000 : i32
    %mul3A_72 = arith.muli %arg0, %mul3A_71 : i32
    %mul3A_73 = arith.constant 100000 : i32
    %mul3A_74 = arith.muli %arg1, %mul3A_73 : i32
    %add3A_75 = arith.addi %mul3A_72, %mul3A_74 : i32
    %scan3A_76 = arith.constant 0 : i32
    %scan3A_77 = arith.constant 0 : i32
    %scan3A_78 = arith.constant 100 : i32
    %scan3A_79 = arith.addi %scan3A_77, %scan3A_78 : i32
    %scan3A_80 = arith.constant 1 : i32
    scf.for %scan3A_318 = %scan3A_77 to %scan3A_79 step %scan3A_80  : i32 {
      %mul3A_319 = arith.constant 1000 : i32
      %mul3A_320 = arith.muli %scan3A_318, %mul3A_319 : i32
      %add3A_321 = arith.addi %add3A_75, %mul3A_320 : i32
      "tpu.region"() ({
        %run_scoped3A = tpu.sem_alloc : memref<!tpu.dma_semaphore, #tpu.memory_space<semaphore_mem>>
        %dma_start3A_326 = tpu.memref_slice %arg2[%add3A_321] : memref<3200000xi32, #tpu.memory_space<hbm>> -> memref<1000xi32, #tpu.memory_space<hbm>>
        %dma_start3A_327 = tpu.memref_slice %arg2[%add3A_321] : memref<3200000xi32, #tpu.memory_space<hbm>> -> memref<1000xi32, #tpu.memory_space<hbm>>
        tpu.enqueue_dma source(%dma_start3A_327 : memref<1000xi32, #tpu.memory_space<hbm>>) target(%arg7 : memref<1000xi32, #tpu.memory_space<vmem>>) target_semaphore(%run_scoped3A : memref<!tpu.dma_semaphore, #tpu.memory_space<semaphore_mem>>)
        %dma_wait3A_328 = tpu.memref_slice %arg2[%add3A_321] : memref<3200000xi32, #tpu.memory_space<hbm>> -> memref<1000xi32, #tpu.memory_space<hbm>>
        %dma_wait3A_329 = tpu.memref_slice %arg2[%add3A_321] : memref<3200000xi32, #tpu.memory_space<hbm>> -> memref<1000xi32, #tpu.memory_space<hbm>>
        tpu.wait_dma2 semaphore(%run_scoped3A : memref<!tpu.dma_semaphore, #tpu.memory_space<semaphore_mem>>) src(%dma_wait3A_329 : memref<1000xi32, #tpu.memory_space<hbm>>) dst(%arg7 : memref<1000xi32, #tpu.memory_space<vmem>>)
        tpu.yield
      }) : () -> ()
      "tpu.region"() ({
        %run_scoped3A = tpu.sem_alloc : memref<!tpu.dma_semaphore, #tpu.memory_space<semaphore_mem>>
        %dma_start3A_326 = tpu.memref_slice %arg3[%add3A_321] : memref<3200000xi32, #tpu.memory_space<hbm>> -> memref<1000xi32, #tpu.memory_space<hbm>>
        %dma_start3A_327 = tpu.memref_slice %arg3[%add3A_321] : memref<3200000xi32, #tpu.memory_space<hbm>> -> memref<1000xi32, #tpu.memory_space<hbm>>
        tpu.enqueue_dma source(%dma_start3A_327 : memref<1000xi32, #tpu.memory_space<hbm>>) target(%arg8 : memref<1000xi32, #tpu.memory_space<vmem>>) target_semaphore(%run_scoped3A : memref<!tpu.dma_semaphore, #tpu.memory_space<semaphore_mem>>)
        %dma_wait3A_328 = tpu.memref_slice %arg3[%add3A_321] : memref<3200000xi32, #tpu.memory_space<hbm>> -> memref<1000xi32, #tpu.memory_space<hbm>>
        %dma_wait3A_329 = tpu.memref_slice %arg3[%add3A_321] : memref<3200000xi32, #tpu.memory_space<hbm>> -> memref<1000xi32, #tpu.memory_space<hbm>>
        tpu.wait_dma2 semaphore(%run_scoped3A : memref<!tpu.dma_semaphore, #tpu.memory_space<semaphore_mem>>) src(%dma_wait3A_329 : memref<1000xi32, #tpu.memory_space<hbm>>) dst(%arg8 : memref<1000xi32, #tpu.memory_space<vmem>>)
        tpu.yield
      }) : () -> ()
      %dma_start3A = arith.constant 0 : i32
      %dma_start3A_322 = arith.constant 0 : i32
      %dma_start3A_323 = tpu.memref_slice %arg4[%dma_start3A, %dma_start3A_322] : memref<100096x16xf32, #tpu.memory_space<hbm>> -> memref<100096x16xf32, #tpu.memory_space<hbm>>
      tpu.enqueue_indirect_dma source(%dma_start3A_323 : memref<100096x16xf32, #tpu.memory_space<hbm>>) target(%arg9 : memref<1000x16xf32, #tpu.memory_space<vmem>>) offsets(%arg7 : memref<1000xi32, #tpu.memory_space<vmem>>) semaphore(%arg12 : memref<!tpu.dma_semaphore, #tpu.memory_space<semaphore_mem>>)
      %dma_wait3A = arith.constant 0 : i32
      %dma_wait3A_324 = arith.constant 0 : i32
      %dma_wait3A_325 = tpu.memref_slice %arg4[%dma_wait3A, %dma_wait3A_324] : memref<100096x16xf32, #tpu.memory_space<hbm>> -> memref<100096x16xf32, #tpu.memory_space<hbm>>
      tpu.wait_indirect_dma semaphore(%arg12 : memref<!tpu.dma_semaphore, #tpu.memory_space<semaphore_mem>>) src(%dma_wait3A_325 : memref<100096x16xf32, #tpu.memory_space<hbm>>) dst(%arg9 : memref<1000x16xf32, #tpu.memory_space<vmem>>)
      "tpu.region"() ({
        %run_scoped3A = tpu.sem_alloc : memref<!tpu.dma_semaphore, #tpu.memory_space<semaphore_mem>>
        %dma_start3A_326 = arith.constant 0 : i32
        %dma_start3A_327 = arith.constant 0 : i32
        %dma_start3A_328 = tpu.memref_slice %arg11[%dma_start3A_326, %dma_start3A_327] : memref<100096x16xf32, #tpu.memory_space<vmem_shared>> -> memref<100096x16xf32, #tpu.memory_space<vmem_shared>>
        tpu.enqueue_indirect_dma source(%arg9 : memref<1000x16xf32, #tpu.memory_space<vmem>>) target(%dma_start3A_328 : memref<100096x16xf32, #tpu.memory_space<vmem_shared>>) offsets(%arg8 : memref<1000xi32, #tpu.memory_space<vmem>>) semaphore(%run_scoped3A : memref<!tpu.dma_semaphore, #tpu.memory_space<semaphore_mem>>) {add = true}
        %dma_wait3A_329 = arith.constant 0 : i32
        %dma_wait3A_330 = arith.constant 0 : i32
        %dma_wait3A_331 = tpu.memref_slice %arg11[%dma_wait3A_329, %dma_wait3A_330] : memref<100096x16xf32, #tpu.memory_space<vmem_shared>> -> memref<100096x16xf32, #tpu.memory_space<vmem_shared>>
        tpu.wait_indirect_dma semaphore(%run_scoped3A : memref<!tpu.dma_semaphore, #tpu.memory_space<semaphore_mem>>) src(%arg9 : memref<1000x16xf32, #tpu.memory_space<vmem>>) dst(%dma_wait3A_331 : memref<100096x16xf32, #tpu.memory_space<vmem_shared>>)
        tpu.yield
      }) : () -> ()
    }
    %scan3A_81 = arith.constant 100 : i32
    %barrier3A_82 = arith.constant 0 : index
    tpu.barrier barrier_id(%barrier3A_82)
    %mul3A_83 = arith.constant 6256 : i32
    %mul3A_84 = arith.muli %arg1, %mul3A_83 : i32
    %add3A_85 = arith.constant 0 : i32
    %add3A_86 = arith.addi %mul3A_84, %add3A_85 : i32
    "tpu.region"() ({
      %run_scoped3A = tpu.sem_alloc : memref<!tpu.dma_semaphore, #tpu.memory_space<semaphore_mem>>
      %dma_start3A = arith.constant 0 : i32
      %dma_start3A_318 = tpu.memref_slice %arg11[%add3A_86, %dma_start3A] : memref<100096x16xf32, #tpu.memory_space<vmem_shared>> -> memref<368x16xf32, #tpu.memory_space<vmem_shared>>
      %dma_start3A_319 = arith.constant 0 : i32
      %dma_start3A_320 = tpu.memref_slice %arg11[%add3A_86, %dma_start3A_319] : memref<100096x16xf32, #tpu.memory_space<vmem_shared>> -> memref<368x16xf32, #tpu.memory_space<vmem_shared>>
      tpu.enqueue_dma source(%dma_start3A_320 : memref<368x16xf32, #tpu.memory_space<vmem_shared>>) target(%arg10 : memref<368x16xf32, #tpu.memory_space<vmem>>) target_semaphore(%run_scoped3A : memref<!tpu.dma_semaphore, #tpu.memory_space<semaphore_mem>>)
      %dma_wait3A = arith.constant 0 : i32
      %dma_wait3A_321 = tpu.memref_slice %arg11[%add3A_86, %dma_wait3A] : memref<100096x16xf32, #tpu.memory_space<vmem_shared>> -> memref<368x16xf32, #tpu.memory_space<vmem_shared>>
      %dma_wait3A_322 = arith.constant 0 : i32
      %dma_wait3A_323 = tpu.memref_slice %arg11[%add3A_86, %dma_wait3A_322] : memref<100096x16xf32, #tpu.memory_space<vmem_shared>> -> memref<368x16xf32, #tpu.memory_space<vmem_shared>>
      tpu.wait_dma2 semaphore(%run_scoped3A : memref<!tpu.dma_semaphore, #tpu.memory_space<semaphore_mem>>) src(%dma_wait3A_323 : memref<368x16xf32, #tpu.memory_space<vmem_shared>>) dst(%arg10 : memref<368x16xf32, #tpu.memory_space<vmem>>)
      tpu.yield
    }) : () -> ()
    %eq3A = arith.constant 0 : i32
    %eq3A_87 = arith.cmpi eq, %arg0, %eq3A : i32
    %convert_element_type3A = arith.extui %eq3A_87 : i1 to i32
    %cond3A = arith.constant 0 : i32
    %cond3A_88 = arith.cmpi ne, %convert_element_type3A, %cond3A : i32
    scf.if %cond3A_88 {
      %mul3A_318 = arith.constant 6256 : i32
      %mul3A_319 = arith.muli %arg1, %mul3A_318 : i32
      %add3A_320 = arith.constant 0 : i32
      %add3A_321 = arith.addi %mul3A_319, %add3A_320 : i32
      "tpu.region"() ({
        %run_scoped3A = tpu.sem_alloc : memref<!tpu.dma_semaphore, #tpu.memory_space<semaphore_mem>>
        %dma_start3A = arith.constant 0 : i32
        %dma_start3A_322 = tpu.memref_slice %arg5[%add3A_321, %dma_start3A] : memref<100096x16xf32, #tpu.memory_space<hbm>> -> memref<368x16xf32, #tpu.memory_space<hbm>>
        %dma_start3A_323 = arith.constant 0 : i32
        %dma_start3A_324 = tpu.memref_slice %arg5[%add3A_321, %dma_start3A_323] : memref<100096x16xf32, #tpu.memory_space<hbm>> -> memref<368x16xf32, #tpu.memory_space<hbm>>
        tpu.enqueue_dma source(%arg10 : memref<368x16xf32, #tpu.memory_space<vmem>>) target(%dma_start3A_324 : memref<368x16xf32, #tpu.memory_space<hbm>>) target_semaphore(%run_scoped3A : memref<!tpu.dma_semaphore, #tpu.memory_space<semaphore_mem>>)
        %dma_wait3A = arith.constant 0 : i32
        %dma_wait3A_325 = tpu.memref_slice %arg5[%add3A_321, %dma_wait3A] : memref<100096x16xf32, #tpu.memory_space<hbm>> -> memref<368x16xf32, #tpu.memory_space<hbm>>
        %dma_wait3A_326 = arith.constant 0 : i32
        %dma_wait3A_327 = tpu.memref_slice %arg5[%add3A_321, %dma_wait3A_326] : memref<100096x16xf32, #tpu.memory_space<hbm>> -> memref<368x16xf32, #tpu.memory_space<hbm>>
        tpu.wait_dma2 semaphore(%run_scoped3A : memref<!tpu.dma_semaphore, #tpu.memory_space<semaphore_mem>>) src(%arg10 : memref<368x16xf32, #tpu.memory_space<vmem>>) dst(%dma_wait3A_327 : memref<368x16xf32, #tpu.memory_space<hbm>>)
        tpu.yield
      }) : () -> ()
    } else {
    }
    %eq3A_89 = arith.constant 1 : i32
    %eq3A_90 = arith.cmpi eq, %arg0, %eq3A_89 : i32
    %convert_element_type3A_91 = arith.extui %eq3A_90 : i1 to i32
    %cond3A_92 = arith.constant 0 : i32
    %cond3A_93 = arith.cmpi ne, %convert_element_type3A_91, %cond3A_92 : i32
    scf.if %cond3A_93 {
      %mul3A_318 = arith.constant 6256 : i32
      %mul3A_319 = arith.muli %arg1, %mul3A_318 : i32
      %add3A_320 = arith.constant 0 : i32
      %add3A_321 = arith.addi %mul3A_319, %add3A_320 : i32
      "tpu.region"() ({
        %run_scoped3A = tpu.sem_alloc : memref<!tpu.dma_semaphore, #tpu.memory_space<semaphore_mem>>
        %dma_start3A = arith.constant 0 : i32
        %dma_start3A_322 = tpu.memref_slice %arg6[%add3A_321, %dma_start3A] : memref<100096x16xf32, #tpu.memory_space<hbm>> -> memref<368x16xf32, #tpu.memory_space<hbm>>
        %dma_start3A_323 = arith.constant 0 : i32
        %dma_start3A_324 = tpu.memref_slice %arg6[%add3A_321, %dma_start3A_323] : memref<100096x16xf32, #tpu.memory_space<hbm>> -> memref<368x16xf32, #tpu.memory_space<hbm>>
        tpu.enqueue_dma source(%arg10 : memref<368x16xf32, #tpu.memory_space<vmem>>) target(%dma_start3A_324 : memref<368x16xf32, #tpu.memory_space<hbm>>) target_semaphore(%run_scoped3A : memref<!tpu.dma_semaphore, #tpu.memory_space<semaphore_mem>>)
        %dma_wait3A = arith.constant 0 : i32
        %dma_wait3A_325 = tpu.memref_slice %arg6[%add3A_321, %dma_wait3A] : memref<100096x16xf32, #tpu.memory_space<hbm>> -> memref<368x16xf32, #tpu.memory_space<hbm>>
        %dma_wait3A_326 = arith.constant 0 : i32
        %dma_wait3A_327 = tpu.memref_slice %arg6[%add3A_321, %dma_wait3A_326] : memref<100096x16xf32, #tpu.memory_space<hbm>> -> memref<368x16xf32, #tpu.memory_space<hbm>>
        tpu.wait_dma2 semaphore(%run_scoped3A : memref<!tpu.dma_semaphore, #tpu.memory_space<semaphore_mem>>) src(%arg10 : memref<368x16xf32, #tpu.memory_space<vmem>>) dst(%dma_wait3A_327 : memref<368x16xf32, #tpu.memory_space<hbm>>)
        tpu.yield
      }) : () -> ()
    } else {
    }
    %mul3A_94 = arith.constant 6256 : i32
    %mul3A_95 = arith.muli %arg1, %mul3A_94 : i32
    %add3A_96 = arith.constant 368 : i32
    %add3A_97 = arith.addi %mul3A_95, %add3A_96 : i32
    "tpu.region"() ({
      %run_scoped3A = tpu.sem_alloc : memref<!tpu.dma_semaphore, #tpu.memory_space<semaphore_mem>>
      %dma_start3A = arith.constant 0 : i32
      %dma_start3A_318 = tpu.memref_slice %arg11[%add3A_97, %dma_start3A] : memref<100096x16xf32, #tpu.memory_space<vmem_shared>> -> memref<368x16xf32, #tpu.memory_space<vmem_shared>>
      %dma_start3A_319 = arith.constant 0 : i32
      %dma_start3A_320 = tpu.memref_slice %arg11[%add3A_97, %dma_start3A_319] : memref<100096x16xf32, #tpu.memory_space<vmem_shared>> -> memref<368x16xf32, #tpu.memory_space<vmem_shared>>
      tpu.enqueue_dma source(%dma_start3A_320 : memref<368x16xf32, #tpu.memory_space<vmem_shared>>) target(%arg10 : memref<368x16xf32, #tpu.memory_space<vmem>>) target_semaphore(%run_scoped3A : memref<!tpu.dma_semaphore, #tpu.memory_space<semaphore_mem>>)
      %dma_wait3A = arith.constant 0 : i32
      %dma_wait3A_321 = tpu.memref_slice %arg11[%add3A_97, %dma_wait3A] : memref<100096x16xf32, #tpu.memory_space<vmem_shared>> -> memref<368x16xf32, #tpu.memory_space<vmem_shared>>
      %dma_wait3A_322 = arith.constant 0 : i32
      %dma_wait3A_323 = tpu.memref_slice %arg11[%add3A_97, %dma_wait3A_322] : memref<100096x16xf32, #tpu.memory_space<vmem_shared>> -> memref<368x16xf32, #tpu.memory_space<vmem_shared>>
      tpu.wait_dma2 semaphore(%run_scoped3A : memref<!tpu.dma_semaphore, #tpu.memory_space<semaphore_mem>>) src(%dma_wait3A_323 : memref<368x16xf32, #tpu.memory_space<vmem_shared>>) dst(%arg10 : memref<368x16xf32, #tpu.memory_space<vmem>>)
      tpu.yield
    }) : () -> ()
    %eq3A_98 = arith.constant 0 : i32
    %eq3A_99 = arith.cmpi eq, %arg0, %eq3A_98 : i32
    %convert_element_type3A_100 = arith.extui %eq3A_99 : i1 to i32
    %cond3A_101 = arith.constant 0 : i32
    %cond3A_102 = arith.cmpi ne, %convert_element_type3A_100, %cond3A_101 : i32
    scf.if %cond3A_102 {
      %mul3A_318 = arith.constant 6256 : i32
      %mul3A_319 = arith.muli %arg1, %mul3A_318 : i32
      %add3A_320 = arith.constant 368 : i32
      %add3A_321 = arith.addi %mul3A_319, %add3A_320 : i32
      "tpu.region"() ({
        %run_scoped3A = tpu.sem_alloc : memref<!tpu.dma_semaphore, #tpu.memory_space<semaphore_mem>>
        %dma_start3A = arith.constant 0 : i32
        %dma_start3A_322 = tpu.memref_slice %arg5[%add3A_321, %dma_start3A] : memref<100096x16xf32, #tpu.memory_space<hbm>> -> memref<368x16xf32, #tpu.memory_space<hbm>>
        %dma_start3A_323 = arith.constant 0 : i32
        %dma_start3A_324 = tpu.memref_slice %arg5[%add3A_321, %dma_start3A_323] : memref<100096x16xf32, #tpu.memory_space<hbm>> -> memref<368x16xf32, #tpu.memory_space<hbm>>
        tpu.enqueue_dma source(%arg10 : memref<368x16xf32, #tpu.memory_space<vmem>>) target(%dma_start3A_324 : memref<368x16xf32, #tpu.memory_space<hbm>>) target_semaphore(%run_scoped3A : memref<!tpu.dma_semaphore, #tpu.memory_space<semaphore_mem>>)
        %dma_wait3A = arith.constant 0 : i32
        %dma_wait3A_325 = tpu.memref_slice %arg5[%add3A_321, %dma_wait3A] : memref<100096x16xf32, #tpu.memory_space<hbm>> -> memref<368x16xf32, #tpu.memory_space<hbm>>
        %dma_wait3A_326 = arith.constant 0 : i32
        %dma_wait3A_327 = tpu.memref_slice %arg5[%add3A_321, %dma_wait3A_326] : memref<100096x16xf32, #tpu.memory_space<hbm>> -> memref<368x16xf32, #tpu.memory_space<hbm>>
        tpu.wait_dma2 semaphore(%run_scoped3A : memref<!tpu.dma_semaphore, #tpu.memory_space<semaphore_mem>>) src(%arg10 : memref<368x16xf32, #tpu.memory_space<vmem>>) dst(%dma_wait3A_327 : memref<368x16xf32, #tpu.memory_space<hbm>>)
        tpu.yield
      }) : () -> ()
    } else {
    }
    %eq3A_103 = arith.constant 1 : i32
    %eq3A_104 = arith.cmpi eq, %arg0, %eq3A_103 : i32
    %convert_element_type3A_105 = arith.extui %eq3A_104 : i1 to i32
    %cond3A_106 = arith.constant 0 : i32
    %cond3A_107 = arith.cmpi ne, %convert_element_type3A_105, %cond3A_106 : i32
    scf.if %cond3A_107 {
      %mul3A_318 = arith.constant 6256 : i32
      %mul3A_319 = arith.muli %arg1, %mul3A_318 : i32
      %add3A_320 = arith.constant 368 : i32
      %add3A_321 = arith.addi %mul3A_319, %add3A_320 : i32
      "tpu.region"() ({
        %run_scoped3A = tpu.sem_alloc : memref<!tpu.dma_semaphore, #tpu.memory_space<semaphore_mem>>
        %dma_start3A = arith.constant 0 : i32
        %dma_start3A_322 = tpu.memref_slice %arg6[%add3A_321, %dma_start3A] : memref<100096x16xf32, #tpu.memory_space<hbm>> -> memref<368x16xf32, #tpu.memory_space<hbm>>
        %dma_start3A_323 = arith.constant 0 : i32
        %dma_start3A_324 = tpu.memref_slice %arg6[%add3A_321, %dma_start3A_323] : memref<100096x16xf32, #tpu.memory_space<hbm>> -> memref<368x16xf32, #tpu.memory_space<hbm>>
        tpu.enqueue_dma source(%arg10 : memref<368x16xf32, #tpu.memory_space<vmem>>) target(%dma_start3A_324 : memref<368x16xf32, #tpu.memory_space<hbm>>) target_semaphore(%run_scoped3A : memref<!tpu.dma_semaphore, #tpu.memory_space<semaphore_mem>>)
        %dma_wait3A = arith.constant 0 : i32
        %dma_wait3A_325 = tpu.memref_slice %arg6[%add3A_321, %dma_wait3A] : memref<100096x16xf32, #tpu.memory_space<hbm>> -> memref<368x16xf32, #tpu.memory_space<hbm>>
        %dma_wait3A_326 = arith.constant 0 : i32
        %dma_wait3A_327 = tpu.memref_slice %arg6[%add3A_321, %dma_wait3A_326] : memref<100096x16xf32, #tpu.memory_space<hbm>> -> memref<368x16xf32, #tpu.memory_space<hbm>>
        tpu.wait_dma2 semaphore(%run_scoped3A : memref<!tpu.dma_semaphore, #tpu.memory_space<semaphore_mem>>) src(%arg10 : memref<368x16xf32, #tpu.memory_space<vmem>>) dst(%dma_wait3A_327 : memref<368x16xf32, #tpu.memory_space<hbm>>)
        tpu.yield
      }) : () -> ()
    } else {
    }
    %mul3A_108 = arith.constant 6256 : i32
    %mul3A_109 = arith.muli %arg1, %mul3A_108 : i32
    %add3A_110 = arith.constant 736 : i32
    %add3A_111 = arith.addi %mul3A_109, %add3A_110 : i32
    "tpu.region"() ({
      %run_scoped3A = tpu.sem_alloc : memref<!tpu.dma_semaphore, #tpu.memory_space<semaphore_mem>>
      %dma_start3A = arith.constant 0 : i32
      %dma_start3A_318 = tpu.memref_slice %arg11[%add3A_111, %dma_start3A] : memref<100096x16xf32, #tpu.memory_space<vmem_shared>> -> memref<368x16xf32, #tpu.memory_space<vmem_shared>>
      %dma_start3A_319 = arith.constant 0 : i32
      %dma_start3A_320 = tpu.memref_slice %arg11[%add3A_111, %dma_start3A_319] : memref<100096x16xf32, #tpu.memory_space<vmem_shared>> -> memref<368x16xf32, #tpu.memory_space<vmem_shared>>
      tpu.enqueue_dma source(%dma_start3A_320 : memref<368x16xf32, #tpu.memory_space<vmem_shared>>) target(%arg10 : memref<368x16xf32, #tpu.memory_space<vmem>>) target_semaphore(%run_scoped3A : memref<!tpu.dma_semaphore, #tpu.memory_space<semaphore_mem>>)
      %dma_wait3A = arith.constant 0 : i32
      %dma_wait3A_321 = tpu.memref_slice %arg11[%add3A_111, %dma_wait3A] : memref<100096x16xf32, #tpu.memory_space<vmem_shared>> -> memref<368x16xf32, #tpu.memory_space<vmem_shared>>
      %dma_wait3A_322 = arith.constant 0 : i32
      %dma_wait3A_323 = tpu.memref_slice %arg11[%add3A_111, %dma_wait3A_322] : memref<100096x16xf32, #tpu.memory_space<vmem_shared>> -> memref<368x16xf32, #tpu.memory_space<vmem_shared>>
      tpu.wait_dma2 semaphore(%run_scoped3A : memref<!tpu.dma_semaphore, #tpu.memory_space<semaphore_mem>>) src(%dma_wait3A_323 : memref<368x16xf32, #tpu.memory_space<vmem_shared>>) dst(%arg10 : memref<368x16xf32, #tpu.memory_space<vmem>>)
      tpu.yield
    }) : () -> ()
    %eq3A_112 = arith.constant 0 : i32
    %eq3A_113 = arith.cmpi eq, %arg0, %eq3A_112 : i32
    %convert_element_type3A_114 = arith.extui %eq3A_113 : i1 to i32
    %cond3A_115 = arith.constant 0 : i32
    %cond3A_116 = arith.cmpi ne, %convert_element_type3A_114, %cond3A_115 : i32
    scf.if %cond3A_116 {
      %mul3A_318 = arith.constant 6256 : i32
      %mul3A_319 = arith.muli %arg1, %mul3A_318 : i32
      %add3A_320 = arith.constant 736 : i32
      %add3A_321 = arith.addi %mul3A_319, %add3A_320 : i32
      "tpu.region"() ({
        %run_scoped3A = tpu.sem_alloc : memref<!tpu.dma_semaphore, #tpu.memory_space<semaphore_mem>>
        %dma_start3A = arith.constant 0 : i32
        %dma_start3A_322 = tpu.memref_slice %arg5[%add3A_321, %dma_start3A] : memref<100096x16xf32, #tpu.memory_space<hbm>> -> memref<368x16xf32, #tpu.memory_space<hbm>>
        %dma_start3A_323 = arith.constant 0 : i32
        %dma_start3A_324 = tpu.memref_slice %arg5[%add3A_321, %dma_start3A_323] : memref<100096x16xf32, #tpu.memory_space<hbm>> -> memref<368x16xf32, #tpu.memory_space<hbm>>
        tpu.enqueue_dma source(%arg10 : memref<368x16xf32, #tpu.memory_space<vmem>>) target(%dma_start3A_324 : memref<368x16xf32, #tpu.memory_space<hbm>>) target_semaphore(%run_scoped3A : memref<!tpu.dma_semaphore, #tpu.memory_space<semaphore_mem>>)
        %dma_wait3A = arith.constant 0 : i32
        %dma_wait3A_325 = tpu.memref_slice %arg5[%add3A_321, %dma_wait3A] : memref<100096x16xf32, #tpu.memory_space<hbm>> -> memref<368x16xf32, #tpu.memory_space<hbm>>
        %dma_wait3A_326 = arith.constant 0 : i32
        %dma_wait3A_327 = tpu.memref_slice %arg5[%add3A_321, %dma_wait3A_326] : memref<100096x16xf32, #tpu.memory_space<hbm>> -> memref<368x16xf32, #tpu.memory_space<hbm>>
        tpu.wait_dma2 semaphore(%run_scoped3A : memref<!tpu.dma_semaphore, #tpu.memory_space<semaphore_mem>>) src(%arg10 : memref<368x16xf32, #tpu.memory_space<vmem>>) dst(%dma_wait3A_327 : memref<368x16xf32, #tpu.memory_space<hbm>>)
        tpu.yield
      }) : () -> ()
    } else {
    }
    %eq3A_117 = arith.constant 1 : i32
    %eq3A_118 = arith.cmpi eq, %arg0, %eq3A_117 : i32
    %convert_element_type3A_119 = arith.extui %eq3A_118 : i1 to i32
    %cond3A_120 = arith.constant 0 : i32
    %cond3A_121 = arith.cmpi ne, %convert_element_type3A_119, %cond3A_120 : i32
    scf.if %cond3A_121 {
      %mul3A_318 = arith.constant 6256 : i32
      %mul3A_319 = arith.muli %arg1, %mul3A_318 : i32
      %add3A_320 = arith.constant 736 : i32
      %add3A_321 = arith.addi %mul3A_319, %add3A_320 : i32
      "tpu.region"() ({
        %run_scoped3A = tpu.sem_alloc : memref<!tpu.dma_semaphore, #tpu.memory_space<semaphore_mem>>
        %dma_start3A = arith.constant 0 : i32
        %dma_start3A_322 = tpu.memref_slice %arg6[%add3A_321, %dma_start3A] : memref<100096x16xf32, #tpu.memory_space<hbm>> -> memref<368x16xf32, #tpu.memory_space<hbm>>
        %dma_start3A_323 = arith.constant 0 : i32
        %dma_start3A_324 = tpu.memref_slice %arg6[%add3A_321, %dma_start3A_323] : memref<100096x16xf32, #tpu.memory_space<hbm>> -> memref<368x16xf32, #tpu.memory_space<hbm>>
        tpu.enqueue_dma source(%arg10 : memref<368x16xf32, #tpu.memory_space<vmem>>) target(%dma_start3A_324 : memref<368x16xf32, #tpu.memory_space<hbm>>) target_semaphore(%run_scoped3A : memref<!tpu.dma_semaphore, #tpu.memory_space<semaphore_mem>>)
        %dma_wait3A = arith.constant 0 : i32
        %dma_wait3A_325 = tpu.memref_slice %arg6[%add3A_321, %dma_wait3A] : memref<100096x16xf32, #tpu.memory_space<hbm>> -> memref<368x16xf32, #tpu.memory_space<hbm>>
        %dma_wait3A_326 = arith.constant 0 : i32
        %dma_wait3A_327 = tpu.memref_slice %arg6[%add3A_321, %dma_wait3A_326] : memref<100096x16xf32, #tpu.memory_space<hbm>> -> memref<368x16xf32, #tpu.memory_space<hbm>>
        tpu.wait_dma2 semaphore(%run_scoped3A : memref<!tpu.dma_semaphore, #tpu.memory_space<semaphore_mem>>) src(%arg10 : memref<368x16xf32, #tpu.memory_space<vmem>>) dst(%dma_wait3A_327 : memref<368x16xf32, #tpu.memory_space<hbm>>)
        tpu.yield
      }) : () -> ()
    } else {
    }
    %mul3A_122 = arith.constant 6256 : i32
    %mul3A_123 = arith.muli %arg1, %mul3A_122 : i32
    %add3A_124 = arith.constant 1104 : i32
    %add3A_125 = arith.addi %mul3A_123, %add3A_124 : i32
    "tpu.region"() ({
      %run_scoped3A = tpu.sem_alloc : memref<!tpu.dma_semaphore, #tpu.memory_space<semaphore_mem>>
      %dma_start3A = arith.constant 0 : i32
      %dma_start3A_318 = tpu.memref_slice %arg11[%add3A_125, %dma_start3A] : memref<100096x16xf32, #tpu.memory_space<vmem_shared>> -> memref<368x16xf32, #tpu.memory_space<vmem_shared>>
      %dma_start3A_319 = arith.constant 0 : i32
      %dma_start3A_320 = tpu.memref_slice %arg11[%add3A_125, %dma_start3A_319] : memref<100096x16xf32, #tpu.memory_space<vmem_shared>> -> memref<368x16xf32, #tpu.memory_space<vmem_shared>>
      tpu.enqueue_dma source(%dma_start3A_320 : memref<368x16xf32, #tpu.memory_space<vmem_shared>>) target(%arg10 : memref<368x16xf32, #tpu.memory_space<vmem>>) target_semaphore(%run_scoped3A : memref<!tpu.dma_semaphore, #tpu.memory_space<semaphore_mem>>)
      %dma_wait3A = arith.constant 0 : i32
      %dma_wait3A_321 = tpu.memref_slice %arg11[%add3A_125, %dma_wait3A] : memref<100096x16xf32, #tpu.memory_space<vmem_shared>> -> memref<368x16xf32, #tpu.memory_space<vmem_shared>>
      %dma_wait3A_322 = arith.constant 0 : i32
      %dma_wait3A_323 = tpu.memref_slice %arg11[%add3A_125, %dma_wait3A_322] : memref<100096x16xf32, #tpu.memory_space<vmem_shared>> -> memref<368x16xf32, #tpu.memory_space<vmem_shared>>
      tpu.wait_dma2 semaphore(%run_scoped3A : memref<!tpu.dma_semaphore, #tpu.memory_space<semaphore_mem>>) src(%dma_wait3A_323 : memref<368x16xf32, #tpu.memory_space<vmem_shared>>) dst(%arg10 : memref<368x16xf32, #tpu.memory_space<vmem>>)
      tpu.yield
    }) : () -> ()
    %eq3A_126 = arith.constant 0 : i32
    %eq3A_127 = arith.cmpi eq, %arg0, %eq3A_126 : i32
    %convert_element_type3A_128 = arith.extui %eq3A_127 : i1 to i32
    %cond3A_129 = arith.constant 0 : i32
    %cond3A_130 = arith.cmpi ne, %convert_element_type3A_128, %cond3A_129 : i32
    scf.if %cond3A_130 {
      %mul3A_318 = arith.constant 6256 : i32
      %mul3A_319 = arith.muli %arg1, %mul3A_318 : i32
      %add3A_320 = arith.constant 1104 : i32
      %add3A_321 = arith.addi %mul3A_319, %add3A_320 : i32
      "tpu.region"() ({
        %run_scoped3A = tpu.sem_alloc : memref<!tpu.dma_semaphore, #tpu.memory_space<semaphore_mem>>
        %dma_start3A = arith.constant 0 : i32
        %dma_start3A_322 = tpu.memref_slice %arg5[%add3A_321, %dma_start3A] : memref<100096x16xf32, #tpu.memory_space<hbm>> -> memref<368x16xf32, #tpu.memory_space<hbm>>
        %dma_start3A_323 = arith.constant 0 : i32
        %dma_start3A_324 = tpu.memref_slice %arg5[%add3A_321, %dma_start3A_323] : memref<100096x16xf32, #tpu.memory_space<hbm>> -> memref<368x16xf32, #tpu.memory_space<hbm>>
        tpu.enqueue_dma source(%arg10 : memref<368x16xf32, #tpu.memory_space<vmem>>) target(%dma_start3A_324 : memref<368x16xf32, #tpu.memory_space<hbm>>) target_semaphore(%run_scoped3A : memref<!tpu.dma_semaphore, #tpu.memory_space<semaphore_mem>>)
        %dma_wait3A = arith.constant 0 : i32
        %dma_wait3A_325 = tpu.memref_slice %arg5[%add3A_321, %dma_wait3A] : memref<100096x16xf32, #tpu.memory_space<hbm>> -> memref<368x16xf32, #tpu.memory_space<hbm>>
        %dma_wait3A_326 = arith.constant 0 : i32
        %dma_wait3A_327 = tpu.memref_slice %arg5[%add3A_321, %dma_wait3A_326] : memref<100096x16xf32, #tpu.memory_space<hbm>> -> memref<368x16xf32, #tpu.memory_space<hbm>>
        tpu.wait_dma2 semaphore(%run_scoped3A : memref<!tpu.dma_semaphore, #tpu.memory_space<semaphore_mem>>) src(%arg10 : memref<368x16xf32, #tpu.memory_space<vmem>>) dst(%dma_wait3A_327 : memref<368x16xf32, #tpu.memory_space<hbm>>)
        tpu.yield
      }) : () -> ()
    } else {
    }
    %eq3A_131 = arith.constant 1 : i32
    %eq3A_132 = arith.cmpi eq, %arg0, %eq3A_131 : i32
    %convert_element_type3A_133 = arith.extui %eq3A_132 : i1 to i32
    %cond3A_134 = arith.constant 0 : i32
    %cond3A_135 = arith.cmpi ne, %convert_element_type3A_133, %cond3A_134 : i32
    scf.if %cond3A_135 {
      %mul3A_318 = arith.constant 6256 : i32
      %mul3A_319 = arith.muli %arg1, %mul3A_318 : i32
      %add3A_320 = arith.constant 1104 : i32
      %add3A_321 = arith.addi %mul3A_319, %add3A_320 : i32
      "tpu.region"() ({
        %run_scoped3A = tpu.sem_alloc : memref<!tpu.dma_semaphore, #tpu.memory_space<semaphore_mem>>
        %dma_start3A = arith.constant 0 : i32
        %dma_start3A_322 = tpu.memref_slice %arg6[%add3A_321, %dma_start3A] : memref<100096x16xf32, #tpu.memory_space<hbm>> -> memref<368x16xf32, #tpu.memory_space<hbm>>
        %dma_start3A_323 = arith.constant 0 : i32
        %dma_start3A_324 = tpu.memref_slice %arg6[%add3A_321, %dma_start3A_323] : memref<100096x16xf32, #tpu.memory_space<hbm>> -> memref<368x16xf32, #tpu.memory_space<hbm>>
        tpu.enqueue_dma source(%arg10 : memref<368x16xf32, #tpu.memory_space<vmem>>) target(%dma_start3A_324 : memref<368x16xf32, #tpu.memory_space<hbm>>) target_semaphore(%run_scoped3A : memref<!tpu.dma_semaphore, #tpu.memory_space<semaphore_mem>>)
        %dma_wait3A = arith.constant 0 : i32
        %dma_wait3A_325 = tpu.memref_slice %arg6[%add3A_321, %dma_wait3A] : memref<100096x16xf32, #tpu.memory_space<hbm>> -> memref<368x16xf32, #tpu.memory_space<hbm>>
        %dma_wait3A_326 = arith.constant 0 : i32
        %dma_wait3A_327 = tpu.memref_slice %arg6[%add3A_321, %dma_wait3A_326] : memref<100096x16xf32, #tpu.memory_space<hbm>> -> memref<368x16xf32, #tpu.memory_space<hbm>>
        tpu.wait_dma2 semaphore(%run_scoped3A : memref<!tpu.dma_semaphore, #tpu.memory_space<semaphore_mem>>) src(%arg10 : memref<368x16xf32, #tpu.memory_space<vmem>>) dst(%dma_wait3A_327 : memref<368x16xf32, #tpu.memory_space<hbm>>)
        tpu.yield
      }) : () -> ()
    } else {
    }
    %mul3A_136 = arith.constant 6256 : i32
    %mul3A_137 = arith.muli %arg1, %mul3A_136 : i32
    %add3A_138 = arith.constant 1472 : i32
    %add3A_139 = arith.addi %mul3A_137, %add3A_138 : i32
    "tpu.region"() ({
      %run_scoped3A = tpu.sem_alloc : memref<!tpu.dma_semaphore, #tpu.memory_space<semaphore_mem>>
      %dma_start3A = arith.constant 0 : i32
      %dma_start3A_318 = tpu.memref_slice %arg11[%add3A_139, %dma_start3A] : memref<100096x16xf32, #tpu.memory_space<vmem_shared>> -> memref<368x16xf32, #tpu.memory_space<vmem_shared>>
      %dma_start3A_319 = arith.constant 0 : i32
      %dma_start3A_320 = tpu.memref_slice %arg11[%add3A_139, %dma_start3A_319] : memref<100096x16xf32, #tpu.memory_space<vmem_shared>> -> memref<368x16xf32, #tpu.memory_space<vmem_shared>>
      tpu.enqueue_dma source(%dma_start3A_320 : memref<368x16xf32, #tpu.memory_space<vmem_shared>>) target(%arg10 : memref<368x16xf32, #tpu.memory_space<vmem>>) target_semaphore(%run_scoped3A : memref<!tpu.dma_semaphore, #tpu.memory_space<semaphore_mem>>)
      %dma_wait3A = arith.constant 0 : i32
      %dma_wait3A_321 = tpu.memref_slice %arg11[%add3A_139, %dma_wait3A] : memref<100096x16xf32, #tpu.memory_space<vmem_shared>> -> memref<368x16xf32, #tpu.memory_space<vmem_shared>>
      %dma_wait3A_322 = arith.constant 0 : i32
      %dma_wait3A_323 = tpu.memref_slice %arg11[%add3A_139, %dma_wait3A_322] : memref<100096x16xf32, #tpu.memory_space<vmem_shared>> -> memref<368x16xf32, #tpu.memory_space<vmem_shared>>
      tpu.wait_dma2 semaphore(%run_scoped3A : memref<!tpu.dma_semaphore, #tpu.memory_space<semaphore_mem>>) src(%dma_wait3A_323 : memref<368x16xf32, #tpu.memory_space<vmem_shared>>) dst(%arg10 : memref<368x16xf32, #tpu.memory_space<vmem>>)
      tpu.yield
    }) : () -> ()
    %eq3A_140 = arith.constant 0 : i32
    %eq3A_141 = arith.cmpi eq, %arg0, %eq3A_140 : i32
    %convert_element_type3A_142 = arith.extui %eq3A_141 : i1 to i32
    %cond3A_143 = arith.constant 0 : i32
    %cond3A_144 = arith.cmpi ne, %convert_element_type3A_142, %cond3A_143 : i32
    scf.if %cond3A_144 {
      %mul3A_318 = arith.constant 6256 : i32
      %mul3A_319 = arith.muli %arg1, %mul3A_318 : i32
      %add3A_320 = arith.constant 1472 : i32
      %add3A_321 = arith.addi %mul3A_319, %add3A_320 : i32
      "tpu.region"() ({
        %run_scoped3A = tpu.sem_alloc : memref<!tpu.dma_semaphore, #tpu.memory_space<semaphore_mem>>
        %dma_start3A = arith.constant 0 : i32
        %dma_start3A_322 = tpu.memref_slice %arg5[%add3A_321, %dma_start3A] : memref<100096x16xf32, #tpu.memory_space<hbm>> -> memref<368x16xf32, #tpu.memory_space<hbm>>
        %dma_start3A_323 = arith.constant 0 : i32
        %dma_start3A_324 = tpu.memref_slice %arg5[%add3A_321, %dma_start3A_323] : memref<100096x16xf32, #tpu.memory_space<hbm>> -> memref<368x16xf32, #tpu.memory_space<hbm>>
        tpu.enqueue_dma source(%arg10 : memref<368x16xf32, #tpu.memory_space<vmem>>) target(%dma_start3A_324 : memref<368x16xf32, #tpu.memory_space<hbm>>) target_semaphore(%run_scoped3A : memref<!tpu.dma_semaphore, #tpu.memory_space<semaphore_mem>>)
        %dma_wait3A = arith.constant 0 : i32
        %dma_wait3A_325 = tpu.memref_slice %arg5[%add3A_321, %dma_wait3A] : memref<100096x16xf32, #tpu.memory_space<hbm>> -> memref<368x16xf32, #tpu.memory_space<hbm>>
        %dma_wait3A_326 = arith.constant 0 : i32
        %dma_wait3A_327 = tpu.memref_slice %arg5[%add3A_321, %dma_wait3A_326] : memref<100096x16xf32, #tpu.memory_space<hbm>> -> memref<368x16xf32, #tpu.memory_space<hbm>>
        tpu.wait_dma2 semaphore(%run_scoped3A : memref<!tpu.dma_semaphore, #tpu.memory_space<semaphore_mem>>) src(%arg10 : memref<368x16xf32, #tpu.memory_space<vmem>>) dst(%dma_wait3A_327 : memref<368x16xf32, #tpu.memory_space<hbm>>)
        tpu.yield
      }) : () -> ()
    } else {
    }
    %eq3A_145 = arith.constant 1 : i32
    %eq3A_146 = arith.cmpi eq, %arg0, %eq3A_145 : i32
    %convert_element_type3A_147 = arith.extui %eq3A_146 : i1 to i32
    %cond3A_148 = arith.constant 0 : i32
    %cond3A_149 = arith.cmpi ne, %convert_element_type3A_147, %cond3A_148 : i32
    scf.if %cond3A_149 {
      %mul3A_318 = arith.constant 6256 : i32
      %mul3A_319 = arith.muli %arg1, %mul3A_318 : i32
      %add3A_320 = arith.constant 1472 : i32
      %add3A_321 = arith.addi %mul3A_319, %add3A_320 : i32
      "tpu.region"() ({
        %run_scoped3A = tpu.sem_alloc : memref<!tpu.dma_semaphore, #tpu.memory_space<semaphore_mem>>
        %dma_start3A = arith.constant 0 : i32
        %dma_start3A_322 = tpu.memref_slice %arg6[%add3A_321, %dma_start3A] : memref<100096x16xf32, #tpu.memory_space<hbm>> -> memref<368x16xf32, #tpu.memory_space<hbm>>
        %dma_start3A_323 = arith.constant 0 : i32
        %dma_start3A_324 = tpu.memref_slice %arg6[%add3A_321, %dma_start3A_323] : memref<100096x16xf32, #tpu.memory_space<hbm>> -> memref<368x16xf32, #tpu.memory_space<hbm>>
        tpu.enqueue_dma source(%arg10 : memref<368x16xf32, #tpu.memory_space<vmem>>) target(%dma_start3A_324 : memref<368x16xf32, #tpu.memory_space<hbm>>) target_semaphore(%run_scoped3A : memref<!tpu.dma_semaphore, #tpu.memory_space<semaphore_mem>>)
        %dma_wait3A = arith.constant 0 : i32
        %dma_wait3A_325 = tpu.memref_slice %arg6[%add3A_321, %dma_wait3A] : memref<100096x16xf32, #tpu.memory_space<hbm>> -> memref<368x16xf32, #tpu.memory_space<hbm>>
        %dma_wait3A_326 = arith.constant 0 : i32
        %dma_wait3A_327 = tpu.memref_slice %arg6[%add3A_321, %dma_wait3A_326] : memref<100096x16xf32, #tpu.memory_space<hbm>> -> memref<368x16xf32, #tpu.memory_space<hbm>>
        tpu.wait_dma2 semaphore(%run_scoped3A : memref<!tpu.dma_semaphore, #tpu.memory_space<semaphore_mem>>) src(%arg10 : memref<368x16xf32, #tpu.memory_space<vmem>>) dst(%dma_wait3A_327 : memref<368x16xf32, #tpu.memory_space<hbm>>)
        tpu.yield
      }) : () -> ()
    } else {
    }
    %mul3A_150 = arith.constant 6256 : i32
    %mul3A_151 = arith.muli %arg1, %mul3A_150 : i32
    %add3A_152 = arith.constant 1840 : i32
    %add3A_153 = arith.addi %mul3A_151, %add3A_152 : i32
    "tpu.region"() ({
      %run_scoped3A = tpu.sem_alloc : memref<!tpu.dma_semaphore, #tpu.memory_space<semaphore_mem>>
      %dma_start3A = arith.constant 0 : i32
      %dma_start3A_318 = tpu.memref_slice %arg11[%add3A_153, %dma_start3A] : memref<100096x16xf32, #tpu.memory_space<vmem_shared>> -> memref<368x16xf32, #tpu.memory_space<vmem_shared>>
      %dma_start3A_319 = arith.constant 0 : i32
      %dma_start3A_320 = tpu.memref_slice %arg11[%add3A_153, %dma_start3A_319] : memref<100096x16xf32, #tpu.memory_space<vmem_shared>> -> memref<368x16xf32, #tpu.memory_space<vmem_shared>>
      tpu.enqueue_dma source(%dma_start3A_320 : memref<368x16xf32, #tpu.memory_space<vmem_shared>>) target(%arg10 : memref<368x16xf32, #tpu.memory_space<vmem>>) target_semaphore(%run_scoped3A : memref<!tpu.dma_semaphore, #tpu.memory_space<semaphore_mem>>)
      %dma_wait3A = arith.constant 0 : i32
      %dma_wait3A_321 = tpu.memref_slice %arg11[%add3A_153, %dma_wait3A] : memref<100096x16xf32, #tpu.memory_space<vmem_shared>> -> memref<368x16xf32, #tpu.memory_space<vmem_shared>>
      %dma_wait3A_322 = arith.constant 0 : i32
      %dma_wait3A_323 = tpu.memref_slice %arg11[%add3A_153, %dma_wait3A_322] : memref<100096x16xf32, #tpu.memory_space<vmem_shared>> -> memref<368x16xf32, #tpu.memory_space<vmem_shared>>
      tpu.wait_dma2 semaphore(%run_scoped3A : memref<!tpu.dma_semaphore, #tpu.memory_space<semaphore_mem>>) src(%dma_wait3A_323 : memref<368x16xf32, #tpu.memory_space<vmem_shared>>) dst(%arg10 : memref<368x16xf32, #tpu.memory_space<vmem>>)
      tpu.yield
    }) : () -> ()
    %eq3A_154 = arith.constant 0 : i32
    %eq3A_155 = arith.cmpi eq, %arg0, %eq3A_154 : i32
    %convert_element_type3A_156 = arith.extui %eq3A_155 : i1 to i32
    %cond3A_157 = arith.constant 0 : i32
    %cond3A_158 = arith.cmpi ne, %convert_element_type3A_156, %cond3A_157 : i32
    scf.if %cond3A_158 {
      %mul3A_318 = arith.constant 6256 : i32
      %mul3A_319 = arith.muli %arg1, %mul3A_318 : i32
      %add3A_320 = arith.constant 1840 : i32
      %add3A_321 = arith.addi %mul3A_319, %add3A_320 : i32
      "tpu.region"() ({
        %run_scoped3A = tpu.sem_alloc : memref<!tpu.dma_semaphore, #tpu.memory_space<semaphore_mem>>
        %dma_start3A = arith.constant 0 : i32
        %dma_start3A_322 = tpu.memref_slice %arg5[%add3A_321, %dma_start3A] : memref<100096x16xf32, #tpu.memory_space<hbm>> -> memref<368x16xf32, #tpu.memory_space<hbm>>
        %dma_start3A_323 = arith.constant 0 : i32
        %dma_start3A_324 = tpu.memref_slice %arg5[%add3A_321, %dma_start3A_323] : memref<100096x16xf32, #tpu.memory_space<hbm>> -> memref<368x16xf32, #tpu.memory_space<hbm>>
        tpu.enqueue_dma source(%arg10 : memref<368x16xf32, #tpu.memory_space<vmem>>) target(%dma_start3A_324 : memref<368x16xf32, #tpu.memory_space<hbm>>) target_semaphore(%run_scoped3A : memref<!tpu.dma_semaphore, #tpu.memory_space<semaphore_mem>>)
        %dma_wait3A = arith.constant 0 : i32
        %dma_wait3A_325 = tpu.memref_slice %arg5[%add3A_321, %dma_wait3A] : memref<100096x16xf32, #tpu.memory_space<hbm>> -> memref<368x16xf32, #tpu.memory_space<hbm>>
        %dma_wait3A_326 = arith.constant 0 : i32
        %dma_wait3A_327 = tpu.memref_slice %arg5[%add3A_321, %dma_wait3A_326] : memref<100096x16xf32, #tpu.memory_space<hbm>> -> memref<368x16xf32, #tpu.memory_space<hbm>>
        tpu.wait_dma2 semaphore(%run_scoped3A : memref<!tpu.dma_semaphore, #tpu.memory_space<semaphore_mem>>) src(%arg10 : memref<368x16xf32, #tpu.memory_space<vmem>>) dst(%dma_wait3A_327 : memref<368x16xf32, #tpu.memory_space<hbm>>)
        tpu.yield
      }) : () -> ()
    } else {
    }
    %eq3A_159 = arith.constant 1 : i32
    %eq3A_160 = arith.cmpi eq, %arg0, %eq3A_159 : i32
    %convert_element_type3A_161 = arith.extui %eq3A_160 : i1 to i32
    %cond3A_162 = arith.constant 0 : i32
    %cond3A_163 = arith.cmpi ne, %convert_element_type3A_161, %cond3A_162 : i32
    scf.if %cond3A_163 {
      %mul3A_318 = arith.constant 6256 : i32
      %mul3A_319 = arith.muli %arg1, %mul3A_318 : i32
      %add3A_320 = arith.constant 1840 : i32
      %add3A_321 = arith.addi %mul3A_319, %add3A_320 : i32
      "tpu.region"() ({
        %run_scoped3A = tpu.sem_alloc : memref<!tpu.dma_semaphore, #tpu.memory_space<semaphore_mem>>
        %dma_start3A = arith.constant 0 : i32
        %dma_start3A_322 = tpu.memref_slice %arg6[%add3A_321, %dma_start3A] : memref<100096x16xf32, #tpu.memory_space<hbm>> -> memref<368x16xf32, #tpu.memory_space<hbm>>
        %dma_start3A_323 = arith.constant 0 : i32
        %dma_start3A_324 = tpu.memref_slice %arg6[%add3A_321, %dma_start3A_323] : memref<100096x16xf32, #tpu.memory_space<hbm>> -> memref<368x16xf32, #tpu.memory_space<hbm>>
        tpu.enqueue_dma source(%arg10 : memref<368x16xf32, #tpu.memory_space<vmem>>) target(%dma_start3A_324 : memref<368x16xf32, #tpu.memory_space<hbm>>) target_semaphore(%run_scoped3A : memref<!tpu.dma_semaphore, #tpu.memory_space<semaphore_mem>>)
        %dma_wait3A = arith.constant 0 : i32
        %dma_wait3A_325 = tpu.memref_slice %arg6[%add3A_321, %dma_wait3A] : memref<100096x16xf32, #tpu.memory_space<hbm>> -> memref<368x16xf32, #tpu.memory_space<hbm>>
        %dma_wait3A_326 = arith.constant 0 : i32
        %dma_wait3A_327 = tpu.memref_slice %arg6[%add3A_321, %dma_wait3A_326] : memref<100096x16xf32, #tpu.memory_space<hbm>> -> memref<368x16xf32, #tpu.memory_space<hbm>>
        tpu.wait_dma2 semaphore(%run_scoped3A : memref<!tpu.dma_semaphore, #tpu.memory_space<semaphore_mem>>) src(%arg10 : memref<368x16xf32, #tpu.memory_space<vmem>>) dst(%dma_wait3A_327 : memref<368x16xf32, #tpu.memory_space<hbm>>)
        tpu.yield
      }) : () -> ()
    } else {
    }
    %mul3A_164 = arith.constant 6256 : i32
    %mul3A_165 = arith.muli %arg1, %mul3A_164 : i32
    %add3A_166 = arith.constant 2208 : i32
    %add3A_167 = arith.addi %mul3A_165, %add3A_166 : i32
    "tpu.region"() ({
      %run_scoped3A = tpu.sem_alloc : memref<!tpu.dma_semaphore, #tpu.memory_space<semaphore_mem>>
      %dma_start3A = arith.constant 0 : i32
      %dma_start3A_318 = tpu.memref_slice %arg11[%add3A_167, %dma_start3A] : memref<100096x16xf32, #tpu.memory_space<vmem_shared>> -> memref<368x16xf32, #tpu.memory_space<vmem_shared>>
      %dma_start3A_319 = arith.constant 0 : i32
      %dma_start3A_320 = tpu.memref_slice %arg11[%add3A_167, %dma_start3A_319] : memref<100096x16xf32, #tpu.memory_space<vmem_shared>> -> memref<368x16xf32, #tpu.memory_space<vmem_shared>>
      tpu.enqueue_dma source(%dma_start3A_320 : memref<368x16xf32, #tpu.memory_space<vmem_shared>>) target(%arg10 : memref<368x16xf32, #tpu.memory_space<vmem>>) target_semaphore(%run_scoped3A : memref<!tpu.dma_semaphore, #tpu.memory_space<semaphore_mem>>)
      %dma_wait3A = arith.constant 0 : i32
      %dma_wait3A_321 = tpu.memref_slice %arg11[%add3A_167, %dma_wait3A] : memref<100096x16xf32, #tpu.memory_space<vmem_shared>> -> memref<368x16xf32, #tpu.memory_space<vmem_shared>>
      %dma_wait3A_322 = arith.constant 0 : i32
      %dma_wait3A_323 = tpu.memref_slice %arg11[%add3A_167, %dma_wait3A_322] : memref<100096x16xf32, #tpu.memory_space<vmem_shared>> -> memref<368x16xf32, #tpu.memory_space<vmem_shared>>
      tpu.wait_dma2 semaphore(%run_scoped3A : memref<!tpu.dma_semaphore, #tpu.memory_space<semaphore_mem>>) src(%dma_wait3A_323 : memref<368x16xf32, #tpu.memory_space<vmem_shared>>) dst(%arg10 : memref<368x16xf32, #tpu.memory_space<vmem>>)
      tpu.yield
    }) : () -> ()
    %eq3A_168 = arith.constant 0 : i32
    %eq3A_169 = arith.cmpi eq, %arg0, %eq3A_168 : i32
    %convert_element_type3A_170 = arith.extui %eq3A_169 : i1 to i32
    %cond3A_171 = arith.constant 0 : i32
    %cond3A_172 = arith.cmpi ne, %convert_element_type3A_170, %cond3A_171 : i32
    scf.if %cond3A_172 {
      %mul3A_318 = arith.constant 6256 : i32
      %mul3A_319 = arith.muli %arg1, %mul3A_318 : i32
      %add3A_320 = arith.constant 2208 : i32
      %add3A_321 = arith.addi %mul3A_319, %add3A_320 : i32
      "tpu.region"() ({
        %run_scoped3A = tpu.sem_alloc : memref<!tpu.dma_semaphore, #tpu.memory_space<semaphore_mem>>
        %dma_start3A = arith.constant 0 : i32
        %dma_start3A_322 = tpu.memref_slice %arg5[%add3A_321, %dma_start3A] : memref<100096x16xf32, #tpu.memory_space<hbm>> -> memref<368x16xf32, #tpu.memory_space<hbm>>
        %dma_start3A_323 = arith.constant 0 : i32
        %dma_start3A_324 = tpu.memref_slice %arg5[%add3A_321, %dma_start3A_323] : memref<100096x16xf32, #tpu.memory_space<hbm>> -> memref<368x16xf32, #tpu.memory_space<hbm>>
        tpu.enqueue_dma source(%arg10 : memref<368x16xf32, #tpu.memory_space<vmem>>) target(%dma_start3A_324 : memref<368x16xf32, #tpu.memory_space<hbm>>) target_semaphore(%run_scoped3A : memref<!tpu.dma_semaphore, #tpu.memory_space<semaphore_mem>>)
        %dma_wait3A = arith.constant 0 : i32
        %dma_wait3A_325 = tpu.memref_slice %arg5[%add3A_321, %dma_wait3A] : memref<100096x16xf32, #tpu.memory_space<hbm>> -> memref<368x16xf32, #tpu.memory_space<hbm>>
        %dma_wait3A_326 = arith.constant 0 : i32
        %dma_wait3A_327 = tpu.memref_slice %arg5[%add3A_321, %dma_wait3A_326] : memref<100096x16xf32, #tpu.memory_space<hbm>> -> memref<368x16xf32, #tpu.memory_space<hbm>>
        tpu.wait_dma2 semaphore(%run_scoped3A : memref<!tpu.dma_semaphore, #tpu.memory_space<semaphore_mem>>) src(%arg10 : memref<368x16xf32, #tpu.memory_space<vmem>>) dst(%dma_wait3A_327 : memref<368x16xf32, #tpu.memory_space<hbm>>)
        tpu.yield
      }) : () -> ()
    } else {
    }
    %eq3A_173 = arith.constant 1 : i32
    %eq3A_174 = arith.cmpi eq, %arg0, %eq3A_173 : i32
    %convert_element_type3A_175 = arith.extui %eq3A_174 : i1 to i32
    %cond3A_176 = arith.constant 0 : i32
    %cond3A_177 = arith.cmpi ne, %convert_element_type3A_175, %cond3A_176 : i32
    scf.if %cond3A_177 {
      %mul3A_318 = arith.constant 6256 : i32
      %mul3A_319 = arith.muli %arg1, %mul3A_318 : i32
      %add3A_320 = arith.constant 2208 : i32
      %add3A_321 = arith.addi %mul3A_319, %add3A_320 : i32
      "tpu.region"() ({
        %run_scoped3A = tpu.sem_alloc : memref<!tpu.dma_semaphore, #tpu.memory_space<semaphore_mem>>
        %dma_start3A = arith.constant 0 : i32
        %dma_start3A_322 = tpu.memref_slice %arg6[%add3A_321, %dma_start3A] : memref<100096x16xf32, #tpu.memory_space<hbm>> -> memref<368x16xf32, #tpu.memory_space<hbm>>
        %dma_start3A_323 = arith.constant 0 : i32
        %dma_start3A_324 = tpu.memref_slice %arg6[%add3A_321, %dma_start3A_323] : memref<100096x16xf32, #tpu.memory_space<hbm>> -> memref<368x16xf32, #tpu.memory_space<hbm>>
        tpu.enqueue_dma source(%arg10 : memref<368x16xf32, #tpu.memory_space<vmem>>) target(%dma_start3A_324 : memref<368x16xf32, #tpu.memory_space<hbm>>) target_semaphore(%run_scoped3A : memref<!tpu.dma_semaphore, #tpu.memory_space<semaphore_mem>>)
        %dma_wait3A = arith.constant 0 : i32
        %dma_wait3A_325 = tpu.memref_slice %arg6[%add3A_321, %dma_wait3A] : memref<100096x16xf32, #tpu.memory_space<hbm>> -> memref<368x16xf32, #tpu.memory_space<hbm>>
        %dma_wait3A_326 = arith.constant 0 : i32
        %dma_wait3A_327 = tpu.memref_slice %arg6[%add3A_321, %dma_wait3A_326] : memref<100096x16xf32, #tpu.memory_space<hbm>> -> memref<368x16xf32, #tpu.memory_space<hbm>>
        tpu.wait_dma2 semaphore(%run_scoped3A : memref<!tpu.dma_semaphore, #tpu.memory_space<semaphore_mem>>) src(%arg10 : memref<368x16xf32, #tpu.memory_space<vmem>>) dst(%dma_wait3A_327 : memref<368x16xf32, #tpu.memory_space<hbm>>)
        tpu.yield
      }) : () -> ()
    } else {
    }
    %mul3A_178 = arith.constant 6256 : i32
    %mul3A_179 = arith.muli %arg1, %mul3A_178 : i32
    %add3A_180 = arith.constant 2576 : i32
    %add3A_181 = arith.addi %mul3A_179, %add3A_180 : i32
    "tpu.region"() ({
      %run_scoped3A = tpu.sem_alloc : memref<!tpu.dma_semaphore, #tpu.memory_space<semaphore_mem>>
      %dma_start3A = arith.constant 0 : i32
      %dma_start3A_318 = tpu.memref_slice %arg11[%add3A_181, %dma_start3A] : memref<100096x16xf32, #tpu.memory_space<vmem_shared>> -> memref<368x16xf32, #tpu.memory_space<vmem_shared>>
      %dma_start3A_319 = arith.constant 0 : i32
      %dma_start3A_320 = tpu.memref_slice %arg11[%add3A_181, %dma_start3A_319] : memref<100096x16xf32, #tpu.memory_space<vmem_shared>> -> memref<368x16xf32, #tpu.memory_space<vmem_shared>>
      tpu.enqueue_dma source(%dma_start3A_320 : memref<368x16xf32, #tpu.memory_space<vmem_shared>>) target(%arg10 : memref<368x16xf32, #tpu.memory_space<vmem>>) target_semaphore(%run_scoped3A : memref<!tpu.dma_semaphore, #tpu.memory_space<semaphore_mem>>)
      %dma_wait3A = arith.constant 0 : i32
      %dma_wait3A_321 = tpu.memref_slice %arg11[%add3A_181, %dma_wait3A] : memref<100096x16xf32, #tpu.memory_space<vmem_shared>> -> memref<368x16xf32, #tpu.memory_space<vmem_shared>>
      %dma_wait3A_322 = arith.constant 0 : i32
      %dma_wait3A_323 = tpu.memref_slice %arg11[%add3A_181, %dma_wait3A_322] : memref<100096x16xf32, #tpu.memory_space<vmem_shared>> -> memref<368x16xf32, #tpu.memory_space<vmem_shared>>
      tpu.wait_dma2 semaphore(%run_scoped3A : memref<!tpu.dma_semaphore, #tpu.memory_space<semaphore_mem>>) src(%dma_wait3A_323 : memref<368x16xf32, #tpu.memory_space<vmem_shared>>) dst(%arg10 : memref<368x16xf32, #tpu.memory_space<vmem>>)
      tpu.yield
    }) : () -> ()
    %eq3A_182 = arith.constant 0 : i32
    %eq3A_183 = arith.cmpi eq, %arg0, %eq3A_182 : i32
    %convert_element_type3A_184 = arith.extui %eq3A_183 : i1 to i32
    %cond3A_185 = arith.constant 0 : i32
    %cond3A_186 = arith.cmpi ne, %convert_element_type3A_184, %cond3A_185 : i32
    scf.if %cond3A_186 {
      %mul3A_318 = arith.constant 6256 : i32
      %mul3A_319 = arith.muli %arg1, %mul3A_318 : i32
      %add3A_320 = arith.constant 2576 : i32
      %add3A_321 = arith.addi %mul3A_319, %add3A_320 : i32
      "tpu.region"() ({
        %run_scoped3A = tpu.sem_alloc : memref<!tpu.dma_semaphore, #tpu.memory_space<semaphore_mem>>
        %dma_start3A = arith.constant 0 : i32
        %dma_start3A_322 = tpu.memref_slice %arg5[%add3A_321, %dma_start3A] : memref<100096x16xf32, #tpu.memory_space<hbm>> -> memref<368x16xf32, #tpu.memory_space<hbm>>
        %dma_start3A_323 = arith.constant 0 : i32
        %dma_start3A_324 = tpu.memref_slice %arg5[%add3A_321, %dma_start3A_323] : memref<100096x16xf32, #tpu.memory_space<hbm>> -> memref<368x16xf32, #tpu.memory_space<hbm>>
        tpu.enqueue_dma source(%arg10 : memref<368x16xf32, #tpu.memory_space<vmem>>) target(%dma_start3A_324 : memref<368x16xf32, #tpu.memory_space<hbm>>) target_semaphore(%run_scoped3A : memref<!tpu.dma_semaphore, #tpu.memory_space<semaphore_mem>>)
        %dma_wait3A = arith.constant 0 : i32
        %dma_wait3A_325 = tpu.memref_slice %arg5[%add3A_321, %dma_wait3A] : memref<100096x16xf32, #tpu.memory_space<hbm>> -> memref<368x16xf32, #tpu.memory_space<hbm>>
        %dma_wait3A_326 = arith.constant 0 : i32
        %dma_wait3A_327 = tpu.memref_slice %arg5[%add3A_321, %dma_wait3A_326] : memref<100096x16xf32, #tpu.memory_space<hbm>> -> memref<368x16xf32, #tpu.memory_space<hbm>>
        tpu.wait_dma2 semaphore(%run_scoped3A : memref<!tpu.dma_semaphore, #tpu.memory_space<semaphore_mem>>) src(%arg10 : memref<368x16xf32, #tpu.memory_space<vmem>>) dst(%dma_wait3A_327 : memref<368x16xf32, #tpu.memory_space<hbm>>)
        tpu.yield
      }) : () -> ()
    } else {
    }
    %eq3A_187 = arith.constant 1 : i32
    %eq3A_188 = arith.cmpi eq, %arg0, %eq3A_187 : i32
    %convert_element_type3A_189 = arith.extui %eq3A_188 : i1 to i32
    %cond3A_190 = arith.constant 0 : i32
    %cond3A_191 = arith.cmpi ne, %convert_element_type3A_189, %cond3A_190 : i32
    scf.if %cond3A_191 {
      %mul3A_318 = arith.constant 6256 : i32
      %mul3A_319 = arith.muli %arg1, %mul3A_318 : i32
      %add3A_320 = arith.constant 2576 : i32
      %add3A_321 = arith.addi %mul3A_319, %add3A_320 : i32
      "tpu.region"() ({
        %run_scoped3A = tpu.sem_alloc : memref<!tpu.dma_semaphore, #tpu.memory_space<semaphore_mem>>
        %dma_start3A = arith.constant 0 : i32
        %dma_start3A_322 = tpu.memref_slice %arg6[%add3A_321, %dma_start3A] : memref<100096x16xf32, #tpu.memory_space<hbm>> -> memref<368x16xf32, #tpu.memory_space<hbm>>
        %dma_start3A_323 = arith.constant 0 : i32
        %dma_start3A_324 = tpu.memref_slice %arg6[%add3A_321, %dma_start3A_323] : memref<100096x16xf32, #tpu.memory_space<hbm>> -> memref<368x16xf32, #tpu.memory_space<hbm>>
        tpu.enqueue_dma source(%arg10 : memref<368x16xf32, #tpu.memory_space<vmem>>) target(%dma_start3A_324 : memref<368x16xf32, #tpu.memory_space<hbm>>) target_semaphore(%run_scoped3A : memref<!tpu.dma_semaphore, #tpu.memory_space<semaphore_mem>>)
        %dma_wait3A = arith.constant 0 : i32
        %dma_wait3A_325 = tpu.memref_slice %arg6[%add3A_321, %dma_wait3A] : memref<100096x16xf32, #tpu.memory_space<hbm>> -> memref<368x16xf32, #tpu.memory_space<hbm>>
        %dma_wait3A_326 = arith.constant 0 : i32
        %dma_wait3A_327 = tpu.memref_slice %arg6[%add3A_321, %dma_wait3A_326] : memref<100096x16xf32, #tpu.memory_space<hbm>> -> memref<368x16xf32, #tpu.memory_space<hbm>>
        tpu.wait_dma2 semaphore(%run_scoped3A : memref<!tpu.dma_semaphore, #tpu.memory_space<semaphore_mem>>) src(%arg10 : memref<368x16xf32, #tpu.memory_space<vmem>>) dst(%dma_wait3A_327 : memref<368x16xf32, #tpu.memory_space<hbm>>)
        tpu.yield
      }) : () -> ()
    } else {
    }
    %mul3A_192 = arith.constant 6256 : i32
    %mul3A_193 = arith.muli %arg1, %mul3A_192 : i32
    %add3A_194 = arith.constant 2944 : i32
    %add3A_195 = arith.addi %mul3A_193, %add3A_194 : i32
    "tpu.region"() ({
      %run_scoped3A = tpu.sem_alloc : memref<!tpu.dma_semaphore, #tpu.memory_space<semaphore_mem>>
      %dma_start3A = arith.constant 0 : i32
      %dma_start3A_318 = tpu.memref_slice %arg11[%add3A_195, %dma_start3A] : memref<100096x16xf32, #tpu.memory_space<vmem_shared>> -> memref<368x16xf32, #tpu.memory_space<vmem_shared>>
      %dma_start3A_319 = arith.constant 0 : i32
      %dma_start3A_320 = tpu.memref_slice %arg11[%add3A_195, %dma_start3A_319] : memref<100096x16xf32, #tpu.memory_space<vmem_shared>> -> memref<368x16xf32, #tpu.memory_space<vmem_shared>>
      tpu.enqueue_dma source(%dma_start3A_320 : memref<368x16xf32, #tpu.memory_space<vmem_shared>>) target(%arg10 : memref<368x16xf32, #tpu.memory_space<vmem>>) target_semaphore(%run_scoped3A : memref<!tpu.dma_semaphore, #tpu.memory_space<semaphore_mem>>)
      %dma_wait3A = arith.constant 0 : i32
      %dma_wait3A_321 = tpu.memref_slice %arg11[%add3A_195, %dma_wait3A] : memref<100096x16xf32, #tpu.memory_space<vmem_shared>> -> memref<368x16xf32, #tpu.memory_space<vmem_shared>>
      %dma_wait3A_322 = arith.constant 0 : i32
      %dma_wait3A_323 = tpu.memref_slice %arg11[%add3A_195, %dma_wait3A_322] : memref<100096x16xf32, #tpu.memory_space<vmem_shared>> -> memref<368x16xf32, #tpu.memory_space<vmem_shared>>
      tpu.wait_dma2 semaphore(%run_scoped3A : memref<!tpu.dma_semaphore, #tpu.memory_space<semaphore_mem>>) src(%dma_wait3A_323 : memref<368x16xf32, #tpu.memory_space<vmem_shared>>) dst(%arg10 : memref<368x16xf32, #tpu.memory_space<vmem>>)
      tpu.yield
    }) : () -> ()
    %eq3A_196 = arith.constant 0 : i32
    %eq3A_197 = arith.cmpi eq, %arg0, %eq3A_196 : i32
    %convert_element_type3A_198 = arith.extui %eq3A_197 : i1 to i32
    %cond3A_199 = arith.constant 0 : i32
    %cond3A_200 = arith.cmpi ne, %convert_element_type3A_198, %cond3A_199 : i32
    scf.if %cond3A_200 {
      %mul3A_318 = arith.constant 6256 : i32
      %mul3A_319 = arith.muli %arg1, %mul3A_318 : i32
      %add3A_320 = arith.constant 2944 : i32
      %add3A_321 = arith.addi %mul3A_319, %add3A_320 : i32
      "tpu.region"() ({
        %run_scoped3A = tpu.sem_alloc : memref<!tpu.dma_semaphore, #tpu.memory_space<semaphore_mem>>
        %dma_start3A = arith.constant 0 : i32
        %dma_start3A_322 = tpu.memref_slice %arg5[%add3A_321, %dma_start3A] : memref<100096x16xf32, #tpu.memory_space<hbm>> -> memref<368x16xf32, #tpu.memory_space<hbm>>
        %dma_start3A_323 = arith.constant 0 : i32
        %dma_start3A_324 = tpu.memref_slice %arg5[%add3A_321, %dma_start3A_323] : memref<100096x16xf32, #tpu.memory_space<hbm>> -> memref<368x16xf32, #tpu.memory_space<hbm>>
        tpu.enqueue_dma source(%arg10 : memref<368x16xf32, #tpu.memory_space<vmem>>) target(%dma_start3A_324 : memref<368x16xf32, #tpu.memory_space<hbm>>) target_semaphore(%run_scoped3A : memref<!tpu.dma_semaphore, #tpu.memory_space<semaphore_mem>>)
        %dma_wait3A = arith.constant 0 : i32
        %dma_wait3A_325 = tpu.memref_slice %arg5[%add3A_321, %dma_wait3A] : memref<100096x16xf32, #tpu.memory_space<hbm>> -> memref<368x16xf32, #tpu.memory_space<hbm>>
        %dma_wait3A_326 = arith.constant 0 : i32
        %dma_wait3A_327 = tpu.memref_slice %arg5[%add3A_321, %dma_wait3A_326] : memref<100096x16xf32, #tpu.memory_space<hbm>> -> memref<368x16xf32, #tpu.memory_space<hbm>>
        tpu.wait_dma2 semaphore(%run_scoped3A : memref<!tpu.dma_semaphore, #tpu.memory_space<semaphore_mem>>) src(%arg10 : memref<368x16xf32, #tpu.memory_space<vmem>>) dst(%dma_wait3A_327 : memref<368x16xf32, #tpu.memory_space<hbm>>)
        tpu.yield
      }) : () -> ()
    } else {
    }
    %eq3A_201 = arith.constant 1 : i32
    %eq3A_202 = arith.cmpi eq, %arg0, %eq3A_201 : i32
    %convert_element_type3A_203 = arith.extui %eq3A_202 : i1 to i32
    %cond3A_204 = arith.constant 0 : i32
    %cond3A_205 = arith.cmpi ne, %convert_element_type3A_203, %cond3A_204 : i32
    scf.if %cond3A_205 {
      %mul3A_318 = arith.constant 6256 : i32
      %mul3A_319 = arith.muli %arg1, %mul3A_318 : i32
      %add3A_320 = arith.constant 2944 : i32
      %add3A_321 = arith.addi %mul3A_319, %add3A_320 : i32
      "tpu.region"() ({
        %run_scoped3A = tpu.sem_alloc : memref<!tpu.dma_semaphore, #tpu.memory_space<semaphore_mem>>
        %dma_start3A = arith.constant 0 : i32
        %dma_start3A_322 = tpu.memref_slice %arg6[%add3A_321, %dma_start3A] : memref<100096x16xf32, #tpu.memory_space<hbm>> -> memref<368x16xf32, #tpu.memory_space<hbm>>
        %dma_start3A_323 = arith.constant 0 : i32
        %dma_start3A_324 = tpu.memref_slice %arg6[%add3A_321, %dma_start3A_323] : memref<100096x16xf32, #tpu.memory_space<hbm>> -> memref<368x16xf32, #tpu.memory_space<hbm>>
        tpu.enqueue_dma source(%arg10 : memref<368x16xf32, #tpu.memory_space<vmem>>) target(%dma_start3A_324 : memref<368x16xf32, #tpu.memory_space<hbm>>) target_semaphore(%run_scoped3A : memref<!tpu.dma_semaphore, #tpu.memory_space<semaphore_mem>>)
        %dma_wait3A = arith.constant 0 : i32
        %dma_wait3A_325 = tpu.memref_slice %arg6[%add3A_321, %dma_wait3A] : memref<100096x16xf32, #tpu.memory_space<hbm>> -> memref<368x16xf32, #tpu.memory_space<hbm>>
        %dma_wait3A_326 = arith.constant 0 : i32
        %dma_wait3A_327 = tpu.memref_slice %arg6[%add3A_321, %dma_wait3A_326] : memref<100096x16xf32, #tpu.memory_space<hbm>> -> memref<368x16xf32, #tpu.memory_space<hbm>>
        tpu.wait_dma2 semaphore(%run_scoped3A : memref<!tpu.dma_semaphore, #tpu.memory_space<semaphore_mem>>) src(%arg10 : memref<368x16xf32, #tpu.memory_space<vmem>>) dst(%dma_wait3A_327 : memref<368x16xf32, #tpu.memory_space<hbm>>)
        tpu.yield
      }) : () -> ()
    } else {
    }
    %mul3A_206 = arith.constant 6256 : i32
    %mul3A_207 = arith.muli %arg1, %mul3A_206 : i32
    %add3A_208 = arith.constant 3312 : i32
    %add3A_209 = arith.addi %mul3A_207, %add3A_208 : i32
    "tpu.region"() ({
      %run_scoped3A = tpu.sem_alloc : memref<!tpu.dma_semaphore, #tpu.memory_space<semaphore_mem>>
      %dma_start3A = arith.constant 0 : i32
      %dma_start3A_318 = tpu.memref_slice %arg11[%add3A_209, %dma_start3A] : memref<100096x16xf32, #tpu.memory_space<vmem_shared>> -> memref<368x16xf32, #tpu.memory_space<vmem_shared>>
      %dma_start3A_319 = arith.constant 0 : i32
      %dma_start3A_320 = tpu.memref_slice %arg11[%add3A_209, %dma_start3A_319] : memref<100096x16xf32, #tpu.memory_space<vmem_shared>> -> memref<368x16xf32, #tpu.memory_space<vmem_shared>>
      tpu.enqueue_dma source(%dma_start3A_320 : memref<368x16xf32, #tpu.memory_space<vmem_shared>>) target(%arg10 : memref<368x16xf32, #tpu.memory_space<vmem>>) target_semaphore(%run_scoped3A : memref<!tpu.dma_semaphore, #tpu.memory_space<semaphore_mem>>)
      %dma_wait3A = arith.constant 0 : i32
      %dma_wait3A_321 = tpu.memref_slice %arg11[%add3A_209, %dma_wait3A] : memref<100096x16xf32, #tpu.memory_space<vmem_shared>> -> memref<368x16xf32, #tpu.memory_space<vmem_shared>>
      %dma_wait3A_322 = arith.constant 0 : i32
      %dma_wait3A_323 = tpu.memref_slice %arg11[%add3A_209, %dma_wait3A_322] : memref<100096x16xf32, #tpu.memory_space<vmem_shared>> -> memref<368x16xf32, #tpu.memory_space<vmem_shared>>
      tpu.wait_dma2 semaphore(%run_scoped3A : memref<!tpu.dma_semaphore, #tpu.memory_space<semaphore_mem>>) src(%dma_wait3A_323 : memref<368x16xf32, #tpu.memory_space<vmem_shared>>) dst(%arg10 : memref<368x16xf32, #tpu.memory_space<vmem>>)
      tpu.yield
    }) : () -> ()
    %eq3A_210 = arith.constant 0 : i32
    %eq3A_211 = arith.cmpi eq, %arg0, %eq3A_210 : i32
    %convert_element_type3A_212 = arith.extui %eq3A_211 : i1 to i32
    %cond3A_213 = arith.constant 0 : i32
    %cond3A_214 = arith.cmpi ne, %convert_element_type3A_212, %cond3A_213 : i32
    scf.if %cond3A_214 {
      %mul3A_318 = arith.constant 6256 : i32
      %mul3A_319 = arith.muli %arg1, %mul3A_318 : i32
      %add3A_320 = arith.constant 3312 : i32
      %add3A_321 = arith.addi %mul3A_319, %add3A_320 : i32
      "tpu.region"() ({
        %run_scoped3A = tpu.sem_alloc : memref<!tpu.dma_semaphore, #tpu.memory_space<semaphore_mem>>
        %dma_start3A = arith.constant 0 : i32
        %dma_start3A_322 = tpu.memref_slice %arg5[%add3A_321, %dma_start3A] : memref<100096x16xf32, #tpu.memory_space<hbm>> -> memref<368x16xf32, #tpu.memory_space<hbm>>
        %dma_start3A_323 = arith.constant 0 : i32
        %dma_start3A_324 = tpu.memref_slice %arg5[%add3A_321, %dma_start3A_323] : memref<100096x16xf32, #tpu.memory_space<hbm>> -> memref<368x16xf32, #tpu.memory_space<hbm>>
        tpu.enqueue_dma source(%arg10 : memref<368x16xf32, #tpu.memory_space<vmem>>) target(%dma_start3A_324 : memref<368x16xf32, #tpu.memory_space<hbm>>) target_semaphore(%run_scoped3A : memref<!tpu.dma_semaphore, #tpu.memory_space<semaphore_mem>>)
        %dma_wait3A = arith.constant 0 : i32
        %dma_wait3A_325 = tpu.memref_slice %arg5[%add3A_321, %dma_wait3A] : memref<100096x16xf32, #tpu.memory_space<hbm>> -> memref<368x16xf32, #tpu.memory_space<hbm>>
        %dma_wait3A_326 = arith.constant 0 : i32
        %dma_wait3A_327 = tpu.memref_slice %arg5[%add3A_321, %dma_wait3A_326] : memref<100096x16xf32, #tpu.memory_space<hbm>> -> memref<368x16xf32, #tpu.memory_space<hbm>>
        tpu.wait_dma2 semaphore(%run_scoped3A : memref<!tpu.dma_semaphore, #tpu.memory_space<semaphore_mem>>) src(%arg10 : memref<368x16xf32, #tpu.memory_space<vmem>>) dst(%dma_wait3A_327 : memref<368x16xf32, #tpu.memory_space<hbm>>)
        tpu.yield
      }) : () -> ()
    } else {
    }
    %eq3A_215 = arith.constant 1 : i32
    %eq3A_216 = arith.cmpi eq, %arg0, %eq3A_215 : i32
    %convert_element_type3A_217 = arith.extui %eq3A_216 : i1 to i32
    %cond3A_218 = arith.constant 0 : i32
    %cond3A_219 = arith.cmpi ne, %convert_element_type3A_217, %cond3A_218 : i32
    scf.if %cond3A_219 {
      %mul3A_318 = arith.constant 6256 : i32
      %mul3A_319 = arith.muli %arg1, %mul3A_318 : i32
      %add3A_320 = arith.constant 3312 : i32
      %add3A_321 = arith.addi %mul3A_319, %add3A_320 : i32
      "tpu.region"() ({
        %run_scoped3A = tpu.sem_alloc : memref<!tpu.dma_semaphore, #tpu.memory_space<semaphore_mem>>
        %dma_start3A = arith.constant 0 : i32
        %dma_start3A_322 = tpu.memref_slice %arg6[%add3A_321, %dma_start3A] : memref<100096x16xf32, #tpu.memory_space<hbm>> -> memref<368x16xf32, #tpu.memory_space<hbm>>
        %dma_start3A_323 = arith.constant 0 : i32
        %dma_start3A_324 = tpu.memref_slice %arg6[%add3A_321, %dma_start3A_323] : memref<100096x16xf32, #tpu.memory_space<hbm>> -> memref<368x16xf32, #tpu.memory_space<hbm>>
        tpu.enqueue_dma source(%arg10 : memref<368x16xf32, #tpu.memory_space<vmem>>) target(%dma_start3A_324 : memref<368x16xf32, #tpu.memory_space<hbm>>) target_semaphore(%run_scoped3A : memref<!tpu.dma_semaphore, #tpu.memory_space<semaphore_mem>>)
        %dma_wait3A = arith.constant 0 : i32
        %dma_wait3A_325 = tpu.memref_slice %arg6[%add3A_321, %dma_wait3A] : memref<100096x16xf32, #tpu.memory_space<hbm>> -> memref<368x16xf32, #tpu.memory_space<hbm>>
        %dma_wait3A_326 = arith.constant 0 : i32
        %dma_wait3A_327 = tpu.memref_slice %arg6[%add3A_321, %dma_wait3A_326] : memref<100096x16xf32, #tpu.memory_space<hbm>> -> memref<368x16xf32, #tpu.memory_space<hbm>>
        tpu.wait_dma2 semaphore(%run_scoped3A : memref<!tpu.dma_semaphore, #tpu.memory_space<semaphore_mem>>) src(%arg10 : memref<368x16xf32, #tpu.memory_space<vmem>>) dst(%dma_wait3A_327 : memref<368x16xf32, #tpu.memory_space<hbm>>)
        tpu.yield
      }) : () -> ()
    } else {
    }
    %mul3A_220 = arith.constant 6256 : i32
    %mul3A_221 = arith.muli %arg1, %mul3A_220 : i32
    %add3A_222 = arith.constant 3680 : i32
    %add3A_223 = arith.addi %mul3A_221, %add3A_222 : i32
    "tpu.region"() ({
      %run_scoped3A = tpu.sem_alloc : memref<!tpu.dma_semaphore, #tpu.memory_space<semaphore_mem>>
      %dma_start3A = arith.constant 0 : i32
      %dma_start3A_318 = tpu.memref_slice %arg11[%add3A_223, %dma_start3A] : memref<100096x16xf32, #tpu.memory_space<vmem_shared>> -> memref<368x16xf32, #tpu.memory_space<vmem_shared>>
      %dma_start3A_319 = arith.constant 0 : i32
      %dma_start3A_320 = tpu.memref_slice %arg11[%add3A_223, %dma_start3A_319] : memref<100096x16xf32, #tpu.memory_space<vmem_shared>> -> memref<368x16xf32, #tpu.memory_space<vmem_shared>>
      tpu.enqueue_dma source(%dma_start3A_320 : memref<368x16xf32, #tpu.memory_space<vmem_shared>>) target(%arg10 : memref<368x16xf32, #tpu.memory_space<vmem>>) target_semaphore(%run_scoped3A : memref<!tpu.dma_semaphore, #tpu.memory_space<semaphore_mem>>)
      %dma_wait3A = arith.constant 0 : i32
      %dma_wait3A_321 = tpu.memref_slice %arg11[%add3A_223, %dma_wait3A] : memref<100096x16xf32, #tpu.memory_space<vmem_shared>> -> memref<368x16xf32, #tpu.memory_space<vmem_shared>>
      %dma_wait3A_322 = arith.constant 0 : i32
      %dma_wait3A_323 = tpu.memref_slice %arg11[%add3A_223, %dma_wait3A_322] : memref<100096x16xf32, #tpu.memory_space<vmem_shared>> -> memref<368x16xf32, #tpu.memory_space<vmem_shared>>
      tpu.wait_dma2 semaphore(%run_scoped3A : memref<!tpu.dma_semaphore, #tpu.memory_space<semaphore_mem>>) src(%dma_wait3A_323 : memref<368x16xf32, #tpu.memory_space<vmem_shared>>) dst(%arg10 : memref<368x16xf32, #tpu.memory_space<vmem>>)
      tpu.yield
    }) : () -> ()
    %eq3A_224 = arith.constant 0 : i32
    %eq3A_225 = arith.cmpi eq, %arg0, %eq3A_224 : i32
    %convert_element_type3A_226 = arith.extui %eq3A_225 : i1 to i32
    %cond3A_227 = arith.constant 0 : i32
    %cond3A_228 = arith.cmpi ne, %convert_element_type3A_226, %cond3A_227 : i32
    scf.if %cond3A_228 {
      %mul3A_318 = arith.constant 6256 : i32
      %mul3A_319 = arith.muli %arg1, %mul3A_318 : i32
      %add3A_320 = arith.constant 3680 : i32
      %add3A_321 = arith.addi %mul3A_319, %add3A_320 : i32
      "tpu.region"() ({
        %run_scoped3A = tpu.sem_alloc : memref<!tpu.dma_semaphore, #tpu.memory_space<semaphore_mem>>
        %dma_start3A = arith.constant 0 : i32
        %dma_start3A_322 = tpu.memref_slice %arg5[%add3A_321, %dma_start3A] : memref<100096x16xf32, #tpu.memory_space<hbm>> -> memref<368x16xf32, #tpu.memory_space<hbm>>
        %dma_start3A_323 = arith.constant 0 : i32
        %dma_start3A_324 = tpu.memref_slice %arg5[%add3A_321, %dma_start3A_323] : memref<100096x16xf32, #tpu.memory_space<hbm>> -> memref<368x16xf32, #tpu.memory_space<hbm>>
        tpu.enqueue_dma source(%arg10 : memref<368x16xf32, #tpu.memory_space<vmem>>) target(%dma_start3A_324 : memref<368x16xf32, #tpu.memory_space<hbm>>) target_semaphore(%run_scoped3A : memref<!tpu.dma_semaphore, #tpu.memory_space<semaphore_mem>>)
        %dma_wait3A = arith.constant 0 : i32
        %dma_wait3A_325 = tpu.memref_slice %arg5[%add3A_321, %dma_wait3A] : memref<100096x16xf32, #tpu.memory_space<hbm>> -> memref<368x16xf32, #tpu.memory_space<hbm>>
        %dma_wait3A_326 = arith.constant 0 : i32
        %dma_wait3A_327 = tpu.memref_slice %arg5[%add3A_321, %dma_wait3A_326] : memref<100096x16xf32, #tpu.memory_space<hbm>> -> memref<368x16xf32, #tpu.memory_space<hbm>>
        tpu.wait_dma2 semaphore(%run_scoped3A : memref<!tpu.dma_semaphore, #tpu.memory_space<semaphore_mem>>) src(%arg10 : memref<368x16xf32, #tpu.memory_space<vmem>>) dst(%dma_wait3A_327 : memref<368x16xf32, #tpu.memory_space<hbm>>)
        tpu.yield
      }) : () -> ()
    } else {
    }
    %eq3A_229 = arith.constant 1 : i32
    %eq3A_230 = arith.cmpi eq, %arg0, %eq3A_229 : i32
    %convert_element_type3A_231 = arith.extui %eq3A_230 : i1 to i32
    %cond3A_232 = arith.constant 0 : i32
    %cond3A_233 = arith.cmpi ne, %convert_element_type3A_231, %cond3A_232 : i32
    scf.if %cond3A_233 {
      %mul3A_318 = arith.constant 6256 : i32
      %mul3A_319 = arith.muli %arg1, %mul3A_318 : i32
      %add3A_320 = arith.constant 3680 : i32
      %add3A_321 = arith.addi %mul3A_319, %add3A_320 : i32
      "tpu.region"() ({
        %run_scoped3A = tpu.sem_alloc : memref<!tpu.dma_semaphore, #tpu.memory_space<semaphore_mem>>
        %dma_start3A = arith.constant 0 : i32
        %dma_start3A_322 = tpu.memref_slice %arg6[%add3A_321, %dma_start3A] : memref<100096x16xf32, #tpu.memory_space<hbm>> -> memref<368x16xf32, #tpu.memory_space<hbm>>
        %dma_start3A_323 = arith.constant 0 : i32
        %dma_start3A_324 = tpu.memref_slice %arg6[%add3A_321, %dma_start3A_323] : memref<100096x16xf32, #tpu.memory_space<hbm>> -> memref<368x16xf32, #tpu.memory_space<hbm>>
        tpu.enqueue_dma source(%arg10 : memref<368x16xf32, #tpu.memory_space<vmem>>) target(%dma_start3A_324 : memref<368x16xf32, #tpu.memory_space<hbm>>) target_semaphore(%run_scoped3A : memref<!tpu.dma_semaphore, #tpu.memory_space<semaphore_mem>>)
        %dma_wait3A = arith.constant 0 : i32
        %dma_wait3A_325 = tpu.memref_slice %arg6[%add3A_321, %dma_wait3A] : memref<100096x16xf32, #tpu.memory_space<hbm>> -> memref<368x16xf32, #tpu.memory_space<hbm>>
        %dma_wait3A_326 = arith.constant 0 : i32
        %dma_wait3A_327 = tpu.memref_slice %arg6[%add3A_321, %dma_wait3A_326] : memref<100096x16xf32, #tpu.memory_space<hbm>> -> memref<368x16xf32, #tpu.memory_space<hbm>>
        tpu.wait_dma2 semaphore(%run_scoped3A : memref<!tpu.dma_semaphore, #tpu.memory_space<semaphore_mem>>) src(%arg10 : memref<368x16xf32, #tpu.memory_space<vmem>>) dst(%dma_wait3A_327 : memref<368x16xf32, #tpu.memory_space<hbm>>)
        tpu.yield
      }) : () -> ()
    } else {
    }
    %mul3A_234 = arith.constant 6256 : i32
    %mul3A_235 = arith.muli %arg1, %mul3A_234 : i32
    %add3A_236 = arith.constant 4048 : i32
    %add3A_237 = arith.addi %mul3A_235, %add3A_236 : i32
    "tpu.region"() ({
      %run_scoped3A = tpu.sem_alloc : memref<!tpu.dma_semaphore, #tpu.memory_space<semaphore_mem>>
      %dma_start3A = arith.constant 0 : i32
      %dma_start3A_318 = tpu.memref_slice %arg11[%add3A_237, %dma_start3A] : memref<100096x16xf32, #tpu.memory_space<vmem_shared>> -> memref<368x16xf32, #tpu.memory_space<vmem_shared>>
      %dma_start3A_319 = arith.constant 0 : i32
      %dma_start3A_320 = tpu.memref_slice %arg11[%add3A_237, %dma_start3A_319] : memref<100096x16xf32, #tpu.memory_space<vmem_shared>> -> memref<368x16xf32, #tpu.memory_space<vmem_shared>>
      tpu.enqueue_dma source(%dma_start3A_320 : memref<368x16xf32, #tpu.memory_space<vmem_shared>>) target(%arg10 : memref<368x16xf32, #tpu.memory_space<vmem>>) target_semaphore(%run_scoped3A : memref<!tpu.dma_semaphore, #tpu.memory_space<semaphore_mem>>)
      %dma_wait3A = arith.constant 0 : i32
      %dma_wait3A_321 = tpu.memref_slice %arg11[%add3A_237, %dma_wait3A] : memref<100096x16xf32, #tpu.memory_space<vmem_shared>> -> memref<368x16xf32, #tpu.memory_space<vmem_shared>>
      %dma_wait3A_322 = arith.constant 0 : i32
      %dma_wait3A_323 = tpu.memref_slice %arg11[%add3A_237, %dma_wait3A_322] : memref<100096x16xf32, #tpu.memory_space<vmem_shared>> -> memref<368x16xf32, #tpu.memory_space<vmem_shared>>
      tpu.wait_dma2 semaphore(%run_scoped3A : memref<!tpu.dma_semaphore, #tpu.memory_space<semaphore_mem>>) src(%dma_wait3A_323 : memref<368x16xf32, #tpu.memory_space<vmem_shared>>) dst(%arg10 : memref<368x16xf32, #tpu.memory_space<vmem>>)
      tpu.yield
    }) : () -> ()
    %eq3A_238 = arith.constant 0 : i32
    %eq3A_239 = arith.cmpi eq, %arg0, %eq3A_238 : i32
    %convert_element_type3A_240 = arith.extui %eq3A_239 : i1 to i32
    %cond3A_241 = arith.constant 0 : i32
    %cond3A_242 = arith.cmpi ne, %convert_element_type3A_240, %cond3A_241 : i32
    scf.if %cond3A_242 {
      %mul3A_318 = arith.constant 6256 : i32
      %mul3A_319 = arith.muli %arg1, %mul3A_318 : i32
      %add3A_320 = arith.constant 4048 : i32
      %add3A_321 = arith.addi %mul3A_319, %add3A_320 : i32
      "tpu.region"() ({
        %run_scoped3A = tpu.sem_alloc : memref<!tpu.dma_semaphore, #tpu.memory_space<semaphore_mem>>
        %dma_start3A = arith.constant 0 : i32
        %dma_start3A_322 = tpu.memref_slice %arg5[%add3A_321, %dma_start3A] : memref<100096x16xf32, #tpu.memory_space<hbm>> -> memref<368x16xf32, #tpu.memory_space<hbm>>
        %dma_start3A_323 = arith.constant 0 : i32
        %dma_start3A_324 = tpu.memref_slice %arg5[%add3A_321, %dma_start3A_323] : memref<100096x16xf32, #tpu.memory_space<hbm>> -> memref<368x16xf32, #tpu.memory_space<hbm>>
        tpu.enqueue_dma source(%arg10 : memref<368x16xf32, #tpu.memory_space<vmem>>) target(%dma_start3A_324 : memref<368x16xf32, #tpu.memory_space<hbm>>) target_semaphore(%run_scoped3A : memref<!tpu.dma_semaphore, #tpu.memory_space<semaphore_mem>>)
        %dma_wait3A = arith.constant 0 : i32
        %dma_wait3A_325 = tpu.memref_slice %arg5[%add3A_321, %dma_wait3A] : memref<100096x16xf32, #tpu.memory_space<hbm>> -> memref<368x16xf32, #tpu.memory_space<hbm>>
        %dma_wait3A_326 = arith.constant 0 : i32
        %dma_wait3A_327 = tpu.memref_slice %arg5[%add3A_321, %dma_wait3A_326] : memref<100096x16xf32, #tpu.memory_space<hbm>> -> memref<368x16xf32, #tpu.memory_space<hbm>>
        tpu.wait_dma2 semaphore(%run_scoped3A : memref<!tpu.dma_semaphore, #tpu.memory_space<semaphore_mem>>) src(%arg10 : memref<368x16xf32, #tpu.memory_space<vmem>>) dst(%dma_wait3A_327 : memref<368x16xf32, #tpu.memory_space<hbm>>)
        tpu.yield
      }) : () -> ()
    } else {
    }
    %eq3A_243 = arith.constant 1 : i32
    %eq3A_244 = arith.cmpi eq, %arg0, %eq3A_243 : i32
    %convert_element_type3A_245 = arith.extui %eq3A_244 : i1 to i32
    %cond3A_246 = arith.constant 0 : i32
    %cond3A_247 = arith.cmpi ne, %convert_element_type3A_245, %cond3A_246 : i32
    scf.if %cond3A_247 {
      %mul3A_318 = arith.constant 6256 : i32
      %mul3A_319 = arith.muli %arg1, %mul3A_318 : i32
      %add3A_320 = arith.constant 4048 : i32
      %add3A_321 = arith.addi %mul3A_319, %add3A_320 : i32
      "tpu.region"() ({
        %run_scoped3A = tpu.sem_alloc : memref<!tpu.dma_semaphore, #tpu.memory_space<semaphore_mem>>
        %dma_start3A = arith.constant 0 : i32
        %dma_start3A_322 = tpu.memref_slice %arg6[%add3A_321, %dma_start3A] : memref<100096x16xf32, #tpu.memory_space<hbm>> -> memref<368x16xf32, #tpu.memory_space<hbm>>
        %dma_start3A_323 = arith.constant 0 : i32
        %dma_start3A_324 = tpu.memref_slice %arg6[%add3A_321, %dma_start3A_323] : memref<100096x16xf32, #tpu.memory_space<hbm>> -> memref<368x16xf32, #tpu.memory_space<hbm>>
        tpu.enqueue_dma source(%arg10 : memref<368x16xf32, #tpu.memory_space<vmem>>) target(%dma_start3A_324 : memref<368x16xf32, #tpu.memory_space<hbm>>) target_semaphore(%run_scoped3A : memref<!tpu.dma_semaphore, #tpu.memory_space<semaphore_mem>>)
        %dma_wait3A = arith.constant 0 : i32
        %dma_wait3A_325 = tpu.memref_slice %arg6[%add3A_321, %dma_wait3A] : memref<100096x16xf32, #tpu.memory_space<hbm>> -> memref<368x16xf32, #tpu.memory_space<hbm>>
        %dma_wait3A_326 = arith.constant 0 : i32
        %dma_wait3A_327 = tpu.memref_slice %arg6[%add3A_321, %dma_wait3A_326] : memref<100096x16xf32, #tpu.memory_space<hbm>> -> memref<368x16xf32, #tpu.memory_space<hbm>>
        tpu.wait_dma2 semaphore(%run_scoped3A : memref<!tpu.dma_semaphore, #tpu.memory_space<semaphore_mem>>) src(%arg10 : memref<368x16xf32, #tpu.memory_space<vmem>>) dst(%dma_wait3A_327 : memref<368x16xf32, #tpu.memory_space<hbm>>)
        tpu.yield
      }) : () -> ()
    } else {
    }
    %mul3A_248 = arith.constant 6256 : i32
    %mul3A_249 = arith.muli %arg1, %mul3A_248 : i32
    %add3A_250 = arith.constant 4416 : i32
    %add3A_251 = arith.addi %mul3A_249, %add3A_250 : i32
    "tpu.region"() ({
      %run_scoped3A = tpu.sem_alloc : memref<!tpu.dma_semaphore, #tpu.memory_space<semaphore_mem>>
      %dma_start3A = arith.constant 0 : i32
      %dma_start3A_318 = tpu.memref_slice %arg11[%add3A_251, %dma_start3A] : memref<100096x16xf32, #tpu.memory_space<vmem_shared>> -> memref<368x16xf32, #tpu.memory_space<vmem_shared>>
      %dma_start3A_319 = arith.constant 0 : i32
      %dma_start3A_320 = tpu.memref_slice %arg11[%add3A_251, %dma_start3A_319] : memref<100096x16xf32, #tpu.memory_space<vmem_shared>> -> memref<368x16xf32, #tpu.memory_space<vmem_shared>>
      tpu.enqueue_dma source(%dma_start3A_320 : memref<368x16xf32, #tpu.memory_space<vmem_shared>>) target(%arg10 : memref<368x16xf32, #tpu.memory_space<vmem>>) target_semaphore(%run_scoped3A : memref<!tpu.dma_semaphore, #tpu.memory_space<semaphore_mem>>)
      %dma_wait3A = arith.constant 0 : i32
      %dma_wait3A_321 = tpu.memref_slice %arg11[%add3A_251, %dma_wait3A] : memref<100096x16xf32, #tpu.memory_space<vmem_shared>> -> memref<368x16xf32, #tpu.memory_space<vmem_shared>>
      %dma_wait3A_322 = arith.constant 0 : i32
      %dma_wait3A_323 = tpu.memref_slice %arg11[%add3A_251, %dma_wait3A_322] : memref<100096x16xf32, #tpu.memory_space<vmem_shared>> -> memref<368x16xf32, #tpu.memory_space<vmem_shared>>
      tpu.wait_dma2 semaphore(%run_scoped3A : memref<!tpu.dma_semaphore, #tpu.memory_space<semaphore_mem>>) src(%dma_wait3A_323 : memref<368x16xf32, #tpu.memory_space<vmem_shared>>) dst(%arg10 : memref<368x16xf32, #tpu.memory_space<vmem>>)
      tpu.yield
    }) : () -> ()
    %eq3A_252 = arith.constant 0 : i32
    %eq3A_253 = arith.cmpi eq, %arg0, %eq3A_252 : i32
    %convert_element_type3A_254 = arith.extui %eq3A_253 : i1 to i32
    %cond3A_255 = arith.constant 0 : i32
    %cond3A_256 = arith.cmpi ne, %convert_element_type3A_254, %cond3A_255 : i32
    scf.if %cond3A_256 {
      %mul3A_318 = arith.constant 6256 : i32
      %mul3A_319 = arith.muli %arg1, %mul3A_318 : i32
      %add3A_320 = arith.constant 4416 : i32
      %add3A_321 = arith.addi %mul3A_319, %add3A_320 : i32
      "tpu.region"() ({
        %run_scoped3A = tpu.sem_alloc : memref<!tpu.dma_semaphore, #tpu.memory_space<semaphore_mem>>
        %dma_start3A = arith.constant 0 : i32
        %dma_start3A_322 = tpu.memref_slice %arg5[%add3A_321, %dma_start3A] : memref<100096x16xf32, #tpu.memory_space<hbm>> -> memref<368x16xf32, #tpu.memory_space<hbm>>
        %dma_start3A_323 = arith.constant 0 : i32
        %dma_start3A_324 = tpu.memref_slice %arg5[%add3A_321, %dma_start3A_323] : memref<100096x16xf32, #tpu.memory_space<hbm>> -> memref<368x16xf32, #tpu.memory_space<hbm>>
        tpu.enqueue_dma source(%arg10 : memref<368x16xf32, #tpu.memory_space<vmem>>) target(%dma_start3A_324 : memref<368x16xf32, #tpu.memory_space<hbm>>) target_semaphore(%run_scoped3A : memref<!tpu.dma_semaphore, #tpu.memory_space<semaphore_mem>>)
        %dma_wait3A = arith.constant 0 : i32
        %dma_wait3A_325 = tpu.memref_slice %arg5[%add3A_321, %dma_wait3A] : memref<100096x16xf32, #tpu.memory_space<hbm>> -> memref<368x16xf32, #tpu.memory_space<hbm>>
        %dma_wait3A_326 = arith.constant 0 : i32
        %dma_wait3A_327 = tpu.memref_slice %arg5[%add3A_321, %dma_wait3A_326] : memref<100096x16xf32, #tpu.memory_space<hbm>> -> memref<368x16xf32, #tpu.memory_space<hbm>>
        tpu.wait_dma2 semaphore(%run_scoped3A : memref<!tpu.dma_semaphore, #tpu.memory_space<semaphore_mem>>) src(%arg10 : memref<368x16xf32, #tpu.memory_space<vmem>>) dst(%dma_wait3A_327 : memref<368x16xf32, #tpu.memory_space<hbm>>)
        tpu.yield
      }) : () -> ()
    } else {
    }
    %eq3A_257 = arith.constant 1 : i32
    %eq3A_258 = arith.cmpi eq, %arg0, %eq3A_257 : i32
    %convert_element_type3A_259 = arith.extui %eq3A_258 : i1 to i32
    %cond3A_260 = arith.constant 0 : i32
    %cond3A_261 = arith.cmpi ne, %convert_element_type3A_259, %cond3A_260 : i32
    scf.if %cond3A_261 {
      %mul3A_318 = arith.constant 6256 : i32
      %mul3A_319 = arith.muli %arg1, %mul3A_318 : i32
      %add3A_320 = arith.constant 4416 : i32
      %add3A_321 = arith.addi %mul3A_319, %add3A_320 : i32
      "tpu.region"() ({
        %run_scoped3A = tpu.sem_alloc : memref<!tpu.dma_semaphore, #tpu.memory_space<semaphore_mem>>
        %dma_start3A = arith.constant 0 : i32
        %dma_start3A_322 = tpu.memref_slice %arg6[%add3A_321, %dma_start3A] : memref<100096x16xf32, #tpu.memory_space<hbm>> -> memref<368x16xf32, #tpu.memory_space<hbm>>
        %dma_start3A_323 = arith.constant 0 : i32
        %dma_start3A_324 = tpu.memref_slice %arg6[%add3A_321, %dma_start3A_323] : memref<100096x16xf32, #tpu.memory_space<hbm>> -> memref<368x16xf32, #tpu.memory_space<hbm>>
        tpu.enqueue_dma source(%arg10 : memref<368x16xf32, #tpu.memory_space<vmem>>) target(%dma_start3A_324 : memref<368x16xf32, #tpu.memory_space<hbm>>) target_semaphore(%run_scoped3A : memref<!tpu.dma_semaphore, #tpu.memory_space<semaphore_mem>>)
        %dma_wait3A = arith.constant 0 : i32
        %dma_wait3A_325 = tpu.memref_slice %arg6[%add3A_321, %dma_wait3A] : memref<100096x16xf32, #tpu.memory_space<hbm>> -> memref<368x16xf32, #tpu.memory_space<hbm>>
        %dma_wait3A_326 = arith.constant 0 : i32
        %dma_wait3A_327 = tpu.memref_slice %arg6[%add3A_321, %dma_wait3A_326] : memref<100096x16xf32, #tpu.memory_space<hbm>> -> memref<368x16xf32, #tpu.memory_space<hbm>>
        tpu.wait_dma2 semaphore(%run_scoped3A : memref<!tpu.dma_semaphore, #tpu.memory_space<semaphore_mem>>) src(%arg10 : memref<368x16xf32, #tpu.memory_space<vmem>>) dst(%dma_wait3A_327 : memref<368x16xf32, #tpu.memory_space<hbm>>)
        tpu.yield
      }) : () -> ()
    } else {
    }
    %mul3A_262 = arith.constant 6256 : i32
    %mul3A_263 = arith.muli %arg1, %mul3A_262 : i32
    %add3A_264 = arith.constant 4784 : i32
    %add3A_265 = arith.addi %mul3A_263, %add3A_264 : i32
    "tpu.region"() ({
      %run_scoped3A = tpu.sem_alloc : memref<!tpu.dma_semaphore, #tpu.memory_space<semaphore_mem>>
      %dma_start3A = arith.constant 0 : i32
      %dma_start3A_318 = tpu.memref_slice %arg11[%add3A_265, %dma_start3A] : memref<100096x16xf32, #tpu.memory_space<vmem_shared>> -> memref<368x16xf32, #tpu.memory_space<vmem_shared>>
      %dma_start3A_319 = arith.constant 0 : i32
      %dma_start3A_320 = tpu.memref_slice %arg11[%add3A_265, %dma_start3A_319] : memref<100096x16xf32, #tpu.memory_space<vmem_shared>> -> memref<368x16xf32, #tpu.memory_space<vmem_shared>>
      tpu.enqueue_dma source(%dma_start3A_320 : memref<368x16xf32, #tpu.memory_space<vmem_shared>>) target(%arg10 : memref<368x16xf32, #tpu.memory_space<vmem>>) target_semaphore(%run_scoped3A : memref<!tpu.dma_semaphore, #tpu.memory_space<semaphore_mem>>)
      %dma_wait3A = arith.constant 0 : i32
      %dma_wait3A_321 = tpu.memref_slice %arg11[%add3A_265, %dma_wait3A] : memref<100096x16xf32, #tpu.memory_space<vmem_shared>> -> memref<368x16xf32, #tpu.memory_space<vmem_shared>>
      %dma_wait3A_322 = arith.constant 0 : i32
      %dma_wait3A_323 = tpu.memref_slice %arg11[%add3A_265, %dma_wait3A_322] : memref<100096x16xf32, #tpu.memory_space<vmem_shared>> -> memref<368x16xf32, #tpu.memory_space<vmem_shared>>
      tpu.wait_dma2 semaphore(%run_scoped3A : memref<!tpu.dma_semaphore, #tpu.memory_space<semaphore_mem>>) src(%dma_wait3A_323 : memref<368x16xf32, #tpu.memory_space<vmem_shared>>) dst(%arg10 : memref<368x16xf32, #tpu.memory_space<vmem>>)
      tpu.yield
    }) : () -> ()
    %eq3A_266 = arith.constant 0 : i32
    %eq3A_267 = arith.cmpi eq, %arg0, %eq3A_266 : i32
    %convert_element_type3A_268 = arith.extui %eq3A_267 : i1 to i32
    %cond3A_269 = arith.constant 0 : i32
    %cond3A_270 = arith.cmpi ne, %convert_element_type3A_268, %cond3A_269 : i32
    scf.if %cond3A_270 {
      %mul3A_318 = arith.constant 6256 : i32
      %mul3A_319 = arith.muli %arg1, %mul3A_318 : i32
      %add3A_320 = arith.constant 4784 : i32
      %add3A_321 = arith.addi %mul3A_319, %add3A_320 : i32
      "tpu.region"() ({
        %run_scoped3A = tpu.sem_alloc : memref<!tpu.dma_semaphore, #tpu.memory_space<semaphore_mem>>
        %dma_start3A = arith.constant 0 : i32
        %dma_start3A_322 = tpu.memref_slice %arg5[%add3A_321, %dma_start3A] : memref<100096x16xf32, #tpu.memory_space<hbm>> -> memref<368x16xf32, #tpu.memory_space<hbm>>
        %dma_start3A_323 = arith.constant 0 : i32
        %dma_start3A_324 = tpu.memref_slice %arg5[%add3A_321, %dma_start3A_323] : memref<100096x16xf32, #tpu.memory_space<hbm>> -> memref<368x16xf32, #tpu.memory_space<hbm>>
        tpu.enqueue_dma source(%arg10 : memref<368x16xf32, #tpu.memory_space<vmem>>) target(%dma_start3A_324 : memref<368x16xf32, #tpu.memory_space<hbm>>) target_semaphore(%run_scoped3A : memref<!tpu.dma_semaphore, #tpu.memory_space<semaphore_mem>>)
        %dma_wait3A = arith.constant 0 : i32
        %dma_wait3A_325 = tpu.memref_slice %arg5[%add3A_321, %dma_wait3A] : memref<100096x16xf32, #tpu.memory_space<hbm>> -> memref<368x16xf32, #tpu.memory_space<hbm>>
        %dma_wait3A_326 = arith.constant 0 : i32
        %dma_wait3A_327 = tpu.memref_slice %arg5[%add3A_321, %dma_wait3A_326] : memref<100096x16xf32, #tpu.memory_space<hbm>> -> memref<368x16xf32, #tpu.memory_space<hbm>>
        tpu.wait_dma2 semaphore(%run_scoped3A : memref<!tpu.dma_semaphore, #tpu.memory_space<semaphore_mem>>) src(%arg10 : memref<368x16xf32, #tpu.memory_space<vmem>>) dst(%dma_wait3A_327 : memref<368x16xf32, #tpu.memory_space<hbm>>)
        tpu.yield
      }) : () -> ()
    } else {
    }
    %eq3A_271 = arith.constant 1 : i32
    %eq3A_272 = arith.cmpi eq, %arg0, %eq3A_271 : i32
    %convert_element_type3A_273 = arith.extui %eq3A_272 : i1 to i32
    %cond3A_274 = arith.constant 0 : i32
    %cond3A_275 = arith.cmpi ne, %convert_element_type3A_273, %cond3A_274 : i32
    scf.if %cond3A_275 {
      %mul3A_318 = arith.constant 6256 : i32
      %mul3A_319 = arith.muli %arg1, %mul3A_318 : i32
      %add3A_320 = arith.constant 4784 : i32
      %add3A_321 = arith.addi %mul3A_319, %add3A_320 : i32
      "tpu.region"() ({
        %run_scoped3A = tpu.sem_alloc : memref<!tpu.dma_semaphore, #tpu.memory_space<semaphore_mem>>
        %dma_start3A = arith.constant 0 : i32
        %dma_start3A_322 = tpu.memref_slice %arg6[%add3A_321, %dma_start3A] : memref<100096x16xf32, #tpu.memory_space<hbm>> -> memref<368x16xf32, #tpu.memory_space<hbm>>
        %dma_start3A_323 = arith.constant 0 : i32
        %dma_start3A_324 = tpu.memref_slice %arg6[%add3A_321, %dma_start3A_323] : memref<100096x16xf32, #tpu.memory_space<hbm>> -> memref<368x16xf32, #tpu.memory_space<hbm>>
        tpu.enqueue_dma source(%arg10 : memref<368x16xf32, #tpu.memory_space<vmem>>) target(%dma_start3A_324 : memref<368x16xf32, #tpu.memory_space<hbm>>) target_semaphore(%run_scoped3A : memref<!tpu.dma_semaphore, #tpu.memory_space<semaphore_mem>>)
        %dma_wait3A = arith.constant 0 : i32
        %dma_wait3A_325 = tpu.memref_slice %arg6[%add3A_321, %dma_wait3A] : memref<100096x16xf32, #tpu.memory_space<hbm>> -> memref<368x16xf32, #tpu.memory_space<hbm>>
        %dma_wait3A_326 = arith.constant 0 : i32
        %dma_wait3A_327 = tpu.memref_slice %arg6[%add3A_321, %dma_wait3A_326] : memref<100096x16xf32, #tpu.memory_space<hbm>> -> memref<368x16xf32, #tpu.memory_space<hbm>>
        tpu.wait_dma2 semaphore(%run_scoped3A : memref<!tpu.dma_semaphore, #tpu.memory_space<semaphore_mem>>) src(%arg10 : memref<368x16xf32, #tpu.memory_space<vmem>>) dst(%dma_wait3A_327 : memref<368x16xf32, #tpu.memory_space<hbm>>)
        tpu.yield
      }) : () -> ()
    } else {
    }
    %mul3A_276 = arith.constant 6256 : i32
    %mul3A_277 = arith.muli %arg1, %mul3A_276 : i32
    %add3A_278 = arith.constant 5152 : i32
    %add3A_279 = arith.addi %mul3A_277, %add3A_278 : i32
    "tpu.region"() ({
      %run_scoped3A = tpu.sem_alloc : memref<!tpu.dma_semaphore, #tpu.memory_space<semaphore_mem>>
      %dma_start3A = arith.constant 0 : i32
      %dma_start3A_318 = tpu.memref_slice %arg11[%add3A_279, %dma_start3A] : memref<100096x16xf32, #tpu.memory_space<vmem_shared>> -> memref<368x16xf32, #tpu.memory_space<vmem_shared>>
      %dma_start3A_319 = arith.constant 0 : i32
      %dma_start3A_320 = tpu.memref_slice %arg11[%add3A_279, %dma_start3A_319] : memref<100096x16xf32, #tpu.memory_space<vmem_shared>> -> memref<368x16xf32, #tpu.memory_space<vmem_shared>>
      tpu.enqueue_dma source(%dma_start3A_320 : memref<368x16xf32, #tpu.memory_space<vmem_shared>>) target(%arg10 : memref<368x16xf32, #tpu.memory_space<vmem>>) target_semaphore(%run_scoped3A : memref<!tpu.dma_semaphore, #tpu.memory_space<semaphore_mem>>)
      %dma_wait3A = arith.constant 0 : i32
      %dma_wait3A_321 = tpu.memref_slice %arg11[%add3A_279, %dma_wait3A] : memref<100096x16xf32, #tpu.memory_space<vmem_shared>> -> memref<368x16xf32, #tpu.memory_space<vmem_shared>>
      %dma_wait3A_322 = arith.constant 0 : i32
      %dma_wait3A_323 = tpu.memref_slice %arg11[%add3A_279, %dma_wait3A_322] : memref<100096x16xf32, #tpu.memory_space<vmem_shared>> -> memref<368x16xf32, #tpu.memory_space<vmem_shared>>
      tpu.wait_dma2 semaphore(%run_scoped3A : memref<!tpu.dma_semaphore, #tpu.memory_space<semaphore_mem>>) src(%dma_wait3A_323 : memref<368x16xf32, #tpu.memory_space<vmem_shared>>) dst(%arg10 : memref<368x16xf32, #tpu.memory_space<vmem>>)
      tpu.yield
    }) : () -> ()
    %eq3A_280 = arith.constant 0 : i32
    %eq3A_281 = arith.cmpi eq, %arg0, %eq3A_280 : i32
    %convert_element_type3A_282 = arith.extui %eq3A_281 : i1 to i32
    %cond3A_283 = arith.constant 0 : i32
    %cond3A_284 = arith.cmpi ne, %convert_element_type3A_282, %cond3A_283 : i32
    scf.if %cond3A_284 {
      %mul3A_318 = arith.constant 6256 : i32
      %mul3A_319 = arith.muli %arg1, %mul3A_318 : i32
      %add3A_320 = arith.constant 5152 : i32
      %add3A_321 = arith.addi %mul3A_319, %add3A_320 : i32
      "tpu.region"() ({
        %run_scoped3A = tpu.sem_alloc : memref<!tpu.dma_semaphore, #tpu.memory_space<semaphore_mem>>
        %dma_start3A = arith.constant 0 : i32
        %dma_start3A_322 = tpu.memref_slice %arg5[%add3A_321, %dma_start3A] : memref<100096x16xf32, #tpu.memory_space<hbm>> -> memref<368x16xf32, #tpu.memory_space<hbm>>
        %dma_start3A_323 = arith.constant 0 : i32
        %dma_start3A_324 = tpu.memref_slice %arg5[%add3A_321, %dma_start3A_323] : memref<100096x16xf32, #tpu.memory_space<hbm>> -> memref<368x16xf32, #tpu.memory_space<hbm>>
        tpu.enqueue_dma source(%arg10 : memref<368x16xf32, #tpu.memory_space<vmem>>) target(%dma_start3A_324 : memref<368x16xf32, #tpu.memory_space<hbm>>) target_semaphore(%run_scoped3A : memref<!tpu.dma_semaphore, #tpu.memory_space<semaphore_mem>>)
        %dma_wait3A = arith.constant 0 : i32
        %dma_wait3A_325 = tpu.memref_slice %arg5[%add3A_321, %dma_wait3A] : memref<100096x16xf32, #tpu.memory_space<hbm>> -> memref<368x16xf32, #tpu.memory_space<hbm>>
        %dma_wait3A_326 = arith.constant 0 : i32
        %dma_wait3A_327 = tpu.memref_slice %arg5[%add3A_321, %dma_wait3A_326] : memref<100096x16xf32, #tpu.memory_space<hbm>> -> memref<368x16xf32, #tpu.memory_space<hbm>>
        tpu.wait_dma2 semaphore(%run_scoped3A : memref<!tpu.dma_semaphore, #tpu.memory_space<semaphore_mem>>) src(%arg10 : memref<368x16xf32, #tpu.memory_space<vmem>>) dst(%dma_wait3A_327 : memref<368x16xf32, #tpu.memory_space<hbm>>)
        tpu.yield
      }) : () -> ()
    } else {
    }
    %eq3A_285 = arith.constant 1 : i32
    %eq3A_286 = arith.cmpi eq, %arg0, %eq3A_285 : i32
    %convert_element_type3A_287 = arith.extui %eq3A_286 : i1 to i32
    %cond3A_288 = arith.constant 0 : i32
    %cond3A_289 = arith.cmpi ne, %convert_element_type3A_287, %cond3A_288 : i32
    scf.if %cond3A_289 {
      %mul3A_318 = arith.constant 6256 : i32
      %mul3A_319 = arith.muli %arg1, %mul3A_318 : i32
      %add3A_320 = arith.constant 5152 : i32
      %add3A_321 = arith.addi %mul3A_319, %add3A_320 : i32
      "tpu.region"() ({
        %run_scoped3A = tpu.sem_alloc : memref<!tpu.dma_semaphore, #tpu.memory_space<semaphore_mem>>
        %dma_start3A = arith.constant 0 : i32
        %dma_start3A_322 = tpu.memref_slice %arg6[%add3A_321, %dma_start3A] : memref<100096x16xf32, #tpu.memory_space<hbm>> -> memref<368x16xf32, #tpu.memory_space<hbm>>
        %dma_start3A_323 = arith.constant 0 : i32
        %dma_start3A_324 = tpu.memref_slice %arg6[%add3A_321, %dma_start3A_323] : memref<100096x16xf32, #tpu.memory_space<hbm>> -> memref<368x16xf32, #tpu.memory_space<hbm>>
        tpu.enqueue_dma source(%arg10 : memref<368x16xf32, #tpu.memory_space<vmem>>) target(%dma_start3A_324 : memref<368x16xf32, #tpu.memory_space<hbm>>) target_semaphore(%run_scoped3A : memref<!tpu.dma_semaphore, #tpu.memory_space<semaphore_mem>>)
        %dma_wait3A = arith.constant 0 : i32
        %dma_wait3A_325 = tpu.memref_slice %arg6[%add3A_321, %dma_wait3A] : memref<100096x16xf32, #tpu.memory_space<hbm>> -> memref<368x16xf32, #tpu.memory_space<hbm>>
        %dma_wait3A_326 = arith.constant 0 : i32
        %dma_wait3A_327 = tpu.memref_slice %arg6[%add3A_321, %dma_wait3A_326] : memref<100096x16xf32, #tpu.memory_space<hbm>> -> memref<368x16xf32, #tpu.memory_space<hbm>>
        tpu.wait_dma2 semaphore(%run_scoped3A : memref<!tpu.dma_semaphore, #tpu.memory_space<semaphore_mem>>) src(%arg10 : memref<368x16xf32, #tpu.memory_space<vmem>>) dst(%dma_wait3A_327 : memref<368x16xf32, #tpu.memory_space<hbm>>)
        tpu.yield
      }) : () -> ()
    } else {
    }
    %mul3A_290 = arith.constant 6256 : i32
    %mul3A_291 = arith.muli %arg1, %mul3A_290 : i32
    %add3A_292 = arith.constant 5520 : i32
    %add3A_293 = arith.addi %mul3A_291, %add3A_292 : i32
    "tpu.region"() ({
      %run_scoped3A = tpu.sem_alloc : memref<!tpu.dma_semaphore, #tpu.memory_space<semaphore_mem>>
      %dma_start3A = arith.constant 0 : i32
      %dma_start3A_318 = tpu.memref_slice %arg11[%add3A_293, %dma_start3A] : memref<100096x16xf32, #tpu.memory_space<vmem_shared>> -> memref<368x16xf32, #tpu.memory_space<vmem_shared>>
      %dma_start3A_319 = arith.constant 0 : i32
      %dma_start3A_320 = tpu.memref_slice %arg11[%add3A_293, %dma_start3A_319] : memref<100096x16xf32, #tpu.memory_space<vmem_shared>> -> memref<368x16xf32, #tpu.memory_space<vmem_shared>>
      tpu.enqueue_dma source(%dma_start3A_320 : memref<368x16xf32, #tpu.memory_space<vmem_shared>>) target(%arg10 : memref<368x16xf32, #tpu.memory_space<vmem>>) target_semaphore(%run_scoped3A : memref<!tpu.dma_semaphore, #tpu.memory_space<semaphore_mem>>)
      %dma_wait3A = arith.constant 0 : i32
      %dma_wait3A_321 = tpu.memref_slice %arg11[%add3A_293, %dma_wait3A] : memref<100096x16xf32, #tpu.memory_space<vmem_shared>> -> memref<368x16xf32, #tpu.memory_space<vmem_shared>>
      %dma_wait3A_322 = arith.constant 0 : i32
      %dma_wait3A_323 = tpu.memref_slice %arg11[%add3A_293, %dma_wait3A_322] : memref<100096x16xf32, #tpu.memory_space<vmem_shared>> -> memref<368x16xf32, #tpu.memory_space<vmem_shared>>
      tpu.wait_dma2 semaphore(%run_scoped3A : memref<!tpu.dma_semaphore, #tpu.memory_space<semaphore_mem>>) src(%dma_wait3A_323 : memref<368x16xf32, #tpu.memory_space<vmem_shared>>) dst(%arg10 : memref<368x16xf32, #tpu.memory_space<vmem>>)
      tpu.yield
    }) : () -> ()
    %eq3A_294 = arith.constant 0 : i32
    %eq3A_295 = arith.cmpi eq, %arg0, %eq3A_294 : i32
    %convert_element_type3A_296 = arith.extui %eq3A_295 : i1 to i32
    %cond3A_297 = arith.constant 0 : i32
    %cond3A_298 = arith.cmpi ne, %convert_element_type3A_296, %cond3A_297 : i32
    scf.if %cond3A_298 {
      %mul3A_318 = arith.constant 6256 : i32
      %mul3A_319 = arith.muli %arg1, %mul3A_318 : i32
      %add3A_320 = arith.constant 5520 : i32
      %add3A_321 = arith.addi %mul3A_319, %add3A_320 : i32
      "tpu.region"() ({
        %run_scoped3A = tpu.sem_alloc : memref<!tpu.dma_semaphore, #tpu.memory_space<semaphore_mem>>
        %dma_start3A = arith.constant 0 : i32
        %dma_start3A_322 = tpu.memref_slice %arg5[%add3A_321, %dma_start3A] : memref<100096x16xf32, #tpu.memory_space<hbm>> -> memref<368x16xf32, #tpu.memory_space<hbm>>
        %dma_start3A_323 = arith.constant 0 : i32
        %dma_start3A_324 = tpu.memref_slice %arg5[%add3A_321, %dma_start3A_323] : memref<100096x16xf32, #tpu.memory_space<hbm>> -> memref<368x16xf32, #tpu.memory_space<hbm>>
        tpu.enqueue_dma source(%arg10 : memref<368x16xf32, #tpu.memory_space<vmem>>) target(%dma_start3A_324 : memref<368x16xf32, #tpu.memory_space<hbm>>) target_semaphore(%run_scoped3A : memref<!tpu.dma_semaphore, #tpu.memory_space<semaphore_mem>>)
        %dma_wait3A = arith.constant 0 : i32
        %dma_wait3A_325 = tpu.memref_slice %arg5[%add3A_321, %dma_wait3A] : memref<100096x16xf32, #tpu.memory_space<hbm>> -> memref<368x16xf32, #tpu.memory_space<hbm>>
        %dma_wait3A_326 = arith.constant 0 : i32
        %dma_wait3A_327 = tpu.memref_slice %arg5[%add3A_321, %dma_wait3A_326] : memref<100096x16xf32, #tpu.memory_space<hbm>> -> memref<368x16xf32, #tpu.memory_space<hbm>>
        tpu.wait_dma2 semaphore(%run_scoped3A : memref<!tpu.dma_semaphore, #tpu.memory_space<semaphore_mem>>) src(%arg10 : memref<368x16xf32, #tpu.memory_space<vmem>>) dst(%dma_wait3A_327 : memref<368x16xf32, #tpu.memory_space<hbm>>)
        tpu.yield
      }) : () -> ()
    } else {
    }
    %eq3A_299 = arith.constant 1 : i32
    %eq3A_300 = arith.cmpi eq, %arg0, %eq3A_299 : i32
    %convert_element_type3A_301 = arith.extui %eq3A_300 : i1 to i32
    %cond3A_302 = arith.constant 0 : i32
    %cond3A_303 = arith.cmpi ne, %convert_element_type3A_301, %cond3A_302 : i32
    scf.if %cond3A_303 {
      %mul3A_318 = arith.constant 6256 : i32
      %mul3A_319 = arith.muli %arg1, %mul3A_318 : i32
      %add3A_320 = arith.constant 5520 : i32
      %add3A_321 = arith.addi %mul3A_319, %add3A_320 : i32
      "tpu.region"() ({
        %run_scoped3A = tpu.sem_alloc : memref<!tpu.dma_semaphore, #tpu.memory_space<semaphore_mem>>
        %dma_start3A = arith.constant 0 : i32
        %dma_start3A_322 = tpu.memref_slice %arg6[%add3A_321, %dma_start3A] : memref<100096x16xf32, #tpu.memory_space<hbm>> -> memref<368x16xf32, #tpu.memory_space<hbm>>
        %dma_start3A_323 = arith.constant 0 : i32
        %dma_start3A_324 = tpu.memref_slice %arg6[%add3A_321, %dma_start3A_323] : memref<100096x16xf32, #tpu.memory_space<hbm>> -> memref<368x16xf32, #tpu.memory_space<hbm>>
        tpu.enqueue_dma source(%arg10 : memref<368x16xf32, #tpu.memory_space<vmem>>) target(%dma_start3A_324 : memref<368x16xf32, #tpu.memory_space<hbm>>) target_semaphore(%run_scoped3A : memref<!tpu.dma_semaphore, #tpu.memory_space<semaphore_mem>>)
        %dma_wait3A = arith.constant 0 : i32
        %dma_wait3A_325 = tpu.memref_slice %arg6[%add3A_321, %dma_wait3A] : memref<100096x16xf32, #tpu.memory_space<hbm>> -> memref<368x16xf32, #tpu.memory_space<hbm>>
        %dma_wait3A_326 = arith.constant 0 : i32
        %dma_wait3A_327 = tpu.memref_slice %arg6[%add3A_321, %dma_wait3A_326] : memref<100096x16xf32, #tpu.memory_space<hbm>> -> memref<368x16xf32, #tpu.memory_space<hbm>>
        tpu.wait_dma2 semaphore(%run_scoped3A : memref<!tpu.dma_semaphore, #tpu.memory_space<semaphore_mem>>) src(%arg10 : memref<368x16xf32, #tpu.memory_space<vmem>>) dst(%dma_wait3A_327 : memref<368x16xf32, #tpu.memory_space<hbm>>)
        tpu.yield
      }) : () -> ()
    } else {
    }
    %mul3A_304 = arith.constant 6256 : i32
    %mul3A_305 = arith.muli %arg1, %mul3A_304 : i32
    %add3A_306 = arith.constant 5888 : i32
    %add3A_307 = arith.addi %mul3A_305, %add3A_306 : i32
    "tpu.region"() ({
      %run_scoped3A = tpu.sem_alloc : memref<!tpu.dma_semaphore, #tpu.memory_space<semaphore_mem>>
      %dma_start3A = arith.constant 0 : i32
      %dma_start3A_318 = tpu.memref_slice %arg11[%add3A_307, %dma_start3A] : memref<100096x16xf32, #tpu.memory_space<vmem_shared>> -> memref<368x16xf32, #tpu.memory_space<vmem_shared>>
      %dma_start3A_319 = arith.constant 0 : i32
      %dma_start3A_320 = tpu.memref_slice %arg11[%add3A_307, %dma_start3A_319] : memref<100096x16xf32, #tpu.memory_space<vmem_shared>> -> memref<368x16xf32, #tpu.memory_space<vmem_shared>>
      tpu.enqueue_dma source(%dma_start3A_320 : memref<368x16xf32, #tpu.memory_space<vmem_shared>>) target(%arg10 : memref<368x16xf32, #tpu.memory_space<vmem>>) target_semaphore(%run_scoped3A : memref<!tpu.dma_semaphore, #tpu.memory_space<semaphore_mem>>)
      %dma_wait3A = arith.constant 0 : i32
      %dma_wait3A_321 = tpu.memref_slice %arg11[%add3A_307, %dma_wait3A] : memref<100096x16xf32, #tpu.memory_space<vmem_shared>> -> memref<368x16xf32, #tpu.memory_space<vmem_shared>>
      %dma_wait3A_322 = arith.constant 0 : i32
      %dma_wait3A_323 = tpu.memref_slice %arg11[%add3A_307, %dma_wait3A_322] : memref<100096x16xf32, #tpu.memory_space<vmem_shared>> -> memref<368x16xf32, #tpu.memory_space<vmem_shared>>
      tpu.wait_dma2 semaphore(%run_scoped3A : memref<!tpu.dma_semaphore, #tpu.memory_space<semaphore_mem>>) src(%dma_wait3A_323 : memref<368x16xf32, #tpu.memory_space<vmem_shared>>) dst(%arg10 : memref<368x16xf32, #tpu.memory_space<vmem>>)
      tpu.yield
    }) : () -> ()
    %eq3A_308 = arith.constant 0 : i32
    %eq3A_309 = arith.cmpi eq, %arg0, %eq3A_308 : i32
    %convert_element_type3A_310 = arith.extui %eq3A_309 : i1 to i32
    %cond3A_311 = arith.constant 0 : i32
    %cond3A_312 = arith.cmpi ne, %convert_element_type3A_310, %cond3A_311 : i32
    scf.if %cond3A_312 {
      %mul3A_318 = arith.constant 6256 : i32
      %mul3A_319 = arith.muli %arg1, %mul3A_318 : i32
      %add3A_320 = arith.constant 5888 : i32
      %add3A_321 = arith.addi %mul3A_319, %add3A_320 : i32
      "tpu.region"() ({
        %run_scoped3A = tpu.sem_alloc : memref<!tpu.dma_semaphore, #tpu.memory_space<semaphore_mem>>
        %dma_start3A = arith.constant 0 : i32
        %dma_start3A_322 = tpu.memref_slice %arg5[%add3A_321, %dma_start3A] : memref<100096x16xf32, #tpu.memory_space<hbm>> -> memref<368x16xf32, #tpu.memory_space<hbm>>
        %dma_start3A_323 = arith.constant 0 : i32
        %dma_start3A_324 = tpu.memref_slice %arg5[%add3A_321, %dma_start3A_323] : memref<100096x16xf32, #tpu.memory_space<hbm>> -> memref<368x16xf32, #tpu.memory_space<hbm>>
        tpu.enqueue_dma source(%arg10 : memref<368x16xf32, #tpu.memory_space<vmem>>) target(%dma_start3A_324 : memref<368x16xf32, #tpu.memory_space<hbm>>) target_semaphore(%run_scoped3A : memref<!tpu.dma_semaphore, #tpu.memory_space<semaphore_mem>>)
        %dma_wait3A = arith.constant 0 : i32
        %dma_wait3A_325 = tpu.memref_slice %arg5[%add3A_321, %dma_wait3A] : memref<100096x16xf32, #tpu.memory_space<hbm>> -> memref<368x16xf32, #tpu.memory_space<hbm>>
        %dma_wait3A_326 = arith.constant 0 : i32
        %dma_wait3A_327 = tpu.memref_slice %arg5[%add3A_321, %dma_wait3A_326] : memref<100096x16xf32, #tpu.memory_space<hbm>> -> memref<368x16xf32, #tpu.memory_space<hbm>>
        tpu.wait_dma2 semaphore(%run_scoped3A : memref<!tpu.dma_semaphore, #tpu.memory_space<semaphore_mem>>) src(%arg10 : memref<368x16xf32, #tpu.memory_space<vmem>>) dst(%dma_wait3A_327 : memref<368x16xf32, #tpu.memory_space<hbm>>)
        tpu.yield
      }) : () -> ()
    } else {
    }
    %eq3A_313 = arith.constant 1 : i32
    %eq3A_314 = arith.cmpi eq, %arg0, %eq3A_313 : i32
    %convert_element_type3A_315 = arith.extui %eq3A_314 : i1 to i32
    %cond3A_316 = arith.constant 0 : i32
    %cond3A_317 = arith.cmpi ne, %convert_element_type3A_315, %cond3A_316 : i32
    scf.if %cond3A_317 {
      %mul3A_318 = arith.constant 6256 : i32
      %mul3A_319 = arith.muli %arg1, %mul3A_318 : i32
      %add3A_320 = arith.constant 5888 : i32
      %add3A_321 = arith.addi %mul3A_319, %add3A_320 : i32
      "tpu.region"() ({
        %run_scoped3A = tpu.sem_alloc : memref<!tpu.dma_semaphore, #tpu.memory_space<semaphore_mem>>
        %dma_start3A = arith.constant 0 : i32
        %dma_start3A_322 = tpu.memref_slice %arg6[%add3A_321, %dma_start3A] : memref<100096x16xf32, #tpu.memory_space<hbm>> -> memref<368x16xf32, #tpu.memory_space<hbm>>
        %dma_start3A_323 = arith.constant 0 : i32
        %dma_start3A_324 = tpu.memref_slice %arg6[%add3A_321, %dma_start3A_323] : memref<100096x16xf32, #tpu.memory_space<hbm>> -> memref<368x16xf32, #tpu.memory_space<hbm>>
        tpu.enqueue_dma source(%arg10 : memref<368x16xf32, #tpu.memory_space<vmem>>) target(%dma_start3A_324 : memref<368x16xf32, #tpu.memory_space<hbm>>) target_semaphore(%run_scoped3A : memref<!tpu.dma_semaphore, #tpu.memory_space<semaphore_mem>>)
        %dma_wait3A = arith.constant 0 : i32
        %dma_wait3A_325 = tpu.memref_slice %arg6[%add3A_321, %dma_wait3A] : memref<100096x16xf32, #tpu.memory_space<hbm>> -> memref<368x16xf32, #tpu.memory_space<hbm>>
        %dma_wait3A_326 = arith.constant 0 : i32
        %dma_wait3A_327 = tpu.memref_slice %arg6[%add3A_321, %dma_wait3A_326] : memref<100096x16xf32, #tpu.memory_space<hbm>> -> memref<368x16xf32, #tpu.memory_space<hbm>>
        tpu.wait_dma2 semaphore(%run_scoped3A : memref<!tpu.dma_semaphore, #tpu.memory_space<semaphore_mem>>) src(%arg10 : memref<368x16xf32, #tpu.memory_space<vmem>>) dst(%dma_wait3A_327 : memref<368x16xf32, #tpu.memory_space<hbm>>)
        tpu.yield
      }) : () -> ()
    } else {
    }
    return
  }
}

#map = affine_map<(d0, d1) -> (0)>
module attributes {stable_mosaic.version = 14 : i64} {
  func.func @deg(%arg0: i32, %arg1: i32, %arg2: memref<3200000xi32, #tpu.memory_space<hbm>>, %arg3: memref<100096xf32, #tpu.memory_space<hbm>>, %arg4: memref<100096xf32, #tpu.memory_space<hbm>>, %arg5: memref<4000xi32, #tpu.memory_space<vmem>>, %arg6: memref<4000xf32, #tpu.memory_space<vmem>>, %arg7: memref<6256xf32, #tpu.memory_space<vmem>>, %arg8: memref<100096xf32, #tpu.memory_space<vmem_shared>>) attributes {dimension_semantics = [#tpu.dimension_semantics<core_parallel>, #tpu.dimension_semantics<subcore_parallel>], iteration_bounds = array<i64: 2, 16>, scalar_prefetch = 0 : i64, scratch_operands = 4 : i64, tpu.core_type = #tpu.core_type<sc_vector_subcore>, window_params = [{transform_indices = #map}, {transform_indices = #map}, {transform_indices = #map}]} {
    %scan3A = arith.constant 0 : i32
    %scan3A_0 = arith.constant 0 : i32
    %scan3A_1 = arith.constant 250 : i32
    %scan3A_2 = arith.addi %scan3A_0, %scan3A_1 : i32
    %scan3A_3 = arith.constant 1 : i32
    scf.for %scan3A_32 = %scan3A_0 to %scan3A_2 step %scan3A_3  : i32 {
      %broadcast_in_dim3A = arith.constant 1.000000e+00 : f32
      %broadcast_in_dim3A_33 = vector.broadcast %broadcast_in_dim3A : f32 to vector<16xf32>
      %mul3A_34 = arith.constant 16 : i32
      %mul3A_35 = arith.muli %scan3A_32, %mul3A_34 : i32
      %swap3A = arith.index_cast %mul3A_35 : i32 to index
      %swap3A_36 = tpu.vector_load %arg6[%swap3A] {strides = array<i32>} : memref<4000xf32, #tpu.memory_space<vmem>>, vector<16xf32>,
      %swap3A_37 = vector.shape_cast %swap3A_36 : vector<16xf32> to vector<16xf32>
      %swap3A_38 = vector.shape_cast %broadcast_in_dim3A_33 : vector<16xf32> to vector<16xf32>
      tpu.vector_store %arg6[%swap3A], %swap3A_38 {strides = array<i32>} : memref<4000xf32, #tpu.memory_space<vmem>>, vector<16xf32>,
    }
    %scan3A_4 = arith.constant 250 : i32
    %scan3A_5 = arith.constant 0 : i32
    %scan3A_6 = arith.constant 0 : i32
    %scan3A_7 = arith.constant 391 : i32
    %scan3A_8 = arith.addi %scan3A_6, %scan3A_7 : i32
    %scan3A_9 = arith.constant 1 : i32
    scf.for %scan3A_32 = %scan3A_6 to %scan3A_8 step %scan3A_9  : i32 {
      %broadcast_in_dim3A = arith.constant 0.000000e+00 : f32
      %broadcast_in_dim3A_33 = vector.broadcast %broadcast_in_dim3A : f32 to vector<16xf32>
      %mul3A_34 = arith.constant 16 : i32
      %mul3A_35 = arith.muli %scan3A_32, %mul3A_34 : i32
      %swap3A = arith.index_cast %mul3A_35 : i32 to index
      %swap3A_36 = tpu.vector_load %arg7[%swap3A] {strides = array<i32>} : memref<6256xf32, #tpu.memory_space<vmem>>, vector<16xf32>,
      %swap3A_37 = vector.shape_cast %swap3A_36 : vector<16xf32> to vector<16xf32>
      %swap3A_38 = vector.shape_cast %broadcast_in_dim3A_33 : vector<16xf32> to vector<16xf32>
      tpu.vector_store %arg7[%swap3A], %swap3A_38 {strides = array<i32>} : memref<6256xf32, #tpu.memory_space<vmem>>, vector<16xf32>,
    }
    %scan3A_10 = arith.constant 391 : i32
    %mul3A = arith.constant 6256 : i32
    %mul3A_11 = arith.muli %arg1, %mul3A : i32
    "tpu.region"() ({
      %run_scoped3A = tpu.sem_alloc : memref<!tpu.dma_semaphore, #tpu.memory_space<semaphore_mem>>
      %dma_start3A = tpu.memref_slice %arg8[%mul3A_11] : memref<100096xf32, #tpu.memory_space<vmem_shared>> -> memref<6256xf32, #tpu.memory_space<vmem_shared>>
      %dma_start3A_32 = tpu.memref_slice %arg8[%mul3A_11] : memref<100096xf32, #tpu.memory_space<vmem_shared>> -> memref<6256xf32, #tpu.memory_space<vmem_shared>>
      tpu.enqueue_dma source(%arg7 : memref<6256xf32, #tpu.memory_space<vmem>>) target(%dma_start3A_32 : memref<6256xf32, #tpu.memory_space<vmem_shared>>) target_semaphore(%run_scoped3A : memref<!tpu.dma_semaphore, #tpu.memory_space<semaphore_mem>>)
      %dma_wait3A = tpu.memref_slice %arg8[%mul3A_11] : memref<100096xf32, #tpu.memory_space<vmem_shared>> -> memref<6256xf32, #tpu.memory_space<vmem_shared>>
      %dma_wait3A_33 = tpu.memref_slice %arg8[%mul3A_11] : memref<100096xf32, #tpu.memory_space<vmem_shared>> -> memref<6256xf32, #tpu.memory_space<vmem_shared>>
      tpu.wait_dma2 semaphore(%run_scoped3A : memref<!tpu.dma_semaphore, #tpu.memory_space<semaphore_mem>>) src(%arg7 : memref<6256xf32, #tpu.memory_space<vmem>>) dst(%dma_wait3A_33 : memref<6256xf32, #tpu.memory_space<vmem_shared>>)
      tpu.yield
    }) : () -> ()
    %barrier3A = arith.constant 0 : index
    tpu.barrier barrier_id(%barrier3A)
    %mul3A_12 = arith.constant 1600000 : i32
    %mul3A_13 = arith.muli %arg0, %mul3A_12 : i32
    %mul3A_14 = arith.constant 100000 : i32
    %mul3A_15 = arith.muli %arg1, %mul3A_14 : i32
    %add3A = arith.addi %mul3A_13, %mul3A_15 : i32
    %scan3A_16 = arith.constant 0 : i32
    %scan3A_17 = arith.constant 0 : i32
    %scan3A_18 = arith.constant 25 : i32
    %scan3A_19 = arith.addi %scan3A_17, %scan3A_18 : i32
    %scan3A_20 = arith.constant 1 : i32
    scf.for %scan3A_32 = %scan3A_17 to %scan3A_19 step %scan3A_20  : i32 {
      %mul3A_33 = arith.constant 4000 : i32
      %mul3A_34 = arith.muli %scan3A_32, %mul3A_33 : i32
      %add3A_35 = arith.addi %add3A, %mul3A_34 : i32
      "tpu.region"() ({
        %run_scoped3A = tpu.sem_alloc : memref<!tpu.dma_semaphore, #tpu.memory_space<semaphore_mem>>
        %dma_start3A = tpu.memref_slice %arg2[%add3A_35] : memref<3200000xi32, #tpu.memory_space<hbm>> -> memref<4000xi32, #tpu.memory_space<hbm>>
        %dma_start3A_36 = tpu.memref_slice %arg2[%add3A_35] : memref<3200000xi32, #tpu.memory_space<hbm>> -> memref<4000xi32, #tpu.memory_space<hbm>>
        tpu.enqueue_dma source(%dma_start3A_36 : memref<4000xi32, #tpu.memory_space<hbm>>) target(%arg5 : memref<4000xi32, #tpu.memory_space<vmem>>) target_semaphore(%run_scoped3A : memref<!tpu.dma_semaphore, #tpu.memory_space<semaphore_mem>>)
        %dma_wait3A = tpu.memref_slice %arg2[%add3A_35] : memref<3200000xi32, #tpu.memory_space<hbm>> -> memref<4000xi32, #tpu.memory_space<hbm>>
        %dma_wait3A_37 = tpu.memref_slice %arg2[%add3A_35] : memref<3200000xi32, #tpu.memory_space<hbm>> -> memref<4000xi32, #tpu.memory_space<hbm>>
        tpu.wait_dma2 semaphore(%run_scoped3A : memref<!tpu.dma_semaphore, #tpu.memory_space<semaphore_mem>>) src(%dma_wait3A_37 : memref<4000xi32, #tpu.memory_space<hbm>>) dst(%arg5 : memref<4000xi32, #tpu.memory_space<vmem>>)
        tpu.yield
      }) : () -> ()
      "tpu.region"() ({
        %run_scoped3A = tpu.sem_alloc : memref<!tpu.dma_semaphore, #tpu.memory_space<semaphore_mem>>
        %dma_start3A = arith.constant 0 : i32
        %dma_start3A_36 = tpu.memref_slice %arg8[%dma_start3A] : memref<100096xf32, #tpu.memory_space<vmem_shared>> -> memref<100096xf32, #tpu.memory_space<vmem_shared>>
        tpu.enqueue_indirect_dma source(%arg6 : memref<4000xf32, #tpu.memory_space<vmem>>) target(%dma_start3A_36 : memref<100096xf32, #tpu.memory_space<vmem_shared>>) offsets(%arg5 : memref<4000xi32, #tpu.memory_space<vmem>>) semaphore(%run_scoped3A : memref<!tpu.dma_semaphore, #tpu.memory_space<semaphore_mem>>) {add = true}
        %dma_wait3A = arith.constant 0 : i32
        %dma_wait3A_37 = tpu.memref_slice %arg8[%dma_wait3A] : memref<100096xf32, #tpu.memory_space<vmem_shared>> -> memref<100096xf32, #tpu.memory_space<vmem_shared>>
        tpu.wait_indirect_dma semaphore(%run_scoped3A : memref<!tpu.dma_semaphore, #tpu.memory_space<semaphore_mem>>) src(%arg6 : memref<4000xf32, #tpu.memory_space<vmem>>) dst(%dma_wait3A_37 : memref<100096xf32, #tpu.memory_space<vmem_shared>>)
        tpu.yield
      }) : () -> ()
    }
    %scan3A_21 = arith.constant 25 : i32
    %barrier3A_22 = arith.constant 0 : index
    tpu.barrier barrier_id(%barrier3A_22)
    %mul3A_23 = arith.constant 6256 : i32
    %mul3A_24 = arith.muli %arg1, %mul3A_23 : i32
    "tpu.region"() ({
      %run_scoped3A = tpu.sem_alloc : memref<!tpu.dma_semaphore, #tpu.memory_space<semaphore_mem>>
      %dma_start3A = tpu.memref_slice %arg8[%mul3A_24] : memref<100096xf32, #tpu.memory_space<vmem_shared>> -> memref<6256xf32, #tpu.memory_space<vmem_shared>>
      %dma_start3A_32 = tpu.memref_slice %arg8[%mul3A_24] : memref<100096xf32, #tpu.memory_space<vmem_shared>> -> memref<6256xf32, #tpu.memory_space<vmem_shared>>
      tpu.enqueue_dma source(%dma_start3A_32 : memref<6256xf32, #tpu.memory_space<vmem_shared>>) target(%arg7 : memref<6256xf32, #tpu.memory_space<vmem>>) target_semaphore(%run_scoped3A : memref<!tpu.dma_semaphore, #tpu.memory_space<semaphore_mem>>)
      %dma_wait3A = tpu.memref_slice %arg8[%mul3A_24] : memref<100096xf32, #tpu.memory_space<vmem_shared>> -> memref<6256xf32, #tpu.memory_space<vmem_shared>>
      %dma_wait3A_33 = tpu.memref_slice %arg8[%mul3A_24] : memref<100096xf32, #tpu.memory_space<vmem_shared>> -> memref<6256xf32, #tpu.memory_space<vmem_shared>>
      tpu.wait_dma2 semaphore(%run_scoped3A : memref<!tpu.dma_semaphore, #tpu.memory_space<semaphore_mem>>) src(%dma_wait3A_33 : memref<6256xf32, #tpu.memory_space<vmem_shared>>) dst(%arg7 : memref<6256xf32, #tpu.memory_space<vmem>>)
      tpu.yield
    }) : () -> ()
    %eq3A = arith.constant 0 : i32
    %eq3A_25 = arith.cmpi eq, %arg0, %eq3A : i32
    %convert_element_type3A = arith.extui %eq3A_25 : i1 to i32
    %cond3A = arith.constant 0 : i32
    %cond3A_26 = arith.cmpi ne, %convert_element_type3A, %cond3A : i32
    scf.if %cond3A_26 {
      %mul3A_32 = arith.constant 6256 : i32
      %mul3A_33 = arith.muli %arg1, %mul3A_32 : i32
      "tpu.region"() ({
        %run_scoped3A = tpu.sem_alloc : memref<!tpu.dma_semaphore, #tpu.memory_space<semaphore_mem>>
        %dma_start3A = tpu.memref_slice %arg3[%mul3A_33] : memref<100096xf32, #tpu.memory_space<hbm>> -> memref<6256xf32, #tpu.memory_space<hbm>>
        %dma_start3A_34 = tpu.memref_slice %arg3[%mul3A_33] : memref<100096xf32, #tpu.memory_space<hbm>> -> memref<6256xf32, #tpu.memory_space<hbm>>
        tpu.enqueue_dma source(%arg7 : memref<6256xf32, #tpu.memory_space<vmem>>) target(%dma_start3A_34 : memref<6256xf32, #tpu.memory_space<hbm>>) target_semaphore(%run_scoped3A : memref<!tpu.dma_semaphore, #tpu.memory_space<semaphore_mem>>)
        %dma_wait3A = tpu.memref_slice %arg3[%mul3A_33] : memref<100096xf32, #tpu.memory_space<hbm>> -> memref<6256xf32, #tpu.memory_space<hbm>>
        %dma_wait3A_35 = tpu.memref_slice %arg3[%mul3A_33] : memref<100096xf32, #tpu.memory_space<hbm>> -> memref<6256xf32, #tpu.memory_space<hbm>>
        tpu.wait_dma2 semaphore(%run_scoped3A : memref<!tpu.dma_semaphore, #tpu.memory_space<semaphore_mem>>) src(%arg7 : memref<6256xf32, #tpu.memory_space<vmem>>) dst(%dma_wait3A_35 : memref<6256xf32, #tpu.memory_space<hbm>>)
        tpu.yield
      }) : () -> ()
    } else {
    }
    %eq3A_27 = arith.constant 1 : i32
    %eq3A_28 = arith.cmpi eq, %arg0, %eq3A_27 : i32
    %convert_element_type3A_29 = arith.extui %eq3A_28 : i1 to i32
    %cond3A_30 = arith.constant 0 : i32
    %cond3A_31 = arith.cmpi ne, %convert_element_type3A_29, %cond3A_30 : i32
    scf.if %cond3A_31 {
      %mul3A_32 = arith.constant 6256 : i32
      %mul3A_33 = arith.muli %arg1, %mul3A_32 : i32
      "tpu.region"() ({
        %run_scoped3A = tpu.sem_alloc : memref<!tpu.dma_semaphore, #tpu.memory_space<semaphore_mem>>
        %dma_start3A = tpu.memref_slice %arg4[%mul3A_33] : memref<100096xf32, #tpu.memory_space<hbm>> -> memref<6256xf32, #tpu.memory_space<hbm>>
        %dma_start3A_34 = tpu.memref_slice %arg4[%mul3A_33] : memref<100096xf32, #tpu.memory_space<hbm>> -> memref<6256xf32, #tpu.memory_space<hbm>>
        tpu.enqueue_dma source(%arg7 : memref<6256xf32, #tpu.memory_space<vmem>>) target(%dma_start3A_34 : memref<6256xf32, #tpu.memory_space<hbm>>) target_semaphore(%run_scoped3A : memref<!tpu.dma_semaphore, #tpu.memory_space<semaphore_mem>>)
        %dma_wait3A = tpu.memref_slice %arg4[%mul3A_33] : memref<100096xf32, #tpu.memory_space<hbm>> -> memref<6256xf32, #tpu.memory_space<hbm>>
        %dma_wait3A_35 = tpu.memref_slice %arg4[%mul3A_33] : memref<100096xf32, #tpu.memory_space<hbm>> -> memref<6256xf32, #tpu.memory_space<hbm>>
        tpu.wait_dma2 semaphore(%run_scoped3A : memref<!tpu.dma_semaphore, #tpu.memory_space<semaphore_mem>>) src(%arg7 : memref<6256xf32, #tpu.memory_space<vmem>>) dst(%dma_wait3A_35 : memref<6256xf32, #tpu.memory_space<hbm>>)
        tpu.yield
      }) : () -> ()
    } else {
    }
    return
  }
}

#map = affine_map<(d0, d1) -> (0)>
#map1 = affine_map<(d0, d1) -> (0, 0)>
module attributes {stable_mosaic.version = 14 : i64} {
  func.func @scat(%arg0: i32, %arg1: i32, %arg2: memref<3200000xi32, #tpu.memory_space<hbm>>, %arg3: memref<3200000xi32, #tpu.memory_space<hbm>>, %arg4: memref<100096x16xf32, #tpu.memory_space<hbm>>, %arg5: memref<100096x16xf32, #tpu.memory_space<hbm>>, %arg6: memref<100096x16xf32, #tpu.memory_space<hbm>>, %arg7: memref<1000xi32, #tpu.memory_space<vmem>>, %arg8: memref<1000xi32, #tpu.memory_space<vmem>>, %arg9: memref<1000x16xf32, #tpu.memory_space<vmem>>, %arg10: memref<368x16xf32, #tpu.memory_space<vmem>>, %arg11: memref<100096x16xf32, #tpu.memory_space<vmem_shared>>, %arg12: memref<!tpu.dma_semaphore, #tpu.memory_space<semaphore_mem>>) attributes {dimension_semantics = [#tpu.dimension_semantics<core_parallel>, #tpu.dimension_semantics<subcore_parallel>], iteration_bounds = array<i64: 2, 16>, scalar_prefetch = 0 : i64, scratch_operands = 6 : i64, tpu.core_type = #tpu.core_type<sc_vector_subcore>, window_params = [{transform_indices = #map}, {transform_indices = #map}, {transform_indices = #map1}, {transform_indices = #map1}, {transform_indices = #map1}]} {
    %scan3A = arith.constant 0 : i32
    %scan3A_0 = arith.constant 0 : i32
    %scan3A_1 = arith.constant 368 : i32
    %scan3A_2 = arith.addi %scan3A_0, %scan3A_1 : i32
    %scan3A_3 = arith.constant 1 : i32
    scf.for %scan3A_318 = %scan3A_0 to %scan3A_2 step %scan3A_3  : i32 {
      %broadcast_in_dim3A = arith.constant 0.000000e+00 : f32
      %broadcast_in_dim3A_319 = vector.broadcast %broadcast_in_dim3A : f32 to vector<16xf32>
      %swap3A = arith.index_cast %scan3A_318 : i32 to index
      %swap3A_320 = arith.constant 0 : index
      %swap3A_321 = tpu.vector_load %arg10[%swap3A, %swap3A_320] {strides = array<i32>} : memref<368x16xf32, #tpu.memory_space<vmem>>, vector<1x16xf32>,
      %swap3A_322 = vector.shape_cast %swap3A_321 : vector<1x16xf32> to vector<16xf32>
      %swap3A_323 = vector.shape_cast %broadcast_in_dim3A_319 : vector<16xf32> to vector<1x16xf32>
      tpu.vector_store %arg10[%swap3A, %swap3A_320], %swap3A_323 {strides = array<i32>} : memref<368x16xf32, #tpu.memory_space<vmem>>, vector<1x16xf32>,
    }
    %scan3A_4 = arith.constant 368 : i32
    %mul3A = arith.constant 6256 : i32
    %mul3A_5 = arith.muli %arg1, %mul3A : i32
    %add3A = arith.constant 0 : i32
    %add3A_6 = arith.addi %mul3A_5, %add3A : i32
    "tpu.region"() ({
      %run_scoped3A = tpu.sem_alloc : memref<!tpu.dma_semaphore, #tpu.memory_space<semaphore_mem>>
      %dma_start3A = arith.constant 0 : i32
      %dma_start3A_318 = tpu.memref_slice %arg11[%add3A_6, %dma_start3A] : memref<100096x16xf32, #tpu.memory_space<vmem_shared>> -> memref<368x16xf32, #tpu.memory_space<vmem_shared>>
      %dma_start3A_319 = arith.constant 0 : i32
      %dma_start3A_320 = tpu.memref_slice %arg11[%add3A_6, %dma_start3A_319] : memref<100096x16xf32, #tpu.memory_space<vmem_shared>> -> memref<368x16xf32, #tpu.memory_space<vmem_shared>>
      tpu.enqueue_dma source(%arg10 : memref<368x16xf32, #tpu.memory_space<vmem>>) target(%dma_start3A_320 : memref<368x16xf32, #tpu.memory_space<vmem_shared>>) target_semaphore(%run_scoped3A : memref<!tpu.dma_semaphore, #tpu.memory_space<semaphore_mem>>)
      %dma_wait3A = arith.constant 0 : i32
      %dma_wait3A_321 = tpu.memref_slice %arg11[%add3A_6, %dma_wait3A] : memref<100096x16xf32, #tpu.memory_space<vmem_shared>> -> memref<368x16xf32, #tpu.memory_space<vmem_shared>>
      %dma_wait3A_322 = arith.constant 0 : i32
      %dma_wait3A_323 = tpu.memref_slice %arg11[%add3A_6, %dma_wait3A_322] : memref<100096x16xf32, #tpu.memory_space<vmem_shared>> -> memref<368x16xf32, #tpu.memory_space<vmem_shared>>
      tpu.wait_dma2 semaphore(%run_scoped3A : memref<!tpu.dma_semaphore, #tpu.memory_space<semaphore_mem>>) src(%arg10 : memref<368x16xf32, #tpu.memory_space<vmem>>) dst(%dma_wait3A_323 : memref<368x16xf32, #tpu.memory_space<vmem_shared>>)
      tpu.yield
    }) : () -> ()
    %mul3A_7 = arith.constant 6256 : i32
    %mul3A_8 = arith.muli %arg1, %mul3A_7 : i32
    %add3A_9 = arith.constant 368 : i32
    %add3A_10 = arith.addi %mul3A_8, %add3A_9 : i32
    "tpu.region"() ({
      %run_scoped3A = tpu.sem_alloc : memref<!tpu.dma_semaphore, #tpu.memory_space<semaphore_mem>>
      %dma_start3A = arith.constant 0 : i32
      %dma_start3A_318 = tpu.memref_slice %arg11[%add3A_10, %dma_start3A] : memref<100096x16xf32, #tpu.memory_space<vmem_shared>> -> memref<368x16xf32, #tpu.memory_space<vmem_shared>>
      %dma_start3A_319 = arith.constant 0 : i32
      %dma_start3A_320 = tpu.memref_slice %arg11[%add3A_10, %dma_start3A_319] : memref<100096x16xf32, #tpu.memory_space<vmem_shared>> -> memref<368x16xf32, #tpu.memory_space<vmem_shared>>
      tpu.enqueue_dma source(%arg10 : memref<368x16xf32, #tpu.memory_space<vmem>>) target(%dma_start3A_320 : memref<368x16xf32, #tpu.memory_space<vmem_shared>>) target_semaphore(%run_scoped3A : memref<!tpu.dma_semaphore, #tpu.memory_space<semaphore_mem>>)
      %dma_wait3A = arith.constant 0 : i32
      %dma_wait3A_321 = tpu.memref_slice %arg11[%add3A_10, %dma_wait3A] : memref<100096x16xf32, #tpu.memory_space<vmem_shared>> -> memref<368x16xf32, #tpu.memory_space<vmem_shared>>
      %dma_wait3A_322 = arith.constant 0 : i32
      %dma_wait3A_323 = tpu.memref_slice %arg11[%add3A_10, %dma_wait3A_322] : memref<100096x16xf32, #tpu.memory_space<vmem_shared>> -> memref<368x16xf32, #tpu.memory_space<vmem_shared>>
      tpu.wait_dma2 semaphore(%run_scoped3A : memref<!tpu.dma_semaphore, #tpu.memory_space<semaphore_mem>>) src(%arg10 : memref<368x16xf32, #tpu.memory_space<vmem>>) dst(%dma_wait3A_323 : memref<368x16xf32, #tpu.memory_space<vmem_shared>>)
      tpu.yield
    }) : () -> ()
    %mul3A_11 = arith.constant 6256 : i32
    %mul3A_12 = arith.muli %arg1, %mul3A_11 : i32
    %add3A_13 = arith.constant 736 : i32
    %add3A_14 = arith.addi %mul3A_12, %add3A_13 : i32
    "tpu.region"() ({
      %run_scoped3A = tpu.sem_alloc : memref<!tpu.dma_semaphore, #tpu.memory_space<semaphore_mem>>
      %dma_start3A = arith.constant 0 : i32
      %dma_start3A_318 = tpu.memref_slice %arg11[%add3A_14, %dma_start3A] : memref<100096x16xf32, #tpu.memory_space<vmem_shared>> -> memref<368x16xf32, #tpu.memory_space<vmem_shared>>
      %dma_start3A_319 = arith.constant 0 : i32
      %dma_start3A_320 = tpu.memref_slice %arg11[%add3A_14, %dma_start3A_319] : memref<100096x16xf32, #tpu.memory_space<vmem_shared>> -> memref<368x16xf32, #tpu.memory_space<vmem_shared>>
      tpu.enqueue_dma source(%arg10 : memref<368x16xf32, #tpu.memory_space<vmem>>) target(%dma_start3A_320 : memref<368x16xf32, #tpu.memory_space<vmem_shared>>) target_semaphore(%run_scoped3A : memref<!tpu.dma_semaphore, #tpu.memory_space<semaphore_mem>>)
      %dma_wait3A = arith.constant 0 : i32
      %dma_wait3A_321 = tpu.memref_slice %arg11[%add3A_14, %dma_wait3A] : memref<100096x16xf32, #tpu.memory_space<vmem_shared>> -> memref<368x16xf32, #tpu.memory_space<vmem_shared>>
      %dma_wait3A_322 = arith.constant 0 : i32
      %dma_wait3A_323 = tpu.memref_slice %arg11[%add3A_14, %dma_wait3A_322] : memref<100096x16xf32, #tpu.memory_space<vmem_shared>> -> memref<368x16xf32, #tpu.memory_space<vmem_shared>>
      tpu.wait_dma2 semaphore(%run_scoped3A : memref<!tpu.dma_semaphore, #tpu.memory_space<semaphore_mem>>) src(%arg10 : memref<368x16xf32, #tpu.memory_space<vmem>>) dst(%dma_wait3A_323 : memref<368x16xf32, #tpu.memory_space<vmem_shared>>)
      tpu.yield
    }) : () -> ()
    %mul3A_15 = arith.constant 6256 : i32
    %mul3A_16 = arith.muli %arg1, %mul3A_15 : i32
    %add3A_17 = arith.constant 1104 : i32
    %add3A_18 = arith.addi %mul3A_16, %add3A_17 : i32
    "tpu.region"() ({
      %run_scoped3A = tpu.sem_alloc : memref<!tpu.dma_semaphore, #tpu.memory_space<semaphore_mem>>
      %dma_start3A = arith.constant 0 : i32
      %dma_start3A_318 = tpu.memref_slice %arg11[%add3A_18, %dma_start3A] : memref<100096x16xf32, #tpu.memory_space<vmem_shared>> -> memref<368x16xf32, #tpu.memory_space<vmem_shared>>
      %dma_start3A_319 = arith.constant 0 : i32
      %dma_start3A_320 = tpu.memref_slice %arg11[%add3A_18, %dma_start3A_319] : memref<100096x16xf32, #tpu.memory_space<vmem_shared>> -> memref<368x16xf32, #tpu.memory_space<vmem_shared>>
      tpu.enqueue_dma source(%arg10 : memref<368x16xf32, #tpu.memory_space<vmem>>) target(%dma_start3A_320 : memref<368x16xf32, #tpu.memory_space<vmem_shared>>) target_semaphore(%run_scoped3A : memref<!tpu.dma_semaphore, #tpu.memory_space<semaphore_mem>>)
      %dma_wait3A = arith.constant 0 : i32
      %dma_wait3A_321 = tpu.memref_slice %arg11[%add3A_18, %dma_wait3A] : memref<100096x16xf32, #tpu.memory_space<vmem_shared>> -> memref<368x16xf32, #tpu.memory_space<vmem_shared>>
      %dma_wait3A_322 = arith.constant 0 : i32
      %dma_wait3A_323 = tpu.memref_slice %arg11[%add3A_18, %dma_wait3A_322] : memref<100096x16xf32, #tpu.memory_space<vmem_shared>> -> memref<368x16xf32, #tpu.memory_space<vmem_shared>>
      tpu.wait_dma2 semaphore(%run_scoped3A : memref<!tpu.dma_semaphore, #tpu.memory_space<semaphore_mem>>) src(%arg10 : memref<368x16xf32, #tpu.memory_space<vmem>>) dst(%dma_wait3A_323 : memref<368x16xf32, #tpu.memory_space<vmem_shared>>)
      tpu.yield
    }) : () -> ()
    %mul3A_19 = arith.constant 6256 : i32
    %mul3A_20 = arith.muli %arg1, %mul3A_19 : i32
    %add3A_21 = arith.constant 1472 : i32
    %add3A_22 = arith.addi %mul3A_20, %add3A_21 : i32
    "tpu.region"() ({
      %run_scoped3A = tpu.sem_alloc : memref<!tpu.dma_semaphore, #tpu.memory_space<semaphore_mem>>
      %dma_start3A = arith.constant 0 : i32
      %dma_start3A_318 = tpu.memref_slice %arg11[%add3A_22, %dma_start3A] : memref<100096x16xf32, #tpu.memory_space<vmem_shared>> -> memref<368x16xf32, #tpu.memory_space<vmem_shared>>
      %dma_start3A_319 = arith.constant 0 : i32
      %dma_start3A_320 = tpu.memref_slice %arg11[%add3A_22, %dma_start3A_319] : memref<100096x16xf32, #tpu.memory_space<vmem_shared>> -> memref<368x16xf32, #tpu.memory_space<vmem_shared>>
      tpu.enqueue_dma source(%arg10 : memref<368x16xf32, #tpu.memory_space<vmem>>) target(%dma_start3A_320 : memref<368x16xf32, #tpu.memory_space<vmem_shared>>) target_semaphore(%run_scoped3A : memref<!tpu.dma_semaphore, #tpu.memory_space<semaphore_mem>>)
      %dma_wait3A = arith.constant 0 : i32
      %dma_wait3A_321 = tpu.memref_slice %arg11[%add3A_22, %dma_wait3A] : memref<100096x16xf32, #tpu.memory_space<vmem_shared>> -> memref<368x16xf32, #tpu.memory_space<vmem_shared>>
      %dma_wait3A_322 = arith.constant 0 : i32
      %dma_wait3A_323 = tpu.memref_slice %arg11[%add3A_22, %dma_wait3A_322] : memref<100096x16xf32, #tpu.memory_space<vmem_shared>> -> memref<368x16xf32, #tpu.memory_space<vmem_shared>>
      tpu.wait_dma2 semaphore(%run_scoped3A : memref<!tpu.dma_semaphore, #tpu.memory_space<semaphore_mem>>) src(%arg10 : memref<368x16xf32, #tpu.memory_space<vmem>>) dst(%dma_wait3A_323 : memref<368x16xf32, #tpu.memory_space<vmem_shared>>)
      tpu.yield
    }) : () -> ()
    %mul3A_23 = arith.constant 6256 : i32
    %mul3A_24 = arith.muli %arg1, %mul3A_23 : i32
    %add3A_25 = arith.constant 1840 : i32
    %add3A_26 = arith.addi %mul3A_24, %add3A_25 : i32
    "tpu.region"() ({
      %run_scoped3A = tpu.sem_alloc : memref<!tpu.dma_semaphore, #tpu.memory_space<semaphore_mem>>
      %dma_start3A = arith.constant 0 : i32
      %dma_start3A_318 = tpu.memref_slice %arg11[%add3A_26, %dma_start3A] : memref<100096x16xf32, #tpu.memory_space<vmem_shared>> -> memref<368x16xf32, #tpu.memory_space<vmem_shared>>
      %dma_start3A_319 = arith.constant 0 : i32
      %dma_start3A_320 = tpu.memref_slice %arg11[%add3A_26, %dma_start3A_319] : memref<100096x16xf32, #tpu.memory_space<vmem_shared>> -> memref<368x16xf32, #tpu.memory_space<vmem_shared>>
      tpu.enqueue_dma source(%arg10 : memref<368x16xf32, #tpu.memory_space<vmem>>) target(%dma_start3A_320 : memref<368x16xf32, #tpu.memory_space<vmem_shared>>) target_semaphore(%run_scoped3A : memref<!tpu.dma_semaphore, #tpu.memory_space<semaphore_mem>>)
      %dma_wait3A = arith.constant 0 : i32
      %dma_wait3A_321 = tpu.memref_slice %arg11[%add3A_26, %dma_wait3A] : memref<100096x16xf32, #tpu.memory_space<vmem_shared>> -> memref<368x16xf32, #tpu.memory_space<vmem_shared>>
      %dma_wait3A_322 = arith.constant 0 : i32
      %dma_wait3A_323 = tpu.memref_slice %arg11[%add3A_26, %dma_wait3A_322] : memref<100096x16xf32, #tpu.memory_space<vmem_shared>> -> memref<368x16xf32, #tpu.memory_space<vmem_shared>>
      tpu.wait_dma2 semaphore(%run_scoped3A : memref<!tpu.dma_semaphore, #tpu.memory_space<semaphore_mem>>) src(%arg10 : memref<368x16xf32, #tpu.memory_space<vmem>>) dst(%dma_wait3A_323 : memref<368x16xf32, #tpu.memory_space<vmem_shared>>)
      tpu.yield
    }) : () -> ()
    %mul3A_27 = arith.constant 6256 : i32
    %mul3A_28 = arith.muli %arg1, %mul3A_27 : i32
    %add3A_29 = arith.constant 2208 : i32
    %add3A_30 = arith.addi %mul3A_28, %add3A_29 : i32
    "tpu.region"() ({
      %run_scoped3A = tpu.sem_alloc : memref<!tpu.dma_semaphore, #tpu.memory_space<semaphore_mem>>
      %dma_start3A = arith.constant 0 : i32
      %dma_start3A_318 = tpu.memref_slice %arg11[%add3A_30, %dma_start3A] : memref<100096x16xf32, #tpu.memory_space<vmem_shared>> -> memref<368x16xf32, #tpu.memory_space<vmem_shared>>
      %dma_start3A_319 = arith.constant 0 : i32
      %dma_start3A_320 = tpu.memref_slice %arg11[%add3A_30, %dma_start3A_319] : memref<100096x16xf32, #tpu.memory_space<vmem_shared>> -> memref<368x16xf32, #tpu.memory_space<vmem_shared>>
      tpu.enqueue_dma source(%arg10 : memref<368x16xf32, #tpu.memory_space<vmem>>) target(%dma_start3A_320 : memref<368x16xf32, #tpu.memory_space<vmem_shared>>) target_semaphore(%run_scoped3A : memref<!tpu.dma_semaphore, #tpu.memory_space<semaphore_mem>>)
      %dma_wait3A = arith.constant 0 : i32
      %dma_wait3A_321 = tpu.memref_slice %arg11[%add3A_30, %dma_wait3A] : memref<100096x16xf32, #tpu.memory_space<vmem_shared>> -> memref<368x16xf32, #tpu.memory_space<vmem_shared>>
      %dma_wait3A_322 = arith.constant 0 : i32
      %dma_wait3A_323 = tpu.memref_slice %arg11[%add3A_30, %dma_wait3A_322] : memref<100096x16xf32, #tpu.memory_space<vmem_shared>> -> memref<368x16xf32, #tpu.memory_space<vmem_shared>>
      tpu.wait_dma2 semaphore(%run_scoped3A : memref<!tpu.dma_semaphore, #tpu.memory_space<semaphore_mem>>) src(%arg10 : memref<368x16xf32, #tpu.memory_space<vmem>>) dst(%dma_wait3A_323 : memref<368x16xf32, #tpu.memory_space<vmem_shared>>)
      tpu.yield
    }) : () -> ()
    %mul3A_31 = arith.constant 6256 : i32
    %mul3A_32 = arith.muli %arg1, %mul3A_31 : i32
    %add3A_33 = arith.constant 2576 : i32
    %add3A_34 = arith.addi %mul3A_32, %add3A_33 : i32
    "tpu.region"() ({
      %run_scoped3A = tpu.sem_alloc : memref<!tpu.dma_semaphore, #tpu.memory_space<semaphore_mem>>
      %dma_start3A = arith.constant 0 : i32
      %dma_start3A_318 = tpu.memref_slice %arg11[%add3A_34, %dma_start3A] : memref<100096x16xf32, #tpu.memory_space<vmem_shared>> -> memref<368x16xf32, #tpu.memory_space<vmem_shared>>
      %dma_start3A_319 = arith.constant 0 : i32
      %dma_start3A_320 = tpu.memref_slice %arg11[%add3A_34, %dma_start3A_319] : memref<100096x16xf32, #tpu.memory_space<vmem_shared>> -> memref<368x16xf32, #tpu.memory_space<vmem_shared>>
      tpu.enqueue_dma source(%arg10 : memref<368x16xf32, #tpu.memory_space<vmem>>) target(%dma_start3A_320 : memref<368x16xf32, #tpu.memory_space<vmem_shared>>) target_semaphore(%run_scoped3A : memref<!tpu.dma_semaphore, #tpu.memory_space<semaphore_mem>>)
      %dma_wait3A = arith.constant 0 : i32
      %dma_wait3A_321 = tpu.memref_slice %arg11[%add3A_34, %dma_wait3A] : memref<100096x16xf32, #tpu.memory_space<vmem_shared>> -> memref<368x16xf32, #tpu.memory_space<vmem_shared>>
      %dma_wait3A_322 = arith.constant 0 : i32
      %dma_wait3A_323 = tpu.memref_slice %arg11[%add3A_34, %dma_wait3A_322] : memref<100096x16xf32, #tpu.memory_space<vmem_shared>> -> memref<368x16xf32, #tpu.memory_space<vmem_shared>>
      tpu.wait_dma2 semaphore(%run_scoped3A : memref<!tpu.dma_semaphore, #tpu.memory_space<semaphore_mem>>) src(%arg10 : memref<368x16xf32, #tpu.memory_space<vmem>>) dst(%dma_wait3A_323 : memref<368x16xf32, #tpu.memory_space<vmem_shared>>)
      tpu.yield
    }) : () -> ()
    %mul3A_35 = arith.constant 6256 : i32
    %mul3A_36 = arith.muli %arg1, %mul3A_35 : i32
    %add3A_37 = arith.constant 2944 : i32
    %add3A_38 = arith.addi %mul3A_36, %add3A_37 : i32
    "tpu.region"() ({
      %run_scoped3A = tpu.sem_alloc : memref<!tpu.dma_semaphore, #tpu.memory_space<semaphore_mem>>
      %dma_start3A = arith.constant 0 : i32
      %dma_start3A_318 = tpu.memref_slice %arg11[%add3A_38, %dma_start3A] : memref<100096x16xf32, #tpu.memory_space<vmem_shared>> -> memref<368x16xf32, #tpu.memory_space<vmem_shared>>
      %dma_start3A_319 = arith.constant 0 : i32
      %dma_start3A_320 = tpu.memref_slice %arg11[%add3A_38, %dma_start3A_319] : memref<100096x16xf32, #tpu.memory_space<vmem_shared>> -> memref<368x16xf32, #tpu.memory_space<vmem_shared>>
      tpu.enqueue_dma source(%arg10 : memref<368x16xf32, #tpu.memory_space<vmem>>) target(%dma_start3A_320 : memref<368x16xf32, #tpu.memory_space<vmem_shared>>) target_semaphore(%run_scoped3A : memref<!tpu.dma_semaphore, #tpu.memory_space<semaphore_mem>>)
      %dma_wait3A = arith.constant 0 : i32
      %dma_wait3A_321 = tpu.memref_slice %arg11[%add3A_38, %dma_wait3A] : memref<100096x16xf32, #tpu.memory_space<vmem_shared>> -> memref<368x16xf32, #tpu.memory_space<vmem_shared>>
      %dma_wait3A_322 = arith.constant 0 : i32
      %dma_wait3A_323 = tpu.memref_slice %arg11[%add3A_38, %dma_wait3A_322] : memref<100096x16xf32, #tpu.memory_space<vmem_shared>> -> memref<368x16xf32, #tpu.memory_space<vmem_shared>>
      tpu.wait_dma2 semaphore(%run_scoped3A : memref<!tpu.dma_semaphore, #tpu.memory_space<semaphore_mem>>) src(%arg10 : memref<368x16xf32, #tpu.memory_space<vmem>>) dst(%dma_wait3A_323 : memref<368x16xf32, #tpu.memory_space<vmem_shared>>)
      tpu.yield
    }) : () -> ()
    %mul3A_39 = arith.constant 6256 : i32
    %mul3A_40 = arith.muli %arg1, %mul3A_39 : i32
    %add3A_41 = arith.constant 3312 : i32
    %add3A_42 = arith.addi %mul3A_40, %add3A_41 : i32
    "tpu.region"() ({
      %run_scoped3A = tpu.sem_alloc : memref<!tpu.dma_semaphore, #tpu.memory_space<semaphore_mem>>
      %dma_start3A = arith.constant 0 : i32
      %dma_start3A_318 = tpu.memref_slice %arg11[%add3A_42, %dma_start3A] : memref<100096x16xf32, #tpu.memory_space<vmem_shared>> -> memref<368x16xf32, #tpu.memory_space<vmem_shared>>
      %dma_start3A_319 = arith.constant 0 : i32
      %dma_start3A_320 = tpu.memref_slice %arg11[%add3A_42, %dma_start3A_319] : memref<100096x16xf32, #tpu.memory_space<vmem_shared>> -> memref<368x16xf32, #tpu.memory_space<vmem_shared>>
      tpu.enqueue_dma source(%arg10 : memref<368x16xf32, #tpu.memory_space<vmem>>) target(%dma_start3A_320 : memref<368x16xf32, #tpu.memory_space<vmem_shared>>) target_semaphore(%run_scoped3A : memref<!tpu.dma_semaphore, #tpu.memory_space<semaphore_mem>>)
      %dma_wait3A = arith.constant 0 : i32
      %dma_wait3A_321 = tpu.memref_slice %arg11[%add3A_42, %dma_wait3A] : memref<100096x16xf32, #tpu.memory_space<vmem_shared>> -> memref<368x16xf32, #tpu.memory_space<vmem_shared>>
      %dma_wait3A_322 = arith.constant 0 : i32
      %dma_wait3A_323 = tpu.memref_slice %arg11[%add3A_42, %dma_wait3A_322] : memref<100096x16xf32, #tpu.memory_space<vmem_shared>> -> memref<368x16xf32, #tpu.memory_space<vmem_shared>>
      tpu.wait_dma2 semaphore(%run_scoped3A : memref<!tpu.dma_semaphore, #tpu.memory_space<semaphore_mem>>) src(%arg10 : memref<368x16xf32, #tpu.memory_space<vmem>>) dst(%dma_wait3A_323 : memref<368x16xf32, #tpu.memory_space<vmem_shared>>)
      tpu.yield
    }) : () -> ()
    %mul3A_43 = arith.constant 6256 : i32
    %mul3A_44 = arith.muli %arg1, %mul3A_43 : i32
    %add3A_45 = arith.constant 3680 : i32
    %add3A_46 = arith.addi %mul3A_44, %add3A_45 : i32
    "tpu.region"() ({
      %run_scoped3A = tpu.sem_alloc : memref<!tpu.dma_semaphore, #tpu.memory_space<semaphore_mem>>
      %dma_start3A = arith.constant 0 : i32
      %dma_start3A_318 = tpu.memref_slice %arg11[%add3A_46, %dma_start3A] : memref<100096x16xf32, #tpu.memory_space<vmem_shared>> -> memref<368x16xf32, #tpu.memory_space<vmem_shared>>
      %dma_start3A_319 = arith.constant 0 : i32
      %dma_start3A_320 = tpu.memref_slice %arg11[%add3A_46, %dma_start3A_319] : memref<100096x16xf32, #tpu.memory_space<vmem_shared>> -> memref<368x16xf32, #tpu.memory_space<vmem_shared>>
      tpu.enqueue_dma source(%arg10 : memref<368x16xf32, #tpu.memory_space<vmem>>) target(%dma_start3A_320 : memref<368x16xf32, #tpu.memory_space<vmem_shared>>) target_semaphore(%run_scoped3A : memref<!tpu.dma_semaphore, #tpu.memory_space<semaphore_mem>>)
      %dma_wait3A = arith.constant 0 : i32
      %dma_wait3A_321 = tpu.memref_slice %arg11[%add3A_46, %dma_wait3A] : memref<100096x16xf32, #tpu.memory_space<vmem_shared>> -> memref<368x16xf32, #tpu.memory_space<vmem_shared>>
      %dma_wait3A_322 = arith.constant 0 : i32
      %dma_wait3A_323 = tpu.memref_slice %arg11[%add3A_46, %dma_wait3A_322] : memref<100096x16xf32, #tpu.memory_space<vmem_shared>> -> memref<368x16xf32, #tpu.memory_space<vmem_shared>>
      tpu.wait_dma2 semaphore(%run_scoped3A : memref<!tpu.dma_semaphore, #tpu.memory_space<semaphore_mem>>) src(%arg10 : memref<368x16xf32, #tpu.memory_space<vmem>>) dst(%dma_wait3A_323 : memref<368x16xf32, #tpu.memory_space<vmem_shared>>)
      tpu.yield
    }) : () -> ()
    %mul3A_47 = arith.constant 6256 : i32
    %mul3A_48 = arith.muli %arg1, %mul3A_47 : i32
    %add3A_49 = arith.constant 4048 : i32
    %add3A_50 = arith.addi %mul3A_48, %add3A_49 : i32
    "tpu.region"() ({
      %run_scoped3A = tpu.sem_alloc : memref<!tpu.dma_semaphore, #tpu.memory_space<semaphore_mem>>
      %dma_start3A = arith.constant 0 : i32
      %dma_start3A_318 = tpu.memref_slice %arg11[%add3A_50, %dma_start3A] : memref<100096x16xf32, #tpu.memory_space<vmem_shared>> -> memref<368x16xf32, #tpu.memory_space<vmem_shared>>
      %dma_start3A_319 = arith.constant 0 : i32
      %dma_start3A_320 = tpu.memref_slice %arg11[%add3A_50, %dma_start3A_319] : memref<100096x16xf32, #tpu.memory_space<vmem_shared>> -> memref<368x16xf32, #tpu.memory_space<vmem_shared>>
      tpu.enqueue_dma source(%arg10 : memref<368x16xf32, #tpu.memory_space<vmem>>) target(%dma_start3A_320 : memref<368x16xf32, #tpu.memory_space<vmem_shared>>) target_semaphore(%run_scoped3A : memref<!tpu.dma_semaphore, #tpu.memory_space<semaphore_mem>>)
      %dma_wait3A = arith.constant 0 : i32
      %dma_wait3A_321 = tpu.memref_slice %arg11[%add3A_50, %dma_wait3A] : memref<100096x16xf32, #tpu.memory_space<vmem_shared>> -> memref<368x16xf32, #tpu.memory_space<vmem_shared>>
      %dma_wait3A_322 = arith.constant 0 : i32
      %dma_wait3A_323 = tpu.memref_slice %arg11[%add3A_50, %dma_wait3A_322] : memref<100096x16xf32, #tpu.memory_space<vmem_shared>> -> memref<368x16xf32, #tpu.memory_space<vmem_shared>>
      tpu.wait_dma2 semaphore(%run_scoped3A : memref<!tpu.dma_semaphore, #tpu.memory_space<semaphore_mem>>) src(%arg10 : memref<368x16xf32, #tpu.memory_space<vmem>>) dst(%dma_wait3A_323 : memref<368x16xf32, #tpu.memory_space<vmem_shared>>)
      tpu.yield
    }) : () -> ()
    %mul3A_51 = arith.constant 6256 : i32
    %mul3A_52 = arith.muli %arg1, %mul3A_51 : i32
    %add3A_53 = arith.constant 4416 : i32
    %add3A_54 = arith.addi %mul3A_52, %add3A_53 : i32
    "tpu.region"() ({
      %run_scoped3A = tpu.sem_alloc : memref<!tpu.dma_semaphore, #tpu.memory_space<semaphore_mem>>
      %dma_start3A = arith.constant 0 : i32
      %dma_start3A_318 = tpu.memref_slice %arg11[%add3A_54, %dma_start3A] : memref<100096x16xf32, #tpu.memory_space<vmem_shared>> -> memref<368x16xf32, #tpu.memory_space<vmem_shared>>
      %dma_start3A_319 = arith.constant 0 : i32
      %dma_start3A_320 = tpu.memref_slice %arg11[%add3A_54, %dma_start3A_319] : memref<100096x16xf32, #tpu.memory_space<vmem_shared>> -> memref<368x16xf32, #tpu.memory_space<vmem_shared>>
      tpu.enqueue_dma source(%arg10 : memref<368x16xf32, #tpu.memory_space<vmem>>) target(%dma_start3A_320 : memref<368x16xf32, #tpu.memory_space<vmem_shared>>) target_semaphore(%run_scoped3A : memref<!tpu.dma_semaphore, #tpu.memory_space<semaphore_mem>>)
      %dma_wait3A = arith.constant 0 : i32
      %dma_wait3A_321 = tpu.memref_slice %arg11[%add3A_54, %dma_wait3A] : memref<100096x16xf32, #tpu.memory_space<vmem_shared>> -> memref<368x16xf32, #tpu.memory_space<vmem_shared>>
      %dma_wait3A_322 = arith.constant 0 : i32
      %dma_wait3A_323 = tpu.memref_slice %arg11[%add3A_54, %dma_wait3A_322] : memref<100096x16xf32, #tpu.memory_space<vmem_shared>> -> memref<368x16xf32, #tpu.memory_space<vmem_shared>>
      tpu.wait_dma2 semaphore(%run_scoped3A : memref<!tpu.dma_semaphore, #tpu.memory_space<semaphore_mem>>) src(%arg10 : memref<368x16xf32, #tpu.memory_space<vmem>>) dst(%dma_wait3A_323 : memref<368x16xf32, #tpu.memory_space<vmem_shared>>)
      tpu.yield
    }) : () -> ()
    %mul3A_55 = arith.constant 6256 : i32
    %mul3A_56 = arith.muli %arg1, %mul3A_55 : i32
    %add3A_57 = arith.constant 4784 : i32
    %add3A_58 = arith.addi %mul3A_56, %add3A_57 : i32
    "tpu.region"() ({
      %run_scoped3A = tpu.sem_alloc : memref<!tpu.dma_semaphore, #tpu.memory_space<semaphore_mem>>
      %dma_start3A = arith.constant 0 : i32
      %dma_start3A_318 = tpu.memref_slice %arg11[%add3A_58, %dma_start3A] : memref<100096x16xf32, #tpu.memory_space<vmem_shared>> -> memref<368x16xf32, #tpu.memory_space<vmem_shared>>
      %dma_start3A_319 = arith.constant 0 : i32
      %dma_start3A_320 = tpu.memref_slice %arg11[%add3A_58, %dma_start3A_319] : memref<100096x16xf32, #tpu.memory_space<vmem_shared>> -> memref<368x16xf32, #tpu.memory_space<vmem_shared>>
      tpu.enqueue_dma source(%arg10 : memref<368x16xf32, #tpu.memory_space<vmem>>) target(%dma_start3A_320 : memref<368x16xf32, #tpu.memory_space<vmem_shared>>) target_semaphore(%run_scoped3A : memref<!tpu.dma_semaphore, #tpu.memory_space<semaphore_mem>>)
      %dma_wait3A = arith.constant 0 : i32
      %dma_wait3A_321 = tpu.memref_slice %arg11[%add3A_58, %dma_wait3A] : memref<100096x16xf32, #tpu.memory_space<vmem_shared>> -> memref<368x16xf32, #tpu.memory_space<vmem_shared>>
      %dma_wait3A_322 = arith.constant 0 : i32
      %dma_wait3A_323 = tpu.memref_slice %arg11[%add3A_58, %dma_wait3A_322] : memref<100096x16xf32, #tpu.memory_space<vmem_shared>> -> memref<368x16xf32, #tpu.memory_space<vmem_shared>>
      tpu.wait_dma2 semaphore(%run_scoped3A : memref<!tpu.dma_semaphore, #tpu.memory_space<semaphore_mem>>) src(%arg10 : memref<368x16xf32, #tpu.memory_space<vmem>>) dst(%dma_wait3A_323 : memref<368x16xf32, #tpu.memory_space<vmem_shared>>)
      tpu.yield
    }) : () -> ()
    %mul3A_59 = arith.constant 6256 : i32
    %mul3A_60 = arith.muli %arg1, %mul3A_59 : i32
    %add3A_61 = arith.constant 5152 : i32
    %add3A_62 = arith.addi %mul3A_60, %add3A_61 : i32
    "tpu.region"() ({
      %run_scoped3A = tpu.sem_alloc : memref<!tpu.dma_semaphore, #tpu.memory_space<semaphore_mem>>
      %dma_start3A = arith.constant 0 : i32
      %dma_start3A_318 = tpu.memref_slice %arg11[%add3A_62, %dma_start3A] : memref<100096x16xf32, #tpu.memory_space<vmem_shared>> -> memref<368x16xf32, #tpu.memory_space<vmem_shared>>
      %dma_start3A_319 = arith.constant 0 : i32
      %dma_start3A_320 = tpu.memref_slice %arg11[%add3A_62, %dma_start3A_319] : memref<100096x16xf32, #tpu.memory_space<vmem_shared>> -> memref<368x16xf32, #tpu.memory_space<vmem_shared>>
      tpu.enqueue_dma source(%arg10 : memref<368x16xf32, #tpu.memory_space<vmem>>) target(%dma_start3A_320 : memref<368x16xf32, #tpu.memory_space<vmem_shared>>) target_semaphore(%run_scoped3A : memref<!tpu.dma_semaphore, #tpu.memory_space<semaphore_mem>>)
      %dma_wait3A = arith.constant 0 : i32
      %dma_wait3A_321 = tpu.memref_slice %arg11[%add3A_62, %dma_wait3A] : memref<100096x16xf32, #tpu.memory_space<vmem_shared>> -> memref<368x16xf32, #tpu.memory_space<vmem_shared>>
      %dma_wait3A_322 = arith.constant 0 : i32
      %dma_wait3A_323 = tpu.memref_slice %arg11[%add3A_62, %dma_wait3A_322] : memref<100096x16xf32, #tpu.memory_space<vmem_shared>> -> memref<368x16xf32, #tpu.memory_space<vmem_shared>>
      tpu.wait_dma2 semaphore(%run_scoped3A : memref<!tpu.dma_semaphore, #tpu.memory_space<semaphore_mem>>) src(%arg10 : memref<368x16xf32, #tpu.memory_space<vmem>>) dst(%dma_wait3A_323 : memref<368x16xf32, #tpu.memory_space<vmem_shared>>)
      tpu.yield
    }) : () -> ()
    %mul3A_63 = arith.constant 6256 : i32
    %mul3A_64 = arith.muli %arg1, %mul3A_63 : i32
    %add3A_65 = arith.constant 5520 : i32
    %add3A_66 = arith.addi %mul3A_64, %add3A_65 : i32
    "tpu.region"() ({
      %run_scoped3A = tpu.sem_alloc : memref<!tpu.dma_semaphore, #tpu.memory_space<semaphore_mem>>
      %dma_start3A = arith.constant 0 : i32
      %dma_start3A_318 = tpu.memref_slice %arg11[%add3A_66, %dma_start3A] : memref<100096x16xf32, #tpu.memory_space<vmem_shared>> -> memref<368x16xf32, #tpu.memory_space<vmem_shared>>
      %dma_start3A_319 = arith.constant 0 : i32
      %dma_start3A_320 = tpu.memref_slice %arg11[%add3A_66, %dma_start3A_319] : memref<100096x16xf32, #tpu.memory_space<vmem_shared>> -> memref<368x16xf32, #tpu.memory_space<vmem_shared>>
      tpu.enqueue_dma source(%arg10 : memref<368x16xf32, #tpu.memory_space<vmem>>) target(%dma_start3A_320 : memref<368x16xf32, #tpu.memory_space<vmem_shared>>) target_semaphore(%run_scoped3A : memref<!tpu.dma_semaphore, #tpu.memory_space<semaphore_mem>>)
      %dma_wait3A = arith.constant 0 : i32
      %dma_wait3A_321 = tpu.memref_slice %arg11[%add3A_66, %dma_wait3A] : memref<100096x16xf32, #tpu.memory_space<vmem_shared>> -> memref<368x16xf32, #tpu.memory_space<vmem_shared>>
      %dma_wait3A_322 = arith.constant 0 : i32
      %dma_wait3A_323 = tpu.memref_slice %arg11[%add3A_66, %dma_wait3A_322] : memref<100096x16xf32, #tpu.memory_space<vmem_shared>> -> memref<368x16xf32, #tpu.memory_space<vmem_shared>>
      tpu.wait_dma2 semaphore(%run_scoped3A : memref<!tpu.dma_semaphore, #tpu.memory_space<semaphore_mem>>) src(%arg10 : memref<368x16xf32, #tpu.memory_space<vmem>>) dst(%dma_wait3A_323 : memref<368x16xf32, #tpu.memory_space<vmem_shared>>)
      tpu.yield
    }) : () -> ()
    %mul3A_67 = arith.constant 6256 : i32
    %mul3A_68 = arith.muli %arg1, %mul3A_67 : i32
    %add3A_69 = arith.constant 5888 : i32
    %add3A_70 = arith.addi %mul3A_68, %add3A_69 : i32
    "tpu.region"() ({
      %run_scoped3A = tpu.sem_alloc : memref<!tpu.dma_semaphore, #tpu.memory_space<semaphore_mem>>
      %dma_start3A = arith.constant 0 : i32
      %dma_start3A_318 = tpu.memref_slice %arg11[%add3A_70, %dma_start3A] : memref<100096x16xf32, #tpu.memory_space<vmem_shared>> -> memref<368x16xf32, #tpu.memory_space<vmem_shared>>
      %dma_start3A_319 = arith.constant 0 : i32
      %dma_start3A_320 = tpu.memref_slice %arg11[%add3A_70, %dma_start3A_319] : memref<100096x16xf32, #tpu.memory_space<vmem_shared>> -> memref<368x16xf32, #tpu.memory_space<vmem_shared>>
      tpu.enqueue_dma source(%arg10 : memref<368x16xf32, #tpu.memory_space<vmem>>) target(%dma_start3A_320 : memref<368x16xf32, #tpu.memory_space<vmem_shared>>) target_semaphore(%run_scoped3A : memref<!tpu.dma_semaphore, #tpu.memory_space<semaphore_mem>>)
      %dma_wait3A = arith.constant 0 : i32
      %dma_wait3A_321 = tpu.memref_slice %arg11[%add3A_70, %dma_wait3A] : memref<100096x16xf32, #tpu.memory_space<vmem_shared>> -> memref<368x16xf32, #tpu.memory_space<vmem_shared>>
      %dma_wait3A_322 = arith.constant 0 : i32
      %dma_wait3A_323 = tpu.memref_slice %arg11[%add3A_70, %dma_wait3A_322] : memref<100096x16xf32, #tpu.memory_space<vmem_shared>> -> memref<368x16xf32, #tpu.memory_space<vmem_shared>>
      tpu.wait_dma2 semaphore(%run_scoped3A : memref<!tpu.dma_semaphore, #tpu.memory_space<semaphore_mem>>) src(%arg10 : memref<368x16xf32, #tpu.memory_space<vmem>>) dst(%dma_wait3A_323 : memref<368x16xf32, #tpu.memory_space<vmem_shared>>)
      tpu.yield
    }) : () -> ()
    %barrier3A = arith.constant 0 : index
    tpu.barrier barrier_id(%barrier3A)
    %mul3A_71 = arith.constant 1600000 : i32
    %mul3A_72 = arith.muli %arg0, %mul3A_71 : i32
    %mul3A_73 = arith.constant 100000 : i32
    %mul3A_74 = arith.muli %arg1, %mul3A_73 : i32
    %add3A_75 = arith.addi %mul3A_72, %mul3A_74 : i32
    %scan3A_76 = arith.constant 0 : i32
    %scan3A_77 = arith.constant 0 : i32
    %scan3A_78 = arith.constant 100 : i32
    %scan3A_79 = arith.addi %scan3A_77, %scan3A_78 : i32
    %scan3A_80 = arith.constant 1 : i32
    scf.for %scan3A_318 = %scan3A_77 to %scan3A_79 step %scan3A_80  : i32 {
      %mul3A_319 = arith.constant 1000 : i32
      %mul3A_320 = arith.muli %scan3A_318, %mul3A_319 : i32
      %add3A_321 = arith.addi %add3A_75, %mul3A_320 : i32
      "tpu.region"() ({
        %run_scoped3A = tpu.sem_alloc : memref<!tpu.dma_semaphore, #tpu.memory_space<semaphore_mem>>
        %dma_start3A_326 = tpu.memref_slice %arg2[%add3A_321] : memref<3200000xi32, #tpu.memory_space<hbm>> -> memref<1000xi32, #tpu.memory_space<hbm>>
        %dma_start3A_327 = tpu.memref_slice %arg2[%add3A_321] : memref<3200000xi32, #tpu.memory_space<hbm>> -> memref<1000xi32, #tpu.memory_space<hbm>>
        tpu.enqueue_dma source(%dma_start3A_327 : memref<1000xi32, #tpu.memory_space<hbm>>) target(%arg7 : memref<1000xi32, #tpu.memory_space<vmem>>) target_semaphore(%run_scoped3A : memref<!tpu.dma_semaphore, #tpu.memory_space<semaphore_mem>>)
        %dma_wait3A_328 = tpu.memref_slice %arg2[%add3A_321] : memref<3200000xi32, #tpu.memory_space<hbm>> -> memref<1000xi32, #tpu.memory_space<hbm>>
        %dma_wait3A_329 = tpu.memref_slice %arg2[%add3A_321] : memref<3200000xi32, #tpu.memory_space<hbm>> -> memref<1000xi32, #tpu.memory_space<hbm>>
        tpu.wait_dma2 semaphore(%run_scoped3A : memref<!tpu.dma_semaphore, #tpu.memory_space<semaphore_mem>>) src(%dma_wait3A_329 : memref<1000xi32, #tpu.memory_space<hbm>>) dst(%arg7 : memref<1000xi32, #tpu.memory_space<vmem>>)
        tpu.yield
      }) : () -> ()
      "tpu.region"() ({
        %run_scoped3A = tpu.sem_alloc : memref<!tpu.dma_semaphore, #tpu.memory_space<semaphore_mem>>
        %dma_start3A_326 = tpu.memref_slice %arg3[%add3A_321] : memref<3200000xi32, #tpu.memory_space<hbm>> -> memref<1000xi32, #tpu.memory_space<hbm>>
        %dma_start3A_327 = tpu.memref_slice %arg3[%add3A_321] : memref<3200000xi32, #tpu.memory_space<hbm>> -> memref<1000xi32, #tpu.memory_space<hbm>>
        tpu.enqueue_dma source(%dma_start3A_327 : memref<1000xi32, #tpu.memory_space<hbm>>) target(%arg8 : memref<1000xi32, #tpu.memory_space<vmem>>) target_semaphore(%run_scoped3A : memref<!tpu.dma_semaphore, #tpu.memory_space<semaphore_mem>>)
        %dma_wait3A_328 = tpu.memref_slice %arg3[%add3A_321] : memref<3200000xi32, #tpu.memory_space<hbm>> -> memref<1000xi32, #tpu.memory_space<hbm>>
        %dma_wait3A_329 = tpu.memref_slice %arg3[%add3A_321] : memref<3200000xi32, #tpu.memory_space<hbm>> -> memref<1000xi32, #tpu.memory_space<hbm>>
        tpu.wait_dma2 semaphore(%run_scoped3A : memref<!tpu.dma_semaphore, #tpu.memory_space<semaphore_mem>>) src(%dma_wait3A_329 : memref<1000xi32, #tpu.memory_space<hbm>>) dst(%arg8 : memref<1000xi32, #tpu.memory_space<vmem>>)
        tpu.yield
      }) : () -> ()
      %dma_start3A = arith.constant 0 : i32
      %dma_start3A_322 = arith.constant 0 : i32
      %dma_start3A_323 = tpu.memref_slice %arg4[%dma_start3A, %dma_start3A_322] : memref<100096x16xf32, #tpu.memory_space<hbm>> -> memref<100096x16xf32, #tpu.memory_space<hbm>>
      tpu.enqueue_indirect_dma source(%dma_start3A_323 : memref<100096x16xf32, #tpu.memory_space<hbm>>) target(%arg9 : memref<1000x16xf32, #tpu.memory_space<vmem>>) offsets(%arg7 : memref<1000xi32, #tpu.memory_space<vmem>>) semaphore(%arg12 : memref<!tpu.dma_semaphore, #tpu.memory_space<semaphore_mem>>)
      %dma_wait3A = arith.constant 0 : i32
      %dma_wait3A_324 = arith.constant 0 : i32
      %dma_wait3A_325 = tpu.memref_slice %arg4[%dma_wait3A, %dma_wait3A_324] : memref<100096x16xf32, #tpu.memory_space<hbm>> -> memref<100096x16xf32, #tpu.memory_space<hbm>>
      tpu.wait_indirect_dma semaphore(%arg12 : memref<!tpu.dma_semaphore, #tpu.memory_space<semaphore_mem>>) src(%dma_wait3A_325 : memref<100096x16xf32, #tpu.memory_space<hbm>>) dst(%arg9 : memref<1000x16xf32, #tpu.memory_space<vmem>>)
      "tpu.region"() ({
        %run_scoped3A = tpu.sem_alloc : memref<!tpu.dma_semaphore, #tpu.memory_space<semaphore_mem>>
        %dma_start3A_326 = arith.constant 0 : i32
        %dma_start3A_327 = arith.constant 0 : i32
        %dma_start3A_328 = tpu.memref_slice %arg11[%dma_start3A_326, %dma_start3A_327] : memref<100096x16xf32, #tpu.memory_space<vmem_shared>> -> memref<100096x16xf32, #tpu.memory_space<vmem_shared>>
        tpu.enqueue_indirect_dma source(%arg9 : memref<1000x16xf32, #tpu.memory_space<vmem>>) target(%dma_start3A_328 : memref<100096x16xf32, #tpu.memory_space<vmem_shared>>) offsets(%arg8 : memref<1000xi32, #tpu.memory_space<vmem>>) semaphore(%run_scoped3A : memref<!tpu.dma_semaphore, #tpu.memory_space<semaphore_mem>>) {add = true}
        %dma_wait3A_329 = arith.constant 0 : i32
        %dma_wait3A_330 = arith.constant 0 : i32
        %dma_wait3A_331 = tpu.memref_slice %arg11[%dma_wait3A_329, %dma_wait3A_330] : memref<100096x16xf32, #tpu.memory_space<vmem_shared>> -> memref<100096x16xf32, #tpu.memory_space<vmem_shared>>
        tpu.wait_indirect_dma semaphore(%run_scoped3A : memref<!tpu.dma_semaphore, #tpu.memory_space<semaphore_mem>>) src(%arg9 : memref<1000x16xf32, #tpu.memory_space<vmem>>) dst(%dma_wait3A_331 : memref<100096x16xf32, #tpu.memory_space<vmem_shared>>)
        tpu.yield
      }) : () -> ()
    }
    %scan3A_81 = arith.constant 100 : i32
    %barrier3A_82 = arith.constant 0 : index
    tpu.barrier barrier_id(%barrier3A_82)
    %mul3A_83 = arith.constant 6256 : i32
    %mul3A_84 = arith.muli %arg1, %mul3A_83 : i32
    %add3A_85 = arith.constant 0 : i32
    %add3A_86 = arith.addi %mul3A_84, %add3A_85 : i32
    "tpu.region"() ({
      %run_scoped3A = tpu.sem_alloc : memref<!tpu.dma_semaphore, #tpu.memory_space<semaphore_mem>>
      %dma_start3A = arith.constant 0 : i32
      %dma_start3A_318 = tpu.memref_slice %arg11[%add3A_86, %dma_start3A] : memref<100096x16xf32, #tpu.memory_space<vmem_shared>> -> memref<368x16xf32, #tpu.memory_space<vmem_shared>>
      %dma_start3A_319 = arith.constant 0 : i32
      %dma_start3A_320 = tpu.memref_slice %arg11[%add3A_86, %dma_start3A_319] : memref<100096x16xf32, #tpu.memory_space<vmem_shared>> -> memref<368x16xf32, #tpu.memory_space<vmem_shared>>
      tpu.enqueue_dma source(%dma_start3A_320 : memref<368x16xf32, #tpu.memory_space<vmem_shared>>) target(%arg10 : memref<368x16xf32, #tpu.memory_space<vmem>>) target_semaphore(%run_scoped3A : memref<!tpu.dma_semaphore, #tpu.memory_space<semaphore_mem>>)
      %dma_wait3A = arith.constant 0 : i32
      %dma_wait3A_321 = tpu.memref_slice %arg11[%add3A_86, %dma_wait3A] : memref<100096x16xf32, #tpu.memory_space<vmem_shared>> -> memref<368x16xf32, #tpu.memory_space<vmem_shared>>
      %dma_wait3A_322 = arith.constant 0 : i32
      %dma_wait3A_323 = tpu.memref_slice %arg11[%add3A_86, %dma_wait3A_322] : memref<100096x16xf32, #tpu.memory_space<vmem_shared>> -> memref<368x16xf32, #tpu.memory_space<vmem_shared>>
      tpu.wait_dma2 semaphore(%run_scoped3A : memref<!tpu.dma_semaphore, #tpu.memory_space<semaphore_mem>>) src(%dma_wait3A_323 : memref<368x16xf32, #tpu.memory_space<vmem_shared>>) dst(%arg10 : memref<368x16xf32, #tpu.memory_space<vmem>>)
      tpu.yield
    }) : () -> ()
    %eq3A = arith.constant 0 : i32
    %eq3A_87 = arith.cmpi eq, %arg0, %eq3A : i32
    %convert_element_type3A = arith.extui %eq3A_87 : i1 to i32
    %cond3A = arith.constant 0 : i32
    %cond3A_88 = arith.cmpi ne, %convert_element_type3A, %cond3A : i32
    scf.if %cond3A_88 {
      %mul3A_318 = arith.constant 6256 : i32
      %mul3A_319 = arith.muli %arg1, %mul3A_318 : i32
      %add3A_320 = arith.constant 0 : i32
      %add3A_321 = arith.addi %mul3A_319, %add3A_320 : i32
      "tpu.region"() ({
        %run_scoped3A = tpu.sem_alloc : memref<!tpu.dma_semaphore, #tpu.memory_space<semaphore_mem>>
        %dma_start3A = arith.constant 0 : i32
        %dma_start3A_322 = tpu.memref_slice %arg5[%add3A_321, %dma_start3A] : memref<100096x16xf32, #tpu.memory_space<hbm>> -> memref<368x16xf32, #tpu.memory_space<hbm>>
        %dma_start3A_323 = arith.constant 0 : i32
        %dma_start3A_324 = tpu.memref_slice %arg5[%add3A_321, %dma_start3A_323] : memref<100096x16xf32, #tpu.memory_space<hbm>> -> memref<368x16xf32, #tpu.memory_space<hbm>>
        tpu.enqueue_dma source(%arg10 : memref<368x16xf32, #tpu.memory_space<vmem>>) target(%dma_start3A_324 : memref<368x16xf32, #tpu.memory_space<hbm>>) target_semaphore(%run_scoped3A : memref<!tpu.dma_semaphore, #tpu.memory_space<semaphore_mem>>)
        %dma_wait3A = arith.constant 0 : i32
        %dma_wait3A_325 = tpu.memref_slice %arg5[%add3A_321, %dma_wait3A] : memref<100096x16xf32, #tpu.memory_space<hbm>> -> memref<368x16xf32, #tpu.memory_space<hbm>>
        %dma_wait3A_326 = arith.constant 0 : i32
        %dma_wait3A_327 = tpu.memref_slice %arg5[%add3A_321, %dma_wait3A_326] : memref<100096x16xf32, #tpu.memory_space<hbm>> -> memref<368x16xf32, #tpu.memory_space<hbm>>
        tpu.wait_dma2 semaphore(%run_scoped3A : memref<!tpu.dma_semaphore, #tpu.memory_space<semaphore_mem>>) src(%arg10 : memref<368x16xf32, #tpu.memory_space<vmem>>) dst(%dma_wait3A_327 : memref<368x16xf32, #tpu.memory_space<hbm>>)
        tpu.yield
      }) : () -> ()
    } else {
    }
    %eq3A_89 = arith.constant 1 : i32
    %eq3A_90 = arith.cmpi eq, %arg0, %eq3A_89 : i32
    %convert_element_type3A_91 = arith.extui %eq3A_90 : i1 to i32
    %cond3A_92 = arith.constant 0 : i32
    %cond3A_93 = arith.cmpi ne, %convert_element_type3A_91, %cond3A_92 : i32
    scf.if %cond3A_93 {
      %mul3A_318 = arith.constant 6256 : i32
      %mul3A_319 = arith.muli %arg1, %mul3A_318 : i32
      %add3A_320 = arith.constant 0 : i32
      %add3A_321 = arith.addi %mul3A_319, %add3A_320 : i32
      "tpu.region"() ({
        %run_scoped3A = tpu.sem_alloc : memref<!tpu.dma_semaphore, #tpu.memory_space<semaphore_mem>>
        %dma_start3A = arith.constant 0 : i32
        %dma_start3A_322 = tpu.memref_slice %arg6[%add3A_321, %dma_start3A] : memref<100096x16xf32, #tpu.memory_space<hbm>> -> memref<368x16xf32, #tpu.memory_space<hbm>>
        %dma_start3A_323 = arith.constant 0 : i32
        %dma_start3A_324 = tpu.memref_slice %arg6[%add3A_321, %dma_start3A_323] : memref<100096x16xf32, #tpu.memory_space<hbm>> -> memref<368x16xf32, #tpu.memory_space<hbm>>
        tpu.enqueue_dma source(%arg10 : memref<368x16xf32, #tpu.memory_space<vmem>>) target(%dma_start3A_324 : memref<368x16xf32, #tpu.memory_space<hbm>>) target_semaphore(%run_scoped3A : memref<!tpu.dma_semaphore, #tpu.memory_space<semaphore_mem>>)
        %dma_wait3A = arith.constant 0 : i32
        %dma_wait3A_325 = tpu.memref_slice %arg6[%add3A_321, %dma_wait3A] : memref<100096x16xf32, #tpu.memory_space<hbm>> -> memref<368x16xf32, #tpu.memory_space<hbm>>
        %dma_wait3A_326 = arith.constant 0 : i32
        %dma_wait3A_327 = tpu.memref_slice %arg6[%add3A_321, %dma_wait3A_326] : memref<100096x16xf32, #tpu.memory_space<hbm>> -> memref<368x16xf32, #tpu.memory_space<hbm>>
        tpu.wait_dma2 semaphore(%run_scoped3A : memref<!tpu.dma_semaphore, #tpu.memory_space<semaphore_mem>>) src(%arg10 : memref<368x16xf32, #tpu.memory_space<vmem>>) dst(%dma_wait3A_327 : memref<368x16xf32, #tpu.memory_space<hbm>>)
        tpu.yield
      }) : () -> ()
    } else {
    }
    %mul3A_94 = arith.constant 6256 : i32
    %mul3A_95 = arith.muli %arg1, %mul3A_94 : i32
    %add3A_96 = arith.constant 368 : i32
    %add3A_97 = arith.addi %mul3A_95, %add3A_96 : i32
    "tpu.region"() ({
      %run_scoped3A = tpu.sem_alloc : memref<!tpu.dma_semaphore, #tpu.memory_space<semaphore_mem>>
      %dma_start3A = arith.constant 0 : i32
      %dma_start3A_318 = tpu.memref_slice %arg11[%add3A_97, %dma_start3A] : memref<100096x16xf32, #tpu.memory_space<vmem_shared>> -> memref<368x16xf32, #tpu.memory_space<vmem_shared>>
      %dma_start3A_319 = arith.constant 0 : i32
      %dma_start3A_320 = tpu.memref_slice %arg11[%add3A_97, %dma_start3A_319] : memref<100096x16xf32, #tpu.memory_space<vmem_shared>> -> memref<368x16xf32, #tpu.memory_space<vmem_shared>>
      tpu.enqueue_dma source(%dma_start3A_320 : memref<368x16xf32, #tpu.memory_space<vmem_shared>>) target(%arg10 : memref<368x16xf32, #tpu.memory_space<vmem>>) target_semaphore(%run_scoped3A : memref<!tpu.dma_semaphore, #tpu.memory_space<semaphore_mem>>)
      %dma_wait3A = arith.constant 0 : i32
      %dma_wait3A_321 = tpu.memref_slice %arg11[%add3A_97, %dma_wait3A] : memref<100096x16xf32, #tpu.memory_space<vmem_shared>> -> memref<368x16xf32, #tpu.memory_space<vmem_shared>>
      %dma_wait3A_322 = arith.constant 0 : i32
      %dma_wait3A_323 = tpu.memref_slice %arg11[%add3A_97, %dma_wait3A_322] : memref<100096x16xf32, #tpu.memory_space<vmem_shared>> -> memref<368x16xf32, #tpu.memory_space<vmem_shared>>
      tpu.wait_dma2 semaphore(%run_scoped3A : memref<!tpu.dma_semaphore, #tpu.memory_space<semaphore_mem>>) src(%dma_wait3A_323 : memref<368x16xf32, #tpu.memory_space<vmem_shared>>) dst(%arg10 : memref<368x16xf32, #tpu.memory_space<vmem>>)
      tpu.yield
    }) : () -> ()
    %eq3A_98 = arith.constant 0 : i32
    %eq3A_99 = arith.cmpi eq, %arg0, %eq3A_98 : i32
    %convert_element_type3A_100 = arith.extui %eq3A_99 : i1 to i32
    %cond3A_101 = arith.constant 0 : i32
    %cond3A_102 = arith.cmpi ne, %convert_element_type3A_100, %cond3A_101 : i32
    scf.if %cond3A_102 {
      %mul3A_318 = arith.constant 6256 : i32
      %mul3A_319 = arith.muli %arg1, %mul3A_318 : i32
      %add3A_320 = arith.constant 368 : i32
      %add3A_321 = arith.addi %mul3A_319, %add3A_320 : i32
      "tpu.region"() ({
        %run_scoped3A = tpu.sem_alloc : memref<!tpu.dma_semaphore, #tpu.memory_space<semaphore_mem>>
        %dma_start3A = arith.constant 0 : i32
        %dma_start3A_322 = tpu.memref_slice %arg5[%add3A_321, %dma_start3A] : memref<100096x16xf32, #tpu.memory_space<hbm>> -> memref<368x16xf32, #tpu.memory_space<hbm>>
        %dma_start3A_323 = arith.constant 0 : i32
        %dma_start3A_324 = tpu.memref_slice %arg5[%add3A_321, %dma_start3A_323] : memref<100096x16xf32, #tpu.memory_space<hbm>> -> memref<368x16xf32, #tpu.memory_space<hbm>>
        tpu.enqueue_dma source(%arg10 : memref<368x16xf32, #tpu.memory_space<vmem>>) target(%dma_start3A_324 : memref<368x16xf32, #tpu.memory_space<hbm>>) target_semaphore(%run_scoped3A : memref<!tpu.dma_semaphore, #tpu.memory_space<semaphore_mem>>)
        %dma_wait3A = arith.constant 0 : i32
        %dma_wait3A_325 = tpu.memref_slice %arg5[%add3A_321, %dma_wait3A] : memref<100096x16xf32, #tpu.memory_space<hbm>> -> memref<368x16xf32, #tpu.memory_space<hbm>>
        %dma_wait3A_326 = arith.constant 0 : i32
        %dma_wait3A_327 = tpu.memref_slice %arg5[%add3A_321, %dma_wait3A_326] : memref<100096x16xf32, #tpu.memory_space<hbm>> -> memref<368x16xf32, #tpu.memory_space<hbm>>
        tpu.wait_dma2 semaphore(%run_scoped3A : memref<!tpu.dma_semaphore, #tpu.memory_space<semaphore_mem>>) src(%arg10 : memref<368x16xf32, #tpu.memory_space<vmem>>) dst(%dma_wait3A_327 : memref<368x16xf32, #tpu.memory_space<hbm>>)
        tpu.yield
      }) : () -> ()
    } else {
    }
    %eq3A_103 = arith.constant 1 : i32
    %eq3A_104 = arith.cmpi eq, %arg0, %eq3A_103 : i32
    %convert_element_type3A_105 = arith.extui %eq3A_104 : i1 to i32
    %cond3A_106 = arith.constant 0 : i32
    %cond3A_107 = arith.cmpi ne, %convert_element_type3A_105, %cond3A_106 : i32
    scf.if %cond3A_107 {
      %mul3A_318 = arith.constant 6256 : i32
      %mul3A_319 = arith.muli %arg1, %mul3A_318 : i32
      %add3A_320 = arith.constant 368 : i32
      %add3A_321 = arith.addi %mul3A_319, %add3A_320 : i32
      "tpu.region"() ({
        %run_scoped3A = tpu.sem_alloc : memref<!tpu.dma_semaphore, #tpu.memory_space<semaphore_mem>>
        %dma_start3A = arith.constant 0 : i32
        %dma_start3A_322 = tpu.memref_slice %arg6[%add3A_321, %dma_start3A] : memref<100096x16xf32, #tpu.memory_space<hbm>> -> memref<368x16xf32, #tpu.memory_space<hbm>>
        %dma_start3A_323 = arith.constant 0 : i32
        %dma_start3A_324 = tpu.memref_slice %arg6[%add3A_321, %dma_start3A_323] : memref<100096x16xf32, #tpu.memory_space<hbm>> -> memref<368x16xf32, #tpu.memory_space<hbm>>
        tpu.enqueue_dma source(%arg10 : memref<368x16xf32, #tpu.memory_space<vmem>>) target(%dma_start3A_324 : memref<368x16xf32, #tpu.memory_space<hbm>>) target_semaphore(%run_scoped3A : memref<!tpu.dma_semaphore, #tpu.memory_space<semaphore_mem>>)
        %dma_wait3A = arith.constant 0 : i32
        %dma_wait3A_325 = tpu.memref_slice %arg6[%add3A_321, %dma_wait3A] : memref<100096x16xf32, #tpu.memory_space<hbm>> -> memref<368x16xf32, #tpu.memory_space<hbm>>
        %dma_wait3A_326 = arith.constant 0 : i32
        %dma_wait3A_327 = tpu.memref_slice %arg6[%add3A_321, %dma_wait3A_326] : memref<100096x16xf32, #tpu.memory_space<hbm>> -> memref<368x16xf32, #tpu.memory_space<hbm>>
        tpu.wait_dma2 semaphore(%run_scoped3A : memref<!tpu.dma_semaphore, #tpu.memory_space<semaphore_mem>>) src(%arg10 : memref<368x16xf32, #tpu.memory_space<vmem>>) dst(%dma_wait3A_327 : memref<368x16xf32, #tpu.memory_space<hbm>>)
        tpu.yield
      }) : () -> ()
    } else {
    }
    %mul3A_108 = arith.constant 6256 : i32
    %mul3A_109 = arith.muli %arg1, %mul3A_108 : i32
    %add3A_110 = arith.constant 736 : i32
    %add3A_111 = arith.addi %mul3A_109, %add3A_110 : i32
    "tpu.region"() ({
      %run_scoped3A = tpu.sem_alloc : memref<!tpu.dma_semaphore, #tpu.memory_space<semaphore_mem>>
      %dma_start3A = arith.constant 0 : i32
      %dma_start3A_318 = tpu.memref_slice %arg11[%add3A_111, %dma_start3A] : memref<100096x16xf32, #tpu.memory_space<vmem_shared>> -> memref<368x16xf32, #tpu.memory_space<vmem_shared>>
      %dma_start3A_319 = arith.constant 0 : i32
      %dma_start3A_320 = tpu.memref_slice %arg11[%add3A_111, %dma_start3A_319] : memref<100096x16xf32, #tpu.memory_space<vmem_shared>> -> memref<368x16xf32, #tpu.memory_space<vmem_shared>>
      tpu.enqueue_dma source(%dma_start3A_320 : memref<368x16xf32, #tpu.memory_space<vmem_shared>>) target(%arg10 : memref<368x16xf32, #tpu.memory_space<vmem>>) target_semaphore(%run_scoped3A : memref<!tpu.dma_semaphore, #tpu.memory_space<semaphore_mem>>)
      %dma_wait3A = arith.constant 0 : i32
      %dma_wait3A_321 = tpu.memref_slice %arg11[%add3A_111, %dma_wait3A] : memref<100096x16xf32, #tpu.memory_space<vmem_shared>> -> memref<368x16xf32, #tpu.memory_space<vmem_shared>>
      %dma_wait3A_322 = arith.constant 0 : i32
      %dma_wait3A_323 = tpu.memref_slice %arg11[%add3A_111, %dma_wait3A_322] : memref<100096x16xf32, #tpu.memory_space<vmem_shared>> -> memref<368x16xf32, #tpu.memory_space<vmem_shared>>
      tpu.wait_dma2 semaphore(%run_scoped3A : memref<!tpu.dma_semaphore, #tpu.memory_space<semaphore_mem>>) src(%dma_wait3A_323 : memref<368x16xf32, #tpu.memory_space<vmem_shared>>) dst(%arg10 : memref<368x16xf32, #tpu.memory_space<vmem>>)
      tpu.yield
    }) : () -> ()
    %eq3A_112 = arith.constant 0 : i32
    %eq3A_113 = arith.cmpi eq, %arg0, %eq3A_112 : i32
    %convert_element_type3A_114 = arith.extui %eq3A_113 : i1 to i32
    %cond3A_115 = arith.constant 0 : i32
    %cond3A_116 = arith.cmpi ne, %convert_element_type3A_114, %cond3A_115 : i32
    scf.if %cond3A_116 {
      %mul3A_318 = arith.constant 6256 : i32
      %mul3A_319 = arith.muli %arg1, %mul3A_318 : i32
      %add3A_320 = arith.constant 736 : i32
      %add3A_321 = arith.addi %mul3A_319, %add3A_320 : i32
      "tpu.region"() ({
        %run_scoped3A = tpu.sem_alloc : memref<!tpu.dma_semaphore, #tpu.memory_space<semaphore_mem>>
        %dma_start3A = arith.constant 0 : i32
        %dma_start3A_322 = tpu.memref_slice %arg5[%add3A_321, %dma_start3A] : memref<100096x16xf32, #tpu.memory_space<hbm>> -> memref<368x16xf32, #tpu.memory_space<hbm>>
        %dma_start3A_323 = arith.constant 0 : i32
        %dma_start3A_324 = tpu.memref_slice %arg5[%add3A_321, %dma_start3A_323] : memref<100096x16xf32, #tpu.memory_space<hbm>> -> memref<368x16xf32, #tpu.memory_space<hbm>>
        tpu.enqueue_dma source(%arg10 : memref<368x16xf32, #tpu.memory_space<vmem>>) target(%dma_start3A_324 : memref<368x16xf32, #tpu.memory_space<hbm>>) target_semaphore(%run_scoped3A : memref<!tpu.dma_semaphore, #tpu.memory_space<semaphore_mem>>)
        %dma_wait3A = arith.constant 0 : i32
        %dma_wait3A_325 = tpu.memref_slice %arg5[%add3A_321, %dma_wait3A] : memref<100096x16xf32, #tpu.memory_space<hbm>> -> memref<368x16xf32, #tpu.memory_space<hbm>>
        %dma_wait3A_326 = arith.constant 0 : i32
        %dma_wait3A_327 = tpu.memref_slice %arg5[%add3A_321, %dma_wait3A_326] : memref<100096x16xf32, #tpu.memory_space<hbm>> -> memref<368x16xf32, #tpu.memory_space<hbm>>
        tpu.wait_dma2 semaphore(%run_scoped3A : memref<!tpu.dma_semaphore, #tpu.memory_space<semaphore_mem>>) src(%arg10 : memref<368x16xf32, #tpu.memory_space<vmem>>) dst(%dma_wait3A_327 : memref<368x16xf32, #tpu.memory_space<hbm>>)
        tpu.yield
      }) : () -> ()
    } else {
    }
    %eq3A_117 = arith.constant 1 : i32
    %eq3A_118 = arith.cmpi eq, %arg0, %eq3A_117 : i32
    %convert_element_type3A_119 = arith.extui %eq3A_118 : i1 to i32
    %cond3A_120 = arith.constant 0 : i32
    %cond3A_121 = arith.cmpi ne, %convert_element_type3A_119, %cond3A_120 : i32
    scf.if %cond3A_121 {
      %mul3A_318 = arith.constant 6256 : i32
      %mul3A_319 = arith.muli %arg1, %mul3A_318 : i32
      %add3A_320 = arith.constant 736 : i32
      %add3A_321 = arith.addi %mul3A_319, %add3A_320 : i32
      "tpu.region"() ({
        %run_scoped3A = tpu.sem_alloc : memref<!tpu.dma_semaphore, #tpu.memory_space<semaphore_mem>>
        %dma_start3A = arith.constant 0 : i32
        %dma_start3A_322 = tpu.memref_slice %arg6[%add3A_321, %dma_start3A] : memref<100096x16xf32, #tpu.memory_space<hbm>> -> memref<368x16xf32, #tpu.memory_space<hbm>>
        %dma_start3A_323 = arith.constant 0 : i32
        %dma_start3A_324 = tpu.memref_slice %arg6[%add3A_321, %dma_start3A_323] : memref<100096x16xf32, #tpu.memory_space<hbm>> -> memref<368x16xf32, #tpu.memory_space<hbm>>
        tpu.enqueue_dma source(%arg10 : memref<368x16xf32, #tpu.memory_space<vmem>>) target(%dma_start3A_324 : memref<368x16xf32, #tpu.memory_space<hbm>>) target_semaphore(%run_scoped3A : memref<!tpu.dma_semaphore, #tpu.memory_space<semaphore_mem>>)
        %dma_wait3A = arith.constant 0 : i32
        %dma_wait3A_325 = tpu.memref_slice %arg6[%add3A_321, %dma_wait3A] : memref<100096x16xf32, #tpu.memory_space<hbm>> -> memref<368x16xf32, #tpu.memory_space<hbm>>
        %dma_wait3A_326 = arith.constant 0 : i32
        %dma_wait3A_327 = tpu.memref_slice %arg6[%add3A_321, %dma_wait3A_326] : memref<100096x16xf32, #tpu.memory_space<hbm>> -> memref<368x16xf32, #tpu.memory_space<hbm>>
        tpu.wait_dma2 semaphore(%run_scoped3A : memref<!tpu.dma_semaphore, #tpu.memory_space<semaphore_mem>>) src(%arg10 : memref<368x16xf32, #tpu.memory_space<vmem>>) dst(%dma_wait3A_327 : memref<368x16xf32, #tpu.memory_space<hbm>>)
        tpu.yield
      }) : () -> ()
    } else {
    }
    %mul3A_122 = arith.constant 6256 : i32
    %mul3A_123 = arith.muli %arg1, %mul3A_122 : i32
    %add3A_124 = arith.constant 1104 : i32
    %add3A_125 = arith.addi %mul3A_123, %add3A_124 : i32
    "tpu.region"() ({
      %run_scoped3A = tpu.sem_alloc : memref<!tpu.dma_semaphore, #tpu.memory_space<semaphore_mem>>
      %dma_start3A = arith.constant 0 : i32
      %dma_start3A_318 = tpu.memref_slice %arg11[%add3A_125, %dma_start3A] : memref<100096x16xf32, #tpu.memory_space<vmem_shared>> -> memref<368x16xf32, #tpu.memory_space<vmem_shared>>
      %dma_start3A_319 = arith.constant 0 : i32
      %dma_start3A_320 = tpu.memref_slice %arg11[%add3A_125, %dma_start3A_319] : memref<100096x16xf32, #tpu.memory_space<vmem_shared>> -> memref<368x16xf32, #tpu.memory_space<vmem_shared>>
      tpu.enqueue_dma source(%dma_start3A_320 : memref<368x16xf32, #tpu.memory_space<vmem_shared>>) target(%arg10 : memref<368x16xf32, #tpu.memory_space<vmem>>) target_semaphore(%run_scoped3A : memref<!tpu.dma_semaphore, #tpu.memory_space<semaphore_mem>>)
      %dma_wait3A = arith.constant 0 : i32
      %dma_wait3A_321 = tpu.memref_slice %arg11[%add3A_125, %dma_wait3A] : memref<100096x16xf32, #tpu.memory_space<vmem_shared>> -> memref<368x16xf32, #tpu.memory_space<vmem_shared>>
      %dma_wait3A_322 = arith.constant 0 : i32
      %dma_wait3A_323 = tpu.memref_slice %arg11[%add3A_125, %dma_wait3A_322] : memref<100096x16xf32, #tpu.memory_space<vmem_shared>> -> memref<368x16xf32, #tpu.memory_space<vmem_shared>>
      tpu.wait_dma2 semaphore(%run_scoped3A : memref<!tpu.dma_semaphore, #tpu.memory_space<semaphore_mem>>) src(%dma_wait3A_323 : memref<368x16xf32, #tpu.memory_space<vmem_shared>>) dst(%arg10 : memref<368x16xf32, #tpu.memory_space<vmem>>)
      tpu.yield
    }) : () -> ()
    %eq3A_126 = arith.constant 0 : i32
    %eq3A_127 = arith.cmpi eq, %arg0, %eq3A_126 : i32
    %convert_element_type3A_128 = arith.extui %eq3A_127 : i1 to i32
    %cond3A_129 = arith.constant 0 : i32
    %cond3A_130 = arith.cmpi ne, %convert_element_type3A_128, %cond3A_129 : i32
    scf.if %cond3A_130 {
      %mul3A_318 = arith.constant 6256 : i32
      %mul3A_319 = arith.muli %arg1, %mul3A_318 : i32
      %add3A_320 = arith.constant 1104 : i32
      %add3A_321 = arith.addi %mul3A_319, %add3A_320 : i32
      "tpu.region"() ({
        %run_scoped3A = tpu.sem_alloc : memref<!tpu.dma_semaphore, #tpu.memory_space<semaphore_mem>>
        %dma_start3A = arith.constant 0 : i32
        %dma_start3A_322 = tpu.memref_slice %arg5[%add3A_321, %dma_start3A] : memref<100096x16xf32, #tpu.memory_space<hbm>> -> memref<368x16xf32, #tpu.memory_space<hbm>>
        %dma_start3A_323 = arith.constant 0 : i32
        %dma_start3A_324 = tpu.memref_slice %arg5[%add3A_321, %dma_start3A_323] : memref<100096x16xf32, #tpu.memory_space<hbm>> -> memref<368x16xf32, #tpu.memory_space<hbm>>
        tpu.enqueue_dma source(%arg10 : memref<368x16xf32, #tpu.memory_space<vmem>>) target(%dma_start3A_324 : memref<368x16xf32, #tpu.memory_space<hbm>>) target_semaphore(%run_scoped3A : memref<!tpu.dma_semaphore, #tpu.memory_space<semaphore_mem>>)
        %dma_wait3A = arith.constant 0 : i32
        %dma_wait3A_325 = tpu.memref_slice %arg5[%add3A_321, %dma_wait3A] : memref<100096x16xf32, #tpu.memory_space<hbm>> -> memref<368x16xf32, #tpu.memory_space<hbm>>
        %dma_wait3A_326 = arith.constant 0 : i32
        %dma_wait3A_327 = tpu.memref_slice %arg5[%add3A_321, %dma_wait3A_326] : memref<100096x16xf32, #tpu.memory_space<hbm>> -> memref<368x16xf32, #tpu.memory_space<hbm>>
        tpu.wait_dma2 semaphore(%run_scoped3A : memref<!tpu.dma_semaphore, #tpu.memory_space<semaphore_mem>>) src(%arg10 : memref<368x16xf32, #tpu.memory_space<vmem>>) dst(%dma_wait3A_327 : memref<368x16xf32, #tpu.memory_space<hbm>>)
        tpu.yield
      }) : () -> ()
    } else {
    }
    %eq3A_131 = arith.constant 1 : i32
    %eq3A_132 = arith.cmpi eq, %arg0, %eq3A_131 : i32
    %convert_element_type3A_133 = arith.extui %eq3A_132 : i1 to i32
    %cond3A_134 = arith.constant 0 : i32
    %cond3A_135 = arith.cmpi ne, %convert_element_type3A_133, %cond3A_134 : i32
    scf.if %cond3A_135 {
      %mul3A_318 = arith.constant 6256 : i32
      %mul3A_319 = arith.muli %arg1, %mul3A_318 : i32
      %add3A_320 = arith.constant 1104 : i32
      %add3A_321 = arith.addi %mul3A_319, %add3A_320 : i32
      "tpu.region"() ({
        %run_scoped3A = tpu.sem_alloc : memref<!tpu.dma_semaphore, #tpu.memory_space<semaphore_mem>>
        %dma_start3A = arith.constant 0 : i32
        %dma_start3A_322 = tpu.memref_slice %arg6[%add3A_321, %dma_start3A] : memref<100096x16xf32, #tpu.memory_space<hbm>> -> memref<368x16xf32, #tpu.memory_space<hbm>>
        %dma_start3A_323 = arith.constant 0 : i32
        %dma_start3A_324 = tpu.memref_slice %arg6[%add3A_321, %dma_start3A_323] : memref<100096x16xf32, #tpu.memory_space<hbm>> -> memref<368x16xf32, #tpu.memory_space<hbm>>
        tpu.enqueue_dma source(%arg10 : memref<368x16xf32, #tpu.memory_space<vmem>>) target(%dma_start3A_324 : memref<368x16xf32, #tpu.memory_space<hbm>>) target_semaphore(%run_scoped3A : memref<!tpu.dma_semaphore, #tpu.memory_space<semaphore_mem>>)
        %dma_wait3A = arith.constant 0 : i32
        %dma_wait3A_325 = tpu.memref_slice %arg6[%add3A_321, %dma_wait3A] : memref<100096x16xf32, #tpu.memory_space<hbm>> -> memref<368x16xf32, #tpu.memory_space<hbm>>
        %dma_wait3A_326 = arith.constant 0 : i32
        %dma_wait3A_327 = tpu.memref_slice %arg6[%add3A_321, %dma_wait3A_326] : memref<100096x16xf32, #tpu.memory_space<hbm>> -> memref<368x16xf32, #tpu.memory_space<hbm>>
        tpu.wait_dma2 semaphore(%run_scoped3A : memref<!tpu.dma_semaphore, #tpu.memory_space<semaphore_mem>>) src(%arg10 : memref<368x16xf32, #tpu.memory_space<vmem>>) dst(%dma_wait3A_327 : memref<368x16xf32, #tpu.memory_space<hbm>>)
        tpu.yield
      }) : () -> ()
    } else {
    }
    %mul3A_136 = arith.constant 6256 : i32
    %mul3A_137 = arith.muli %arg1, %mul3A_136 : i32
    %add3A_138 = arith.constant 1472 : i32
    %add3A_139 = arith.addi %mul3A_137, %add3A_138 : i32
    "tpu.region"() ({
      %run_scoped3A = tpu.sem_alloc : memref<!tpu.dma_semaphore, #tpu.memory_space<semaphore_mem>>
      %dma_start3A = arith.constant 0 : i32
      %dma_start3A_318 = tpu.memref_slice %arg11[%add3A_139, %dma_start3A] : memref<100096x16xf32, #tpu.memory_space<vmem_shared>> -> memref<368x16xf32, #tpu.memory_space<vmem_shared>>
      %dma_start3A_319 = arith.constant 0 : i32
      %dma_start3A_320 = tpu.memref_slice %arg11[%add3A_139, %dma_start3A_319] : memref<100096x16xf32, #tpu.memory_space<vmem_shared>> -> memref<368x16xf32, #tpu.memory_space<vmem_shared>>
      tpu.enqueue_dma source(%dma_start3A_320 : memref<368x16xf32, #tpu.memory_space<vmem_shared>>) target(%arg10 : memref<368x16xf32, #tpu.memory_space<vmem>>) target_semaphore(%run_scoped3A : memref<!tpu.dma_semaphore, #tpu.memory_space<semaphore_mem>>)
      %dma_wait3A = arith.constant 0 : i32
      %dma_wait3A_321 = tpu.memref_slice %arg11[%add3A_139, %dma_wait3A] : memref<100096x16xf32, #tpu.memory_space<vmem_shared>> -> memref<368x16xf32, #tpu.memory_space<vmem_shared>>
      %dma_wait3A_322 = arith.constant 0 : i32
      %dma_wait3A_323 = tpu.memref_slice %arg11[%add3A_139, %dma_wait3A_322] : memref<100096x16xf32, #tpu.memory_space<vmem_shared>> -> memref<368x16xf32, #tpu.memory_space<vmem_shared>>
      tpu.wait_dma2 semaphore(%run_scoped3A : memref<!tpu.dma_semaphore, #tpu.memory_space<semaphore_mem>>) src(%dma_wait3A_323 : memref<368x16xf32, #tpu.memory_space<vmem_shared>>) dst(%arg10 : memref<368x16xf32, #tpu.memory_space<vmem>>)
      tpu.yield
    }) : () -> ()
    %eq3A_140 = arith.constant 0 : i32
    %eq3A_141 = arith.cmpi eq, %arg0, %eq3A_140 : i32
    %convert_element_type3A_142 = arith.extui %eq3A_141 : i1 to i32
    %cond3A_143 = arith.constant 0 : i32
    %cond3A_144 = arith.cmpi ne, %convert_element_type3A_142, %cond3A_143 : i32
    scf.if %cond3A_144 {
      %mul3A_318 = arith.constant 6256 : i32
      %mul3A_319 = arith.muli %arg1, %mul3A_318 : i32
      %add3A_320 = arith.constant 1472 : i32
      %add3A_321 = arith.addi %mul3A_319, %add3A_320 : i32
      "tpu.region"() ({
        %run_scoped3A = tpu.sem_alloc : memref<!tpu.dma_semaphore, #tpu.memory_space<semaphore_mem>>
        %dma_start3A = arith.constant 0 : i32
        %dma_start3A_322 = tpu.memref_slice %arg5[%add3A_321, %dma_start3A] : memref<100096x16xf32, #tpu.memory_space<hbm>> -> memref<368x16xf32, #tpu.memory_space<hbm>>
        %dma_start3A_323 = arith.constant 0 : i32
        %dma_start3A_324 = tpu.memref_slice %arg5[%add3A_321, %dma_start3A_323] : memref<100096x16xf32, #tpu.memory_space<hbm>> -> memref<368x16xf32, #tpu.memory_space<hbm>>
        tpu.enqueue_dma source(%arg10 : memref<368x16xf32, #tpu.memory_space<vmem>>) target(%dma_start3A_324 : memref<368x16xf32, #tpu.memory_space<hbm>>) target_semaphore(%run_scoped3A : memref<!tpu.dma_semaphore, #tpu.memory_space<semaphore_mem>>)
        %dma_wait3A = arith.constant 0 : i32
        %dma_wait3A_325 = tpu.memref_slice %arg5[%add3A_321, %dma_wait3A] : memref<100096x16xf32, #tpu.memory_space<hbm>> -> memref<368x16xf32, #tpu.memory_space<hbm>>
        %dma_wait3A_326 = arith.constant 0 : i32
        %dma_wait3A_327 = tpu.memref_slice %arg5[%add3A_321, %dma_wait3A_326] : memref<100096x16xf32, #tpu.memory_space<hbm>> -> memref<368x16xf32, #tpu.memory_space<hbm>>
        tpu.wait_dma2 semaphore(%run_scoped3A : memref<!tpu.dma_semaphore, #tpu.memory_space<semaphore_mem>>) src(%arg10 : memref<368x16xf32, #tpu.memory_space<vmem>>) dst(%dma_wait3A_327 : memref<368x16xf32, #tpu.memory_space<hbm>>)
        tpu.yield
      }) : () -> ()
    } else {
    }
    %eq3A_145 = arith.constant 1 : i32
    %eq3A_146 = arith.cmpi eq, %arg0, %eq3A_145 : i32
    %convert_element_type3A_147 = arith.extui %eq3A_146 : i1 to i32
    %cond3A_148 = arith.constant 0 : i32
    %cond3A_149 = arith.cmpi ne, %convert_element_type3A_147, %cond3A_148 : i32
    scf.if %cond3A_149 {
      %mul3A_318 = arith.constant 6256 : i32
      %mul3A_319 = arith.muli %arg1, %mul3A_318 : i32
      %add3A_320 = arith.constant 1472 : i32
      %add3A_321 = arith.addi %mul3A_319, %add3A_320 : i32
      "tpu.region"() ({
        %run_scoped3A = tpu.sem_alloc : memref<!tpu.dma_semaphore, #tpu.memory_space<semaphore_mem>>
        %dma_start3A = arith.constant 0 : i32
        %dma_start3A_322 = tpu.memref_slice %arg6[%add3A_321, %dma_start3A] : memref<100096x16xf32, #tpu.memory_space<hbm>> -> memref<368x16xf32, #tpu.memory_space<hbm>>
        %dma_start3A_323 = arith.constant 0 : i32
        %dma_start3A_324 = tpu.memref_slice %arg6[%add3A_321, %dma_start3A_323] : memref<100096x16xf32, #tpu.memory_space<hbm>> -> memref<368x16xf32, #tpu.memory_space<hbm>>
        tpu.enqueue_dma source(%arg10 : memref<368x16xf32, #tpu.memory_space<vmem>>) target(%dma_start3A_324 : memref<368x16xf32, #tpu.memory_space<hbm>>) target_semaphore(%run_scoped3A : memref<!tpu.dma_semaphore, #tpu.memory_space<semaphore_mem>>)
        %dma_wait3A = arith.constant 0 : i32
        %dma_wait3A_325 = tpu.memref_slice %arg6[%add3A_321, %dma_wait3A] : memref<100096x16xf32, #tpu.memory_space<hbm>> -> memref<368x16xf32, #tpu.memory_space<hbm>>
        %dma_wait3A_326 = arith.constant 0 : i32
        %dma_wait3A_327 = tpu.memref_slice %arg6[%add3A_321, %dma_wait3A_326] : memref<100096x16xf32, #tpu.memory_space<hbm>> -> memref<368x16xf32, #tpu.memory_space<hbm>>
        tpu.wait_dma2 semaphore(%run_scoped3A : memref<!tpu.dma_semaphore, #tpu.memory_space<semaphore_mem>>) src(%arg10 : memref<368x16xf32, #tpu.memory_space<vmem>>) dst(%dma_wait3A_327 : memref<368x16xf32, #tpu.memory_space<hbm>>)
        tpu.yield
      }) : () -> ()
    } else {
    }
    %mul3A_150 = arith.constant 6256 : i32
    %mul3A_151 = arith.muli %arg1, %mul3A_150 : i32
    %add3A_152 = arith.constant 1840 : i32
    %add3A_153 = arith.addi %mul3A_151, %add3A_152 : i32
    "tpu.region"() ({
      %run_scoped3A = tpu.sem_alloc : memref<!tpu.dma_semaphore, #tpu.memory_space<semaphore_mem>>
      %dma_start3A = arith.constant 0 : i32
      %dma_start3A_318 = tpu.memref_slice %arg11[%add3A_153, %dma_start3A] : memref<100096x16xf32, #tpu.memory_space<vmem_shared>> -> memref<368x16xf32, #tpu.memory_space<vmem_shared>>
      %dma_start3A_319 = arith.constant 0 : i32
      %dma_start3A_320 = tpu.memref_slice %arg11[%add3A_153, %dma_start3A_319] : memref<100096x16xf32, #tpu.memory_space<vmem_shared>> -> memref<368x16xf32, #tpu.memory_space<vmem_shared>>
      tpu.enqueue_dma source(%dma_start3A_320 : memref<368x16xf32, #tpu.memory_space<vmem_shared>>) target(%arg10 : memref<368x16xf32, #tpu.memory_space<vmem>>) target_semaphore(%run_scoped3A : memref<!tpu.dma_semaphore, #tpu.memory_space<semaphore_mem>>)
      %dma_wait3A = arith.constant 0 : i32
      %dma_wait3A_321 = tpu.memref_slice %arg11[%add3A_153, %dma_wait3A] : memref<100096x16xf32, #tpu.memory_space<vmem_shared>> -> memref<368x16xf32, #tpu.memory_space<vmem_shared>>
      %dma_wait3A_322 = arith.constant 0 : i32
      %dma_wait3A_323 = tpu.memref_slice %arg11[%add3A_153, %dma_wait3A_322] : memref<100096x16xf32, #tpu.memory_space<vmem_shared>> -> memref<368x16xf32, #tpu.memory_space<vmem_shared>>
      tpu.wait_dma2 semaphore(%run_scoped3A : memref<!tpu.dma_semaphore, #tpu.memory_space<semaphore_mem>>) src(%dma_wait3A_323 : memref<368x16xf32, #tpu.memory_space<vmem_shared>>) dst(%arg10 : memref<368x16xf32, #tpu.memory_space<vmem>>)
      tpu.yield
    }) : () -> ()
    %eq3A_154 = arith.constant 0 : i32
    %eq3A_155 = arith.cmpi eq, %arg0, %eq3A_154 : i32
    %convert_element_type3A_156 = arith.extui %eq3A_155 : i1 to i32
    %cond3A_157 = arith.constant 0 : i32
    %cond3A_158 = arith.cmpi ne, %convert_element_type3A_156, %cond3A_157 : i32
    scf.if %cond3A_158 {
      %mul3A_318 = arith.constant 6256 : i32
      %mul3A_319 = arith.muli %arg1, %mul3A_318 : i32
      %add3A_320 = arith.constant 1840 : i32
      %add3A_321 = arith.addi %mul3A_319, %add3A_320 : i32
      "tpu.region"() ({
        %run_scoped3A = tpu.sem_alloc : memref<!tpu.dma_semaphore, #tpu.memory_space<semaphore_mem>>
        %dma_start3A = arith.constant 0 : i32
        %dma_start3A_322 = tpu.memref_slice %arg5[%add3A_321, %dma_start3A] : memref<100096x16xf32, #tpu.memory_space<hbm>> -> memref<368x16xf32, #tpu.memory_space<hbm>>
        %dma_start3A_323 = arith.constant 0 : i32
        %dma_start3A_324 = tpu.memref_slice %arg5[%add3A_321, %dma_start3A_323] : memref<100096x16xf32, #tpu.memory_space<hbm>> -> memref<368x16xf32, #tpu.memory_space<hbm>>
        tpu.enqueue_dma source(%arg10 : memref<368x16xf32, #tpu.memory_space<vmem>>) target(%dma_start3A_324 : memref<368x16xf32, #tpu.memory_space<hbm>>) target_semaphore(%run_scoped3A : memref<!tpu.dma_semaphore, #tpu.memory_space<semaphore_mem>>)
        %dma_wait3A = arith.constant 0 : i32
        %dma_wait3A_325 = tpu.memref_slice %arg5[%add3A_321, %dma_wait3A] : memref<100096x16xf32, #tpu.memory_space<hbm>> -> memref<368x16xf32, #tpu.memory_space<hbm>>
        %dma_wait3A_326 = arith.constant 0 : i32
        %dma_wait3A_327 = tpu.memref_slice %arg5[%add3A_321, %dma_wait3A_326] : memref<100096x16xf32, #tpu.memory_space<hbm>> -> memref<368x16xf32, #tpu.memory_space<hbm>>
        tpu.wait_dma2 semaphore(%run_scoped3A : memref<!tpu.dma_semaphore, #tpu.memory_space<semaphore_mem>>) src(%arg10 : memref<368x16xf32, #tpu.memory_space<vmem>>) dst(%dma_wait3A_327 : memref<368x16xf32, #tpu.memory_space<hbm>>)
        tpu.yield
      }) : () -> ()
    } else {
    }
    %eq3A_159 = arith.constant 1 : i32
    %eq3A_160 = arith.cmpi eq, %arg0, %eq3A_159 : i32
    %convert_element_type3A_161 = arith.extui %eq3A_160 : i1 to i32
    %cond3A_162 = arith.constant 0 : i32
    %cond3A_163 = arith.cmpi ne, %convert_element_type3A_161, %cond3A_162 : i32
    scf.if %cond3A_163 {
      %mul3A_318 = arith.constant 6256 : i32
      %mul3A_319 = arith.muli %arg1, %mul3A_318 : i32
      %add3A_320 = arith.constant 1840 : i32
      %add3A_321 = arith.addi %mul3A_319, %add3A_320 : i32
      "tpu.region"() ({
        %run_scoped3A = tpu.sem_alloc : memref<!tpu.dma_semaphore, #tpu.memory_space<semaphore_mem>>
        %dma_start3A = arith.constant 0 : i32
        %dma_start3A_322 = tpu.memref_slice %arg6[%add3A_321, %dma_start3A] : memref<100096x16xf32, #tpu.memory_space<hbm>> -> memref<368x16xf32, #tpu.memory_space<hbm>>
        %dma_start3A_323 = arith.constant 0 : i32
        %dma_start3A_324 = tpu.memref_slice %arg6[%add3A_321, %dma_start3A_323] : memref<100096x16xf32, #tpu.memory_space<hbm>> -> memref<368x16xf32, #tpu.memory_space<hbm>>
        tpu.enqueue_dma source(%arg10 : memref<368x16xf32, #tpu.memory_space<vmem>>) target(%dma_start3A_324 : memref<368x16xf32, #tpu.memory_space<hbm>>) target_semaphore(%run_scoped3A : memref<!tpu.dma_semaphore, #tpu.memory_space<semaphore_mem>>)
        %dma_wait3A = arith.constant 0 : i32
        %dma_wait3A_325 = tpu.memref_slice %arg6[%add3A_321, %dma_wait3A] : memref<100096x16xf32, #tpu.memory_space<hbm>> -> memref<368x16xf32, #tpu.memory_space<hbm>>
        %dma_wait3A_326 = arith.constant 0 : i32
        %dma_wait3A_327 = tpu.memref_slice %arg6[%add3A_321, %dma_wait3A_326] : memref<100096x16xf32, #tpu.memory_space<hbm>> -> memref<368x16xf32, #tpu.memory_space<hbm>>
        tpu.wait_dma2 semaphore(%run_scoped3A : memref<!tpu.dma_semaphore, #tpu.memory_space<semaphore_mem>>) src(%arg10 : memref<368x16xf32, #tpu.memory_space<vmem>>) dst(%dma_wait3A_327 : memref<368x16xf32, #tpu.memory_space<hbm>>)
        tpu.yield
      }) : () -> ()
    } else {
    }
    %mul3A_164 = arith.constant 6256 : i32
    %mul3A_165 = arith.muli %arg1, %mul3A_164 : i32
    %add3A_166 = arith.constant 2208 : i32
    %add3A_167 = arith.addi %mul3A_165, %add3A_166 : i32
    "tpu.region"() ({
      %run_scoped3A = tpu.sem_alloc : memref<!tpu.dma_semaphore, #tpu.memory_space<semaphore_mem>>
      %dma_start3A = arith.constant 0 : i32
      %dma_start3A_318 = tpu.memref_slice %arg11[%add3A_167, %dma_start3A] : memref<100096x16xf32, #tpu.memory_space<vmem_shared>> -> memref<368x16xf32, #tpu.memory_space<vmem_shared>>
      %dma_start3A_319 = arith.constant 0 : i32
      %dma_start3A_320 = tpu.memref_slice %arg11[%add3A_167, %dma_start3A_319] : memref<100096x16xf32, #tpu.memory_space<vmem_shared>> -> memref<368x16xf32, #tpu.memory_space<vmem_shared>>
      tpu.enqueue_dma source(%dma_start3A_320 : memref<368x16xf32, #tpu.memory_space<vmem_shared>>) target(%arg10 : memref<368x16xf32, #tpu.memory_space<vmem>>) target_semaphore(%run_scoped3A : memref<!tpu.dma_semaphore, #tpu.memory_space<semaphore_mem>>)
      %dma_wait3A = arith.constant 0 : i32
      %dma_wait3A_321 = tpu.memref_slice %arg11[%add3A_167, %dma_wait3A] : memref<100096x16xf32, #tpu.memory_space<vmem_shared>> -> memref<368x16xf32, #tpu.memory_space<vmem_shared>>
      %dma_wait3A_322 = arith.constant 0 : i32
      %dma_wait3A_323 = tpu.memref_slice %arg11[%add3A_167, %dma_wait3A_322] : memref<100096x16xf32, #tpu.memory_space<vmem_shared>> -> memref<368x16xf32, #tpu.memory_space<vmem_shared>>
      tpu.wait_dma2 semaphore(%run_scoped3A : memref<!tpu.dma_semaphore, #tpu.memory_space<semaphore_mem>>) src(%dma_wait3A_323 : memref<368x16xf32, #tpu.memory_space<vmem_shared>>) dst(%arg10 : memref<368x16xf32, #tpu.memory_space<vmem>>)
      tpu.yield
    }) : () -> ()
    %eq3A_168 = arith.constant 0 : i32
    %eq3A_169 = arith.cmpi eq, %arg0, %eq3A_168 : i32
    %convert_element_type3A_170 = arith.extui %eq3A_169 : i1 to i32
    %cond3A_171 = arith.constant 0 : i32
    %cond3A_172 = arith.cmpi ne, %convert_element_type3A_170, %cond3A_171 : i32
    scf.if %cond3A_172 {
      %mul3A_318 = arith.constant 6256 : i32
      %mul3A_319 = arith.muli %arg1, %mul3A_318 : i32
      %add3A_320 = arith.constant 2208 : i32
      %add3A_321 = arith.addi %mul3A_319, %add3A_320 : i32
      "tpu.region"() ({
        %run_scoped3A = tpu.sem_alloc : memref<!tpu.dma_semaphore, #tpu.memory_space<semaphore_mem>>
        %dma_start3A = arith.constant 0 : i32
        %dma_start3A_322 = tpu.memref_slice %arg5[%add3A_321, %dma_start3A] : memref<100096x16xf32, #tpu.memory_space<hbm>> -> memref<368x16xf32, #tpu.memory_space<hbm>>
        %dma_start3A_323 = arith.constant 0 : i32
        %dma_start3A_324 = tpu.memref_slice %arg5[%add3A_321, %dma_start3A_323] : memref<100096x16xf32, #tpu.memory_space<hbm>> -> memref<368x16xf32, #tpu.memory_space<hbm>>
        tpu.enqueue_dma source(%arg10 : memref<368x16xf32, #tpu.memory_space<vmem>>) target(%dma_start3A_324 : memref<368x16xf32, #tpu.memory_space<hbm>>) target_semaphore(%run_scoped3A : memref<!tpu.dma_semaphore, #tpu.memory_space<semaphore_mem>>)
        %dma_wait3A = arith.constant 0 : i32
        %dma_wait3A_325 = tpu.memref_slice %arg5[%add3A_321, %dma_wait3A] : memref<100096x16xf32, #tpu.memory_space<hbm>> -> memref<368x16xf32, #tpu.memory_space<hbm>>
        %dma_wait3A_326 = arith.constant 0 : i32
        %dma_wait3A_327 = tpu.memref_slice %arg5[%add3A_321, %dma_wait3A_326] : memref<100096x16xf32, #tpu.memory_space<hbm>> -> memref<368x16xf32, #tpu.memory_space<hbm>>
        tpu.wait_dma2 semaphore(%run_scoped3A : memref<!tpu.dma_semaphore, #tpu.memory_space<semaphore_mem>>) src(%arg10 : memref<368x16xf32, #tpu.memory_space<vmem>>) dst(%dma_wait3A_327 : memref<368x16xf32, #tpu.memory_space<hbm>>)
        tpu.yield
      }) : () -> ()
    } else {
    }
    %eq3A_173 = arith.constant 1 : i32
    %eq3A_174 = arith.cmpi eq, %arg0, %eq3A_173 : i32
    %convert_element_type3A_175 = arith.extui %eq3A_174 : i1 to i32
    %cond3A_176 = arith.constant 0 : i32
    %cond3A_177 = arith.cmpi ne, %convert_element_type3A_175, %cond3A_176 : i32
    scf.if %cond3A_177 {
      %mul3A_318 = arith.constant 6256 : i32
      %mul3A_319 = arith.muli %arg1, %mul3A_318 : i32
      %add3A_320 = arith.constant 2208 : i32
      %add3A_321 = arith.addi %mul3A_319, %add3A_320 : i32
      "tpu.region"() ({
        %run_scoped3A = tpu.sem_alloc : memref<!tpu.dma_semaphore, #tpu.memory_space<semaphore_mem>>
        %dma_start3A = arith.constant 0 : i32
        %dma_start3A_322 = tpu.memref_slice %arg6[%add3A_321, %dma_start3A] : memref<100096x16xf32, #tpu.memory_space<hbm>> -> memref<368x16xf32, #tpu.memory_space<hbm>>
        %dma_start3A_323 = arith.constant 0 : i32
        %dma_start3A_324 = tpu.memref_slice %arg6[%add3A_321, %dma_start3A_323] : memref<100096x16xf32, #tpu.memory_space<hbm>> -> memref<368x16xf32, #tpu.memory_space<hbm>>
        tpu.enqueue_dma source(%arg10 : memref<368x16xf32, #tpu.memory_space<vmem>>) target(%dma_start3A_324 : memref<368x16xf32, #tpu.memory_space<hbm>>) target_semaphore(%run_scoped3A : memref<!tpu.dma_semaphore, #tpu.memory_space<semaphore_mem>>)
        %dma_wait3A = arith.constant 0 : i32
        %dma_wait3A_325 = tpu.memref_slice %arg6[%add3A_321, %dma_wait3A] : memref<100096x16xf32, #tpu.memory_space<hbm>> -> memref<368x16xf32, #tpu.memory_space<hbm>>
        %dma_wait3A_326 = arith.constant 0 : i32
        %dma_wait3A_327 = tpu.memref_slice %arg6[%add3A_321, %dma_wait3A_326] : memref<100096x16xf32, #tpu.memory_space<hbm>> -> memref<368x16xf32, #tpu.memory_space<hbm>>
        tpu.wait_dma2 semaphore(%run_scoped3A : memref<!tpu.dma_semaphore, #tpu.memory_space<semaphore_mem>>) src(%arg10 : memref<368x16xf32, #tpu.memory_space<vmem>>) dst(%dma_wait3A_327 : memref<368x16xf32, #tpu.memory_space<hbm>>)
        tpu.yield
      }) : () -> ()
    } else {
    }
    %mul3A_178 = arith.constant 6256 : i32
    %mul3A_179 = arith.muli %arg1, %mul3A_178 : i32
    %add3A_180 = arith.constant 2576 : i32
    %add3A_181 = arith.addi %mul3A_179, %add3A_180 : i32
    "tpu.region"() ({
      %run_scoped3A = tpu.sem_alloc : memref<!tpu.dma_semaphore, #tpu.memory_space<semaphore_mem>>
      %dma_start3A = arith.constant 0 : i32
      %dma_start3A_318 = tpu.memref_slice %arg11[%add3A_181, %dma_start3A] : memref<100096x16xf32, #tpu.memory_space<vmem_shared>> -> memref<368x16xf32, #tpu.memory_space<vmem_shared>>
      %dma_start3A_319 = arith.constant 0 : i32
      %dma_start3A_320 = tpu.memref_slice %arg11[%add3A_181, %dma_start3A_319] : memref<100096x16xf32, #tpu.memory_space<vmem_shared>> -> memref<368x16xf32, #tpu.memory_space<vmem_shared>>
      tpu.enqueue_dma source(%dma_start3A_320 : memref<368x16xf32, #tpu.memory_space<vmem_shared>>) target(%arg10 : memref<368x16xf32, #tpu.memory_space<vmem>>) target_semaphore(%run_scoped3A : memref<!tpu.dma_semaphore, #tpu.memory_space<semaphore_mem>>)
      %dma_wait3A = arith.constant 0 : i32
      %dma_wait3A_321 = tpu.memref_slice %arg11[%add3A_181, %dma_wait3A] : memref<100096x16xf32, #tpu.memory_space<vmem_shared>> -> memref<368x16xf32, #tpu.memory_space<vmem_shared>>
      %dma_wait3A_322 = arith.constant 0 : i32
      %dma_wait3A_323 = tpu.memref_slice %arg11[%add3A_181, %dma_wait3A_322] : memref<100096x16xf32, #tpu.memory_space<vmem_shared>> -> memref<368x16xf32, #tpu.memory_space<vmem_shared>>
      tpu.wait_dma2 semaphore(%run_scoped3A : memref<!tpu.dma_semaphore, #tpu.memory_space<semaphore_mem>>) src(%dma_wait3A_323 : memref<368x16xf32, #tpu.memory_space<vmem_shared>>) dst(%arg10 : memref<368x16xf32, #tpu.memory_space<vmem>>)
      tpu.yield
    }) : () -> ()
    %eq3A_182 = arith.constant 0 : i32
    %eq3A_183 = arith.cmpi eq, %arg0, %eq3A_182 : i32
    %convert_element_type3A_184 = arith.extui %eq3A_183 : i1 to i32
    %cond3A_185 = arith.constant 0 : i32
    %cond3A_186 = arith.cmpi ne, %convert_element_type3A_184, %cond3A_185 : i32
    scf.if %cond3A_186 {
      %mul3A_318 = arith.constant 6256 : i32
      %mul3A_319 = arith.muli %arg1, %mul3A_318 : i32
      %add3A_320 = arith.constant 2576 : i32
      %add3A_321 = arith.addi %mul3A_319, %add3A_320 : i32
      "tpu.region"() ({
        %run_scoped3A = tpu.sem_alloc : memref<!tpu.dma_semaphore, #tpu.memory_space<semaphore_mem>>
        %dma_start3A = arith.constant 0 : i32
        %dma_start3A_322 = tpu.memref_slice %arg5[%add3A_321, %dma_start3A] : memref<100096x16xf32, #tpu.memory_space<hbm>> -> memref<368x16xf32, #tpu.memory_space<hbm>>
        %dma_start3A_323 = arith.constant 0 : i32
        %dma_start3A_324 = tpu.memref_slice %arg5[%add3A_321, %dma_start3A_323] : memref<100096x16xf32, #tpu.memory_space<hbm>> -> memref<368x16xf32, #tpu.memory_space<hbm>>
        tpu.enqueue_dma source(%arg10 : memref<368x16xf32, #tpu.memory_space<vmem>>) target(%dma_start3A_324 : memref<368x16xf32, #tpu.memory_space<hbm>>) target_semaphore(%run_scoped3A : memref<!tpu.dma_semaphore, #tpu.memory_space<semaphore_mem>>)
        %dma_wait3A = arith.constant 0 : i32
        %dma_wait3A_325 = tpu.memref_slice %arg5[%add3A_321, %dma_wait3A] : memref<100096x16xf32, #tpu.memory_space<hbm>> -> memref<368x16xf32, #tpu.memory_space<hbm>>
        %dma_wait3A_326 = arith.constant 0 : i32
        %dma_wait3A_327 = tpu.memref_slice %arg5[%add3A_321, %dma_wait3A_326] : memref<100096x16xf32, #tpu.memory_space<hbm>> -> memref<368x16xf32, #tpu.memory_space<hbm>>
        tpu.wait_dma2 semaphore(%run_scoped3A : memref<!tpu.dma_semaphore, #tpu.memory_space<semaphore_mem>>) src(%arg10 : memref<368x16xf32, #tpu.memory_space<vmem>>) dst(%dma_wait3A_327 : memref<368x16xf32, #tpu.memory_space<hbm>>)
        tpu.yield
      }) : () -> ()
    } else {
    }
    %eq3A_187 = arith.constant 1 : i32
    %eq3A_188 = arith.cmpi eq, %arg0, %eq3A_187 : i32
    %convert_element_type3A_189 = arith.extui %eq3A_188 : i1 to i32
    %cond3A_190 = arith.constant 0 : i32
    %cond3A_191 = arith.cmpi ne, %convert_element_type3A_189, %cond3A_190 : i32
    scf.if %cond3A_191 {
      %mul3A_318 = arith.constant 6256 : i32
      %mul3A_319 = arith.muli %arg1, %mul3A_318 : i32
      %add3A_320 = arith.constant 2576 : i32
      %add3A_321 = arith.addi %mul3A_319, %add3A_320 : i32
      "tpu.region"() ({
        %run_scoped3A = tpu.sem_alloc : memref<!tpu.dma_semaphore, #tpu.memory_space<semaphore_mem>>
        %dma_start3A = arith.constant 0 : i32
        %dma_start3A_322 = tpu.memref_slice %arg6[%add3A_321, %dma_start3A] : memref<100096x16xf32, #tpu.memory_space<hbm>> -> memref<368x16xf32, #tpu.memory_space<hbm>>
        %dma_start3A_323 = arith.constant 0 : i32
        %dma_start3A_324 = tpu.memref_slice %arg6[%add3A_321, %dma_start3A_323] : memref<100096x16xf32, #tpu.memory_space<hbm>> -> memref<368x16xf32, #tpu.memory_space<hbm>>
        tpu.enqueue_dma source(%arg10 : memref<368x16xf32, #tpu.memory_space<vmem>>) target(%dma_start3A_324 : memref<368x16xf32, #tpu.memory_space<hbm>>) target_semaphore(%run_scoped3A : memref<!tpu.dma_semaphore, #tpu.memory_space<semaphore_mem>>)
        %dma_wait3A = arith.constant 0 : i32
        %dma_wait3A_325 = tpu.memref_slice %arg6[%add3A_321, %dma_wait3A] : memref<100096x16xf32, #tpu.memory_space<hbm>> -> memref<368x16xf32, #tpu.memory_space<hbm>>
        %dma_wait3A_326 = arith.constant 0 : i32
        %dma_wait3A_327 = tpu.memref_slice %arg6[%add3A_321, %dma_wait3A_326] : memref<100096x16xf32, #tpu.memory_space<hbm>> -> memref<368x16xf32, #tpu.memory_space<hbm>>
        tpu.wait_dma2 semaphore(%run_scoped3A : memref<!tpu.dma_semaphore, #tpu.memory_space<semaphore_mem>>) src(%arg10 : memref<368x16xf32, #tpu.memory_space<vmem>>) dst(%dma_wait3A_327 : memref<368x16xf32, #tpu.memory_space<hbm>>)
        tpu.yield
      }) : () -> ()
    } else {
    }
    %mul3A_192 = arith.constant 6256 : i32
    %mul3A_193 = arith.muli %arg1, %mul3A_192 : i32
    %add3A_194 = arith.constant 2944 : i32
    %add3A_195 = arith.addi %mul3A_193, %add3A_194 : i32
    "tpu.region"() ({
      %run_scoped3A = tpu.sem_alloc : memref<!tpu.dma_semaphore, #tpu.memory_space<semaphore_mem>>
      %dma_start3A = arith.constant 0 : i32
      %dma_start3A_318 = tpu.memref_slice %arg11[%add3A_195, %dma_start3A] : memref<100096x16xf32, #tpu.memory_space<vmem_shared>> -> memref<368x16xf32, #tpu.memory_space<vmem_shared>>
      %dma_start3A_319 = arith.constant 0 : i32
      %dma_start3A_320 = tpu.memref_slice %arg11[%add3A_195, %dma_start3A_319] : memref<100096x16xf32, #tpu.memory_space<vmem_shared>> -> memref<368x16xf32, #tpu.memory_space<vmem_shared>>
      tpu.enqueue_dma source(%dma_start3A_320 : memref<368x16xf32, #tpu.memory_space<vmem_shared>>) target(%arg10 : memref<368x16xf32, #tpu.memory_space<vmem>>) target_semaphore(%run_scoped3A : memref<!tpu.dma_semaphore, #tpu.memory_space<semaphore_mem>>)
      %dma_wait3A = arith.constant 0 : i32
      %dma_wait3A_321 = tpu.memref_slice %arg11[%add3A_195, %dma_wait3A] : memref<100096x16xf32, #tpu.memory_space<vmem_shared>> -> memref<368x16xf32, #tpu.memory_space<vmem_shared>>
      %dma_wait3A_322 = arith.constant 0 : i32
      %dma_wait3A_323 = tpu.memref_slice %arg11[%add3A_195, %dma_wait3A_322] : memref<100096x16xf32, #tpu.memory_space<vmem_shared>> -> memref<368x16xf32, #tpu.memory_space<vmem_shared>>
      tpu.wait_dma2 semaphore(%run_scoped3A : memref<!tpu.dma_semaphore, #tpu.memory_space<semaphore_mem>>) src(%dma_wait3A_323 : memref<368x16xf32, #tpu.memory_space<vmem_shared>>) dst(%arg10 : memref<368x16xf32, #tpu.memory_space<vmem>>)
      tpu.yield
    }) : () -> ()
    %eq3A_196 = arith.constant 0 : i32
    %eq3A_197 = arith.cmpi eq, %arg0, %eq3A_196 : i32
    %convert_element_type3A_198 = arith.extui %eq3A_197 : i1 to i32
    %cond3A_199 = arith.constant 0 : i32
    %cond3A_200 = arith.cmpi ne, %convert_element_type3A_198, %cond3A_199 : i32
    scf.if %cond3A_200 {
      %mul3A_318 = arith.constant 6256 : i32
      %mul3A_319 = arith.muli %arg1, %mul3A_318 : i32
      %add3A_320 = arith.constant 2944 : i32
      %add3A_321 = arith.addi %mul3A_319, %add3A_320 : i32
      "tpu.region"() ({
        %run_scoped3A = tpu.sem_alloc : memref<!tpu.dma_semaphore, #tpu.memory_space<semaphore_mem>>
        %dma_start3A = arith.constant 0 : i32
        %dma_start3A_322 = tpu.memref_slice %arg5[%add3A_321, %dma_start3A] : memref<100096x16xf32, #tpu.memory_space<hbm>> -> memref<368x16xf32, #tpu.memory_space<hbm>>
        %dma_start3A_323 = arith.constant 0 : i32
        %dma_start3A_324 = tpu.memref_slice %arg5[%add3A_321, %dma_start3A_323] : memref<100096x16xf32, #tpu.memory_space<hbm>> -> memref<368x16xf32, #tpu.memory_space<hbm>>
        tpu.enqueue_dma source(%arg10 : memref<368x16xf32, #tpu.memory_space<vmem>>) target(%dma_start3A_324 : memref<368x16xf32, #tpu.memory_space<hbm>>) target_semaphore(%run_scoped3A : memref<!tpu.dma_semaphore, #tpu.memory_space<semaphore_mem>>)
        %dma_wait3A = arith.constant 0 : i32
        %dma_wait3A_325 = tpu.memref_slice %arg5[%add3A_321, %dma_wait3A] : memref<100096x16xf32, #tpu.memory_space<hbm>> -> memref<368x16xf32, #tpu.memory_space<hbm>>
        %dma_wait3A_326 = arith.constant 0 : i32
        %dma_wait3A_327 = tpu.memref_slice %arg5[%add3A_321, %dma_wait3A_326] : memref<100096x16xf32, #tpu.memory_space<hbm>> -> memref<368x16xf32, #tpu.memory_space<hbm>>
        tpu.wait_dma2 semaphore(%run_scoped3A : memref<!tpu.dma_semaphore, #tpu.memory_space<semaphore_mem>>) src(%arg10 : memref<368x16xf32, #tpu.memory_space<vmem>>) dst(%dma_wait3A_327 : memref<368x16xf32, #tpu.memory_space<hbm>>)
        tpu.yield
      }) : () -> ()
    } else {
    }
    %eq3A_201 = arith.constant 1 : i32
    %eq3A_202 = arith.cmpi eq, %arg0, %eq3A_201 : i32
    %convert_element_type3A_203 = arith.extui %eq3A_202 : i1 to i32
    %cond3A_204 = arith.constant 0 : i32
    %cond3A_205 = arith.cmpi ne, %convert_element_type3A_203, %cond3A_204 : i32
    scf.if %cond3A_205 {
      %mul3A_318 = arith.constant 6256 : i32
      %mul3A_319 = arith.muli %arg1, %mul3A_318 : i32
      %add3A_320 = arith.constant 2944 : i32
      %add3A_321 = arith.addi %mul3A_319, %add3A_320 : i32
      "tpu.region"() ({
        %run_scoped3A = tpu.sem_alloc : memref<!tpu.dma_semaphore, #tpu.memory_space<semaphore_mem>>
        %dma_start3A = arith.constant 0 : i32
        %dma_start3A_322 = tpu.memref_slice %arg6[%add3A_321, %dma_start3A] : memref<100096x16xf32, #tpu.memory_space<hbm>> -> memref<368x16xf32, #tpu.memory_space<hbm>>
        %dma_start3A_323 = arith.constant 0 : i32
        %dma_start3A_324 = tpu.memref_slice %arg6[%add3A_321, %dma_start3A_323] : memref<100096x16xf32, #tpu.memory_space<hbm>> -> memref<368x16xf32, #tpu.memory_space<hbm>>
        tpu.enqueue_dma source(%arg10 : memref<368x16xf32, #tpu.memory_space<vmem>>) target(%dma_start3A_324 : memref<368x16xf32, #tpu.memory_space<hbm>>) target_semaphore(%run_scoped3A : memref<!tpu.dma_semaphore, #tpu.memory_space<semaphore_mem>>)
        %dma_wait3A = arith.constant 0 : i32
        %dma_wait3A_325 = tpu.memref_slice %arg6[%add3A_321, %dma_wait3A] : memref<100096x16xf32, #tpu.memory_space<hbm>> -> memref<368x16xf32, #tpu.memory_space<hbm>>
        %dma_wait3A_326 = arith.constant 0 : i32
        %dma_wait3A_327 = tpu.memref_slice %arg6[%add3A_321, %dma_wait3A_326] : memref<100096x16xf32, #tpu.memory_space<hbm>> -> memref<368x16xf32, #tpu.memory_space<hbm>>
        tpu.wait_dma2 semaphore(%run_scoped3A : memref<!tpu.dma_semaphore, #tpu.memory_space<semaphore_mem>>) src(%arg10 : memref<368x16xf32, #tpu.memory_space<vmem>>) dst(%dma_wait3A_327 : memref<368x16xf32, #tpu.memory_space<hbm>>)
        tpu.yield
      }) : () -> ()
    } else {
    }
    %mul3A_206 = arith.constant 6256 : i32
    %mul3A_207 = arith.muli %arg1, %mul3A_206 : i32
    %add3A_208 = arith.constant 3312 : i32
    %add3A_209 = arith.addi %mul3A_207, %add3A_208 : i32
    "tpu.region"() ({
      %run_scoped3A = tpu.sem_alloc : memref<!tpu.dma_semaphore, #tpu.memory_space<semaphore_mem>>
      %dma_start3A = arith.constant 0 : i32
      %dma_start3A_318 = tpu.memref_slice %arg11[%add3A_209, %dma_start3A] : memref<100096x16xf32, #tpu.memory_space<vmem_shared>> -> memref<368x16xf32, #tpu.memory_space<vmem_shared>>
      %dma_start3A_319 = arith.constant 0 : i32
      %dma_start3A_320 = tpu.memref_slice %arg11[%add3A_209, %dma_start3A_319] : memref<100096x16xf32, #tpu.memory_space<vmem_shared>> -> memref<368x16xf32, #tpu.memory_space<vmem_shared>>
      tpu.enqueue_dma source(%dma_start3A_320 : memref<368x16xf32, #tpu.memory_space<vmem_shared>>) target(%arg10 : memref<368x16xf32, #tpu.memory_space<vmem>>) target_semaphore(%run_scoped3A : memref<!tpu.dma_semaphore, #tpu.memory_space<semaphore_mem>>)
      %dma_wait3A = arith.constant 0 : i32
      %dma_wait3A_321 = tpu.memref_slice %arg11[%add3A_209, %dma_wait3A] : memref<100096x16xf32, #tpu.memory_space<vmem_shared>> -> memref<368x16xf32, #tpu.memory_space<vmem_shared>>
      %dma_wait3A_322 = arith.constant 0 : i32
      %dma_wait3A_323 = tpu.memref_slice %arg11[%add3A_209, %dma_wait3A_322] : memref<100096x16xf32, #tpu.memory_space<vmem_shared>> -> memref<368x16xf32, #tpu.memory_space<vmem_shared>>
      tpu.wait_dma2 semaphore(%run_scoped3A : memref<!tpu.dma_semaphore, #tpu.memory_space<semaphore_mem>>) src(%dma_wait3A_323 : memref<368x16xf32, #tpu.memory_space<vmem_shared>>) dst(%arg10 : memref<368x16xf32, #tpu.memory_space<vmem>>)
      tpu.yield
    }) : () -> ()
    %eq3A_210 = arith.constant 0 : i32
    %eq3A_211 = arith.cmpi eq, %arg0, %eq3A_210 : i32
    %convert_element_type3A_212 = arith.extui %eq3A_211 : i1 to i32
    %cond3A_213 = arith.constant 0 : i32
    %cond3A_214 = arith.cmpi ne, %convert_element_type3A_212, %cond3A_213 : i32
    scf.if %cond3A_214 {
      %mul3A_318 = arith.constant 6256 : i32
      %mul3A_319 = arith.muli %arg1, %mul3A_318 : i32
      %add3A_320 = arith.constant 3312 : i32
      %add3A_321 = arith.addi %mul3A_319, %add3A_320 : i32
      "tpu.region"() ({
        %run_scoped3A = tpu.sem_alloc : memref<!tpu.dma_semaphore, #tpu.memory_space<semaphore_mem>>
        %dma_start3A = arith.constant 0 : i32
        %dma_start3A_322 = tpu.memref_slice %arg5[%add3A_321, %dma_start3A] : memref<100096x16xf32, #tpu.memory_space<hbm>> -> memref<368x16xf32, #tpu.memory_space<hbm>>
        %dma_start3A_323 = arith.constant 0 : i32
        %dma_start3A_324 = tpu.memref_slice %arg5[%add3A_321, %dma_start3A_323] : memref<100096x16xf32, #tpu.memory_space<hbm>> -> memref<368x16xf32, #tpu.memory_space<hbm>>
        tpu.enqueue_dma source(%arg10 : memref<368x16xf32, #tpu.memory_space<vmem>>) target(%dma_start3A_324 : memref<368x16xf32, #tpu.memory_space<hbm>>) target_semaphore(%run_scoped3A : memref<!tpu.dma_semaphore, #tpu.memory_space<semaphore_mem>>)
        %dma_wait3A = arith.constant 0 : i32
        %dma_wait3A_325 = tpu.memref_slice %arg5[%add3A_321, %dma_wait3A] : memref<100096x16xf32, #tpu.memory_space<hbm>> -> memref<368x16xf32, #tpu.memory_space<hbm>>
        %dma_wait3A_326 = arith.constant 0 : i32
        %dma_wait3A_327 = tpu.memref_slice %arg5[%add3A_321, %dma_wait3A_326] : memref<100096x16xf32, #tpu.memory_space<hbm>> -> memref<368x16xf32, #tpu.memory_space<hbm>>
        tpu.wait_dma2 semaphore(%run_scoped3A : memref<!tpu.dma_semaphore, #tpu.memory_space<semaphore_mem>>) src(%arg10 : memref<368x16xf32, #tpu.memory_space<vmem>>) dst(%dma_wait3A_327 : memref<368x16xf32, #tpu.memory_space<hbm>>)
        tpu.yield
      }) : () -> ()
    } else {
    }
    %eq3A_215 = arith.constant 1 : i32
    %eq3A_216 = arith.cmpi eq, %arg0, %eq3A_215 : i32
    %convert_element_type3A_217 = arith.extui %eq3A_216 : i1 to i32
    %cond3A_218 = arith.constant 0 : i32
    %cond3A_219 = arith.cmpi ne, %convert_element_type3A_217, %cond3A_218 : i32
    scf.if %cond3A_219 {
      %mul3A_318 = arith.constant 6256 : i32
      %mul3A_319 = arith.muli %arg1, %mul3A_318 : i32
      %add3A_320 = arith.constant 3312 : i32
      %add3A_321 = arith.addi %mul3A_319, %add3A_320 : i32
      "tpu.region"() ({
        %run_scoped3A = tpu.sem_alloc : memref<!tpu.dma_semaphore, #tpu.memory_space<semaphore_mem>>
        %dma_start3A = arith.constant 0 : i32
        %dma_start3A_322 = tpu.memref_slice %arg6[%add3A_321, %dma_start3A] : memref<100096x16xf32, #tpu.memory_space<hbm>> -> memref<368x16xf32, #tpu.memory_space<hbm>>
        %dma_start3A_323 = arith.constant 0 : i32
        %dma_start3A_324 = tpu.memref_slice %arg6[%add3A_321, %dma_start3A_323] : memref<100096x16xf32, #tpu.memory_space<hbm>> -> memref<368x16xf32, #tpu.memory_space<hbm>>
        tpu.enqueue_dma source(%arg10 : memref<368x16xf32, #tpu.memory_space<vmem>>) target(%dma_start3A_324 : memref<368x16xf32, #tpu.memory_space<hbm>>) target_semaphore(%run_scoped3A : memref<!tpu.dma_semaphore, #tpu.memory_space<semaphore_mem>>)
        %dma_wait3A = arith.constant 0 : i32
        %dma_wait3A_325 = tpu.memref_slice %arg6[%add3A_321, %dma_wait3A] : memref<100096x16xf32, #tpu.memory_space<hbm>> -> memref<368x16xf32, #tpu.memory_space<hbm>>
        %dma_wait3A_326 = arith.constant 0 : i32
        %dma_wait3A_327 = tpu.memref_slice %arg6[%add3A_321, %dma_wait3A_326] : memref<100096x16xf32, #tpu.memory_space<hbm>> -> memref<368x16xf32, #tpu.memory_space<hbm>>
        tpu.wait_dma2 semaphore(%run_scoped3A : memref<!tpu.dma_semaphore, #tpu.memory_space<semaphore_mem>>) src(%arg10 : memref<368x16xf32, #tpu.memory_space<vmem>>) dst(%dma_wait3A_327 : memref<368x16xf32, #tpu.memory_space<hbm>>)
        tpu.yield
      }) : () -> ()
    } else {
    }
    %mul3A_220 = arith.constant 6256 : i32
    %mul3A_221 = arith.muli %arg1, %mul3A_220 : i32
    %add3A_222 = arith.constant 3680 : i32
    %add3A_223 = arith.addi %mul3A_221, %add3A_222 : i32
    "tpu.region"() ({
      %run_scoped3A = tpu.sem_alloc : memref<!tpu.dma_semaphore, #tpu.memory_space<semaphore_mem>>
      %dma_start3A = arith.constant 0 : i32
      %dma_start3A_318 = tpu.memref_slice %arg11[%add3A_223, %dma_start3A] : memref<100096x16xf32, #tpu.memory_space<vmem_shared>> -> memref<368x16xf32, #tpu.memory_space<vmem_shared>>
      %dma_start3A_319 = arith.constant 0 : i32
      %dma_start3A_320 = tpu.memref_slice %arg11[%add3A_223, %dma_start3A_319] : memref<100096x16xf32, #tpu.memory_space<vmem_shared>> -> memref<368x16xf32, #tpu.memory_space<vmem_shared>>
      tpu.enqueue_dma source(%dma_start3A_320 : memref<368x16xf32, #tpu.memory_space<vmem_shared>>) target(%arg10 : memref<368x16xf32, #tpu.memory_space<vmem>>) target_semaphore(%run_scoped3A : memref<!tpu.dma_semaphore, #tpu.memory_space<semaphore_mem>>)
      %dma_wait3A = arith.constant 0 : i32
      %dma_wait3A_321 = tpu.memref_slice %arg11[%add3A_223, %dma_wait3A] : memref<100096x16xf32, #tpu.memory_space<vmem_shared>> -> memref<368x16xf32, #tpu.memory_space<vmem_shared>>
      %dma_wait3A_322 = arith.constant 0 : i32
      %dma_wait3A_323 = tpu.memref_slice %arg11[%add3A_223, %dma_wait3A_322] : memref<100096x16xf32, #tpu.memory_space<vmem_shared>> -> memref<368x16xf32, #tpu.memory_space<vmem_shared>>
      tpu.wait_dma2 semaphore(%run_scoped3A : memref<!tpu.dma_semaphore, #tpu.memory_space<semaphore_mem>>) src(%dma_wait3A_323 : memref<368x16xf32, #tpu.memory_space<vmem_shared>>) dst(%arg10 : memref<368x16xf32, #tpu.memory_space<vmem>>)
      tpu.yield
    }) : () -> ()
    %eq3A_224 = arith.constant 0 : i32
    %eq3A_225 = arith.cmpi eq, %arg0, %eq3A_224 : i32
    %convert_element_type3A_226 = arith.extui %eq3A_225 : i1 to i32
    %cond3A_227 = arith.constant 0 : i32
    %cond3A_228 = arith.cmpi ne, %convert_element_type3A_226, %cond3A_227 : i32
    scf.if %cond3A_228 {
      %mul3A_318 = arith.constant 6256 : i32
      %mul3A_319 = arith.muli %arg1, %mul3A_318 : i32
      %add3A_320 = arith.constant 3680 : i32
      %add3A_321 = arith.addi %mul3A_319, %add3A_320 : i32
      "tpu.region"() ({
        %run_scoped3A = tpu.sem_alloc : memref<!tpu.dma_semaphore, #tpu.memory_space<semaphore_mem>>
        %dma_start3A = arith.constant 0 : i32
        %dma_start3A_322 = tpu.memref_slice %arg5[%add3A_321, %dma_start3A] : memref<100096x16xf32, #tpu.memory_space<hbm>> -> memref<368x16xf32, #tpu.memory_space<hbm>>
        %dma_start3A_323 = arith.constant 0 : i32
        %dma_start3A_324 = tpu.memref_slice %arg5[%add3A_321, %dma_start3A_323] : memref<100096x16xf32, #tpu.memory_space<hbm>> -> memref<368x16xf32, #tpu.memory_space<hbm>>
        tpu.enqueue_dma source(%arg10 : memref<368x16xf32, #tpu.memory_space<vmem>>) target(%dma_start3A_324 : memref<368x16xf32, #tpu.memory_space<hbm>>) target_semaphore(%run_scoped3A : memref<!tpu.dma_semaphore, #tpu.memory_space<semaphore_mem>>)
        %dma_wait3A = arith.constant 0 : i32
        %dma_wait3A_325 = tpu.memref_slice %arg5[%add3A_321, %dma_wait3A] : memref<100096x16xf32, #tpu.memory_space<hbm>> -> memref<368x16xf32, #tpu.memory_space<hbm>>
        %dma_wait3A_326 = arith.constant 0 : i32
        %dma_wait3A_327 = tpu.memref_slice %arg5[%add3A_321, %dma_wait3A_326] : memref<100096x16xf32, #tpu.memory_space<hbm>> -> memref<368x16xf32, #tpu.memory_space<hbm>>
        tpu.wait_dma2 semaphore(%run_scoped3A : memref<!tpu.dma_semaphore, #tpu.memory_space<semaphore_mem>>) src(%arg10 : memref<368x16xf32, #tpu.memory_space<vmem>>) dst(%dma_wait3A_327 : memref<368x16xf32, #tpu.memory_space<hbm>>)
        tpu.yield
      }) : () -> ()
    } else {
    }
    %eq3A_229 = arith.constant 1 : i32
    %eq3A_230 = arith.cmpi eq, %arg0, %eq3A_229 : i32
    %convert_element_type3A_231 = arith.extui %eq3A_230 : i1 to i32
    %cond3A_232 = arith.constant 0 : i32
    %cond3A_233 = arith.cmpi ne, %convert_element_type3A_231, %cond3A_232 : i32
    scf.if %cond3A_233 {
      %mul3A_318 = arith.constant 6256 : i32
      %mul3A_319 = arith.muli %arg1, %mul3A_318 : i32
      %add3A_320 = arith.constant 3680 : i32
      %add3A_321 = arith.addi %mul3A_319, %add3A_320 : i32
      "tpu.region"() ({
        %run_scoped3A = tpu.sem_alloc : memref<!tpu.dma_semaphore, #tpu.memory_space<semaphore_mem>>
        %dma_start3A = arith.constant 0 : i32
        %dma_start3A_322 = tpu.memref_slice %arg6[%add3A_321, %dma_start3A] : memref<100096x16xf32, #tpu.memory_space<hbm>> -> memref<368x16xf32, #tpu.memory_space<hbm>>
        %dma_start3A_323 = arith.constant 0 : i32
        %dma_start3A_324 = tpu.memref_slice %arg6[%add3A_321, %dma_start3A_323] : memref<100096x16xf32, #tpu.memory_space<hbm>> -> memref<368x16xf32, #tpu.memory_space<hbm>>
        tpu.enqueue_dma source(%arg10 : memref<368x16xf32, #tpu.memory_space<vmem>>) target(%dma_start3A_324 : memref<368x16xf32, #tpu.memory_space<hbm>>) target_semaphore(%run_scoped3A : memref<!tpu.dma_semaphore, #tpu.memory_space<semaphore_mem>>)
        %dma_wait3A = arith.constant 0 : i32
        %dma_wait3A_325 = tpu.memref_slice %arg6[%add3A_321, %dma_wait3A] : memref<100096x16xf32, #tpu.memory_space<hbm>> -> memref<368x16xf32, #tpu.memory_space<hbm>>
        %dma_wait3A_326 = arith.constant 0 : i32
        %dma_wait3A_327 = tpu.memref_slice %arg6[%add3A_321, %dma_wait3A_326] : memref<100096x16xf32, #tpu.memory_space<hbm>> -> memref<368x16xf32, #tpu.memory_space<hbm>>
        tpu.wait_dma2 semaphore(%run_scoped3A : memref<!tpu.dma_semaphore, #tpu.memory_space<semaphore_mem>>) src(%arg10 : memref<368x16xf32, #tpu.memory_space<vmem>>) dst(%dma_wait3A_327 : memref<368x16xf32, #tpu.memory_space<hbm>>)
        tpu.yield
      }) : () -> ()
    } else {
    }
    %mul3A_234 = arith.constant 6256 : i32
    %mul3A_235 = arith.muli %arg1, %mul3A_234 : i32
    %add3A_236 = arith.constant 4048 : i32
    %add3A_237 = arith.addi %mul3A_235, %add3A_236 : i32
    "tpu.region"() ({
      %run_scoped3A = tpu.sem_alloc : memref<!tpu.dma_semaphore, #tpu.memory_space<semaphore_mem>>
      %dma_start3A = arith.constant 0 : i32
      %dma_start3A_318 = tpu.memref_slice %arg11[%add3A_237, %dma_start3A] : memref<100096x16xf32, #tpu.memory_space<vmem_shared>> -> memref<368x16xf32, #tpu.memory_space<vmem_shared>>
      %dma_start3A_319 = arith.constant 0 : i32
      %dma_start3A_320 = tpu.memref_slice %arg11[%add3A_237, %dma_start3A_319] : memref<100096x16xf32, #tpu.memory_space<vmem_shared>> -> memref<368x16xf32, #tpu.memory_space<vmem_shared>>
      tpu.enqueue_dma source(%dma_start3A_320 : memref<368x16xf32, #tpu.memory_space<vmem_shared>>) target(%arg10 : memref<368x16xf32, #tpu.memory_space<vmem>>) target_semaphore(%run_scoped3A : memref<!tpu.dma_semaphore, #tpu.memory_space<semaphore_mem>>)
      %dma_wait3A = arith.constant 0 : i32
      %dma_wait3A_321 = tpu.memref_slice %arg11[%add3A_237, %dma_wait3A] : memref<100096x16xf32, #tpu.memory_space<vmem_shared>> -> memref<368x16xf32, #tpu.memory_space<vmem_shared>>
      %dma_wait3A_322 = arith.constant 0 : i32
      %dma_wait3A_323 = tpu.memref_slice %arg11[%add3A_237, %dma_wait3A_322] : memref<100096x16xf32, #tpu.memory_space<vmem_shared>> -> memref<368x16xf32, #tpu.memory_space<vmem_shared>>
      tpu.wait_dma2 semaphore(%run_scoped3A : memref<!tpu.dma_semaphore, #tpu.memory_space<semaphore_mem>>) src(%dma_wait3A_323 : memref<368x16xf32, #tpu.memory_space<vmem_shared>>) dst(%arg10 : memref<368x16xf32, #tpu.memory_space<vmem>>)
      tpu.yield
    }) : () -> ()
    %eq3A_238 = arith.constant 0 : i32
    %eq3A_239 = arith.cmpi eq, %arg0, %eq3A_238 : i32
    %convert_element_type3A_240 = arith.extui %eq3A_239 : i1 to i32
    %cond3A_241 = arith.constant 0 : i32
    %cond3A_242 = arith.cmpi ne, %convert_element_type3A_240, %cond3A_241 : i32
    scf.if %cond3A_242 {
      %mul3A_318 = arith.constant 6256 : i32
      %mul3A_319 = arith.muli %arg1, %mul3A_318 : i32
      %add3A_320 = arith.constant 4048 : i32
      %add3A_321 = arith.addi %mul3A_319, %add3A_320 : i32
      "tpu.region"() ({
        %run_scoped3A = tpu.sem_alloc : memref<!tpu.dma_semaphore, #tpu.memory_space<semaphore_mem>>
        %dma_start3A = arith.constant 0 : i32
        %dma_start3A_322 = tpu.memref_slice %arg5[%add3A_321, %dma_start3A] : memref<100096x16xf32, #tpu.memory_space<hbm>> -> memref<368x16xf32, #tpu.memory_space<hbm>>
        %dma_start3A_323 = arith.constant 0 : i32
        %dma_start3A_324 = tpu.memref_slice %arg5[%add3A_321, %dma_start3A_323] : memref<100096x16xf32, #tpu.memory_space<hbm>> -> memref<368x16xf32, #tpu.memory_space<hbm>>
        tpu.enqueue_dma source(%arg10 : memref<368x16xf32, #tpu.memory_space<vmem>>) target(%dma_start3A_324 : memref<368x16xf32, #tpu.memory_space<hbm>>) target_semaphore(%run_scoped3A : memref<!tpu.dma_semaphore, #tpu.memory_space<semaphore_mem>>)
        %dma_wait3A = arith.constant 0 : i32
        %dma_wait3A_325 = tpu.memref_slice %arg5[%add3A_321, %dma_wait3A] : memref<100096x16xf32, #tpu.memory_space<hbm>> -> memref<368x16xf32, #tpu.memory_space<hbm>>
        %dma_wait3A_326 = arith.constant 0 : i32
        %dma_wait3A_327 = tpu.memref_slice %arg5[%add3A_321, %dma_wait3A_326] : memref<100096x16xf32, #tpu.memory_space<hbm>> -> memref<368x16xf32, #tpu.memory_space<hbm>>
        tpu.wait_dma2 semaphore(%run_scoped3A : memref<!tpu.dma_semaphore, #tpu.memory_space<semaphore_mem>>) src(%arg10 : memref<368x16xf32, #tpu.memory_space<vmem>>) dst(%dma_wait3A_327 : memref<368x16xf32, #tpu.memory_space<hbm>>)
        tpu.yield
      }) : () -> ()
    } else {
    }
    %eq3A_243 = arith.constant 1 : i32
    %eq3A_244 = arith.cmpi eq, %arg0, %eq3A_243 : i32
    %convert_element_type3A_245 = arith.extui %eq3A_244 : i1 to i32
    %cond3A_246 = arith.constant 0 : i32
    %cond3A_247 = arith.cmpi ne, %convert_element_type3A_245, %cond3A_246 : i32
    scf.if %cond3A_247 {
      %mul3A_318 = arith.constant 6256 : i32
      %mul3A_319 = arith.muli %arg1, %mul3A_318 : i32
      %add3A_320 = arith.constant 4048 : i32
      %add3A_321 = arith.addi %mul3A_319, %add3A_320 : i32
      "tpu.region"() ({
        %run_scoped3A = tpu.sem_alloc : memref<!tpu.dma_semaphore, #tpu.memory_space<semaphore_mem>>
        %dma_start3A = arith.constant 0 : i32
        %dma_start3A_322 = tpu.memref_slice %arg6[%add3A_321, %dma_start3A] : memref<100096x16xf32, #tpu.memory_space<hbm>> -> memref<368x16xf32, #tpu.memory_space<hbm>>
        %dma_start3A_323 = arith.constant 0 : i32
        %dma_start3A_324 = tpu.memref_slice %arg6[%add3A_321, %dma_start3A_323] : memref<100096x16xf32, #tpu.memory_space<hbm>> -> memref<368x16xf32, #tpu.memory_space<hbm>>
        tpu.enqueue_dma source(%arg10 : memref<368x16xf32, #tpu.memory_space<vmem>>) target(%dma_start3A_324 : memref<368x16xf32, #tpu.memory_space<hbm>>) target_semaphore(%run_scoped3A : memref<!tpu.dma_semaphore, #tpu.memory_space<semaphore_mem>>)
        %dma_wait3A = arith.constant 0 : i32
        %dma_wait3A_325 = tpu.memref_slice %arg6[%add3A_321, %dma_wait3A] : memref<100096x16xf32, #tpu.memory_space<hbm>> -> memref<368x16xf32, #tpu.memory_space<hbm>>
        %dma_wait3A_326 = arith.constant 0 : i32
        %dma_wait3A_327 = tpu.memref_slice %arg6[%add3A_321, %dma_wait3A_326] : memref<100096x16xf32, #tpu.memory_space<hbm>> -> memref<368x16xf32, #tpu.memory_space<hbm>>
        tpu.wait_dma2 semaphore(%run_scoped3A : memref<!tpu.dma_semaphore, #tpu.memory_space<semaphore_mem>>) src(%arg10 : memref<368x16xf32, #tpu.memory_space<vmem>>) dst(%dma_wait3A_327 : memref<368x16xf32, #tpu.memory_space<hbm>>)
        tpu.yield
      }) : () -> ()
    } else {
    }
    %mul3A_248 = arith.constant 6256 : i32
    %mul3A_249 = arith.muli %arg1, %mul3A_248 : i32
    %add3A_250 = arith.constant 4416 : i32
    %add3A_251 = arith.addi %mul3A_249, %add3A_250 : i32
    "tpu.region"() ({
      %run_scoped3A = tpu.sem_alloc : memref<!tpu.dma_semaphore, #tpu.memory_space<semaphore_mem>>
      %dma_start3A = arith.constant 0 : i32
      %dma_start3A_318 = tpu.memref_slice %arg11[%add3A_251, %dma_start3A] : memref<100096x16xf32, #tpu.memory_space<vmem_shared>> -> memref<368x16xf32, #tpu.memory_space<vmem_shared>>
      %dma_start3A_319 = arith.constant 0 : i32
      %dma_start3A_320 = tpu.memref_slice %arg11[%add3A_251, %dma_start3A_319] : memref<100096x16xf32, #tpu.memory_space<vmem_shared>> -> memref<368x16xf32, #tpu.memory_space<vmem_shared>>
      tpu.enqueue_dma source(%dma_start3A_320 : memref<368x16xf32, #tpu.memory_space<vmem_shared>>) target(%arg10 : memref<368x16xf32, #tpu.memory_space<vmem>>) target_semaphore(%run_scoped3A : memref<!tpu.dma_semaphore, #tpu.memory_space<semaphore_mem>>)
      %dma_wait3A = arith.constant 0 : i32
      %dma_wait3A_321 = tpu.memref_slice %arg11[%add3A_251, %dma_wait3A] : memref<100096x16xf32, #tpu.memory_space<vmem_shared>> -> memref<368x16xf32, #tpu.memory_space<vmem_shared>>
      %dma_wait3A_322 = arith.constant 0 : i32
      %dma_wait3A_323 = tpu.memref_slice %arg11[%add3A_251, %dma_wait3A_322] : memref<100096x16xf32, #tpu.memory_space<vmem_shared>> -> memref<368x16xf32, #tpu.memory_space<vmem_shared>>
      tpu.wait_dma2 semaphore(%run_scoped3A : memref<!tpu.dma_semaphore, #tpu.memory_space<semaphore_mem>>) src(%dma_wait3A_323 : memref<368x16xf32, #tpu.memory_space<vmem_shared>>) dst(%arg10 : memref<368x16xf32, #tpu.memory_space<vmem>>)
      tpu.yield
    }) : () -> ()
    %eq3A_252 = arith.constant 0 : i32
    %eq3A_253 = arith.cmpi eq, %arg0, %eq3A_252 : i32
    %convert_element_type3A_254 = arith.extui %eq3A_253 : i1 to i32
    %cond3A_255 = arith.constant 0 : i32
    %cond3A_256 = arith.cmpi ne, %convert_element_type3A_254, %cond3A_255 : i32
    scf.if %cond3A_256 {
      %mul3A_318 = arith.constant 6256 : i32
      %mul3A_319 = arith.muli %arg1, %mul3A_318 : i32
      %add3A_320 = arith.constant 4416 : i32
      %add3A_321 = arith.addi %mul3A_319, %add3A_320 : i32
      "tpu.region"() ({
        %run_scoped3A = tpu.sem_alloc : memref<!tpu.dma_semaphore, #tpu.memory_space<semaphore_mem>>
        %dma_start3A = arith.constant 0 : i32
        %dma_start3A_322 = tpu.memref_slice %arg5[%add3A_321, %dma_start3A] : memref<100096x16xf32, #tpu.memory_space<hbm>> -> memref<368x16xf32, #tpu.memory_space<hbm>>
        %dma_start3A_323 = arith.constant 0 : i32
        %dma_start3A_324 = tpu.memref_slice %arg5[%add3A_321, %dma_start3A_323] : memref<100096x16xf32, #tpu.memory_space<hbm>> -> memref<368x16xf32, #tpu.memory_space<hbm>>
        tpu.enqueue_dma source(%arg10 : memref<368x16xf32, #tpu.memory_space<vmem>>) target(%dma_start3A_324 : memref<368x16xf32, #tpu.memory_space<hbm>>) target_semaphore(%run_scoped3A : memref<!tpu.dma_semaphore, #tpu.memory_space<semaphore_mem>>)
        %dma_wait3A = arith.constant 0 : i32
        %dma_wait3A_325 = tpu.memref_slice %arg5[%add3A_321, %dma_wait3A] : memref<100096x16xf32, #tpu.memory_space<hbm>> -> memref<368x16xf32, #tpu.memory_space<hbm>>
        %dma_wait3A_326 = arith.constant 0 : i32
        %dma_wait3A_327 = tpu.memref_slice %arg5[%add3A_321, %dma_wait3A_326] : memref<100096x16xf32, #tpu.memory_space<hbm>> -> memref<368x16xf32, #tpu.memory_space<hbm>>
        tpu.wait_dma2 semaphore(%run_scoped3A : memref<!tpu.dma_semaphore, #tpu.memory_space<semaphore_mem>>) src(%arg10 : memref<368x16xf32, #tpu.memory_space<vmem>>) dst(%dma_wait3A_327 : memref<368x16xf32, #tpu.memory_space<hbm>>)
        tpu.yield
      }) : () -> ()
    } else {
    }
    %eq3A_257 = arith.constant 1 : i32
    %eq3A_258 = arith.cmpi eq, %arg0, %eq3A_257 : i32
    %convert_element_type3A_259 = arith.extui %eq3A_258 : i1 to i32
    %cond3A_260 = arith.constant 0 : i32
    %cond3A_261 = arith.cmpi ne, %convert_element_type3A_259, %cond3A_260 : i32
    scf.if %cond3A_261 {
      %mul3A_318 = arith.constant 6256 : i32
      %mul3A_319 = arith.muli %arg1, %mul3A_318 : i32
      %add3A_320 = arith.constant 4416 : i32
      %add3A_321 = arith.addi %mul3A_319, %add3A_320 : i32
      "tpu.region"() ({
        %run_scoped3A = tpu.sem_alloc : memref<!tpu.dma_semaphore, #tpu.memory_space<semaphore_mem>>
        %dma_start3A = arith.constant 0 : i32
        %dma_start3A_322 = tpu.memref_slice %arg6[%add3A_321, %dma_start3A] : memref<100096x16xf32, #tpu.memory_space<hbm>> -> memref<368x16xf32, #tpu.memory_space<hbm>>
        %dma_start3A_323 = arith.constant 0 : i32
        %dma_start3A_324 = tpu.memref_slice %arg6[%add3A_321, %dma_start3A_323] : memref<100096x16xf32, #tpu.memory_space<hbm>> -> memref<368x16xf32, #tpu.memory_space<hbm>>
        tpu.enqueue_dma source(%arg10 : memref<368x16xf32, #tpu.memory_space<vmem>>) target(%dma_start3A_324 : memref<368x16xf32, #tpu.memory_space<hbm>>) target_semaphore(%run_scoped3A : memref<!tpu.dma_semaphore, #tpu.memory_space<semaphore_mem>>)
        %dma_wait3A = arith.constant 0 : i32
        %dma_wait3A_325 = tpu.memref_slice %arg6[%add3A_321, %dma_wait3A] : memref<100096x16xf32, #tpu.memory_space<hbm>> -> memref<368x16xf32, #tpu.memory_space<hbm>>
        %dma_wait3A_326 = arith.constant 0 : i32
        %dma_wait3A_327 = tpu.memref_slice %arg6[%add3A_321, %dma_wait3A_326] : memref<100096x16xf32, #tpu.memory_space<hbm>> -> memref<368x16xf32, #tpu.memory_space<hbm>>
        tpu.wait_dma2 semaphore(%run_scoped3A : memref<!tpu.dma_semaphore, #tpu.memory_space<semaphore_mem>>) src(%arg10 : memref<368x16xf32, #tpu.memory_space<vmem>>) dst(%dma_wait3A_327 : memref<368x16xf32, #tpu.memory_space<hbm>>)
        tpu.yield
      }) : () -> ()
    } else {
    }
    %mul3A_262 = arith.constant 6256 : i32
    %mul3A_263 = arith.muli %arg1, %mul3A_262 : i32
    %add3A_264 = arith.constant 4784 : i32
    %add3A_265 = arith.addi %mul3A_263, %add3A_264 : i32
    "tpu.region"() ({
      %run_scoped3A = tpu.sem_alloc : memref<!tpu.dma_semaphore, #tpu.memory_space<semaphore_mem>>
      %dma_start3A = arith.constant 0 : i32
      %dma_start3A_318 = tpu.memref_slice %arg11[%add3A_265, %dma_start3A] : memref<100096x16xf32, #tpu.memory_space<vmem_shared>> -> memref<368x16xf32, #tpu.memory_space<vmem_shared>>
      %dma_start3A_319 = arith.constant 0 : i32
      %dma_start3A_320 = tpu.memref_slice %arg11[%add3A_265, %dma_start3A_319] : memref<100096x16xf32, #tpu.memory_space<vmem_shared>> -> memref<368x16xf32, #tpu.memory_space<vmem_shared>>
      tpu.enqueue_dma source(%dma_start3A_320 : memref<368x16xf32, #tpu.memory_space<vmem_shared>>) target(%arg10 : memref<368x16xf32, #tpu.memory_space<vmem>>) target_semaphore(%run_scoped3A : memref<!tpu.dma_semaphore, #tpu.memory_space<semaphore_mem>>)
      %dma_wait3A = arith.constant 0 : i32
      %dma_wait3A_321 = tpu.memref_slice %arg11[%add3A_265, %dma_wait3A] : memref<100096x16xf32, #tpu.memory_space<vmem_shared>> -> memref<368x16xf32, #tpu.memory_space<vmem_shared>>
      %dma_wait3A_322 = arith.constant 0 : i32
      %dma_wait3A_323 = tpu.memref_slice %arg11[%add3A_265, %dma_wait3A_322] : memref<100096x16xf32, #tpu.memory_space<vmem_shared>> -> memref<368x16xf32, #tpu.memory_space<vmem_shared>>
      tpu.wait_dma2 semaphore(%run_scoped3A : memref<!tpu.dma_semaphore, #tpu.memory_space<semaphore_mem>>) src(%dma_wait3A_323 : memref<368x16xf32, #tpu.memory_space<vmem_shared>>) dst(%arg10 : memref<368x16xf32, #tpu.memory_space<vmem>>)
      tpu.yield
    }) : () -> ()
    %eq3A_266 = arith.constant 0 : i32
    %eq3A_267 = arith.cmpi eq, %arg0, %eq3A_266 : i32
    %convert_element_type3A_268 = arith.extui %eq3A_267 : i1 to i32
    %cond3A_269 = arith.constant 0 : i32
    %cond3A_270 = arith.cmpi ne, %convert_element_type3A_268, %cond3A_269 : i32
    scf.if %cond3A_270 {
      %mul3A_318 = arith.constant 6256 : i32
      %mul3A_319 = arith.muli %arg1, %mul3A_318 : i32
      %add3A_320 = arith.constant 4784 : i32
      %add3A_321 = arith.addi %mul3A_319, %add3A_320 : i32
      "tpu.region"() ({
        %run_scoped3A = tpu.sem_alloc : memref<!tpu.dma_semaphore, #tpu.memory_space<semaphore_mem>>
        %dma_start3A = arith.constant 0 : i32
        %dma_start3A_322 = tpu.memref_slice %arg5[%add3A_321, %dma_start3A] : memref<100096x16xf32, #tpu.memory_space<hbm>> -> memref<368x16xf32, #tpu.memory_space<hbm>>
        %dma_start3A_323 = arith.constant 0 : i32
        %dma_start3A_324 = tpu.memref_slice %arg5[%add3A_321, %dma_start3A_323] : memref<100096x16xf32, #tpu.memory_space<hbm>> -> memref<368x16xf32, #tpu.memory_space<hbm>>
        tpu.enqueue_dma source(%arg10 : memref<368x16xf32, #tpu.memory_space<vmem>>) target(%dma_start3A_324 : memref<368x16xf32, #tpu.memory_space<hbm>>) target_semaphore(%run_scoped3A : memref<!tpu.dma_semaphore, #tpu.memory_space<semaphore_mem>>)
        %dma_wait3A = arith.constant 0 : i32
        %dma_wait3A_325 = tpu.memref_slice %arg5[%add3A_321, %dma_wait3A] : memref<100096x16xf32, #tpu.memory_space<hbm>> -> memref<368x16xf32, #tpu.memory_space<hbm>>
        %dma_wait3A_326 = arith.constant 0 : i32
        %dma_wait3A_327 = tpu.memref_slice %arg5[%add3A_321, %dma_wait3A_326] : memref<100096x16xf32, #tpu.memory_space<hbm>> -> memref<368x16xf32, #tpu.memory_space<hbm>>
        tpu.wait_dma2 semaphore(%run_scoped3A : memref<!tpu.dma_semaphore, #tpu.memory_space<semaphore_mem>>) src(%arg10 : memref<368x16xf32, #tpu.memory_space<vmem>>) dst(%dma_wait3A_327 : memref<368x16xf32, #tpu.memory_space<hbm>>)
        tpu.yield
      }) : () -> ()
    } else {
    }
    %eq3A_271 = arith.constant 1 : i32
    %eq3A_272 = arith.cmpi eq, %arg0, %eq3A_271 : i32
    %convert_element_type3A_273 = arith.extui %eq3A_272 : i1 to i32
    %cond3A_274 = arith.constant 0 : i32
    %cond3A_275 = arith.cmpi ne, %convert_element_type3A_273, %cond3A_274 : i32
    scf.if %cond3A_275 {
      %mul3A_318 = arith.constant 6256 : i32
      %mul3A_319 = arith.muli %arg1, %mul3A_318 : i32
      %add3A_320 = arith.constant 4784 : i32
      %add3A_321 = arith.addi %mul3A_319, %add3A_320 : i32
      "tpu.region"() ({
        %run_scoped3A = tpu.sem_alloc : memref<!tpu.dma_semaphore, #tpu.memory_space<semaphore_mem>>
        %dma_start3A = arith.constant 0 : i32
        %dma_start3A_322 = tpu.memref_slice %arg6[%add3A_321, %dma_start3A] : memref<100096x16xf32, #tpu.memory_space<hbm>> -> memref<368x16xf32, #tpu.memory_space<hbm>>
        %dma_start3A_323 = arith.constant 0 : i32
        %dma_start3A_324 = tpu.memref_slice %arg6[%add3A_321, %dma_start3A_323] : memref<100096x16xf32, #tpu.memory_space<hbm>> -> memref<368x16xf32, #tpu.memory_space<hbm>>
        tpu.enqueue_dma source(%arg10 : memref<368x16xf32, #tpu.memory_space<vmem>>) target(%dma_start3A_324 : memref<368x16xf32, #tpu.memory_space<hbm>>) target_semaphore(%run_scoped3A : memref<!tpu.dma_semaphore, #tpu.memory_space<semaphore_mem>>)
        %dma_wait3A = arith.constant 0 : i32
        %dma_wait3A_325 = tpu.memref_slice %arg6[%add3A_321, %dma_wait3A] : memref<100096x16xf32, #tpu.memory_space<hbm>> -> memref<368x16xf32, #tpu.memory_space<hbm>>
        %dma_wait3A_326 = arith.constant 0 : i32
        %dma_wait3A_327 = tpu.memref_slice %arg6[%add3A_321, %dma_wait3A_326] : memref<100096x16xf32, #tpu.memory_space<hbm>> -> memref<368x16xf32, #tpu.memory_space<hbm>>
        tpu.wait_dma2 semaphore(%run_scoped3A : memref<!tpu.dma_semaphore, #tpu.memory_space<semaphore_mem>>) src(%arg10 : memref<368x16xf32, #tpu.memory_space<vmem>>) dst(%dma_wait3A_327 : memref<368x16xf32, #tpu.memory_space<hbm>>)
        tpu.yield
      }) : () -> ()
    } else {
    }
    %mul3A_276 = arith.constant 6256 : i32
    %mul3A_277 = arith.muli %arg1, %mul3A_276 : i32
    %add3A_278 = arith.constant 5152 : i32
    %add3A_279 = arith.addi %mul3A_277, %add3A_278 : i32
    "tpu.region"() ({
      %run_scoped3A = tpu.sem_alloc : memref<!tpu.dma_semaphore, #tpu.memory_space<semaphore_mem>>
      %dma_start3A = arith.constant 0 : i32
      %dma_start3A_318 = tpu.memref_slice %arg11[%add3A_279, %dma_start3A] : memref<100096x16xf32, #tpu.memory_space<vmem_shared>> -> memref<368x16xf32, #tpu.memory_space<vmem_shared>>
      %dma_start3A_319 = arith.constant 0 : i32
      %dma_start3A_320 = tpu.memref_slice %arg11[%add3A_279, %dma_start3A_319] : memref<100096x16xf32, #tpu.memory_space<vmem_shared>> -> memref<368x16xf32, #tpu.memory_space<vmem_shared>>
      tpu.enqueue_dma source(%dma_start3A_320 : memref<368x16xf32, #tpu.memory_space<vmem_shared>>) target(%arg10 : memref<368x16xf32, #tpu.memory_space<vmem>>) target_semaphore(%run_scoped3A : memref<!tpu.dma_semaphore, #tpu.memory_space<semaphore_mem>>)
      %dma_wait3A = arith.constant 0 : i32
      %dma_wait3A_321 = tpu.memref_slice %arg11[%add3A_279, %dma_wait3A] : memref<100096x16xf32, #tpu.memory_space<vmem_shared>> -> memref<368x16xf32, #tpu.memory_space<vmem_shared>>
      %dma_wait3A_322 = arith.constant 0 : i32
      %dma_wait3A_323 = tpu.memref_slice %arg11[%add3A_279, %dma_wait3A_322] : memref<100096x16xf32, #tpu.memory_space<vmem_shared>> -> memref<368x16xf32, #tpu.memory_space<vmem_shared>>
      tpu.wait_dma2 semaphore(%run_scoped3A : memref<!tpu.dma_semaphore, #tpu.memory_space<semaphore_mem>>) src(%dma_wait3A_323 : memref<368x16xf32, #tpu.memory_space<vmem_shared>>) dst(%arg10 : memref<368x16xf32, #tpu.memory_space<vmem>>)
      tpu.yield
    }) : () -> ()
    %eq3A_280 = arith.constant 0 : i32
    %eq3A_281 = arith.cmpi eq, %arg0, %eq3A_280 : i32
    %convert_element_type3A_282 = arith.extui %eq3A_281 : i1 to i32
    %cond3A_283 = arith.constant 0 : i32
    %cond3A_284 = arith.cmpi ne, %convert_element_type3A_282, %cond3A_283 : i32
    scf.if %cond3A_284 {
      %mul3A_318 = arith.constant 6256 : i32
      %mul3A_319 = arith.muli %arg1, %mul3A_318 : i32
      %add3A_320 = arith.constant 5152 : i32
      %add3A_321 = arith.addi %mul3A_319, %add3A_320 : i32
      "tpu.region"() ({
        %run_scoped3A = tpu.sem_alloc : memref<!tpu.dma_semaphore, #tpu.memory_space<semaphore_mem>>
        %dma_start3A = arith.constant 0 : i32
        %dma_start3A_322 = tpu.memref_slice %arg5[%add3A_321, %dma_start3A] : memref<100096x16xf32, #tpu.memory_space<hbm>> -> memref<368x16xf32, #tpu.memory_space<hbm>>
        %dma_start3A_323 = arith.constant 0 : i32
        %dma_start3A_324 = tpu.memref_slice %arg5[%add3A_321, %dma_start3A_323] : memref<100096x16xf32, #tpu.memory_space<hbm>> -> memref<368x16xf32, #tpu.memory_space<hbm>>
        tpu.enqueue_dma source(%arg10 : memref<368x16xf32, #tpu.memory_space<vmem>>) target(%dma_start3A_324 : memref<368x16xf32, #tpu.memory_space<hbm>>) target_semaphore(%run_scoped3A : memref<!tpu.dma_semaphore, #tpu.memory_space<semaphore_mem>>)
        %dma_wait3A = arith.constant 0 : i32
        %dma_wait3A_325 = tpu.memref_slice %arg5[%add3A_321, %dma_wait3A] : memref<100096x16xf32, #tpu.memory_space<hbm>> -> memref<368x16xf32, #tpu.memory_space<hbm>>
        %dma_wait3A_326 = arith.constant 0 : i32
        %dma_wait3A_327 = tpu.memref_slice %arg5[%add3A_321, %dma_wait3A_326] : memref<100096x16xf32, #tpu.memory_space<hbm>> -> memref<368x16xf32, #tpu.memory_space<hbm>>
        tpu.wait_dma2 semaphore(%run_scoped3A : memref<!tpu.dma_semaphore, #tpu.memory_space<semaphore_mem>>) src(%arg10 : memref<368x16xf32, #tpu.memory_space<vmem>>) dst(%dma_wait3A_327 : memref<368x16xf32, #tpu.memory_space<hbm>>)
        tpu.yield
      }) : () -> ()
    } else {
    }
    %eq3A_285 = arith.constant 1 : i32
    %eq3A_286 = arith.cmpi eq, %arg0, %eq3A_285 : i32
    %convert_element_type3A_287 = arith.extui %eq3A_286 : i1 to i32
    %cond3A_288 = arith.constant 0 : i32
    %cond3A_289 = arith.cmpi ne, %convert_element_type3A_287, %cond3A_288 : i32
    scf.if %cond3A_289 {
      %mul3A_318 = arith.constant 6256 : i32
      %mul3A_319 = arith.muli %arg1, %mul3A_318 : i32
      %add3A_320 = arith.constant 5152 : i32
      %add3A_321 = arith.addi %mul3A_319, %add3A_320 : i32
      "tpu.region"() ({
        %run_scoped3A = tpu.sem_alloc : memref<!tpu.dma_semaphore, #tpu.memory_space<semaphore_mem>>
        %dma_start3A = arith.constant 0 : i32
        %dma_start3A_322 = tpu.memref_slice %arg6[%add3A_321, %dma_start3A] : memref<100096x16xf32, #tpu.memory_space<hbm>> -> memref<368x16xf32, #tpu.memory_space<hbm>>
        %dma_start3A_323 = arith.constant 0 : i32
        %dma_start3A_324 = tpu.memref_slice %arg6[%add3A_321, %dma_start3A_323] : memref<100096x16xf32, #tpu.memory_space<hbm>> -> memref<368x16xf32, #tpu.memory_space<hbm>>
        tpu.enqueue_dma source(%arg10 : memref<368x16xf32, #tpu.memory_space<vmem>>) target(%dma_start3A_324 : memref<368x16xf32, #tpu.memory_space<hbm>>) target_semaphore(%run_scoped3A : memref<!tpu.dma_semaphore, #tpu.memory_space<semaphore_mem>>)
        %dma_wait3A = arith.constant 0 : i32
        %dma_wait3A_325 = tpu.memref_slice %arg6[%add3A_321, %dma_wait3A] : memref<100096x16xf32, #tpu.memory_space<hbm>> -> memref<368x16xf32, #tpu.memory_space<hbm>>
        %dma_wait3A_326 = arith.constant 0 : i32
        %dma_wait3A_327 = tpu.memref_slice %arg6[%add3A_321, %dma_wait3A_326] : memref<100096x16xf32, #tpu.memory_space<hbm>> -> memref<368x16xf32, #tpu.memory_space<hbm>>
        tpu.wait_dma2 semaphore(%run_scoped3A : memref<!tpu.dma_semaphore, #tpu.memory_space<semaphore_mem>>) src(%arg10 : memref<368x16xf32, #tpu.memory_space<vmem>>) dst(%dma_wait3A_327 : memref<368x16xf32, #tpu.memory_space<hbm>>)
        tpu.yield
      }) : () -> ()
    } else {
    }
    %mul3A_290 = arith.constant 6256 : i32
    %mul3A_291 = arith.muli %arg1, %mul3A_290 : i32
    %add3A_292 = arith.constant 5520 : i32
    %add3A_293 = arith.addi %mul3A_291, %add3A_292 : i32
    "tpu.region"() ({
      %run_scoped3A = tpu.sem_alloc : memref<!tpu.dma_semaphore, #tpu.memory_space<semaphore_mem>>
      %dma_start3A = arith.constant 0 : i32
      %dma_start3A_318 = tpu.memref_slice %arg11[%add3A_293, %dma_start3A] : memref<100096x16xf32, #tpu.memory_space<vmem_shared>> -> memref<368x16xf32, #tpu.memory_space<vmem_shared>>
      %dma_start3A_319 = arith.constant 0 : i32
      %dma_start3A_320 = tpu.memref_slice %arg11[%add3A_293, %dma_start3A_319] : memref<100096x16xf32, #tpu.memory_space<vmem_shared>> -> memref<368x16xf32, #tpu.memory_space<vmem_shared>>
      tpu.enqueue_dma source(%dma_start3A_320 : memref<368x16xf32, #tpu.memory_space<vmem_shared>>) target(%arg10 : memref<368x16xf32, #tpu.memory_space<vmem>>) target_semaphore(%run_scoped3A : memref<!tpu.dma_semaphore, #tpu.memory_space<semaphore_mem>>)
      %dma_wait3A = arith.constant 0 : i32
      %dma_wait3A_321 = tpu.memref_slice %arg11[%add3A_293, %dma_wait3A] : memref<100096x16xf32, #tpu.memory_space<vmem_shared>> -> memref<368x16xf32, #tpu.memory_space<vmem_shared>>
      %dma_wait3A_322 = arith.constant 0 : i32
      %dma_wait3A_323 = tpu.memref_slice %arg11[%add3A_293, %dma_wait3A_322] : memref<100096x16xf32, #tpu.memory_space<vmem_shared>> -> memref<368x16xf32, #tpu.memory_space<vmem_shared>>
      tpu.wait_dma2 semaphore(%run_scoped3A : memref<!tpu.dma_semaphore, #tpu.memory_space<semaphore_mem>>) src(%dma_wait3A_323 : memref<368x16xf32, #tpu.memory_space<vmem_shared>>) dst(%arg10 : memref<368x16xf32, #tpu.memory_space<vmem>>)
      tpu.yield
    }) : () -> ()
    %eq3A_294 = arith.constant 0 : i32
    %eq3A_295 = arith.cmpi eq, %arg0, %eq3A_294 : i32
    %convert_element_type3A_296 = arith.extui %eq3A_295 : i1 to i32
    %cond3A_297 = arith.constant 0 : i32
    %cond3A_298 = arith.cmpi ne, %convert_element_type3A_296, %cond3A_297 : i32
    scf.if %cond3A_298 {
      %mul3A_318 = arith.constant 6256 : i32
      %mul3A_319 = arith.muli %arg1, %mul3A_318 : i32
      %add3A_320 = arith.constant 5520 : i32
      %add3A_321 = arith.addi %mul3A_319, %add3A_320 : i32
      "tpu.region"() ({
        %run_scoped3A = tpu.sem_alloc : memref<!tpu.dma_semaphore, #tpu.memory_space<semaphore_mem>>
        %dma_start3A = arith.constant 0 : i32
        %dma_start3A_322 = tpu.memref_slice %arg5[%add3A_321, %dma_start3A] : memref<100096x16xf32, #tpu.memory_space<hbm>> -> memref<368x16xf32, #tpu.memory_space<hbm>>
        %dma_start3A_323 = arith.constant 0 : i32
        %dma_start3A_324 = tpu.memref_slice %arg5[%add3A_321, %dma_start3A_323] : memref<100096x16xf32, #tpu.memory_space<hbm>> -> memref<368x16xf32, #tpu.memory_space<hbm>>
        tpu.enqueue_dma source(%arg10 : memref<368x16xf32, #tpu.memory_space<vmem>>) target(%dma_start3A_324 : memref<368x16xf32, #tpu.memory_space<hbm>>) target_semaphore(%run_scoped3A : memref<!tpu.dma_semaphore, #tpu.memory_space<semaphore_mem>>)
        %dma_wait3A = arith.constant 0 : i32
        %dma_wait3A_325 = tpu.memref_slice %arg5[%add3A_321, %dma_wait3A] : memref<100096x16xf32, #tpu.memory_space<hbm>> -> memref<368x16xf32, #tpu.memory_space<hbm>>
        %dma_wait3A_326 = arith.constant 0 : i32
        %dma_wait3A_327 = tpu.memref_slice %arg5[%add3A_321, %dma_wait3A_326] : memref<100096x16xf32, #tpu.memory_space<hbm>> -> memref<368x16xf32, #tpu.memory_space<hbm>>
        tpu.wait_dma2 semaphore(%run_scoped3A : memref<!tpu.dma_semaphore, #tpu.memory_space<semaphore_mem>>) src(%arg10 : memref<368x16xf32, #tpu.memory_space<vmem>>) dst(%dma_wait3A_327 : memref<368x16xf32, #tpu.memory_space<hbm>>)
        tpu.yield
      }) : () -> ()
    } else {
    }
    %eq3A_299 = arith.constant 1 : i32
    %eq3A_300 = arith.cmpi eq, %arg0, %eq3A_299 : i32
    %convert_element_type3A_301 = arith.extui %eq3A_300 : i1 to i32
    %cond3A_302 = arith.constant 0 : i32
    %cond3A_303 = arith.cmpi ne, %convert_element_type3A_301, %cond3A_302 : i32
    scf.if %cond3A_303 {
      %mul3A_318 = arith.constant 6256 : i32
      %mul3A_319 = arith.muli %arg1, %mul3A_318 : i32
      %add3A_320 = arith.constant 5520 : i32
      %add3A_321 = arith.addi %mul3A_319, %add3A_320 : i32
      "tpu.region"() ({
        %run_scoped3A = tpu.sem_alloc : memref<!tpu.dma_semaphore, #tpu.memory_space<semaphore_mem>>
        %dma_start3A = arith.constant 0 : i32
        %dma_start3A_322 = tpu.memref_slice %arg6[%add3A_321, %dma_start3A] : memref<100096x16xf32, #tpu.memory_space<hbm>> -> memref<368x16xf32, #tpu.memory_space<hbm>>
        %dma_start3A_323 = arith.constant 0 : i32
        %dma_start3A_324 = tpu.memref_slice %arg6[%add3A_321, %dma_start3A_323] : memref<100096x16xf32, #tpu.memory_space<hbm>> -> memref<368x16xf32, #tpu.memory_space<hbm>>
        tpu.enqueue_dma source(%arg10 : memref<368x16xf32, #tpu.memory_space<vmem>>) target(%dma_start3A_324 : memref<368x16xf32, #tpu.memory_space<hbm>>) target_semaphore(%run_scoped3A : memref<!tpu.dma_semaphore, #tpu.memory_space<semaphore_mem>>)
        %dma_wait3A = arith.constant 0 : i32
        %dma_wait3A_325 = tpu.memref_slice %arg6[%add3A_321, %dma_wait3A] : memref<100096x16xf32, #tpu.memory_space<hbm>> -> memref<368x16xf32, #tpu.memory_space<hbm>>
        %dma_wait3A_326 = arith.constant 0 : i32
        %dma_wait3A_327 = tpu.memref_slice %arg6[%add3A_321, %dma_wait3A_326] : memref<100096x16xf32, #tpu.memory_space<hbm>> -> memref<368x16xf32, #tpu.memory_space<hbm>>
        tpu.wait_dma2 semaphore(%run_scoped3A : memref<!tpu.dma_semaphore, #tpu.memory_space<semaphore_mem>>) src(%arg10 : memref<368x16xf32, #tpu.memory_space<vmem>>) dst(%dma_wait3A_327 : memref<368x16xf32, #tpu.memory_space<hbm>>)
        tpu.yield
      }) : () -> ()
    } else {
    }
    %mul3A_304 = arith.constant 6256 : i32
    %mul3A_305 = arith.muli %arg1, %mul3A_304 : i32
    %add3A_306 = arith.constant 5888 : i32
    %add3A_307 = arith.addi %mul3A_305, %add3A_306 : i32
    "tpu.region"() ({
      %run_scoped3A = tpu.sem_alloc : memref<!tpu.dma_semaphore, #tpu.memory_space<semaphore_mem>>
      %dma_start3A = arith.constant 0 : i32
      %dma_start3A_318 = tpu.memref_slice %arg11[%add3A_307, %dma_start3A] : memref<100096x16xf32, #tpu.memory_space<vmem_shared>> -> memref<368x16xf32, #tpu.memory_space<vmem_shared>>
      %dma_start3A_319 = arith.constant 0 : i32
      %dma_start3A_320 = tpu.memref_slice %arg11[%add3A_307, %dma_start3A_319] : memref<100096x16xf32, #tpu.memory_space<vmem_shared>> -> memref<368x16xf32, #tpu.memory_space<vmem_shared>>
      tpu.enqueue_dma source(%dma_start3A_320 : memref<368x16xf32, #tpu.memory_space<vmem_shared>>) target(%arg10 : memref<368x16xf32, #tpu.memory_space<vmem>>) target_semaphore(%run_scoped3A : memref<!tpu.dma_semaphore, #tpu.memory_space<semaphore_mem>>)
      %dma_wait3A = arith.constant 0 : i32
      %dma_wait3A_321 = tpu.memref_slice %arg11[%add3A_307, %dma_wait3A] : memref<100096x16xf32, #tpu.memory_space<vmem_shared>> -> memref<368x16xf32, #tpu.memory_space<vmem_shared>>
      %dma_wait3A_322 = arith.constant 0 : i32
      %dma_wait3A_323 = tpu.memref_slice %arg11[%add3A_307, %dma_wait3A_322] : memref<100096x16xf32, #tpu.memory_space<vmem_shared>> -> memref<368x16xf32, #tpu.memory_space<vmem_shared>>
      tpu.wait_dma2 semaphore(%run_scoped3A : memref<!tpu.dma_semaphore, #tpu.memory_space<semaphore_mem>>) src(%dma_wait3A_323 : memref<368x16xf32, #tpu.memory_space<vmem_shared>>) dst(%arg10 : memref<368x16xf32, #tpu.memory_space<vmem>>)
      tpu.yield
    }) : () -> ()
    %eq3A_308 = arith.constant 0 : i32
    %eq3A_309 = arith.cmpi eq, %arg0, %eq3A_308 : i32
    %convert_element_type3A_310 = arith.extui %eq3A_309 : i1 to i32
    %cond3A_311 = arith.constant 0 : i32
    %cond3A_312 = arith.cmpi ne, %convert_element_type3A_310, %cond3A_311 : i32
    scf.if %cond3A_312 {
      %mul3A_318 = arith.constant 6256 : i32
      %mul3A_319 = arith.muli %arg1, %mul3A_318 : i32
      %add3A_320 = arith.constant 5888 : i32
      %add3A_321 = arith.addi %mul3A_319, %add3A_320 : i32
      "tpu.region"() ({
        %run_scoped3A = tpu.sem_alloc : memref<!tpu.dma_semaphore, #tpu.memory_space<semaphore_mem>>
        %dma_start3A = arith.constant 0 : i32
        %dma_start3A_322 = tpu.memref_slice %arg5[%add3A_321, %dma_start3A] : memref<100096x16xf32, #tpu.memory_space<hbm>> -> memref<368x16xf32, #tpu.memory_space<hbm>>
        %dma_start3A_323 = arith.constant 0 : i32
        %dma_start3A_324 = tpu.memref_slice %arg5[%add3A_321, %dma_start3A_323] : memref<100096x16xf32, #tpu.memory_space<hbm>> -> memref<368x16xf32, #tpu.memory_space<hbm>>
        tpu.enqueue_dma source(%arg10 : memref<368x16xf32, #tpu.memory_space<vmem>>) target(%dma_start3A_324 : memref<368x16xf32, #tpu.memory_space<hbm>>) target_semaphore(%run_scoped3A : memref<!tpu.dma_semaphore, #tpu.memory_space<semaphore_mem>>)
        %dma_wait3A = arith.constant 0 : i32
        %dma_wait3A_325 = tpu.memref_slice %arg5[%add3A_321, %dma_wait3A] : memref<100096x16xf32, #tpu.memory_space<hbm>> -> memref<368x16xf32, #tpu.memory_space<hbm>>
        %dma_wait3A_326 = arith.constant 0 : i32
        %dma_wait3A_327 = tpu.memref_slice %arg5[%add3A_321, %dma_wait3A_326] : memref<100096x16xf32, #tpu.memory_space<hbm>> -> memref<368x16xf32, #tpu.memory_space<hbm>>
        tpu.wait_dma2 semaphore(%run_scoped3A : memref<!tpu.dma_semaphore, #tpu.memory_space<semaphore_mem>>) src(%arg10 : memref<368x16xf32, #tpu.memory_space<vmem>>) dst(%dma_wait3A_327 : memref<368x16xf32, #tpu.memory_space<hbm>>)
        tpu.yield
      }) : () -> ()
    } else {
    }
    %eq3A_313 = arith.constant 1 : i32
    %eq3A_314 = arith.cmpi eq, %arg0, %eq3A_313 : i32
    %convert_element_type3A_315 = arith.extui %eq3A_314 : i1 to i32
    %cond3A_316 = arith.constant 0 : i32
    %cond3A_317 = arith.cmpi ne, %convert_element_type3A_315, %cond3A_316 : i32
    scf.if %cond3A_317 {
      %mul3A_318 = arith.constant 6256 : i32
      %mul3A_319 = arith.muli %arg1, %mul3A_318 : i32
      %add3A_320 = arith.constant 5888 : i32
      %add3A_321 = arith.addi %mul3A_319, %add3A_320 : i32
      "tpu.region"() ({
        %run_scoped3A = tpu.sem_alloc : memref<!tpu.dma_semaphore, #tpu.memory_space<semaphore_mem>>
        %dma_start3A = arith.constant 0 : i32
        %dma_start3A_322 = tpu.memref_slice %arg6[%add3A_321, %dma_start3A] : memref<100096x16xf32, #tpu.memory_space<hbm>> -> memref<368x16xf32, #tpu.memory_space<hbm>>
        %dma_start3A_323 = arith.constant 0 : i32
        %dma_start3A_324 = tpu.memref_slice %arg6[%add3A_321, %dma_start3A_323] : memref<100096x16xf32, #tpu.memory_space<hbm>> -> memref<368x16xf32, #tpu.memory_space<hbm>>
        tpu.enqueue_dma source(%arg10 : memref<368x16xf32, #tpu.memory_space<vmem>>) target(%dma_start3A_324 : memref<368x16xf32, #tpu.memory_space<hbm>>) target_semaphore(%run_scoped3A : memref<!tpu.dma_semaphore, #tpu.memory_space<semaphore_mem>>)
        %dma_wait3A = arith.constant 0 : i32
        %dma_wait3A_325 = tpu.memref_slice %arg6[%add3A_321, %dma_wait3A] : memref<100096x16xf32, #tpu.memory_space<hbm>> -> memref<368x16xf32, #tpu.memory_space<hbm>>
        %dma_wait3A_326 = arith.constant 0 : i32
        %dma_wait3A_327 = tpu.memref_slice %arg6[%add3A_321, %dma_wait3A_326] : memref<100096x16xf32, #tpu.memory_space<hbm>> -> memref<368x16xf32, #tpu.memory_space<hbm>>
        tpu.wait_dma2 semaphore(%run_scoped3A : memref<!tpu.dma_semaphore, #tpu.memory_space<semaphore_mem>>) src(%arg10 : memref<368x16xf32, #tpu.memory_space<vmem>>) dst(%dma_wait3A_327 : memref<368x16xf32, #tpu.memory_space<hbm>>)
        tpu.yield
      }) : () -> ()
    } else {
    }
    return
  }
}

module attributes {stable_mosaic.version = 14 : i64} {
  func.func @body(%arg0: i32, %arg1: memref<3128x1xf32, #tpu.memory_space<vmem>>, %arg2: memref<3128x1xf32, #tpu.memory_space<vmem>>, %arg3: memref<3128x2xf32, #tpu.memory_space<vmem>>, %arg4: memref<2x16xf32, #tpu.memory_space<vmem>>, %arg5: memref<3128x16xf32, #tpu.memory_space<vmem>>, %arg6: memref<3128x1xf32, #tpu.memory_space<vmem>>) attributes {dimension_semantics = [#tpu.dimension_semantics<arbitrary>], iteration_bounds = array<i64: 32>, scalar_prefetch = 0 : i64, scratch_operands = 0 : i64, tpu.core_type = #tpu.core_type<tc>, window_params = [{transform_indices = @transform_0, window_bounds = array<i64: 3128, 1>}, {transform_indices = @transform_1, window_bounds = array<i64: 3128, 1>}, {transform_indices = @transform_2, window_bounds = array<i64: 3128, 2>}, {pipeline_mode = #tpu.pipeline_mode<synchronous>, transform_indices = @transform_3, window_bounds = array<i64: 2, 16>}, {transform_indices = @transform_4, window_bounds = array<i64: 3128, 16>}, {transform_indices = @transform_5, window_bounds = array<i64: 3128, 1>}]} {
    %get3A = arith.constant 0 : index
    %get3A_0 = arith.constant 0 : index
    %get3A_1 = vector.load %arg1[%get3A, %get3A_0] : memref<3128x1xf32, #tpu.memory_space<vmem>>, vector<3128x1xf32>
    %get3A_2 = arith.constant 0 : index
    %get3A_3 = arith.constant 0 : index
    %get3A_4 = vector.load %arg2[%get3A_2, %get3A_3] : memref<3128x1xf32, #tpu.memory_space<vmem>>, vector<3128x1xf32>
    %add3A = arith.addf %get3A_1, %get3A_4 : vector<3128x1xf32>
    %add3A_5 = arith.constant 1.000000e+00 : f32
    %add3A_6 = vector.broadcast %add3A_5 : f32 to vector<3128x1xf32>
    %add3A_7 = arith.addf %add3A, %add3A_6 : vector<3128x1xf32>
    %rsqrt3A = math.rsqrt %add3A_7 : vector<3128x1xf32>
    %swap3A = arith.constant 0 : index
    %swap3A_8 = arith.constant 0 : index
    %swap3A_9 = vector.load %arg6[%swap3A, %swap3A_8] : memref<3128x1xf32, #tpu.memory_space<vmem>>, vector<3128x1xf32>
    tpu.vector_store %arg6[%swap3A, %swap3A_8], %rsqrt3A {strides = array<i32>} : memref<3128x1xf32, #tpu.memory_space<vmem>>, vector<3128x1xf32>,
    %get3A_10 = arith.constant 0 : index
    %get3A_11 = arith.constant 0 : index
    %get3A_12 = vector.load %arg3[%get3A_10, %get3A_11] : memref<3128x2xf32, #tpu.memory_space<vmem>>, vector<3128x2xf32>
    %mul3A = vector.broadcast %rsqrt3A : vector<3128x1xf32> to vector<3128x2xf32>
    %mul3A_13 = arith.mulf %get3A_12, %mul3A : vector<3128x2xf32>
    %get3A_14 = arith.constant 0 : index
    %get3A_15 = arith.constant 0 : index
    %get3A_16 = vector.load %arg4[%get3A_14, %get3A_15] : memref<2x16xf32, #tpu.memory_space<vmem>>, vector<2x16xf32>
    %dot_general3A = arith.constant dense<0.000000e+00> : vector<3128x16xf32>
    %dot_general3A_17 = tpu.matmul %mul3A_13, %get3A_16, %dot_general3A {dimension_numbers = #tpu.dot_dimension_numbers<[1], [0], [0], [1], [0, 0, 1, 1], [], []>, transpose_lhs_hint = false} : vector<3128x2xf32>, vector<2x16xf32>, vector<3128x16xf32> -> vector<3128x16xf32>
    %swap3A_18 = arith.constant 0 : index
    %swap3A_19 = arith.constant 0 : index
    %swap3A_20 = vector.load %arg5[%swap3A_18, %swap3A_19] : memref<3128x16xf32, #tpu.memory_space<vmem>>, vector<3128x16xf32>
    tpu.vector_store %arg5[%swap3A_18, %swap3A_19], %dot_general3A_17 {strides = array<i32>} : memref<3128x16xf32, #tpu.memory_space<vmem>>, vector<3128x16xf32>,
    return
  }
  func.func @transform_0(%arg0: i32) -> (i32, i32) {
    %c0_i32 = arith.constant 0 : i32
    %c0_i32_0 = arith.constant 0 : i32
    return %arg0, %c0_i32 : i32, i32
  }
  func.func @transform_1(%arg0: i32) -> (i32, i32) {
    %c0_i32 = arith.constant 0 : i32
    %c0_i32_0 = arith.constant 0 : i32
    return %arg0, %c0_i32 : i32, i32
  }
  func.func @transform_2(%arg0: i32) -> (i32, i32) {
    %c0_i32 = arith.constant 0 : i32
    %c0_i32_0 = arith.constant 0 : i32
    return %arg0, %c0_i32 : i32, i32
  }
  func.func @transform_3(%arg0: i32) -> (i32, i32) {
    %c0_i32 = arith.constant 0 : i32
    %c0_i32_0 = arith.constant 0 : i32
    %c0_i32_1 = arith.constant 0 : i32
    return %c0_i32, %c0_i32_0 : i32, i32
  }
  func.func @transform_4(%arg0: i32) -> (i32, i32) {
    %c0_i32 = arith.constant 0 : i32
    %c0_i32_0 = arith.constant 0 : i32
    return %arg0, %c0_i32 : i32, i32
  }
  func.func @transform_5(%arg0: i32) -> (i32, i32) {
    %c0_i32 = arith.constant 0 : i32
    %c0_i32_0 = arith.constant 0 : i32
    return %arg0, %c0_i32 : i32, i32
  }
}

module attributes {stable_mosaic.version = 14 : i64} {
  func.func @body(%arg0: i32, %arg1: memref<3128x16xf32, #tpu.memory_space<vmem>>, %arg2: memref<3128x16xf32, #tpu.memory_space<vmem>>, %arg3: memref<3128x16xf32, #tpu.memory_space<vmem>>, %arg4: memref<3128x1xf32, #tpu.memory_space<vmem>>, %arg5: memref<1x16xf32, #tpu.memory_space<vmem>>, %arg6: memref<16x16xf32, #tpu.memory_space<vmem>>, %arg7: memref<3128x16xf32, #tpu.memory_space<vmem>>) attributes {dimension_semantics = [#tpu.dimension_semantics<arbitrary>], iteration_bounds = array<i64: 32>, scalar_prefetch = 0 : i64, scratch_operands = 0 : i64, tpu.core_type = #tpu.core_type<tc>, window_params = [{transform_indices = @transform_0, window_bounds = array<i64: 3128, 16>}, {transform_indices = @transform_1, window_bounds = array<i64: 3128, 16>}, {transform_indices = @transform_2, window_bounds = array<i64: 3128, 16>}, {transform_indices = @transform_3, window_bounds = array<i64: 3128, 1>}, {pipeline_mode = #tpu.pipeline_mode<synchronous>, transform_indices = @transform_4, window_bounds = array<i64: 1, 16>}, {pipeline_mode = #tpu.pipeline_mode<synchronous>, transform_indices = @transform_5, window_bounds = array<i64: 16, 16>}, {transform_indices = @transform_6, window_bounds = array<i64: 3128, 16>}]} {
    %get3A = arith.constant 0 : index
    %get3A_0 = arith.constant 0 : index
    %get3A_1 = vector.load %arg1[%get3A, %get3A_0] : memref<3128x16xf32, #tpu.memory_space<vmem>>, vector<3128x16xf32>
    %get3A_2 = arith.constant 0 : index
    %get3A_3 = arith.constant 0 : index
    %get3A_4 = vector.load %arg2[%get3A_2, %get3A_3] : memref<3128x16xf32, #tpu.memory_space<vmem>>, vector<3128x16xf32>
    %add3A = arith.addf %get3A_1, %get3A_4 : vector<3128x16xf32>
    %get3A_5 = arith.constant 0 : index
    %get3A_6 = arith.constant 0 : index
    %get3A_7 = vector.load %arg3[%get3A_5, %get3A_6] : memref<3128x16xf32, #tpu.memory_space<vmem>>, vector<3128x16xf32>
    %add3A_8 = arith.addf %add3A, %get3A_7 : vector<3128x16xf32>
    %get3A_9 = arith.constant 0 : index
    %get3A_10 = arith.constant 0 : index
    %get3A_11 = vector.load %arg4[%get3A_9, %get3A_10] : memref<3128x1xf32, #tpu.memory_space<vmem>>, vector<3128x1xf32>
    %mul3A = vector.broadcast %get3A_11 : vector<3128x1xf32> to vector<3128x16xf32>
    %mul3A_12 = arith.mulf %mul3A, %add3A_8 : vector<3128x16xf32>
    %get3A_13 = arith.constant 0 : index
    %get3A_14 = arith.constant 0 : index
    %get3A_15 = vector.load %arg5[%get3A_13, %get3A_14] : memref<1x16xf32, #tpu.memory_space<vmem>>, vector<1x16xf32>
    %add3A_16 = vector.broadcast %get3A_15 : vector<1x16xf32> to vector<3128x16xf32>
    %add3A_17 = arith.addf %mul3A_12, %add3A_16 : vector<3128x16xf32>
    %max3A = arith.constant 0.000000e+00 : f32
    %max3A_18 = vector.broadcast %max3A : f32 to vector<3128x16xf32>
    %max3A_19 = arith.maximumf %add3A_17, %max3A_18 : vector<3128x16xf32>
    %get3A_20 = arith.constant 0 : index
    %get3A_21 = arith.constant 0 : index
    %get3A_22 = vector.load %arg4[%get3A_20, %get3A_21] : memref<3128x1xf32, #tpu.memory_space<vmem>>, vector<3128x1xf32>
    %get3A_23 = arith.constant 0 : index
    %get3A_24 = arith.constant 0 : index
    %get3A_25 = vector.load %arg6[%get3A_23, %get3A_24] : memref<16x16xf32, #tpu.memory_space<vmem>>, vector<16x16xf32>
    %dot_general3A = arith.constant dense<0.000000e+00> : vector<3128x16xf32>
    %dot_general3A_26 = tpu.matmul %max3A_19, %get3A_25, %dot_general3A {dimension_numbers = #tpu.dot_dimension_numbers<[1], [0], [0], [1], [0, 0, 1, 1], [], []>, transpose_lhs_hint = false} : vector<3128x16xf32>, vector<16x16xf32>, vector<3128x16xf32> -> vector<3128x16xf32>
    %mul3A_27 = vector.broadcast %get3A_22 : vector<3128x1xf32> to vector<3128x16xf32>
    %mul3A_28 = arith.mulf %mul3A_27, %dot_general3A_26 : vector<3128x16xf32>
    %swap3A = arith.constant 0 : index
    %swap3A_29 = arith.constant 0 : index
    %swap3A_30 = vector.load %arg7[%swap3A, %swap3A_29] : memref<3128x16xf32, #tpu.memory_space<vmem>>, vector<3128x16xf32>
    tpu.vector_store %arg7[%swap3A, %swap3A_29], %mul3A_28 {strides = array<i32>} : memref<3128x16xf32, #tpu.memory_space<vmem>>, vector<3128x16xf32>,
    return
  }
  func.func @transform_0(%arg0: i32) -> (i32, i32) {
    %c0_i32 = arith.constant 0 : i32
    %c0_i32_0 = arith.constant 0 : i32
    return %arg0, %c0_i32 : i32, i32
  }
  func.func @transform_1(%arg0: i32) -> (i32, i32) {
    %c0_i32 = arith.constant 0 : i32
    %c0_i32_0 = arith.constant 0 : i32
    return %arg0, %c0_i32 : i32, i32
  }
  func.func @transform_2(%arg0: i32) -> (i32, i32) {
    %c0_i32 = arith.constant 0 : i32
    %c0_i32_0 = arith.constant 0 : i32
    return %arg0, %c0_i32 : i32, i32
  }
  func.func @transform_3(%arg0: i32) -> (i32, i32) {
    %c0_i32 = arith.constant 0 : i32
    %c0_i32_0 = arith.constant 0 : i32
    return %arg0, %c0_i32 : i32, i32
  }
  func.func @transform_4(%arg0: i32) -> (i32, i32) {
    %c0_i32 = arith.constant 0 : i32
    %c0_i32_0 = arith.constant 0 : i32
    %c0_i32_1 = arith.constant 0 : i32
    return %c0_i32, %c0_i32_0 : i32, i32
  }
  func.func @transform_5(%arg0: i32) -> (i32, i32) {
    %c0_i32 = arith.constant 0 : i32
    %c0_i32_0 = arith.constant 0 : i32
    %c0_i32_1 = arith.constant 0 : i32
    return %c0_i32, %c0_i32_0 : i32, i32
  }
  func.func @transform_6(%arg0: i32) -> (i32, i32) {
    %c0_i32 = arith.constant 0 : i32
    %c0_i32_0 = arith.constant 0 : i32
    return %arg0, %c0_i32 : i32, i32
  }
}

module attributes {stable_mosaic.version = 14 : i64} {
  func.func @body(%arg0: i32, %arg1: memref<3128x16xf32, #tpu.memory_space<vmem>>, %arg2: memref<3128x16xf32, #tpu.memory_space<vmem>>, %arg3: memref<3128x16xf32, #tpu.memory_space<vmem>>, %arg4: memref<3128x1xf32, #tpu.memory_space<vmem>>, %arg5: memref<1x16xf32, #tpu.memory_space<vmem>>, %arg6: memref<16x10xf32, #tpu.memory_space<vmem>>, %arg7: memref<1x10xf32, #tpu.memory_space<vmem>>, %arg8: memref<1x10xf32, #tpu.memory_space<vmem>>, %arg9: memref<1x16xf32, #tpu.memory_space<vmem>>) attributes {dimension_semantics = [#tpu.dimension_semantics<arbitrary>], iteration_bounds = array<i64: 32>, scalar_prefetch = 0 : i64, scratch_operands = 1 : i64, tpu.core_type = #tpu.core_type<tc>, window_params = [{transform_indices = @transform_0, window_bounds = array<i64: 3128, 16>}, {transform_indices = @transform_1, window_bounds = array<i64: 3128, 16>}, {transform_indices = @transform_2, window_bounds = array<i64: 3128, 16>}, {transform_indices = @transform_3, window_bounds = array<i64: 3128, 1>}, {pipeline_mode = #tpu.pipeline_mode<synchronous>, transform_indices = @transform_4, window_bounds = array<i64: 1, 16>}, {pipeline_mode = #tpu.pipeline_mode<synchronous>, transform_indices = @transform_5, window_bounds = array<i64: 16, 10>}, {pipeline_mode = #tpu.pipeline_mode<synchronous>, transform_indices = @transform_6, window_bounds = array<i64: 1, 10>}, {pipeline_mode = #tpu.pipeline_mode<synchronous>, transform_indices = @transform_7, window_bounds = array<i64: 1, 10>}]} {
    %eq3A = arith.constant 0 : i32
    %eq3A_0 = arith.cmpi eq, %arg0, %eq3A : i32
    %convert_element_type3A = arith.extui %eq3A_0 : i1 to i32
    %cond3A = arith.constant 0 : i32
    %cond3A_1 = arith.cmpi ne, %convert_element_type3A, %cond3A : i32
    scf.if %cond3A_1 {
      %broadcast_in_dim3A_41 = arith.constant 0.000000e+00 : f32
      %broadcast_in_dim3A_42 = vector.broadcast %broadcast_in_dim3A_41 : f32 to vector<1x16xf32>
      %swap3A_43 = arith.constant 0 : index
      %swap3A_44 = arith.constant 0 : index
      %swap3A_45 = vector.load %arg9[%swap3A_43, %swap3A_44] : memref<1x16xf32, #tpu.memory_space<vmem>>, vector<1x16xf32>
      tpu.vector_store %arg9[%swap3A_43, %swap3A_44], %broadcast_in_dim3A_42 {strides = array<i32>} : memref<1x16xf32, #tpu.memory_space<vmem>>, vector<1x16xf32>,
    } else {
    }
    %get3A = arith.constant 0 : index
    %get3A_2 = arith.constant 0 : index
    %get3A_3 = vector.load %arg1[%get3A, %get3A_2] : memref<3128x16xf32, #tpu.memory_space<vmem>>, vector<3128x16xf32>
    %get3A_4 = arith.constant 0 : index
    %get3A_5 = arith.constant 0 : index
    %get3A_6 = vector.load %arg2[%get3A_4, %get3A_5] : memref<3128x16xf32, #tpu.memory_space<vmem>>, vector<3128x16xf32>
    %add3A = arith.addf %get3A_3, %get3A_6 : vector<3128x16xf32>
    %get3A_7 = arith.constant 0 : index
    %get3A_8 = arith.constant 0 : index
    %get3A_9 = vector.load %arg3[%get3A_7, %get3A_8] : memref<3128x16xf32, #tpu.memory_space<vmem>>, vector<3128x16xf32>
    %add3A_10 = arith.addf %add3A, %get3A_9 : vector<3128x16xf32>
    %get3A_11 = arith.constant 0 : index
    %get3A_12 = arith.constant 0 : index
    %get3A_13 = vector.load %arg4[%get3A_11, %get3A_12] : memref<3128x1xf32, #tpu.memory_space<vmem>>, vector<3128x1xf32>
    %mul3A = vector.broadcast %get3A_13 : vector<3128x1xf32> to vector<3128x16xf32>
    %mul3A_14 = arith.mulf %mul3A, %add3A_10 : vector<3128x16xf32>
    %get3A_15 = arith.constant 0 : index
    %get3A_16 = arith.constant 0 : index
    %get3A_17 = vector.load %arg5[%get3A_15, %get3A_16] : memref<1x16xf32, #tpu.memory_space<vmem>>, vector<1x16xf32>
    %add3A_18 = vector.broadcast %get3A_17 : vector<1x16xf32> to vector<3128x16xf32>
    %add3A_19 = arith.addf %mul3A_14, %add3A_18 : vector<3128x16xf32>
    %max3A = arith.constant 0.000000e+00 : f32
    %max3A_20 = vector.broadcast %max3A : f32 to vector<3128x16xf32>
    %max3A_21 = arith.maximumf %add3A_19, %max3A_20 : vector<3128x16xf32>
    %iota3A = tpu.iota {dimensions = array<i32: 0>} : vector<3128x16xi32>
    %mul3A_22 = arith.constant 3128 : i32
    %mul3A_23 = arith.muli %arg0, %mul3A_22 : i32
    %add3A_24 = vector.broadcast %mul3A_23 : i32 to vector<3128x16xi32>
    %add3A_25 = arith.addi %iota3A, %add3A_24 : vector<3128x16xi32>
    %lt3A = arith.constant 100000 : i32
    %lt3A_26 = vector.broadcast %lt3A : i32 to vector<3128x16xi32>
    %lt3A_27 = arith.cmpi slt, %add3A_25, %lt3A_26 : vector<3128x16xi32>
    %jit3A = arith.constant 0.000000e+00 : f32
    %broadcast_in_dim3A = vector.broadcast %jit3A : f32 to vector<3128x16xf32>
    %select_n3A = arith.select %lt3A_27, %max3A_21, %broadcast_in_dim3A : vector<3128x16xi1>, vector<3128x16xf32>
    %get3A_28 = arith.constant 0 : index
    %get3A_29 = arith.constant 0 : index
    %get3A_30 = vector.load %arg9[%get3A_28, %get3A_29] : memref<1x16xf32, #tpu.memory_space<vmem>>, vector<1x16xf32>
    %reduce_sum3A = arith.constant dense<0.000000e+00> : vector<16xf32>
    %reduce_sum3A_31 = vector.multi_reduction <add>, %select_n3A, %reduce_sum3A [0] : vector<3128x16xf32> to vector<16xf32>
    %broadcast_in_dim3A_32 = vector.shape_cast %reduce_sum3A_31 : vector<16xf32> to vector<1x16xf32>
    %add3A_33 = arith.addf %get3A_30, %broadcast_in_dim3A_32 : vector<1x16xf32>
    %swap3A = arith.constant 0 : index
    %swap3A_34 = arith.constant 0 : index
    %swap3A_35 = vector.load %arg9[%swap3A, %swap3A_34] : memref<1x16xf32, #tpu.memory_space<vmem>>, vector<1x16xf32>
    tpu.vector_store %arg9[%swap3A, %swap3A_34], %add3A_33 {strides = array<i32>} : memref<1x16xf32, #tpu.memory_space<vmem>>, vector<1x16xf32>,
    %eq3A_36 = arith.constant 31 : i32
    %eq3A_37 = arith.cmpi eq, %arg0, %eq3A_36 : i32
    %convert_element_type3A_38 = arith.extui %eq3A_37 : i1 to i32
    %cond3A_39 = arith.constant 0 : i32
    %cond3A_40 = arith.cmpi ne, %convert_element_type3A_38, %cond3A_39 : i32
    scf.if %cond3A_40 {
      %get3A_41 = arith.constant 0 : index
      %get3A_42 = arith.constant 0 : index
      %get3A_43 = vector.load %arg9[%get3A_41, %get3A_42] : memref<1x16xf32, #tpu.memory_space<vmem>>, vector<1x16xf32>
      %mul3A_44 = arith.constant 9.99999974E-6 : f32
      %mul3A_45 = vector.broadcast %mul3A_44 : f32 to vector<1x16xf32>
      %mul3A_46 = arith.mulf %get3A_43, %mul3A_45 : vector<1x16xf32>
      %get3A_47 = arith.constant 0 : index
      %get3A_48 = arith.constant 0 : index
      %get3A_49 = vector.load %arg6[%get3A_47, %get3A_48] : memref<16x10xf32, #tpu.memory_space<vmem>>, vector<16x10xf32>
      %dot_general3A = arith.constant dense<0.000000e+00> : vector<1x10xf32>
      %dot_general3A_50 = tpu.matmul %mul3A_46, %get3A_49, %dot_general3A {dimension_numbers = #tpu.dot_dimension_numbers<[1], [0], [0], [1], [0, 0, 1, 1], [], []>, transpose_lhs_hint = false} : vector<1x16xf32>, vector<16x10xf32>, vector<1x10xf32> -> vector<1x10xf32>
      %get3A_51 = arith.constant 0 : index
      %get3A_52 = arith.constant 0 : index
      %get3A_53 = vector.load %arg7[%get3A_51, %get3A_52] : memref<1x10xf32, #tpu.memory_space<vmem>>, vector<1x10xf32>
      %add3A_54 = arith.addf %dot_general3A_50, %get3A_53 : vector<1x10xf32>
      %reduce_max3A = arith.constant dense<0xFF800000> : vector<1xf32>
      %reduce_max3A_55 = vector.multi_reduction <maximumf>, %add3A_54, %reduce_max3A [1] : vector<1x10xf32> to vector<1xf32>
      %broadcast_in_dim3A_56 = vector.shape_cast %reduce_max3A_55 : vector<1xf32> to vector<1x1xf32>
      %sub3A = vector.broadcast %broadcast_in_dim3A_56 : vector<1x1xf32> to vector<1x10xf32>
      %sub3A_57 = arith.subf %add3A_54, %sub3A : vector<1x10xf32>
      %exp3A = math.exp %sub3A_57 : vector<1x10xf32>
      %reduce_sum3A_58 = arith.constant dense<0.000000e+00> : vector<1xf32>
      %reduce_sum3A_59 = vector.multi_reduction <add>, %exp3A, %reduce_sum3A_58 [1] : vector<1x10xf32> to vector<1xf32>
      %broadcast_in_dim3A_60 = vector.shape_cast %reduce_sum3A_59 : vector<1xf32> to vector<1x1xf32>
      %log3A = math.log %broadcast_in_dim3A_60 : vector<1x1xf32>
      %sub3A_61 = vector.broadcast %log3A : vector<1x1xf32> to vector<1x10xf32>
      %sub3A_62 = arith.subf %sub3A_57, %sub3A_61 : vector<1x10xf32>
      %swap3A_63 = arith.constant 0 : index
      %swap3A_64 = arith.constant 0 : index
      %swap3A_65 = vector.load %arg8[%swap3A_63, %swap3A_64] : memref<1x10xf32, #tpu.memory_space<vmem>>, vector<1x10xf32>
      tpu.vector_store %arg8[%swap3A_63, %swap3A_64], %sub3A_62 {strides = array<i32>} : memref<1x10xf32, #tpu.memory_space<vmem>>, vector<1x10xf32>,
    } else {
    }
    return
  }
  func.func @transform_0(%arg0: i32) -> (i32, i32) {
    %c0_i32 = arith.constant 0 : i32
    %c0_i32_0 = arith.constant 0 : i32
    return %arg0, %c0_i32 : i32, i32
  }
  func.func @transform_1(%arg0: i32) -> (i32, i32) {
    %c0_i32 = arith.constant 0 : i32
    %c0_i32_0 = arith.constant 0 : i32
    return %arg0, %c0_i32 : i32, i32
  }
  func.func @transform_2(%arg0: i32) -> (i32, i32) {
    %c0_i32 = arith.constant 0 : i32
    %c0_i32_0 = arith.constant 0 : i32
    return %arg0, %c0_i32 : i32, i32
  }
  func.func @transform_3(%arg0: i32) -> (i32, i32) {
    %c0_i32 = arith.constant 0 : i32
    %c0_i32_0 = arith.constant 0 : i32
    return %arg0, %c0_i32 : i32, i32
  }
  func.func @transform_4(%arg0: i32) -> (i32, i32) {
    %c0_i32 = arith.constant 0 : i32
    %c0_i32_0 = arith.constant 0 : i32
    %c0_i32_1 = arith.constant 0 : i32
    return %c0_i32, %c0_i32_0 : i32, i32
  }
  func.func @transform_5(%arg0: i32) -> (i32, i32) {
    %c0_i32 = arith.constant 0 : i32
    %c0_i32_0 = arith.constant 0 : i32
    %c0_i32_1 = arith.constant 0 : i32
    return %c0_i32, %c0_i32_0 : i32, i32
  }
  func.func @transform_6(%arg0: i32) -> (i32, i32) {
    %c0_i32 = arith.constant 0 : i32
    %c0_i32_0 = arith.constant 0 : i32
    %c0_i32_1 = arith.constant 0 : i32
    return %c0_i32, %c0_i32_0 : i32, i32
  }
  func.func @transform_7(%arg0: i32) -> (i32, i32) {
    %c0_i32 = arith.constant 0 : i32
    %c0_i32_0 = arith.constant 0 : i32
    %c0_i32_1 = arith.constant 0 : i32
    return %c0_i32, %c0_i32_0 : i32, i32
  }
}

</mosaic_0001>

<sc_bundles>
// kernel: kernel.11.cloned.1.call-start
scs
__scs_entry_jumppad:
0x0: {  	(pc) =	sbr.rel $0x88, $3  }
0x1: {  	(tag) =	ssettag $0x0;
	lr =	simm.s32 $0x1  }
0x2: {  	[smem:$0x3F99] =	sst lr;
	_ =	strace $0xD0000000  }
0x3: {  	_ = 	snop  }
0x4: {  	_ = 	snop  }
0x5: {  	_ = 	snop  }
0x6: {  	_ = 	snop  }
0x7: {  	_ = 	snop  }
__scs_overlays_trampoline_lowered:
0x8: {  	[smem:$0x3FA8] =	sst s0  }
0x9: {  	[smem:$0x3FA9] =	sst s1  }
0xa: {  	[smem:$0x3FAA] =	sst s2  }
0xb: {  	[smem:$0x3FAB] =	sst s3  }
0xc: {  	[smem:$0x3FAC] =	sst s4  }
0xd: {  	[smem:$0x3FAD] =	sst s5  }
0xe: {  	[smem:$0x3FAE] =	sst s6  }
0xf: {  	[smem:$0x3FAF] =	sst s7  }
0x10: {  	[smem:$0x3FB0] =	sst s8  }
0x11: {  	[smem:$0x3FB1] =	sst s9;
	s0 =	simm.s32 @!p0 $0x0  }
0x12: {  	s1 =	sld [smem:$0x3F97];
	s0 =	simm.s32 @p0 $0x1  }
0x13: {  	[smem:$0x3FB2] =	sst s0;
	s0 =	simm.s32 @!p1 $0x0  }
0x14: {  	s2 =	sld [smem:$0x3F96];
	s0 =	simm.s32 @p1 $0x1  }
0x15: {  	[smem:$0x3FB3] =	sst s0;
	s0 =	simm.s32 @!p2 $0x0  }
0x16: {  	s3 =	sld [smem:$0x3FDB];
	s0 =	simm.s32 @p2 $0x1  }
0x17: {  	s4 =	simm.s32 $0x1BF5;
	[smem:$0x3FB5] =	sst s0  }
0x18: {  	s0 =	sld [smem:$0x3F98];
	_ =	swait.ge [sflag:s4], $0x0  }
0x19: {  	s7 =	sld [smem:$0x3F99]  }
0x1a: {  	s8 =	sadd.s32 $0xFFFFE003, lr  }
0x1b: {  	s9 =	sadd.s32 $0xFFFFFEF7, lr;
	s5 =	simm.s32 $0xFFFFFFFF;
	p2 =	slt.u32 s8, $0xFFFFF086  }
0x1c: {  	p1 =	slt.u32 s9, $0xF7A;
	s5 =	simm.s32 @!p2 $0x0  }
0x1d: {  	s5 =	simm.s32 @p1 $0x1;
	p0 =	seq.s32 s7, s2  }
0x1e: {  	s7 =	smul.u32 @!p0 $0xF7A, s2;
	p2 =	seq.s32 @!p0 s5, $0x0  }
0x1f: {  	s9 =	smul.u32 $0xF7A, s1;
	s8 =	simm.s32 @!p0 $0x1BF5;
	p2 =	por !p2, p0  }
0x20: {  	[sflag:s8] =	ssyncset.s32 @!p0 $0xFFFFF086;
	s6 =	sadd.s32 @!p0 s3, s7;
	s7 =	simm.s32 @!p0 $0x108  }
0x21: {  	s3 =	sadd.s32 s3, s9;
	s6 =	sadd.s32 @!p0 $0x88, s6;
	s7 =	simm.s32 @p2 $0x1082  }
0x22: {  	[simem:s7], [sflag:s8] =	dma.local @!p0 [hbm:s6], $0xF7A  }
0x23: {  	s9 =	sor.u32 $0xD0000000, s2;
	s6 =	simm.s32 $0x108;
	_ =	swait.ge @!p0 [sflag:s8], $0x0  }
0x24: {  	s3 =	sadd.s32 $0x88, s3;
	s6 =	simm.s32 @!p1 $0x1082;
	[sflag:s4] =	ssyncset.s32 $0xFFFFF086  }
0x25: {  	[simem:s6], [sflag:s4] =	dma.local [hbm:s3], $0xF7A  }
0x26: {  	[smem:$0x3F99] =	sst s1;
	(tag) =	ssettag s2;
	_ =	strace s9  }
0x27: {  	s1 =	sld [smem:$0x3FA9]  }
0x28: {  	s2 =	sld [smem:$0x3FAA]  }
0x29: {  	s4 =	sld [smem:$0x3FAC]  }
0x2a: {  	p0 =	seq.s32 s5, $0x0;
	s5 =	sld [smem:$0x3FAD]  }
0x2b: {  	s6 =	sld [smem:$0x3FAE]  }
0x2c: {  	s7 =	sld [smem:$0x3FAF]  }
0x2d: {  	s3 =	simm.s32 $0x108;
	s8 =	sld [smem:$0x3FB0]  }
0x2e: {  	s3 =	simm.s32 @!p0 $0x1082;
	s9 =	sld [smem:$0x3FB1]  }
0x2f: {  	lr =	sadd.s32 s0, s3;
	s0 =	sld [smem:$0x3FA8]  }
0x30: {  	s3 =	sld [smem:$0x3FAB]  }
0x31: {  	[smem:$0x3FB4] =	sst s10  }
0x32: {  	s10 =	sld [smem:$0x3FB2];
	_ =	sdelay $0x3  }
0x33: {  	p0 =	seq.s32 s10, $0x1;
	s10 =	sld [smem:$0x3FB4];
	_ =	sdelay $0x3  }
0x34: {  	[smem:$0x3FB4] =	sst s10  }
0x35: {  	s10 =	sld [smem:$0x3FB3];
	_ =	sdelay $0x3  }
0x36: {  	p1 =	seq.s32 s10, $0x1;
	s10 =	sld [smem:$0x3FB4];
	_ =	sdelay $0x3  }
0x37: {  	[smem:$0x3FB4] =	sst s10  }
0x38: {  	s10 =	sld [smem:$0x3FB5]  }
0x39: {  	_ = 	snop;
	(pc) =	sbr.ind lr, $3  }
0x3a: {  	_ = 	snop  }
0x3b: {  	_ = 	snop  }
0x3c: {  	p2 =	seq.s32 s10, $0x1;
	s10 =	sld [smem:$0x3FB4]  }
0x3d: {  	_ =	shalt  }
0x3e: {  	_ =	shalt  }
0x3f: {  	_ =	shalt  }
0x40: {  	_ =	shalt  }
0x41: {  	_ =	shalt  }
0x42: {  	_ =	shalt  }
0x43: {  	_ =	shalt  }
0x44: {  	_ =	shalt  }
0x45: {  	_ =	shalt  }
0x46: {  	_ =	shalt  }
0x47: {  	_ =	shalt  }
0x48: {  	_ =	shalt  }
0x49: {  	_ =	shalt  }
0x4a: {  	_ =	shalt  }
0x4b: {  	_ =	shalt  }
0x4c: {  	_ =	shalt  }
0x4d: {  	_ =	shalt  }
0x4e: {  	_ =	shalt  }
0x4f: {  	_ =	shalt  }
0x50: {  	_ =	shalt  }
0x51: {  	_ =	shalt  }
0x52: {  	_ =	shalt  }
0x53: {  	_ =	shalt  }
0x54: {  	_ =	shalt  }
0x55: {  	_ =	shalt  }
0x56: {  	_ =	shalt  }
0x57: {  	_ =	shalt  }
0x58: {  	_ =	shalt  }
0x59: {  	_ =	shalt  }
0x5a: {  	_ =	shalt  }
0x5b: {  	_ =	shalt  }
0x5c: {  	_ =	shalt  }
0x5d: {  	_ =	shalt  }
0x5e: {  	_ =	shalt  }
0x5f: {  	_ =	shalt  }
0x60: {  	_ =	shalt  }
0x61: {  	_ =	shalt  }
0x62: {  	_ =	shalt  }
0x63: {  	_ =	shalt  }
0x64: {  	_ =	shalt  }
0x65: {  	_ =	shalt  }
0x66: {  	_ =	shalt  }
0x67: {  	_ =	shalt  }
0x68: {  	_ =	shalt  }
0x69: {  	_ =	shalt  }
0x6a: {  	_ =	shalt  }
0x6b: {  	_ =	shalt  }
0x6c: {  	_ =	shalt  }
0x6d: {  	_ =	shalt  }
0x6e: {  	_ =	shalt  }
0x6f: {  	_ =	shalt  }
0x70: {  	_ =	shalt  }
0x71: {  	_ =	shalt  }
0x72: {  	_ =	shalt  }
0x73: {  	_ =	shalt  }
0x74: {  	_ =	shalt  }
0x75: {  	_ =	shalt  }
0x76: {  	_ =	shalt  }
0x77: {  	_ =	shalt  }
0x78: {  	_ =	shalt  }
0x79: {  	_ =	shalt  }
0x7a: {  	_ =	shalt  }
0x7b: {  	_ =	shalt  }
0x7c: {  	_ =	shalt  }
0x7d: {  	_ =	shalt  }
0x7e: {  	_ =	shalt  }
0x7f: {  	_ =	shalt  }
0x80: {  	_ =	shalt  }
0x81: {  	_ =	shalt  }
0x82: {  	_ =	shalt  }
0x83: {  	_ =	shalt  }
0x84: {  	_ =	shalt  }
0x85: {  	_ =	shalt  }
0x86: {  	_ =	shalt  }
0x87: {  	_ =	shalt  }
.Lfunc_end0:
.L_simem_size_0:
called_computation.1_lowered:
.L_overlay_start_0:
0x88: {  	s2 =	sld [smem:$0x3FD9]  }
0x89: {  	s3 =	sld [smem:$0x3FFE];
	_ =	sdelay $0x1  }
0x8a: {  	s1 =	srdreg.scid  }
0x8b: {  	s0 =	sand.u32 $0x1, s1  }
0x8c: {  	s16 =	sshll.u32 s0, $0xA;
	s2 =	sadd.s32 s3, s2  }
0x8d: {  	s2 =	sadd.s32 s2, s16  }
0x8e: {  	[smem:$0x3FC0] =	sst s2  }
0x8f: {  	_ = 	snop  }
0x90: {  	(tm) =	ssettm $0x1  }
0x91: {  	s17 =	sld [smem:$0x3FFB];
	_ =	sdelay $0x3  }
0x92: {  	_ =	strace s17  }
0x93: {  	s2 =	sld [smem:$0x3FFC];
	_ =	sdelay $0x3  }
0x94: {  	_ =	strace s2  }
0x95: {  	s2 =	sld [smem:$0x3FFD];
	_ =	sdelay $0x3  }
0x96: {  	_ =	strace s2  }
0x97: {  	_ =	strace $0x8FFFFFFF  }
0x98: {  	s18 =	sld [smem:$0x3FDB];
	_ =	sdelay $0x1  }
0x99: {  	s19 =	simm.s32 $_scs_section_size  }
0x9a: {  	s4 =	simm.s32 $_size__tile_overlayer_lowered;
	s5 =	simm.s32 $_tile_overlayer_lowered  }
0x9b: {  	s22 =	simm.s32 $0x1BFF;
	s21 =	sshll.u32 s5, $0x1;
	s2 =	sadd.s32 s19, s18  }
0x9c: {  	s6 =	simm.s32 $0x0;
	s20 =	sshll.u32 s4, $0x1;
	s4 =	sadd.s32 s21, s2  }
0x9d: {  	[timem:s6], [sflag:s22] =	dma.local [hbm:s4], s20  }
0x9e: {  	_ =	swait.ge [sflag:s22], s20  }
0x9f: {  	s3 =	ssub.s32 $0x0, s20;
	[sflag:s22] =	ssyncset.done $0x0  }
0xa0: {  	[sflag:s22] =	ssyncadd.s32 s3;
	_ =	sdelay $0x1  }
0xa1: {  	s23 =	simm.s32 $0x1B8B  }
0xa2: {  	_ =	swait.ge [sflag:s23], $0x1  }
0xa3: {  	[sflag:s23] =	ssyncset.done $0x0  }
0xa4: {  	s25 =	simm.s32 $0x1B8E;
	s24 =	sld [smem:$0x3FFE];
	[sflag:s23] =	ssyncadd.s32 $0xFFFFFFFF  }
0xa5: {  	s26 =	simm.s32 $execute0_lowered;
	[smem:$0x3FD2] =	sst s25  }
0xa6: {  	s4 =	sshll.u32 s26, $0x1;
	_ =	strace $0x80000049;
	[dreg:$0x1] =	wrdreg $0xFFFFFFFF  }
0xa7: {  	s28 =	simm.s32 $_size_execute0_lowered;
	s2 =	sadd.s32 s2, s4;
	[dreg:$0x0] =	wrdreg $0x0  }
0xa8: {  	s4 =	sshll.u32 s28, $0x1;
	[dreg:$0x2] =	wrdreg s2  }
0xa9: {  	[dreg:$0x3] =	wrdreg s4  }
0xaa: {  	[dreg:$0x4] =	wrdreg $0xC0  }
0xab: {  	_ =	task [dreg:s6], $0x5FFFF  }
0xac: {  	[dreg:$0x1] =	wrdreg $0xFFFFFFFF  }
0xad: {  	[dreg:$0x0] =	wrdreg $0x60  }
0xae: {  	[dreg:$0x2] =	wrdreg s24  }
0xaf: {  	[dreg:$0x3] =	wrdreg $0x5D500  }
0xb0: {  	[dreg:$0x4] =	wrdreg $0x9  }
0xb1: {  	_ =	task.clear_ibuf [dreg:s6], $0x5FFFF;
	_ =	strace $0x90000049  }
0xb2: {  	s29 =	simm.s32 $0x9;
	_ =	strace $0x8000004B  }
0xb3: {  	_ =	swait.ge [sflag:s29], $0x1  }
0xb4: {  	[sflag:s29] =	ssyncadd.s32 $0xFFFFFFFF  }
0xb5: {  	_ =	strace $0x9000004B  }
0xb6: {  	_ =	sfence  }
0xb7: {  	s30 =	sld [smem:$0x0];
	_ =	sdelay $0x2  }
0xb8: {  	s31 =	sshll.u32 s1, $0xD;
	s1 =	sshrl.u32 s1, $0x2  }
0xb9: {  	s3 =	sand.u32 $0x4000, s31;
	s1 =	sadd.s32 s1, s30  }
0xba: {  	s0 =	sor.u32 s3, s0;
	s1 =	sshll.u32 s1, $0x11  }
0xbb: {  	s0 =	sor.u32 s1, s0  }
0xbc: {  	s0 =	sadd.s32 $0x8F2B, s0  }
0xbd: {  	[sflag:s0] =	ssyncadd.remote.s32 $0x1  }
0xbe: {  	_ =	sfence.sel $0xFFFF  }
0xbf: {  	[dreg:$0x0] =	wrdreg $0xFFFFFFFF;
	(pc) =	sbr.abs _section_cstart, $3  }
0xc0: {  	[dreg:$0x1] =	wrdreg $0xFFFFFFFF  }
0xc1: {  	_ =	task.clear_ibuf [dreg:s6], $0x2FFFF;
	_ =	strace $0x9FFFFFFF  }
0xc2: {  	(tm) =	ssettm $0x7FFFFFFF  }
0xc3: {  	_ =	shalt  }
tec
execute0_lowered:
.L_overlay_start_1:
0x0: {  	(tag) =	ssettag $0x1  }
0x1: {  	s0 =	srdreg.scid  }
0x2: {  	s2 =	stileid.u32;
	s1 =	simm.s32 $0x0;
	s19 =	simm.s32 $0x128400  }
0x3: {  	s3 =	sand.u32 $0x1, s0;
	s0 =	rddreg [dreg:$0x0];
	s5 =	smul.u32 $0x186A0, s2  }
0x4: {  	s2 =	smul.u32 $0x18700, s2;
	[smem:$0x7FF] =	sst s1;
	s6 =	ssub.s32 $0x2, s3  }
0x5: {  	s4 =	smul.u32 $0x186A00, s3;
	p0 =	seq.s32 s3, $0x0;
	s26 =	sshrl.u32 s6, $0x1  }
0x6: {  	s25 =	sadd.s32 $0x1700, s2;
	s28 =	sadd.s32 $0x4500, s2;
	s9 =	sadd.s32 $0x5C00, s2  }
0x7: {  	s10 =	sadd.s32 $0x7300, s2;
	s11 =	sadd.s32 $0x8A00, s2;
	s12 =	sadd.s32 $0xA100, s2  }
0x8: {  	s13 =	sadd.s32 $0xB800, s2;
	s14 =	sadd.s32 $0xCF00, s2;
	s15 =	sadd.s32 $0xE600, s2  }
0x9: {  	s7 =	sshrl.u32 s2, $0x3;
	s19 =	simm.s32 @!p0 $0xF7600;
	s4 =	sadd.s32 s5, s4  }
0xa: {  	s8 =	ssub.s32 s6, s26;
	s26 =	sadd.s32 $0x2E00, s2;
	s19 =	sadd.s32 s19, s0  }
0xb: {  	s16 =	sshrl.u32 s25, $0x3;
	s18 =	sshrl.u32 s28, $0x3;
	s3 =	sadd.s32 s19, s7  }
0xc: {  	s20 =	sshrl.u32 s9, $0x3;
	s16 =	sadd.s32 s19, s16;
	[dreg:$0x3] =	wrdreg s3  }
0xd: {  	s21 =	sshrl.u32 s10, $0x3;
	s18 =	sadd.s32 s19, s18;
	[dreg:$0x4] =	wrdreg s16  }
0xe: {  	s22 =	sshrl.u32 s11, $0x3;
	s20 =	sadd.s32 s19, s20;
	[dreg:$0x6] =	wrdreg s18  }
0xf: {  	s23 =	sshrl.u32 s12, $0x3;
	s21 =	sadd.s32 s19, s21;
	[dreg:$0x7] =	wrdreg s20  }
0x10: {  	s24 =	sshrl.u32 s13, $0x3;
	s22 =	sadd.s32 s19, s22;
	[dreg:$0x8] =	wrdreg s21  }
0x11: {  	s4 =	sshrl.u32 s4, $0x3;
	s5 =	sadd.s32 s19, s23;
	[dreg:$0x9] =	wrdreg s22  }
0x12: {  	s17 =	sshrl.u32 s26, $0x3;
	s6 =	sadd.s32 s19, s24;
	[dreg:$0xa] =	wrdreg s5  }
0x13: {  	s7 =	sshrl.u32 s14, $0x3;
	s17 =	sadd.s32 s19, s17;
	[dreg:$0xb] =	wrdreg s6  }
0x14: {  	s8 =	smax.u32 s8, $0x1;
	s18 =	sshrl.u32 s15, $0x3;
	[dreg:$0x5] =	wrdreg s17  }
0x15: {  	s17 =	sadd.s32 s19, s7;
	s21 =	sadd.s32 s19, s18;
	s18 =	rddreg [dreg:$0x1]  }
0x16: {  	s3 =	sadd.s32 $0xFD00, s2;
	s5 =	sadd.s32 $0x14200, s2;
	[dreg:$0xc] =	wrdreg s17  }
0x17: {  	s20 =	sshrl.u32 s3, $0x3;
	s7 =	sshrl.u32 s5, $0x3;
	[dreg:$0xd] =	wrdreg s21  }
0x18: {  	s22 =	sadd.s32 s19, s20;
	s17 =	sadd.s32 $0x11400, s2;
	s20 =	sadd.s32 $0x12B00, s2  }
0x19: {  	s21 =	sadd.s32 s19, s7;
	s7 =	sadd.s32 $0x17000, s2;
	s29 =	sadd.s32 s11, s18  }
0x1a: {  	s30 =	sadd.s32 s12, s18;
	s31 =	sadd.s32 s13, s18;
	s5 =	sadd.s32 s5, s18  }
0x1b: {  	s11 =	simm.s32 $0x4650;
	s12 =	simm.s32 $0x2;
	s13 =	simm.s32 $0x3E8  }
0x1c: {  	[dreg:$0xe] =	wrdreg s22;
	s23 =	sshrl.u32 s17, $0x3;
	s6 =	sshrl.u32 s20, $0x3  }
0x1d: {  	[dreg:$0x11] =	wrdreg s21;
	s21 =	sadd.s32 $0xC6800, s0;
	s24 =	sadd.s32 s19, s23  }
0x1e: {  	s16 =	sadd.s32 s19, s6;
	s6 =	sadd.s32 $0x15900, s2;
	[dreg:$0xf] =	wrdreg s24  }
0x1f: {  	s23 =	sshrl.u32 s7, $0x3;
	s7 =	sadd.s32 s7, s18;
	[dreg:$0x10] =	wrdreg s16  }
0x20: {  	s22 =	sshrl.u32 s6, $0x3;
	s24 =	sadd.s32 s4, s0;
	s0 =	sadd.s32 s15, s18  }
0x21: {  	s4 =	sadd.s32 s20, s18;
	s6 =	sadd.s32 s6, s18;
	s15 =	simm.s32 $0x1  }
0x22: {  	s16 =	sadd.s32 s19, s22;
	s22 =	sadd.s32 s2, s18;
	s2 =	sadd.s32 s3, s18  }
0x23: {  	s3 =	sadd.s32 s17, s18;
	s17 =	simm.s32 $0x0;
	[dreg:$0x12] =	wrdreg s16  }
0x24: {  	s16 =	sadd.s32 s19, s23;
	s23 =	sadd.s32 s25, s18;
	s25 =	sadd.s32 s26, s18  }
0x25: {  	s26 =	sadd.s32 s28, s18;
	s28 =	sadd.s32 s10, s18;
	[dreg:$0x13] =	wrdreg s16  }
0x26: {  	s10 =	sadd.s32 $0x64C00, s24;
	_ =	strace $0x8000004A;
	[dreg:$0x14] =	wrdreg s25  }
0x27: {  	s16 =	sadd.s32 s14, s18;
	s14 =	simm.s32 $0x7D0;
	[dreg:$0x15] =	wrdreg s26  }
0x28: {  	v0 =	vimm.f32 $0.0e+00;
	s26 =	sadd.s32 s9, s18;
	[dreg:$0x16] =	wrdreg s8;
	s9 =	sadd.s32 $0x3000, s24  }
.LBB2_1:
0x29: {  	s19 =	simm.s32 $0x40;
	s20 =	simm.s32 $0x0  }
.LBB2_2:
0x2a: {  	p0 =	sne.s32 s19, $0x5BC0;
	[tilespmem:s20+$0x4650] =	vst v0;
	s20 =	smov.u32 s19;
	s19 =	sadd.s32 $0x40, s19  }
.Ltmp0:
0x2b: {  	(pc) =	sbr.rel @p0 .LBB2_2-.Ltmp0, $2  }
0x2c: {  	_ =	sdelay $0x2  }
0x2d: {  	s20 =	sshra.s32 s20, $0x2  }
0x2e: {  	[tilespmem:s20+$0x4650] =	vst v0  }
0x2f: {  	[spmem:s22] =	stream.linear.scatter [tilespmem:s11], [sflag:$0x2], $0x1700, $0x38;
	[tilespmem:$0x1E450] =	vst v63  }
0x30: {  	_ =	swait.ge [sflag:s12], $0x1700  }
0x31: {  	[sflag:s12] =	ssyncset.done $0x0  }
0x32: {  	[sflag:s12] =	ssyncadd.s32 $0xFFFFE900  }
0x33: {  	[spmem:s23] =	stream.linear.scatter [tilespmem:s11], [sflag:$0x2], $0x1700, $0x38;
	[tilespmem:$0x1E450] =	vst v63  }
0x34: {  	_ =	swait.ge [sflag:s12], $0x1700  }
0x35: {  	[sflag:s12] =	ssyncset.done $0x0  }
0x36: {  	s8 =	rddreg [dreg:$0x14];
	[sflag:s12] =	ssyncadd.s32 $0xFFFFE900  }
0x37: {  	[spmem:s8] =	stream.linear.scatter [tilespmem:s11], [sflag:$0x2], $0x1700, $0x38;
	[tilespmem:$0x1E450] =	vst v63  }
0x38: {  	_ =	swait.ge [sflag:s12], $0x1700  }
0x39: {  	[sflag:s12] =	ssyncset.done $0x0  }
0x3a: {  	s24 =	smov.u32 s22;
	s22 =	rddreg [dreg:$0x15];
	[sflag:s12] =	ssyncadd.s32 $0xFFFFE900  }
0x3b: {  	[spmem:s22] =	stream.linear.scatter [tilespmem:s11], [sflag:$0x2], $0x1700, $0x38;
	[tilespmem:$0x1E450] =	vst v63  }
0x3c: {  	_ =	swait.ge [sflag:s12], $0x1700  }
0x3d: {  	[sflag:s12] =	ssyncset.done $0x0  }
0x3e: {  	[sflag:s12] =	ssyncadd.s32 $0xFFFFE900  }
0x3f: {  	[spmem:s26] =	stream.linear.scatter [tilespmem:s11], [sflag:$0x2], $0x1700, $0x38;
	[tilespmem:$0x1E450] =	vst v63  }
0x40: {  	_ =	swait.ge [sflag:s12], $0x1700  }
0x41: {  	[sflag:s12] =	ssyncset.done $0x0  }
0x42: {  	[sflag:s12] =	ssyncadd.s32 $0xFFFFE900  }
0x43: {  	[spmem:s28] =	stream.linear.scatter [tilespmem:s11], [sflag:$0x2], $0x1700, $0x38;
	[tilespmem:$0x1E450] =	vst v63  }
0x44: {  	_ =	swait.ge [sflag:s12], $0x1700  }
0x45: {  	[sflag:s12] =	ssyncset.done $0x0  }
0x46: {  	[sflag:s12] =	ssyncadd.s32 $0xFFFFE900  }
0x47: {  	[spmem:s29] =	stream.linear.scatter [tilespmem:s11], [sflag:$0x2], $0x1700, $0x38;
	[tilespmem:$0x1E450] =	vst v63  }
0x48: {  	_ =	swait.ge [sflag:s12], $0x1700  }
0x49: {  	[sflag:s12] =	ssyncset.done $0x0  }
0x4a: {  	[sflag:s12] =	ssyncadd.s32 $0xFFFFE900  }
0x4b: {  	[spmem:s30] =	stream.linear.scatter [tilespmem:s11], [sflag:$0x2], $0x1700, $0x38;
	[tilespmem:$0x1E450] =	vst v63  }
0x4c: {  	_ =	swait.ge [sflag:s12], $0x1700  }
0x4d: {  	[sflag:s12] =	ssyncset.done $0x0  }
0x4e: {  	[sflag:s12] =	ssyncadd.s32 $0xFFFFE900  }
0x4f: {  	[spmem:s31] =	stream.linear.scatter [tilespmem:s11], [sflag:$0x2], $0x1700, $0x38;
	[tilespmem:$0x1E450] =	vst v63  }
0x50: {  	_ =	swait.ge [sflag:s12], $0x1700  }
0x51: {  	[sflag:s12] =	ssyncset.done $0x0  }
0x52: {  	[sflag:s12] =	ssyncadd.s32 $0xFFFFE900  }
0x53: {  	[spmem:s16] =	stream.linear.scatter [tilespmem:s11], [sflag:$0x2], $0x1700, $0x38;
	[tilespmem:$0x1E450] =	vst v63  }
0x54: {  	_ =	swait.ge [sflag:s12], $0x1700  }
0x55: {  	[sflag:s12] =	ssyncset.done $0x0  }
0x56: {  	[sflag:s12] =	ssyncadd.s32 $0xFFFFE900  }
0x57: {  	[spmem:s0] =	stream.linear.scatter [tilespmem:s11], [sflag:$0x2], $0x1700, $0x38;
	[tilespmem:$0x1E450] =	vst v63  }
0x58: {  	_ =	swait.ge [sflag:s12], $0x1700  }
0x59: {  	[sflag:s12] =	ssyncset.done $0x0  }
0x5a: {  	[sflag:s12] =	ssyncadd.s32 $0xFFFFE900  }
0x5b: {  	[spmem:s2] =	stream.linear.scatter [tilespmem:s11], [sflag:$0x2], $0x1700, $0x38;
	[tilespmem:$0x1E450] =	vst v63  }
0x5c: {  	_ =	swait.ge [sflag:s12], $0x1700  }
0x5d: {  	[sflag:s12] =	ssyncset.done $0x0  }
0x5e: {  	[sflag:s12] =	ssyncadd.s32 $0xFFFFE900  }
0x5f: {  	[spmem:s3] =	stream.linear.scatter [tilespmem:s11], [sflag:$0x2], $0x1700, $0x38;
	[tilespmem:$0x1E450] =	vst v63  }
0x60: {  	_ =	swait.ge [sflag:s12], $0x1700  }
0x61: {  	[sflag:s12] =	ssyncset.done $0x0  }
0x62: {  	[sflag:s12] =	ssyncadd.s32 $0xFFFFE900  }
0x63: {  	[spmem:s4] =	stream.linear.scatter [tilespmem:s11], [sflag:$0x2], $0x1700, $0x38;
	[tilespmem:$0x1E450] =	vst v63  }
0x64: {  	_ =	swait.ge [sflag:s12], $0x1700  }
0x65: {  	[sflag:s12] =	ssyncset.done $0x0  }
0x66: {  	[sflag:s12] =	ssyncadd.s32 $0xFFFFE900  }
0x67: {  	[spmem:s5] =	stream.linear.scatter [tilespmem:s11], [sflag:$0x2], $0x1700, $0x38;
	[tilespmem:$0x1E450] =	vst v63  }
0x68: {  	_ =	swait.ge [sflag:s12], $0x1700  }
0x69: {  	[sflag:s12] =	ssyncset.done $0x0  }
0x6a: {  	[sflag:s12] =	ssyncadd.s32 $0xFFFFE900  }
0x6b: {  	[spmem:s6] =	stream.linear.scatter [tilespmem:s11], [sflag:$0x2], $0x1700, $0x38;
	[tilespmem:$0x1E450] =	vst v63  }
0x6c: {  	_ =	swait.ge [sflag:s12], $0x1700  }
0x6d: {  	[sflag:s12] =	ssyncset.done $0x0  }
0x6e: {  	[sflag:s12] =	ssyncadd.s32 $0xFFFFE900  }
0x6f: {  	[spmem:s7] =	stream.linear.scatter [tilespmem:s11], [sflag:$0x2], $0x1700, $0x38;
	[tilespmem:$0x1E450] =	vst v63  }
0x70: {  	_ =	swait.ge [sflag:s12], $0x1700  }
0x71: {  	[sflag:s12] =	ssyncset.done $0x0  }
0x72: {  	[sflag:s12] =	ssyncadd.s32 $0xFFFFE900  }
0x73: {  	s19 =	sadd.s32 $0x0, s10;
	[bflag:$0x0] =	sbarrier.arrive $0xFFFF  }
0x74: {  	[tilespmem:s1], [sflag:$0x2] =	stream.linear.gather [hbm4b:s19+s1], $0x3E8, $0x38;
	[tilespmem:$0x1E450] =	vst v63  }
0x75: {  	_ =	swait.ge [sflag:s12], $0x3E8  }
0x76: {  	[sflag:s12] =	ssyncset.done $0x0  }
0x77: {  	s25 =	smov.u32 s23;
	s23 =	sadd.s32 $0x0, s9;
	[sflag:s12] =	ssyncadd.s32 $0xFFFFFC18  }
0x78: {  	[tilespmem:s13], [sflag:$0x2] =	stream.linear.gather [hbm4b:s23+s1], $0x3E8, $0x38;
	[tilespmem:$0x1E450] =	vst v63  }
0x79: {  	_ =	swait.ge [sflag:s12], $0x3E8  }
0x7a: {  	[sflag:s12] =	ssyncset.done $0x0  }
0x7b: {  	[sflag:s12] =	ssyncadd.s32 $0xFFFFFC18  }
0x7c: {  	[tilespmem:s14], [sflag:$0x1] =	stream.indirect.gather [hbm4b:s21+s13], $0x10, s1, s13, $0xb8;
	[tilespmem:$0x1E450] =	vst v63  }
0x7d: {  	_ =	swait.ge [sflag:s15], $0x3E80  }
0x7e: {  	[sflag:s15] =	ssyncset.done $0x0  }
0x7f: {  	[sflag:s15] =	ssyncadd.s32 $0xFFFFC180  }
0x80: {  	[spmem:s18] =	stream.indirect.scatter.add.f32 [tilespmem:s14], [sflag:$0x2], $0x10, s13, s13, $0xb8;
	[tilespmem:$0x1E450] =	vst v63  }
0x81: {  	_ =	swait.ge [sflag:s12], $0x3E80  }
0x82: {  	s20 =	simm.s32 $0xFA;
	s19 =	simm.s32 $0x7D;
	[sflag:s12] =	ssyncset.done $0x0  }
.LBB2_4:
0x83: {  	s8 =	sadd.s32 s19, s10  }
0x84: {  	[sflag:s12] =	ssyncadd.s32 $0xFFFFC180;
	s22 =	smov.u32 s20;
	s23 =	sadd.s32 $0x7D, s20  }
0x85: {  	[tilespmem:s1], [sflag:$0x2] =	stream.linear.gather [hbm4b:s8+s1], $0x3E8, $0x38;
	[tilespmem:$0x1E450] =	vst v63  }
0x86: {  	p0 =	sne.s32 s20, $0x3057;
	_ =	swait.ge [sflag:s12], $0x3E8  }
0x87: {  	[sflag:s12] =	ssyncset.done $0x0  }
0x88: {  	s8 =	sadd.s32 s19, s9;
	s19 =	smov.u32 s22;
	[sflag:s12] =	ssyncadd.s32 $0xFFFFFC18  }
0x89: {  	[tilespmem:s13], [sflag:$0x2] =	stream.linear.gather [hbm4b:s8+s1], $0x3E8, $0x38;
	[tilespmem:$0x1E450] =	vst v63  }
0x8a: {  	_ =	swait.ge [sflag:s12], $0x3E8  }
0x8b: {  	[sflag:s12] =	ssyncset.done $0x0  }
0x8c: {  	[sflag:s12] =	ssyncadd.s32 $0xFFFFFC18  }
0x8d: {  	[tilespmem:s14], [sflag:$0x1] =	stream.indirect.gather [hbm4b:s21+s13], $0x10, s1, s13, $0xb8;
	[tilespmem:$0x1E450] =	vst v63  }
0x8e: {  	_ =	swait.ge [sflag:s15], $0x3E80  }
.Ltmp1:
0x8f: {  	[sflag:s15] =	ssyncset.done $0x0;
	(pc) =	sbr.rel @p0 .LBB2_4-.Ltmp1, $4  }
0x90: {  	[sflag:s15] =	ssyncadd.s32 $0xFFFFC180  }
0x91: {  	[spmem:s18] =	stream.indirect.scatter.add.f32 [tilespmem:s14], [sflag:$0x2], $0x10, s13, s13, $0xb8;
	[tilespmem:$0x1E450] =	vst v63  }
0x92: {  	_ =	swait.ge [sflag:s12], $0x3E80  }
0x93: {  	s20 =	smov.u32 s23;
	[sflag:s12] =	ssyncset.done $0x0  }
0x94: {  	s8 =	sadd.s32 s19, s10;
	[sflag:s12] =	ssyncadd.s32 $0xFFFFC180  }
0x95: {  	[tilespmem:s1], [sflag:$0x2] =	stream.linear.gather [hbm4b:s8+s1], $0x3E8, $0x38;
	[tilespmem:$0x1E450] =	vst v63  }
0x96: {  	_ =	swait.ge [sflag:s12], $0x3E8  }
0x97: {  	[sflag:s12] =	ssyncset.done $0x0  }
0x98: {  	s23 =	sadd.s32 s19, s9;
	[sflag:s12] =	ssyncadd.s32 $0xFFFFFC18  }
0x99: {  	[tilespmem:s13], [sflag:$0x2] =	stream.linear.gather [hbm4b:s23+s1], $0x3E8, $0x38;
	[tilespmem:$0x1E450] =	vst v63  }
0x9a: {  	_ =	swait.ge [sflag:s12], $0x3E8  }
0x9b: {  	[sflag:s12] =	ssyncset.done $0x0  }
0x9c: {  	[sflag:s12] =	ssyncadd.s32 $0xFFFFFC18  }
0x9d: {  	[tilespmem:s14], [sflag:$0x1] =	stream.indirect.gather [hbm4b:s21+s13], $0x10, s1, s13, $0xb8;
	[tilespmem:$0x1E450] =	vst v63  }
0x9e: {  	_ =	swait.ge [sflag:s15], $0x3E80  }
0x9f: {  	[sflag:s15] =	ssyncset.done $0x0  }
0xa0: {  	[sflag:s15] =	ssyncadd.s32 $0xFFFFC180  }
0xa1: {  	[spmem:s18] =	stream.indirect.scatter.add.f32 [tilespmem:s14], [sflag:$0x2], $0x10, s13, s13, $0xb8;
	[tilespmem:$0x1E450] =	vst v63  }
0xa2: {  	_ =	swait.ge [sflag:s12], $0x3E80  }
0xa3: {  	[sflag:s12] =	ssyncset.done $0x0  }
0xa4: {  	[sflag:s12] =	ssyncadd.s32 $0xFFFFC180  }
0xa5: {  	[bflag:$0x0] =	sbarrier.arrive $0xFFFF  }
0xa6: {  	[tilespmem:s11], [sflag:$0x2] =	stream.linear.gather [spmem:s24], $0x1700, $0x38;
	[tilespmem:$0x1E450] =	vst v63  }
0xa7: {  	_ =	swait.ge [sflag:s12], $0x1700  }
0xa8: {  	[sflag:s12] =	ssyncset.done $0x0  }
0xa9: {  	s19 =	rddreg [dreg:$0x3];
	[sflag:s12] =	ssyncadd.s32 $0xFFFFE900  }
0xaa: {  	[hbm4b:s19+s1] =	stream.linear.scatter [tilespmem:s11], [sflag:$0x2], $0x1700, $0x38;
	[tilespmem:$0x1E450] =	vst v63  }
0xab: {  	_ =	swait.ge [sflag:s12], $0x1700  }
0xac: {  	[sflag:s12] =	ssyncset.done $0x0  }
0xad: {  	[sflag:s12] =	ssyncadd.s32 $0xFFFFE900  }
0xae: {  	[tilespmem:s11], [sflag:$0x2] =	stream.linear.gather [spmem:s25], $0x1700, $0x38;
	[tilespmem:$0x1E450] =	vst v63  }
0xaf: {  	_ =	swait.ge [sflag:s12], $0x1700  }
0xb0: {  	[sflag:s12] =	ssyncset.done $0x0  }
0xb1: {  	s20 =	rddreg [dreg:$0x4];
	[sflag:s12] =	ssyncadd.s32 $0xFFFFE900  }
0xb2: {  	[hbm4b:s20+s1] =	stream.linear.scatter [tilespmem:s11], [sflag:$0x2], $0x1700, $0x38;
	[tilespmem:$0x1E450] =	vst v63  }
0xb3: {  	_ =	swait.ge [sflag:s12], $0x1700  }
0xb4: {  	[sflag:s12] =	ssyncset.done $0x0  }
0xb5: {  	s22 =	smov.u32 s24;
	s24 =	rddreg [dreg:$0x14];
	[sflag:s12] =	ssyncadd.s32 $0xFFFFE900  }
0xb6: {  	[tilespmem:s11], [sflag:$0x2] =	stream.linear.gather [spmem:s24], $0x1700, $0x38;
	[tilespmem:$0x1E450] =	vst v63  }
0xb7: {  	_ =	swait.ge [sflag:s12], $0x1700  }
0xb8: {  	[sflag:s12] =	ssyncset.done $0x0  }
0xb9: {  	s23 =	smov.u32 s25;
	s25 =	rddreg [dreg:$0x5];
	[sflag:s12] =	ssyncadd.s32 $0xFFFFE900  }
0xba: {  	[hbm4b:s25+s1] =	stream.linear.scatter [tilespmem:s11], [sflag:$0x2], $0x1700, $0x38;
	[tilespmem:$0x1E450] =	vst v63  }
0xbb: {  	_ =	swait.ge [sflag:s12], $0x1700  }
0xbc: {  	[sflag:s12] =	ssyncset.done $0x0  }
0xbd: {  	s19 =	rddreg [dreg:$0x15];
	[sflag:s12] =	ssyncadd.s32 $0xFFFFE900  }
0xbe: {  	[tilespmem:s11], [sflag:$0x2] =	stream.linear.gather [spmem:s19], $0x1700, $0x38;
	[tilespmem:$0x1E450] =	vst v63  }
0xbf: {  	_ =	swait.ge [sflag:s12], $0x1700  }
0xc0: {  	[sflag:s12] =	ssyncset.done $0x0  }
0xc1: {  	s20 =	rddreg [dreg:$0x6];
	[sflag:s12] =	ssyncadd.s32 $0xFFFFE900  }
0xc2: {  	[hbm4b:s20+s1] =	stream.linear.scatter [tilespmem:s11], [sflag:$0x2], $0x1700, $0x38;
	[tilespmem:$0x1E450] =	vst v63  }
0xc3: {  	_ =	swait.ge [sflag:s12], $0x1700  }
0xc4: {  	[sflag:s12] =	ssyncset.done $0x0  }
0xc5: {  	[sflag:s12] =	ssyncadd.s32 $0xFFFFE900  }
0xc6: {  	[tilespmem:s11], [sflag:$0x2] =	stream.linear.gather [spmem:s26], $0x1700, $0x38;
	[tilespmem:$0x1E450] =	vst v63  }
0xc7: {  	_ =	swait.ge [sflag:s12], $0x1700  }
0xc8: {  	[sflag:s12] =	ssyncset.done $0x0  }
0xc9: {  	s24 =	rddreg [dreg:$0x7];
	[sflag:s12] =	ssyncadd.s32 $0xFFFFE900  }
0xca: {  	[hbm4b:s24+s1] =	stream.linear.scatter [tilespmem:s11], [sflag:$0x2], $0x1700, $0x38;
	[tilespmem:$0x1E450] =	vst v63  }
0xcb: {  	_ =	swait.ge [sflag:s12], $0x1700  }
0xcc: {  	[sflag:s12] =	ssyncset.done $0x0  }
0xcd: {  	[sflag:s12] =	ssyncadd.s32 $0xFFFFE900  }
0xce: {  	[tilespmem:s11], [sflag:$0x2] =	stream.linear.gather [spmem:s28], $0x1700, $0x38;
	[tilespmem:$0x1E450] =	vst v63  }
0xcf: {  	_ =	swait.ge [sflag:s12], $0x1700  }
0xd0: {  	[sflag:s12] =	ssyncset.done $0x0  }
0xd1: {  	s25 =	rddreg [dreg:$0x8];
	[sflag:s12] =	ssyncadd.s32 $0xFFFFE900  }
0xd2: {  	[hbm4b:s25+s1] =	stream.linear.scatter [tilespmem:s11], [sflag:$0x2], $0x1700, $0x38;
	[tilespmem:$0x1E450] =	vst v63  }
0xd3: {  	_ =	swait.ge [sflag:s12], $0x1700  }
0xd4: {  	[sflag:s12] =	ssyncset.done $0x0  }
0xd5: {  	[sflag:s12] =	ssyncadd.s32 $0xFFFFE900  }
0xd6: {  	[tilespmem:s11], [sflag:$0x2] =	stream.linear.gather [spmem:s29], $0x1700, $0x38;
	[tilespmem:$0x1E450] =	vst v63  }
0xd7: {  	_ =	swait.ge [sflag:s12], $0x1700  }
0xd8: {  	[sflag:s12] =	ssyncset.done $0x0  }
0xd9: {  	s19 =	rddreg [dreg:$0x9];
	[sflag:s12] =	ssyncadd.s32 $0xFFFFE900  }
0xda: {  	[hbm4b:s19+s1] =	stream.linear.scatter [tilespmem:s11], [sflag:$0x2], $0x1700, $0x38;
	[tilespmem:$0x1E450] =	vst v63  }
0xdb: {  	_ =	swait.ge [sflag:s12], $0x1700  }
0xdc: {  	[sflag:s12] =	ssyncset.done $0x0  }
0xdd: {  	[sflag:s12] =	ssyncadd.s32 $0xFFFFE900  }
0xde: {  	[tilespmem:s11], [sflag:$0x2] =	stream.linear.gather [spmem:s30], $0x1700, $0x38;
	[tilespmem:$0x1E450] =	vst v63  }
0xdf: {  	_ =	swait.ge [sflag:s12], $0x1700  }
0xe0: {  	[sflag:s12] =	ssyncset.done $0x0  }
0xe1: {  	s20 =	rddreg [dreg:$0xa];
	[sflag:s12] =	ssyncadd.s32 $0xFFFFE900  }
0xe2: {  	[hbm4b:s20+s1] =	stream.linear.scatter [tilespmem:s11], [sflag:$0x2], $0x1700, $0x38;
	[tilespmem:$0x1E450] =	vst v63  }
0xe3: {  	_ =	swait.ge [sflag:s12], $0x1700  }
0xe4: {  	[sflag:s12] =	ssyncset.done $0x0  }
0xe5: {  	[sflag:s12] =	ssyncadd.s32 $0xFFFFE900  }
0xe6: {  	[tilespmem:s11], [sflag:$0x2] =	stream.linear.gather [spmem:s31], $0x1700, $0x38;
	[tilespmem:$0x1E450] =	vst v63  }
0xe7: {  	_ =	swait.ge [sflag:s12], $0x1700  }
0xe8: {  	[sflag:s12] =	ssyncset.done $0x0  }
0xe9: {  	s24 =	rddreg [dreg:$0xb];
	[sflag:s12] =	ssyncadd.s32 $0xFFFFE900  }
0xea: {  	[hbm4b:s24+s1] =	stream.linear.scatter [tilespmem:s11], [sflag:$0x2], $0x1700, $0x38;
	[tilespmem:$0x1E450] =	vst v63  }
0xeb: {  	_ =	swait.ge [sflag:s12], $0x1700  }
0xec: {  	[sflag:s12] =	ssyncset.done $0x0  }
0xed: {  	[sflag:s12] =	ssyncadd.s32 $0xFFFFE900  }
0xee: {  	[tilespmem:s11], [sflag:$0x2] =	stream.linear.gather [spmem:s16], $0x1700, $0x38;
	[tilespmem:$0x1E450] =	vst v63  }
0xef: {  	_ =	swait.ge [sflag:s12], $0x1700  }
0xf0: {  	[sflag:s12] =	ssyncset.done $0x0  }
0xf1: {  	s25 =	rddreg [dreg:$0xc];
	[sflag:s12] =	ssyncadd.s32 $0xFFFFE900  }
0xf2: {  	[hbm4b:s25+s1] =	stream.linear.scatter [tilespmem:s11], [sflag:$0x2], $0x1700, $0x38;
	[tilespmem:$0x1E450] =	vst v63  }
0xf3: {  	_ =	swait.ge [sflag:s12], $0x1700  }
0xf4: {  	[sflag:s12] =	ssyncset.done $0x0  }
0xf5: {  	[sflag:s12] =	ssyncadd.s32 $0xFFFFE900  }
0xf6: {  	[tilespmem:s11], [sflag:$0x2] =	stream.linear.gather [spmem:s0], $0x1700, $0x38;
	[tilespmem:$0x1E450] =	vst v63  }
0xf7: {  	_ =	swait.ge [sflag:s12], $0x1700  }
0xf8: {  	[sflag:s12] =	ssyncset.done $0x0  }
0xf9: {  	s19 =	rddreg [dreg:$0xd];
	[sflag:s12] =	ssyncadd.s32 $0xFFFFE900  }
0xfa: {  	[hbm4b:s19+s1] =	stream.linear.scatter [tilespmem:s11], [sflag:$0x2], $0x1700, $0x38;
	[tilespmem:$0x1E450] =	vst v63  }
0xfb: {  	_ =	swait.ge [sflag:s12], $0x1700  }
0xfc: {  	[sflag:s12] =	ssyncset.done $0x0  }
0xfd: {  	[sflag:s12] =	ssyncadd.s32 $0xFFFFE900  }
0xfe: {  	[tilespmem:s11], [sflag:$0x2] =	stream.linear.gather [spmem:s2], $0x1700, $0x38;
	[tilespmem:$0x1E450] =	vst v63  }
0xff: {  	_ =	swait.ge [sflag:s12], $0x1700  }
0x100: {  	[sflag:s12] =	ssyncset.done $0x0  }
0x101: {  	s20 =	rddreg [dreg:$0xe];
	[sflag:s12] =	ssyncadd.s32 $0xFFFFE900  }
0x102: {  	[hbm4b:s20+s1] =	stream.linear.scatter [tilespmem:s11], [sflag:$0x2], $0x1700, $0x38;
	[tilespmem:$0x1E450] =	vst v63  }
0x103: {  	_ =	swait.ge [sflag:s12], $0x1700  }
0x104: {  	[sflag:s12] =	ssyncset.done $0x0  }
0x105: {  	[sflag:s12] =	ssyncadd.s32 $0xFFFFE900  }
0x106: {  	[tilespmem:s11], [sflag:$0x2] =	stream.linear.gather [spmem:s3], $0x1700, $0x38;
	[tilespmem:$0x1E450] =	vst v63  }
0x107: {  	_ =	swait.ge [sflag:s12], $0x1700  }
0x108: {  	[sflag:s12] =	ssyncset.done $0x0  }
0x109: {  	s24 =	rddreg [dreg:$0xf];
	[sflag:s12] =	ssyncadd.s32 $0xFFFFE900  }
0x10a: {  	[hbm4b:s24+s1] =	stream.linear.scatter [tilespmem:s11], [sflag:$0x2], $0x1700, $0x38;
	[tilespmem:$0x1E450] =	vst v63  }
0x10b: {  	_ =	swait.ge [sflag:s12], $0x1700  }
0x10c: {  	[sflag:s12] =	ssyncset.done $0x0  }
0x10d: {  	[sflag:s12] =	ssyncadd.s32 $0xFFFFE900  }
0x10e: {  	[tilespmem:s11], [sflag:$0x2] =	stream.linear.gather [spmem:s4], $0x1700, $0x38;
	[tilespmem:$0x1E450] =	vst v63  }
0x10f: {  	_ =	swait.ge [sflag:s12], $0x1700  }
0x110: {  	[sflag:s12] =	ssyncset.done $0x0  }
0x111: {  	s25 =	rddreg [dreg:$0x10];
	[sflag:s12] =	ssyncadd.s32 $0xFFFFE900  }
0x112: {  	[hbm4b:s25+s1] =	stream.linear.scatter [tilespmem:s11], [sflag:$0x2], $0x1700, $0x38;
	[tilespmem:$0x1E450] =	vst v63  }
0x113: {  	_ =	swait.ge [sflag:s12], $0x1700  }
0x114: {  	[sflag:s12] =	ssyncset.done $0x0  }
0x115: {  	[sflag:s12] =	ssyncadd.s32 $0xFFFFE900  }
0x116: {  	[tilespmem:s11], [sflag:$0x2] =	stream.linear.gather [spmem:s5], $0x1700, $0x38;
	[tilespmem:$0x1E450] =	vst v63  }
0x117: {  	_ =	swait.ge [sflag:s12], $0x1700  }
0x118: {  	[sflag:s12] =	ssyncset.done $0x0  }
0x119: {  	s19 =	rddreg [dreg:$0x11];
	[sflag:s12] =	ssyncadd.s32 $0xFFFFE900  }
0x11a: {  	[hbm4b:s19+s1] =	stream.linear.scatter [tilespmem:s11], [sflag:$0x2], $0x1700, $0x38;
	[tilespmem:$0x1E450] =	vst v63  }
0x11b: {  	_ =	swait.ge [sflag:s12], $0x1700  }
0x11c: {  	[sflag:s12] =	ssyncset.done $0x0  }
0x11d: {  	[sflag:s12] =	ssyncadd.s32 $0xFFFFE900  }
0x11e: {  	[tilespmem:s11], [sflag:$0x2] =	stream.linear.gather [spmem:s6], $0x1700, $0x38;
	[tilespmem:$0x1E450] =	vst v63  }
0x11f: {  	_ =	swait.ge [sflag:s12], $0x1700  }
0x120: {  	[sflag:s12] =	ssyncset.done $0x0  }
0x121: {  	s20 =	rddreg [dreg:$0x12];
	[sflag:s12] =	ssyncadd.s32 $0xFFFFE900  }
0x122: {  	[hbm4b:s20+s1] =	stream.linear.scatter [tilespmem:s11], [sflag:$0x2], $0x1700, $0x38;
	[tilespmem:$0x1E450] =	vst v63  }
0x123: {  	_ =	swait.ge [sflag:s12], $0x1700  }
0x124: {  	[sflag:s12] =	ssyncset.done $0x0  }
0x125: {  	[sflag:s12] =	ssyncadd.s32 $0xFFFFE900  }
0x126: {  	[tilespmem:s11], [sflag:$0x2] =	stream.linear.gather [spmem:s7], $0x1700, $0x38;
	[tilespmem:$0x1E450] =	vst v63  }
0x127: {  	_ =	swait.ge [sflag:s12], $0x1700  }
0x128: {  	[sflag:s12] =	ssyncset.done $0x0  }
0x129: {  	s24 =	rddreg [dreg:$0x13];
	[sflag:s12] =	ssyncadd.s32 $0xFFFFE900  }
0x12a: {  	[hbm4b:s24+s1] =	stream.linear.scatter [tilespmem:s11], [sflag:$0x2], $0x1700, $0x38;
	[tilespmem:$0x1E450] =	vst v63  }
0x12b: {  	_ =	swait.ge [sflag:s12], $0x1700  }
0x12c: {  	s17 =	sadd.s32 $0x1, s17;
	s25 =	rddreg [dreg:$0x16]  }
0x12d: {  	p0 =	sne.s32 s17, s25  }
.Ltmp2:
0x12e: {  	_ = 	snop;
	(pc) =	sbr.rel @p0 .LBB2_1-.Ltmp2, $3  }
0x12f: {  	_ =	sdelay $0x1  }
0x130: {  	[sflag:s12] =	ssyncset.done $0x0  }
0x131: {  	[sflag:s12] =	ssyncadd.s32 $0xFFFFE900  }
0x132: {  	_ =	sfence.sel $0x180000  }
0x133: {  	[bflag:$0x0] =	sbarrier.arrive $0xFFFF  }
0x134: {  	_ =	strace $0x9000004A  }
0x135: {  	s0 =	stileid.u32;
	[bflag:$0x2] =	sbarrier.arrive $0xFFFF  }
0x136: {  	p0 =	sne.s32 s0, $0x0;
	s0 =	rddreg [dreg:$0x2]  }
0x137: {  	s0 =	sadd.s32 @!p0 $0x100000, s0  }
0x138: {  	[sflag:s0] =	ssyncadd.tile.s32 @!p0 $0x1;
	_ =	shalt  }
.Lfunc_end2:
_tile_overlayer_lowered:
.L_overlay_start_2:
0x139: {  	(tag) =	ssettag $0x2  }
0x13a: {  	s0 =	rddreg [dreg:$0x0];
	s2 =	stileid.u32  }
0x13b: {  	s1 =	rddreg [dreg:$0x1];
	p0 =	sne.s32 s2, $0x0  }
0x13c: {  	s3 =	rddreg [dreg:$0x2];
	[bflag:$0x3] =	sbarrier.arrive $0xFFFF;
	s2 =	simm.s32 @!p0 $0x1C02  }
0x13d: {  	[timem:s3], [sflag:s2] =	dma.local @!p0 [hbm:s0], s1  }
0x13e: {  	s0 =	simm.s32 @!p0 $0x2  }
0x13f: {  	_ =	swait.ge @!p0 [sflag:s0], s1  }
0x140: {  	s1 =	ssub.s32 @!p0 $0x0, s1;
	[sflag:s0] =	ssyncset.done @!p0 $0x0  }
0x141: {  	[sflag:s0] =	ssyncadd.s32 @!p0 s1  }
0x142: {  	[bflag:$0x3] =	sbarrier.arrive $0xFFFF  }
0x143: {  	_ =	shalt  }

// kernel: kernel.14.cloned.1.call-start
scs
__scs_entry_jumppad:
0x0: {  	(pc) =	sbr.rel $0x88, $3  }
0x1: {  	(tag) =	ssettag $0x0;
	lr =	simm.s32 $0x1  }
0x2: {  	[smem:$0x3F99] =	sst lr;
	_ =	strace $0xD0000000  }
0x3: {  	_ = 	snop  }
0x4: {  	_ = 	snop  }
0x5: {  	_ = 	snop  }
0x6: {  	_ = 	snop  }
0x7: {  	_ = 	snop  }
__scs_overlays_trampoline_lowered:
0x8: {  	[smem:$0x3FA8] =	sst s0  }
0x9: {  	[smem:$0x3FA9] =	sst s1  }
0xa: {  	[smem:$0x3FAA] =	sst s2  }
0xb: {  	[smem:$0x3FAB] =	sst s3  }
0xc: {  	[smem:$0x3FAC] =	sst s4  }
0xd: {  	[smem:$0x3FAD] =	sst s5  }
0xe: {  	[smem:$0x3FAE] =	sst s6  }
0xf: {  	[smem:$0x3FAF] =	sst s7  }
0x10: {  	[smem:$0x3FB0] =	sst s8  }
0x11: {  	[smem:$0x3FB1] =	sst s9;
	s0 =	simm.s32 @!p0 $0x0  }
0x12: {  	s1 =	sld [smem:$0x3F97];
	s0 =	simm.s32 @p0 $0x1  }
0x13: {  	[smem:$0x3FB2] =	sst s0;
	s0 =	simm.s32 @!p1 $0x0  }
0x14: {  	s2 =	sld [smem:$0x3F96];
	s0 =	simm.s32 @p1 $0x1  }
0x15: {  	[smem:$0x3FB3] =	sst s0;
	s0 =	simm.s32 @!p2 $0x0  }
0x16: {  	s3 =	sld [smem:$0x3FDB];
	s0 =	simm.s32 @p2 $0x1  }
0x17: {  	s4 =	simm.s32 $0x1BF5;
	[smem:$0x3FB5] =	sst s0  }
0x18: {  	s0 =	sld [smem:$0x3F98];
	_ =	swait.ge [sflag:s4], $0x0  }
0x19: {  	s7 =	sld [smem:$0x3F99]  }
0x1a: {  	s8 =	sadd.s32 $0xFFFFE003, lr  }
0x1b: {  	s9 =	sadd.s32 $0xFFFFFEF7, lr;
	s5 =	simm.s32 $0xFFFFFFFF;
	p2 =	slt.u32 s8, $0xFFFFF086  }
0x1c: {  	p1 =	slt.u32 s9, $0xF7A;
	s5 =	simm.s32 @!p2 $0x0  }
0x1d: {  	s5 =	simm.s32 @p1 $0x1;
	p0 =	seq.s32 s7, s2  }
0x1e: {  	s7 =	smul.u32 @!p0 $0xF7A, s2;
	p2 =	seq.s32 @!p0 s5, $0x0  }
0x1f: {  	s9 =	smul.u32 $0xF7A, s1;
	s8 =	simm.s32 @!p0 $0x1BF5;
	p2 =	por !p2, p0  }
0x20: {  	[sflag:s8] =	ssyncset.s32 @!p0 $0xFFFFF086;
	s6 =	sadd.s32 @!p0 s3, s7;
	s7 =	simm.s32 @!p0 $0x108  }
0x21: {  	s3 =	sadd.s32 s3, s9;
	s6 =	sadd.s32 @!p0 $0x88, s6;
	s7 =	simm.s32 @p2 $0x1082  }
0x22: {  	[simem:s7], [sflag:s8] =	dma.local @!p0 [hbm:s6], $0xF7A  }
0x23: {  	s9 =	sor.u32 $0xD0000000, s2;
	s6 =	simm.s32 $0x108;
	_ =	swait.ge @!p0 [sflag:s8], $0x0  }
0x24: {  	s3 =	sadd.s32 $0x88, s3;
	s6 =	simm.s32 @!p1 $0x1082;
	[sflag:s4] =	ssyncset.s32 $0xFFFFF086  }
0x25: {  	[simem:s6], [sflag:s4] =	dma.local [hbm:s3], $0xF7A  }
0x26: {  	[smem:$0x3F99] =	sst s1;
	(tag) =	ssettag s2;
	_ =	strace s9  }
0x27: {  	s1 =	sld [smem:$0x3FA9]  }
0x28: {  	s2 =	sld [smem:$0x3FAA]  }
0x29: {  	s4 =	sld [smem:$0x3FAC]  }
0x2a: {  	p0 =	seq.s32 s5, $0x0;
	s5 =	sld [smem:$0x3FAD]  }
0x2b: {  	s6 =	sld [smem:$0x3FAE]  }
0x2c: {  	s7 =	sld [smem:$0x3FAF]  }
0x2d: {  	s3 =	simm.s32 $0x108;
	s8 =	sld [smem:$0x3FB0]  }
0x2e: {  	s3 =	simm.s32 @!p0 $0x1082;
	s9 =	sld [smem:$0x3FB1]  }
0x2f: {  	lr =	sadd.s32 s0, s3;
	s0 =	sld [smem:$0x3FA8]  }
0x30: {  	s3 =	sld [smem:$0x3FAB]  }
0x31: {  	[smem:$0x3FB4] =	sst s10  }
0x32: {  	s10 =	sld [smem:$0x3FB2];
	_ =	sdelay $0x3  }
0x33: {  	p0 =	seq.s32 s10, $0x1;
	s10 =	sld [smem:$0x3FB4];
	_ =	sdelay $0x3  }
0x34: {  	[smem:$0x3FB4] =	sst s10  }
0x35: {  	s10 =	sld [smem:$0x3FB3];
	_ =	sdelay $0x3  }
0x36: {  	p1 =	seq.s32 s10, $0x1;
	s10 =	sld [smem:$0x3FB4];
	_ =	sdelay $0x3  }
0x37: {  	[smem:$0x3FB4] =	sst s10  }
0x38: {  	s10 =	sld [smem:$0x3FB5]  }
0x39: {  	_ = 	snop;
	(pc) =	sbr.ind lr, $3  }
0x3a: {  	_ = 	snop  }
0x3b: {  	_ = 	snop  }
0x3c: {  	p2 =	seq.s32 s10, $0x1;
	s10 =	sld [smem:$0x3FB4]  }
0x3d: {  	_ =	shalt  }
0x3e: {  	_ =	shalt  }
0x3f: {  	_ =	shalt  }
0x40: {  	_ =	shalt  }
0x41: {  	_ =	shalt  }
0x42: {  	_ =	shalt  }
0x43: {  	_ =	shalt  }
0x44: {  	_ =	shalt  }
0x45: {  	_ =	shalt  }
0x46: {  	_ =	shalt  }
0x47: {  	_ =	shalt  }
0x48: {  	_ =	shalt  }
0x49: {  	_ =	shalt  }
0x4a: {  	_ =	shalt  }
0x4b: {  	_ =	shalt  }
0x4c: {  	_ =	shalt  }
0x4d: {  	_ =	shalt  }
0x4e: {  	_ =	shalt  }
0x4f: {  	_ =	shalt  }
0x50: {  	_ =	shalt  }
0x51: {  	_ =	shalt  }
0x52: {  	_ =	shalt  }
0x53: {  	_ =	shalt  }
0x54: {  	_ =	shalt  }
0x55: {  	_ =	shalt  }
0x56: {  	_ =	shalt  }
0x57: {  	_ =	shalt  }
0x58: {  	_ =	shalt  }
0x59: {  	_ =	shalt  }
0x5a: {  	_ =	shalt  }
0x5b: {  	_ =	shalt  }
0x5c: {  	_ =	shalt  }
0x5d: {  	_ =	shalt  }
0x5e: {  	_ =	shalt  }
0x5f: {  	_ =	shalt  }
0x60: {  	_ =	shalt  }
0x61: {  	_ =	shalt  }
0x62: {  	_ =	shalt  }
0x63: {  	_ =	shalt  }
0x64: {  	_ =	shalt  }
0x65: {  	_ =	shalt  }
0x66: {  	_ =	shalt  }
0x67: {  	_ =	shalt  }
0x68: {  	_ =	shalt  }
0x69: {  	_ =	shalt  }
0x6a: {  	_ =	shalt  }
0x6b: {  	_ =	shalt  }
0x6c: {  	_ =	shalt  }
0x6d: {  	_ =	shalt  }
0x6e: {  	_ =	shalt  }
0x6f: {  	_ =	shalt  }
0x70: {  	_ =	shalt  }
0x71: {  	_ =	shalt  }
0x72: {  	_ =	shalt  }
0x73: {  	_ =	shalt  }
0x74: {  	_ =	shalt  }
0x75: {  	_ =	shalt  }
0x76: {  	_ =	shalt  }
0x77: {  	_ =	shalt  }
0x78: {  	_ =	shalt  }
0x79: {  	_ =	shalt  }
0x7a: {  	_ =	shalt  }
0x7b: {  	_ =	shalt  }
0x7c: {  	_ =	shalt  }
0x7d: {  	_ =	shalt  }
0x7e: {  	_ =	shalt  }
0x7f: {  	_ =	shalt  }
0x80: {  	_ =	shalt  }
0x81: {  	_ =	shalt  }
0x82: {  	_ =	shalt  }
0x83: {  	_ =	shalt  }
0x84: {  	_ =	shalt  }
0x85: {  	_ =	shalt  }
0x86: {  	_ =	shalt  }
0x87: {  	_ =	shalt  }
.Lfunc_end0:
.L_simem_size_0:
called_computation.2_lowered:
.L_overlay_start_0:
0x88: {  	s2 =	sld [smem:$0x3FD9]  }
0x89: {  	s3 =	sld [smem:$0x3FFE];
	_ =	sdelay $0x1  }
0x8a: {  	s1 =	srdreg.scid  }
0x8b: {  	s0 =	sand.u32 $0x1, s1  }
0x8c: {  	s16 =	sshll.u32 s0, $0xA;
	s2 =	sadd.s32 s3, s2  }
0x8d: {  	s2 =	sadd.s32 s2, s16  }
0x8e: {  	[smem:$0x3FC0] =	sst s2  }
0x8f: {  	_ = 	snop  }
0x90: {  	(tm) =	ssettm $0x1  }
0x91: {  	s17 =	sld [smem:$0x3FFB];
	_ =	sdelay $0x3  }
0x92: {  	_ =	strace s17  }
0x93: {  	s2 =	sld [smem:$0x3FFC];
	_ =	sdelay $0x3  }
0x94: {  	_ =	strace s2  }
0x95: {  	s2 =	sld [smem:$0x3FFD];
	_ =	sdelay $0x3  }
0x96: {  	_ =	strace s2  }
0x97: {  	_ =	strace $0x8FFFFFFF  }
0x98: {  	s18 =	sld [smem:$0x3FDB];
	_ =	sdelay $0x1  }
0x99: {  	s19 =	simm.s32 $_scs_section_size  }
0x9a: {  	s4 =	simm.s32 $_size__tile_overlayer_lowered;
	s5 =	simm.s32 $_tile_overlayer_lowered  }
0x9b: {  	s22 =	simm.s32 $0x1BFF;
	s21 =	sshll.u32 s5, $0x1;
	s2 =	sadd.s32 s19, s18  }
0x9c: {  	s6 =	simm.s32 $0x0;
	s20 =	sshll.u32 s4, $0x1;
	s4 =	sadd.s32 s21, s2  }
0x9d: {  	[timem:s6], [sflag:s22] =	dma.local [hbm:s4], s20  }
0x9e: {  	_ =	swait.ge [sflag:s22], s20  }
0x9f: {  	s3 =	ssub.s32 $0x0, s20;
	[sflag:s22] =	ssyncset.done $0x0  }
0xa0: {  	[sflag:s22] =	ssyncadd.s32 s3;
	_ =	sdelay $0x1  }
0xa1: {  	s23 =	simm.s32 $0x1B8B  }
0xa2: {  	_ =	swait.ge [sflag:s23], $0x1  }
0xa3: {  	[sflag:s23] =	ssyncset.done $0x0  }
0xa4: {  	s25 =	simm.s32 $0x1B8E;
	s24 =	sld [smem:$0x3FFE];
	[sflag:s23] =	ssyncadd.s32 $0xFFFFFFFF  }
0xa5: {  	s26 =	simm.s32 $execute0_lowered;
	[smem:$0x3FD2] =	sst s25  }
0xa6: {  	s4 =	sshll.u32 s26, $0x1;
	_ =	strace $0x8000004C;
	[dreg:$0x1] =	wrdreg $0xFFFFFFFF  }
0xa7: {  	s28 =	simm.s32 $_size_execute0_lowered;
	s2 =	sadd.s32 s2, s4;
	[dreg:$0x0] =	wrdreg $0x0  }
0xa8: {  	s4 =	sshll.u32 s28, $0x1;
	[dreg:$0x2] =	wrdreg s2  }
0xa9: {  	[dreg:$0x3] =	wrdreg s4  }
0xaa: {  	[dreg:$0x4] =	wrdreg $0xC0  }
0xab: {  	_ =	task [dreg:s6], $0x5FFFF  }
0xac: {  	[dreg:$0x1] =	wrdreg $0xFFFFFFFF  }
0xad: {  	[dreg:$0x0] =	wrdreg $0x60  }
0xae: {  	[dreg:$0x2] =	wrdreg s24  }
0xaf: {  	[dreg:$0x3] =	wrdreg $0x5D500  }
0xb0: {  	[dreg:$0x4] =	wrdreg $0x9  }
0xb1: {  	_ =	task.clear_ibuf [dreg:s6], $0x5FFFF;
	_ =	strace $0x9000004C  }
0xb2: {  	s29 =	simm.s32 $0x9;
	_ =	strace $0x8000004E  }
0xb3: {  	_ =	swait.ge [sflag:s29], $0x1  }
0xb4: {  	[sflag:s29] =	ssyncadd.s32 $0xFFFFFFFF  }
0xb5: {  	_ =	strace $0x9000004E  }
0xb6: {  	_ =	sfence  }
0xb7: {  	s30 =	sld [smem:$0x0];
	_ =	sdelay $0x2  }
0xb8: {  	s31 =	sshll.u32 s1, $0xD;
	s1 =	sshrl.u32 s1, $0x2  }
0xb9: {  	s3 =	sand.u32 $0x4000, s31;
	s1 =	sadd.s32 s1, s30  }
0xba: {  	s0 =	sor.u32 s3, s0;
	s1 =	sshll.u32 s1, $0x11  }
0xbb: {  	s0 =	sor.u32 s1, s0  }
0xbc: {  	s0 =	sadd.s32 $0x8F2B, s0  }
0xbd: {  	[sflag:s0] =	ssyncadd.remote.s32 $0x1  }
0xbe: {  	_ =	sfence.sel $0xFFFF  }
0xbf: {  	[dreg:$0x0] =	wrdreg $0xFFFFFFFF;
	(pc) =	sbr.abs _section_cstart, $3  }
0xc0: {  	[dreg:$0x1] =	wrdreg $0xFFFFFFFF  }
0xc1: {  	_ =	task.clear_ibuf [dreg:s6], $0x2FFFF;
	_ =	strace $0x9FFFFFFF  }
0xc2: {  	(tm) =	ssettm $0x7FFFFFFF  }
0xc3: {  	_ =	shalt  }
tec
execute0_lowered:
.L_overlay_start_1:
0x0: {  	(tag) =	ssettag $0x1  }
0x1: {  	s0 =	srdreg.scid  }
0x2: {  	s2 =	stileid.u32;
	s1 =	simm.s32 $0x0;
	s19 =	simm.s32 $0x128400  }
0x3: {  	s3 =	sand.u32 $0x1, s0;
	s0 =	rddreg [dreg:$0x0];
	s5 =	smul.u32 $0x186A0, s2  }
0x4: {  	s2 =	smul.u32 $0x18700, s2;
	[smem:$0x7FF] =	sst s1;
	s6 =	ssub.s32 $0x2, s3  }
0x5: {  	s4 =	smul.u32 $0x186A00, s3;
	p0 =	seq.s32 s3, $0x0;
	s26 =	sshrl.u32 s6, $0x1  }
0x6: {  	s25 =	sadd.s32 $0x1700, s2;
	s28 =	sadd.s32 $0x4500, s2;
	s9 =	sadd.s32 $0x5C00, s2  }
0x7: {  	s10 =	sadd.s32 $0x7300, s2;
	s11 =	sadd.s32 $0x8A00, s2;
	s12 =	sadd.s32 $0xA100, s2  }
0x8: {  	s13 =	sadd.s32 $0xB800, s2;
	s14 =	sadd.s32 $0xCF00, s2;
	s15 =	sadd.s32 $0xE600, s2  }
0x9: {  	s7 =	sshrl.u32 s2, $0x3;
	s19 =	simm.s32 @!p0 $0xF7600;
	s4 =	sadd.s32 s5, s4  }
0xa: {  	s8 =	ssub.s32 s6, s26;
	s26 =	sadd.s32 $0x2E00, s2;
	s19 =	sadd.s32 s19, s0  }
0xb: {  	s16 =	sshrl.u32 s25, $0x3;
	s18 =	sshrl.u32 s28, $0x3;
	s3 =	sadd.s32 s19, s7  }
0xc: {  	s20 =	sshrl.u32 s9, $0x3;
	s16 =	sadd.s32 s19, s16;
	[dreg:$0x3] =	wrdreg s3  }
0xd: {  	s21 =	sshrl.u32 s10, $0x3;
	s18 =	sadd.s32 s19, s18;
	[dreg:$0x4] =	wrdreg s16  }
0xe: {  	s22 =	sshrl.u32 s11, $0x3;
	s20 =	sadd.s32 s19, s20;
	[dreg:$0x6] =	wrdreg s18  }
0xf: {  	s23 =	sshrl.u32 s12, $0x3;
	s21 =	sadd.s32 s19, s21;
	[dreg:$0x7] =	wrdreg s20  }
0x10: {  	s24 =	sshrl.u32 s13, $0x3;
	s22 =	sadd.s32 s19, s22;
	[dreg:$0x8] =	wrdreg s21  }
0x11: {  	s4 =	sshrl.u32 s4, $0x3;
	s5 =	sadd.s32 s19, s23;
	[dreg:$0x9] =	wrdreg s22  }
0x12: {  	s17 =	sshrl.u32 s26, $0x3;
	s6 =	sadd.s32 s19, s24;
	[dreg:$0xa] =	wrdreg s5  }
0x13: {  	s7 =	sshrl.u32 s14, $0x3;
	s17 =	sadd.s32 s19, s17;
	[dreg:$0xb] =	wrdreg s6  }
0x14: {  	s8 =	smax.u32 s8, $0x1;
	s18 =	sshrl.u32 s15, $0x3;
	[dreg:$0x5] =	wrdreg s17  }
0x15: {  	s17 =	sadd.s32 s19, s7;
	s21 =	sadd.s32 s19, s18;
	s18 =	rddreg [dreg:$0x1]  }
0x16: {  	s3 =	sadd.s32 $0xFD00, s2;
	s5 =	sadd.s32 $0x14200, s2;
	[dreg:$0xc] =	wrdreg s17  }
0x17: {  	s20 =	sshrl.u32 s3, $0x3;
	s7 =	sshrl.u32 s5, $0x3;
	[dreg:$0xd] =	wrdreg s21  }
0x18: {  	s22 =	sadd.s32 s19, s20;
	s17 =	sadd.s32 $0x11400, s2;
	s20 =	sadd.s32 $0x12B00, s2  }
0x19: {  	s21 =	sadd.s32 s19, s7;
	s7 =	sadd.s32 $0x17000, s2;
	s29 =	sadd.s32 s11, s18  }
0x1a: {  	s30 =	sadd.s32 s12, s18;
	s31 =	sadd.s32 s13, s18;
	s5 =	sadd.s32 s5, s18  }
0x1b: {  	s11 =	simm.s32 $0x4650;
	s12 =	simm.s32 $0x2;
	s13 =	simm.s32 $0x3E8  }
0x1c: {  	[dreg:$0xe] =	wrdreg s22;
	s23 =	sshrl.u32 s17, $0x3;
	s6 =	sshrl.u32 s20, $0x3  }
0x1d: {  	[dreg:$0x11] =	wrdreg s21;
	s21 =	sadd.s32 $0xC6800, s0;
	s24 =	sadd.s32 s19, s23  }
0x1e: {  	s16 =	sadd.s32 s19, s6;
	s6 =	sadd.s32 $0x15900, s2;
	[dreg:$0xf] =	wrdreg s24  }
0x1f: {  	s23 =	sshrl.u32 s7, $0x3;
	s7 =	sadd.s32 s7, s18;
	[dreg:$0x10] =	wrdreg s16  }
0x20: {  	s22 =	sshrl.u32 s6, $0x3;
	s24 =	sadd.s32 s4, s0;
	s0 =	sadd.s32 s15, s18  }
0x21: {  	s4 =	sadd.s32 s20, s18;
	s6 =	sadd.s32 s6, s18;
	s15 =	simm.s32 $0x1  }
0x22: {  	s16 =	sadd.s32 s19, s22;
	s22 =	sadd.s32 s2, s18;
	s2 =	sadd.s32 s3, s18  }
0x23: {  	s3 =	sadd.s32 s17, s18;
	s17 =	simm.s32 $0x0;
	[dreg:$0x12] =	wrdreg s16  }
0x24: {  	s16 =	sadd.s32 s19, s23;
	s23 =	sadd.s32 s25, s18;
	s25 =	sadd.s32 s26, s18  }
0x25: {  	s26 =	sadd.s32 s28, s18;
	s28 =	sadd.s32 s10, s18;
	[dreg:$0x13] =	wrdreg s16  }
0x26: {  	s10 =	sadd.s32 $0x64C00, s24;
	_ =	strace $0x8000004D;
	[dreg:$0x14] =	wrdreg s25  }
0x27: {  	s16 =	sadd.s32 s14, s18;
	s14 =	simm.s32 $0x7D0;
	[dreg:$0x15] =	wrdreg s26  }
0x28: {  	v0 =	vimm.f32 $0.0e+00;
	s26 =	sadd.s32 s9, s18;
	[dreg:$0x16] =	wrdreg s8;
	s9 =	sadd.s32 $0x3000, s24  }
.LBB2_1:
0x29: {  	s19 =	simm.s32 $0x40;
	s20 =	simm.s32 $0x0  }
.LBB2_2:
0x2a: {  	p0 =	sne.s32 s19, $0x5BC0;
	[tilespmem:s20+$0x4650] =	vst v0;
	s20 =	smov.u32 s19;
	s19 =	sadd.s32 $0x40, s19  }
.Ltmp0:
0x2b: {  	(pc) =	sbr.rel @p0 .LBB2_2-.Ltmp0, $2  }
0x2c: {  	_ =	sdelay $0x2  }
0x2d: {  	s20 =	sshra.s32 s20, $0x2  }
0x2e: {  	[tilespmem:s20+$0x4650] =	vst v0  }
0x2f: {  	[spmem:s22] =	stream.linear.scatter [tilespmem:s11], [sflag:$0x2], $0x1700, $0x38;
	[tilespmem:$0x1E450] =	vst v63  }
0x30: {  	_ =	swait.ge [sflag:s12], $0x1700  }
0x31: {  	[sflag:s12] =	ssyncset.done $0x0  }
0x32: {  	[sflag:s12] =	ssyncadd.s32 $0xFFFFE900  }
0x33: {  	[spmem:s23] =	stream.linear.scatter [tilespmem:s11], [sflag:$0x2], $0x1700, $0x38;
	[tilespmem:$0x1E450] =	vst v63  }
0x34: {  	_ =	swait.ge [sflag:s12], $0x1700  }
0x35: {  	[sflag:s12] =	ssyncset.done $0x0  }
0x36: {  	s8 =	rddreg [dreg:$0x14];
	[sflag:s12] =	ssyncadd.s32 $0xFFFFE900  }
0x37: {  	[spmem:s8] =	stream.linear.scatter [tilespmem:s11], [sflag:$0x2], $0x1700, $0x38;
	[tilespmem:$0x1E450] =	vst v63  }
0x38: {  	_ =	swait.ge [sflag:s12], $0x1700  }
0x39: {  	[sflag:s12] =	ssyncset.done $0x0  }
0x3a: {  	s24 =	smov.u32 s22;
	s22 =	rddreg [dreg:$0x15];
	[sflag:s12] =	ssyncadd.s32 $0xFFFFE900  }
0x3b: {  	[spmem:s22] =	stream.linear.scatter [tilespmem:s11], [sflag:$0x2], $0x1700, $0x38;
	[tilespmem:$0x1E450] =	vst v63  }
0x3c: {  	_ =	swait.ge [sflag:s12], $0x1700  }
0x3d: {  	[sflag:s12] =	ssyncset.done $0x0  }
0x3e: {  	[sflag:s12] =	ssyncadd.s32 $0xFFFFE900  }
0x3f: {  	[spmem:s26] =	stream.linear.scatter [tilespmem:s11], [sflag:$0x2], $0x1700, $0x38;
	[tilespmem:$0x1E450] =	vst v63  }
0x40: {  	_ =	swait.ge [sflag:s12], $0x1700  }
0x41: {  	[sflag:s12] =	ssyncset.done $0x0  }
0x42: {  	[sflag:s12] =	ssyncadd.s32 $0xFFFFE900  }
0x43: {  	[spmem:s28] =	stream.linear.scatter [tilespmem:s11], [sflag:$0x2], $0x1700, $0x38;
	[tilespmem:$0x1E450] =	vst v63  }
0x44: {  	_ =	swait.ge [sflag:s12], $0x1700  }
0x45: {  	[sflag:s12] =	ssyncset.done $0x0  }
0x46: {  	[sflag:s12] =	ssyncadd.s32 $0xFFFFE900  }
0x47: {  	[spmem:s29] =	stream.linear.scatter [tilespmem:s11], [sflag:$0x2], $0x1700, $0x38;
	[tilespmem:$0x1E450] =	vst v63  }
0x48: {  	_ =	swait.ge [sflag:s12], $0x1700  }
0x49: {  	[sflag:s12] =	ssyncset.done $0x0  }
0x4a: {  	[sflag:s12] =	ssyncadd.s32 $0xFFFFE900  }
0x4b: {  	[spmem:s30] =	stream.linear.scatter [tilespmem:s11], [sflag:$0x2], $0x1700, $0x38;
	[tilespmem:$0x1E450] =	vst v63  }
0x4c: {  	_ =	swait.ge [sflag:s12], $0x1700  }
0x4d: {  	[sflag:s12] =	ssyncset.done $0x0  }
0x4e: {  	[sflag:s12] =	ssyncadd.s32 $0xFFFFE900  }
0x4f: {  	[spmem:s31] =	stream.linear.scatter [tilespmem:s11], [sflag:$0x2], $0x1700, $0x38;
	[tilespmem:$0x1E450] =	vst v63  }
0x50: {  	_ =	swait.ge [sflag:s12], $0x1700  }
0x51: {  	[sflag:s12] =	ssyncset.done $0x0  }
0x52: {  	[sflag:s12] =	ssyncadd.s32 $0xFFFFE900  }
0x53: {  	[spmem:s16] =	stream.linear.scatter [tilespmem:s11], [sflag:$0x2], $0x1700, $0x38;
	[tilespmem:$0x1E450] =	vst v63  }
0x54: {  	_ =	swait.ge [sflag:s12], $0x1700  }
0x55: {  	[sflag:s12] =	ssyncset.done $0x0  }
0x56: {  	[sflag:s12] =	ssyncadd.s32 $0xFFFFE900  }
0x57: {  	[spmem:s0] =	stream.linear.scatter [tilespmem:s11], [sflag:$0x2], $0x1700, $0x38;
	[tilespmem:$0x1E450] =	vst v63  }
0x58: {  	_ =	swait.ge [sflag:s12], $0x1700  }
0x59: {  	[sflag:s12] =	ssyncset.done $0x0  }
0x5a: {  	[sflag:s12] =	ssyncadd.s32 $0xFFFFE900  }
0x5b: {  	[spmem:s2] =	stream.linear.scatter [tilespmem:s11], [sflag:$0x2], $0x1700, $0x38;
	[tilespmem:$0x1E450] =	vst v63  }
0x5c: {  	_ =	swait.ge [sflag:s12], $0x1700  }
0x5d: {  	[sflag:s12] =	ssyncset.done $0x0  }
0x5e: {  	[sflag:s12] =	ssyncadd.s32 $0xFFFFE900  }
0x5f: {  	[spmem:s3] =	stream.linear.scatter [tilespmem:s11], [sflag:$0x2], $0x1700, $0x38;
	[tilespmem:$0x1E450] =	vst v63  }
0x60: {  	_ =	swait.ge [sflag:s12], $0x1700  }
0x61: {  	[sflag:s12] =	ssyncset.done $0x0  }
0x62: {  	[sflag:s12] =	ssyncadd.s32 $0xFFFFE900  }
0x63: {  	[spmem:s4] =	stream.linear.scatter [tilespmem:s11], [sflag:$0x2], $0x1700, $0x38;
	[tilespmem:$0x1E450] =	vst v63  }
0x64: {  	_ =	swait.ge [sflag:s12], $0x1700  }
0x65: {  	[sflag:s12] =	ssyncset.done $0x0  }
0x66: {  	[sflag:s12] =	ssyncadd.s32 $0xFFFFE900  }
0x67: {  	[spmem:s5] =	stream.linear.scatter [tilespmem:s11], [sflag:$0x2], $0x1700, $0x38;
	[tilespmem:$0x1E450] =	vst v63  }
0x68: {  	_ =	swait.ge [sflag:s12], $0x1700  }
0x69: {  	[sflag:s12] =	ssyncset.done $0x0  }
0x6a: {  	[sflag:s12] =	ssyncadd.s32 $0xFFFFE900  }
0x6b: {  	[spmem:s6] =	stream.linear.scatter [tilespmem:s11], [sflag:$0x2], $0x1700, $0x38;
	[tilespmem:$0x1E450] =	vst v63  }
0x6c: {  	_ =	swait.ge [sflag:s12], $0x1700  }
0x6d: {  	[sflag:s12] =	ssyncset.done $0x0  }
0x6e: {  	[sflag:s12] =	ssyncadd.s32 $0xFFFFE900  }
0x6f: {  	[spmem:s7] =	stream.linear.scatter [tilespmem:s11], [sflag:$0x2], $0x1700, $0x38;
	[tilespmem:$0x1E450] =	vst v63  }
0x70: {  	_ =	swait.ge [sflag:s12], $0x1700  }
0x71: {  	[sflag:s12] =	ssyncset.done $0x0  }
0x72: {  	[sflag:s12] =	ssyncadd.s32 $0xFFFFE900  }
0x73: {  	s19 =	sadd.s32 $0x0, s10;
	[bflag:$0x0] =	sbarrier.arrive $0xFFFF  }
0x74: {  	[tilespmem:s1], [sflag:$0x2] =	stream.linear.gather [hbm4b:s19+s1], $0x3E8, $0x38;
	[tilespmem:$0x1E450] =	vst v63  }
0x75: {  	_ =	swait.ge [sflag:s12], $0x3E8  }
0x76: {  	[sflag:s12] =	ssyncset.done $0x0  }
0x77: {  	s25 =	smov.u32 s23;
	s23 =	sadd.s32 $0x0, s9;
	[sflag:s12] =	ssyncadd.s32 $0xFFFFFC18  }
0x78: {  	[tilespmem:s13], [sflag:$0x2] =	stream.linear.gather [hbm4b:s23+s1], $0x3E8, $0x38;
	[tilespmem:$0x1E450] =	vst v63  }
0x79: {  	_ =	swait.ge [sflag:s12], $0x3E8  }
0x7a: {  	[sflag:s12] =	ssyncset.done $0x0  }
0x7b: {  	[sflag:s12] =	ssyncadd.s32 $0xFFFFFC18  }
0x7c: {  	[tilespmem:s14], [sflag:$0x1] =	stream.indirect.gather [hbm4b:s21+s13], $0x10, s1, s13, $0xb8;
	[tilespmem:$0x1E450] =	vst v63  }
0x7d: {  	_ =	swait.ge [sflag:s15], $0x3E80  }
0x7e: {  	[sflag:s15] =	ssyncset.done $0x0  }
0x7f: {  	[sflag:s15] =	ssyncadd.s32 $0xFFFFC180  }
0x80: {  	[spmem:s18] =	stream.indirect.scatter.add.f32 [tilespmem:s14], [sflag:$0x2], $0x10, s13, s13, $0xb8;
	[tilespmem:$0x1E450] =	vst v63  }
0x81: {  	_ =	swait.ge [sflag:s12], $0x3E80  }
0x82: {  	s20 =	simm.s32 $0xFA;
	s19 =	simm.s32 $0x7D;
	[sflag:s12] =	ssyncset.done $0x0  }
.LBB2_4:
0x83: {  	s8 =	sadd.s32 s19, s10  }
0x84: {  	[sflag:s12] =	ssyncadd.s32 $0xFFFFC180;
	s22 =	smov.u32 s20;
	s23 =	sadd.s32 $0x7D, s20  }
0x85: {  	[tilespmem:s1], [sflag:$0x2] =	stream.linear.gather [hbm4b:s8+s1], $0x3E8, $0x38;
	[tilespmem:$0x1E450] =	vst v63  }
0x86: {  	p0 =	sne.s32 s20, $0x3057;
	_ =	swait.ge [sflag:s12], $0x3E8  }
0x87: {  	[sflag:s12] =	ssyncset.done $0x0  }
0x88: {  	s8 =	sadd.s32 s19, s9;
	s19 =	smov.u32 s22;
	[sflag:s12] =	ssyncadd.s32 $0xFFFFFC18  }
0x89: {  	[tilespmem:s13], [sflag:$0x2] =	stream.linear.gather [hbm4b:s8+s1], $0x3E8, $0x38;
	[tilespmem:$0x1E450] =	vst v63  }
0x8a: {  	_ =	swait.ge [sflag:s12], $0x3E8  }
0x8b: {  	[sflag:s12] =	ssyncset.done $0x0  }
0x8c: {  	[sflag:s12] =	ssyncadd.s32 $0xFFFFFC18  }
0x8d: {  	[tilespmem:s14], [sflag:$0x1] =	stream.indirect.gather [hbm4b:s21+s13], $0x10, s1, s13, $0xb8;
	[tilespmem:$0x1E450] =	vst v63  }
0x8e: {  	_ =	swait.ge [sflag:s15], $0x3E80  }
.Ltmp1:
0x8f: {  	[sflag:s15] =	ssyncset.done $0x0;
	(pc) =	sbr.rel @p0 .LBB2_4-.Ltmp1, $4  }
0x90: {  	[sflag:s15] =	ssyncadd.s32 $0xFFFFC180  }
0x91: {  	[spmem:s18] =	stream.indirect.scatter.add.f32 [tilespmem:s14], [sflag:$0x2], $0x10, s13, s13, $0xb8;
	[tilespmem:$0x1E450] =	vst v63  }
0x92: {  	_ =	swait.ge [sflag:s12], $0x3E80  }
0x93: {  	s20 =	smov.u32 s23;
	[sflag:s12] =	ssyncset.done $0x0  }
0x94: {  	s8 =	sadd.s32 s19, s10;
	[sflag:s12] =	ssyncadd.s32 $0xFFFFC180  }
0x95: {  	[tilespmem:s1], [sflag:$0x2] =	stream.linear.gather [hbm4b:s8+s1], $0x3E8, $0x38;
	[tilespmem:$0x1E450] =	vst v63  }
0x96: {  	_ =	swait.ge [sflag:s12], $0x3E8  }
0x97: {  	[sflag:s12] =	ssyncset.done $0x0  }
0x98: {  	s23 =	sadd.s32 s19, s9;
	[sflag:s12] =	ssyncadd.s32 $0xFFFFFC18  }
0x99: {  	[tilespmem:s13], [sflag:$0x2] =	stream.linear.gather [hbm4b:s23+s1], $0x3E8, $0x38;
	[tilespmem:$0x1E450] =	vst v63  }
0x9a: {  	_ =	swait.ge [sflag:s12], $0x3E8  }
0x9b: {  	[sflag:s12] =	ssyncset.done $0x0  }
0x9c: {  	[sflag:s12] =	ssyncadd.s32 $0xFFFFFC18  }
0x9d: {  	[tilespmem:s14], [sflag:$0x1] =	stream.indirect.gather [hbm4b:s21+s13], $0x10, s1, s13, $0xb8;
	[tilespmem:$0x1E450] =	vst v63  }
0x9e: {  	_ =	swait.ge [sflag:s15], $0x3E80  }
0x9f: {  	[sflag:s15] =	ssyncset.done $0x0  }
0xa0: {  	[sflag:s15] =	ssyncadd.s32 $0xFFFFC180  }
0xa1: {  	[spmem:s18] =	stream.indirect.scatter.add.f32 [tilespmem:s14], [sflag:$0x2], $0x10, s13, s13, $0xb8;
	[tilespmem:$0x1E450] =	vst v63  }
0xa2: {  	_ =	swait.ge [sflag:s12], $0x3E80  }
0xa3: {  	[sflag:s12] =	ssyncset.done $0x0  }
0xa4: {  	[sflag:s12] =	ssyncadd.s32 $0xFFFFC180  }
0xa5: {  	[bflag:$0x0] =	sbarrier.arrive $0xFFFF  }
0xa6: {  	[tilespmem:s11], [sflag:$0x2] =	stream.linear.gather [spmem:s24], $0x1700, $0x38;
	[tilespmem:$0x1E450] =	vst v63  }
0xa7: {  	_ =	swait.ge [sflag:s12], $0x1700  }
0xa8: {  	[sflag:s12] =	ssyncset.done $0x0  }
0xa9: {  	s19 =	rddreg [dreg:$0x3];
	[sflag:s12] =	ssyncadd.s32 $0xFFFFE900  }
0xaa: {  	[hbm4b:s19+s1] =	stream.linear.scatter [tilespmem:s11], [sflag:$0x2], $0x1700, $0x38;
	[tilespmem:$0x1E450] =	vst v63  }
0xab: {  	_ =	swait.ge [sflag:s12], $0x1700  }
0xac: {  	[sflag:s12] =	ssyncset.done $0x0  }
0xad: {  	[sflag:s12] =	ssyncadd.s32 $0xFFFFE900  }
0xae: {  	[tilespmem:s11], [sflag:$0x2] =	stream.linear.gather [spmem:s25], $0x1700, $0x38;
	[tilespmem:$0x1E450] =	vst v63  }
0xaf: {  	_ =	swait.ge [sflag:s12], $0x1700  }
0xb0: {  	[sflag:s12] =	ssyncset.done $0x0  }
0xb1: {  	s20 =	rddreg [dreg:$0x4];
	[sflag:s12] =	ssyncadd.s32 $0xFFFFE900  }
0xb2: {  	[hbm4b:s20+s1] =	stream.linear.scatter [tilespmem:s11], [sflag:$0x2], $0x1700, $0x38;
	[tilespmem:$0x1E450] =	vst v63  }
0xb3: {  	_ =	swait.ge [sflag:s12], $0x1700  }
0xb4: {  	[sflag:s12] =	ssyncset.done $0x0  }
0xb5: {  	s22 =	smov.u32 s24;
	s24 =	rddreg [dreg:$0x14];
	[sflag:s12] =	ssyncadd.s32 $0xFFFFE900  }
0xb6: {  	[tilespmem:s11], [sflag:$0x2] =	stream.linear.gather [spmem:s24], $0x1700, $0x38;
	[tilespmem:$0x1E450] =	vst v63  }
0xb7: {  	_ =	swait.ge [sflag:s12], $0x1700  }
0xb8: {  	[sflag:s12] =	ssyncset.done $0x0  }
0xb9: {  	s23 =	smov.u32 s25;
	s25 =	rddreg [dreg:$0x5];
	[sflag:s12] =	ssyncadd.s32 $0xFFFFE900  }
0xba: {  	[hbm4b:s25+s1] =	stream.linear.scatter [tilespmem:s11], [sflag:$0x2], $0x1700, $0x38;
	[tilespmem:$0x1E450] =	vst v63  }
0xbb: {  	_ =	swait.ge [sflag:s12], $0x1700  }
0xbc: {  	[sflag:s12] =	ssyncset.done $0x0  }
0xbd: {  	s19 =	rddreg [dreg:$0x15];
	[sflag:s12] =	ssyncadd.s32 $0xFFFFE900  }
0xbe: {  	[tilespmem:s11], [sflag:$0x2] =	stream.linear.gather [spmem:s19], $0x1700, $0x38;
	[tilespmem:$0x1E450] =	vst v63  }
0xbf: {  	_ =	swait.ge [sflag:s12], $0x1700  }
0xc0: {  	[sflag:s12] =	ssyncset.done $0x0  }
0xc1: {  	s20 =	rddreg [dreg:$0x6];
	[sflag:s12] =	ssyncadd.s32 $0xFFFFE900  }
0xc2: {  	[hbm4b:s20+s1] =	stream.linear.scatter [tilespmem:s11], [sflag:$0x2], $0x1700, $0x38;
	[tilespmem:$0x1E450] =	vst v63  }
0xc3: {  	_ =	swait.ge [sflag:s12], $0x1700  }
0xc4: {  	[sflag:s12] =	ssyncset.done $0x0  }
0xc5: {  	[sflag:s12] =	ssyncadd.s32 $0xFFFFE900  }
0xc6: {  	[tilespmem:s11], [sflag:$0x2] =	stream.linear.gather [spmem:s26], $0x1700, $0x38;
	[tilespmem:$0x1E450] =	vst v63  }
0xc7: {  	_ =	swait.ge [sflag:s12], $0x1700  }
0xc8: {  	[sflag:s12] =	ssyncset.done $0x0  }
0xc9: {  	s24 =	rddreg [dreg:$0x7];
	[sflag:s12] =	ssyncadd.s32 $0xFFFFE900  }
0xca: {  	[hbm4b:s24+s1] =	stream.linear.scatter [tilespmem:s11], [sflag:$0x2], $0x1700, $0x38;
	[tilespmem:$0x1E450] =	vst v63  }
0xcb: {  	_ =	swait.ge [sflag:s12], $0x1700  }
0xcc: {  	[sflag:s12] =	ssyncset.done $0x0  }
0xcd: {  	[sflag:s12] =	ssyncadd.s32 $0xFFFFE900  }
0xce: {  	[tilespmem:s11], [sflag:$0x2] =	stream.linear.gather [spmem:s28], $0x1700, $0x38;
	[tilespmem:$0x1E450] =	vst v63  }
0xcf: {  	_ =	swait.ge [sflag:s12], $0x1700  }
0xd0: {  	[sflag:s12] =	ssyncset.done $0x0  }
0xd1: {  	s25 =	rddreg [dreg:$0x8];
	[sflag:s12] =	ssyncadd.s32 $0xFFFFE900  }
0xd2: {  	[hbm4b:s25+s1] =	stream.linear.scatter [tilespmem:s11], [sflag:$0x2], $0x1700, $0x38;
	[tilespmem:$0x1E450] =	vst v63  }
0xd3: {  	_ =	swait.ge [sflag:s12], $0x1700  }
0xd4: {  	[sflag:s12] =	ssyncset.done $0x0  }
0xd5: {  	[sflag:s12] =	ssyncadd.s32 $0xFFFFE900  }
0xd6: {  	[tilespmem:s11], [sflag:$0x2] =	stream.linear.gather [spmem:s29], $0x1700, $0x38;
	[tilespmem:$0x1E450] =	vst v63  }
0xd7: {  	_ =	swait.ge [sflag:s12], $0x1700  }
0xd8: {  	[sflag:s12] =	ssyncset.done $0x0  }
0xd9: {  	s19 =	rddreg [dreg:$0x9];
	[sflag:s12] =	ssyncadd.s32 $0xFFFFE900  }
0xda: {  	[hbm4b:s19+s1] =	stream.linear.scatter [tilespmem:s11], [sflag:$0x2], $0x1700, $0x38;
	[tilespmem:$0x1E450] =	vst v63  }
0xdb: {  	_ =	swait.ge [sflag:s12], $0x1700  }
0xdc: {  	[sflag:s12] =	ssyncset.done $0x0  }
0xdd: {  	[sflag:s12] =	ssyncadd.s32 $0xFFFFE900  }
0xde: {  	[tilespmem:s11], [sflag:$0x2] =	stream.linear.gather [spmem:s30], $0x1700, $0x38;
	[tilespmem:$0x1E450] =	vst v63  }
0xdf: {  	_ =	swait.ge [sflag:s12], $0x1700  }
0xe0: {  	[sflag:s12] =	ssyncset.done $0x0  }
0xe1: {  	s20 =	rddreg [dreg:$0xa];
	[sflag:s12] =	ssyncadd.s32 $0xFFFFE900  }
0xe2: {  	[hbm4b:s20+s1] =	stream.linear.scatter [tilespmem:s11], [sflag:$0x2], $0x1700, $0x38;
	[tilespmem:$0x1E450] =	vst v63  }
0xe3: {  	_ =	swait.ge [sflag:s12], $0x1700  }
0xe4: {  	[sflag:s12] =	ssyncset.done $0x0  }
0xe5: {  	[sflag:s12] =	ssyncadd.s32 $0xFFFFE900  }
0xe6: {  	[tilespmem:s11], [sflag:$0x2] =	stream.linear.gather [spmem:s31], $0x1700, $0x38;
	[tilespmem:$0x1E450] =	vst v63  }
0xe7: {  	_ =	swait.ge [sflag:s12], $0x1700  }
0xe8: {  	[sflag:s12] =	ssyncset.done $0x0  }
0xe9: {  	s24 =	rddreg [dreg:$0xb];
	[sflag:s12] =	ssyncadd.s32 $0xFFFFE900  }
0xea: {  	[hbm4b:s24+s1] =	stream.linear.scatter [tilespmem:s11], [sflag:$0x2], $0x1700, $0x38;
	[tilespmem:$0x1E450] =	vst v63  }
0xeb: {  	_ =	swait.ge [sflag:s12], $0x1700  }
0xec: {  	[sflag:s12] =	ssyncset.done $0x0  }
0xed: {  	[sflag:s12] =	ssyncadd.s32 $0xFFFFE900  }
0xee: {  	[tilespmem:s11], [sflag:$0x2] =	stream.linear.gather [spmem:s16], $0x1700, $0x38;
	[tilespmem:$0x1E450] =	vst v63  }
0xef: {  	_ =	swait.ge [sflag:s12], $0x1700  }
0xf0: {  	[sflag:s12] =	ssyncset.done $0x0  }
0xf1: {  	s25 =	rddreg [dreg:$0xc];
	[sflag:s12] =	ssyncadd.s32 $0xFFFFE900  }
0xf2: {  	[hbm4b:s25+s1] =	stream.linear.scatter [tilespmem:s11], [sflag:$0x2], $0x1700, $0x38;
	[tilespmem:$0x1E450] =	vst v63  }
0xf3: {  	_ =	swait.ge [sflag:s12], $0x1700  }
0xf4: {  	[sflag:s12] =	ssyncset.done $0x0  }
0xf5: {  	[sflag:s12] =	ssyncadd.s32 $0xFFFFE900  }
0xf6: {  	[tilespmem:s11], [sflag:$0x2] =	stream.linear.gather [spmem:s0], $0x1700, $0x38;
	[tilespmem:$0x1E450] =	vst v63  }
0xf7: {  	_ =	swait.ge [sflag:s12], $0x1700  }
0xf8: {  	[sflag:s12] =	ssyncset.done $0x0  }
0xf9: {  	s19 =	rddreg [dreg:$0xd];
	[sflag:s12] =	ssyncadd.s32 $0xFFFFE900  }
0xfa: {  	[hbm4b:s19+s1] =	stream.linear.scatter [tilespmem:s11], [sflag:$0x2], $0x1700, $0x38;
	[tilespmem:$0x1E450] =	vst v63  }
0xfb: {  	_ =	swait.ge [sflag:s12], $0x1700  }
0xfc: {  	[sflag:s12] =	ssyncset.done $0x0  }
0xfd: {  	[sflag:s12] =	ssyncadd.s32 $0xFFFFE900  }
0xfe: {  	[tilespmem:s11], [sflag:$0x2] =	stream.linear.gather [spmem:s2], $0x1700, $0x38;
	[tilespmem:$0x1E450] =	vst v63  }
0xff: {  	_ =	swait.ge [sflag:s12], $0x1700  }
0x100: {  	[sflag:s12] =	ssyncset.done $0x0  }
0x101: {  	s20 =	rddreg [dreg:$0xe];
	[sflag:s12] =	ssyncadd.s32 $0xFFFFE900  }
0x102: {  	[hbm4b:s20+s1] =	stream.linear.scatter [tilespmem:s11], [sflag:$0x2], $0x1700, $0x38;
	[tilespmem:$0x1E450] =	vst v63  }
0x103: {  	_ =	swait.ge [sflag:s12], $0x1700  }
0x104: {  	[sflag:s12] =	ssyncset.done $0x0  }
0x105: {  	[sflag:s12] =	ssyncadd.s32 $0xFFFFE900  }
0x106: {  	[tilespmem:s11], [sflag:$0x2] =	stream.linear.gather [spmem:s3], $0x1700, $0x38;
	[tilespmem:$0x1E450] =	vst v63  }
0x107: {  	_ =	swait.ge [sflag:s12], $0x1700  }
0x108: {  	[sflag:s12] =	ssyncset.done $0x0  }
0x109: {  	s24 =	rddreg [dreg:$0xf];
	[sflag:s12] =	ssyncadd.s32 $0xFFFFE900  }
0x10a: {  	[hbm4b:s24+s1] =	stream.linear.scatter [tilespmem:s11], [sflag:$0x2], $0x1700, $0x38;
	[tilespmem:$0x1E450] =	vst v63  }
0x10b: {  	_ =	swait.ge [sflag:s12], $0x1700  }
0x10c: {  	[sflag:s12] =	ssyncset.done $0x0  }
0x10d: {  	[sflag:s12] =	ssyncadd.s32 $0xFFFFE900  }
0x10e: {  	[tilespmem:s11], [sflag:$0x2] =	stream.linear.gather [spmem:s4], $0x1700, $0x38;
	[tilespmem:$0x1E450] =	vst v63  }
0x10f: {  	_ =	swait.ge [sflag:s12], $0x1700  }
0x110: {  	[sflag:s12] =	ssyncset.done $0x0  }
0x111: {  	s25 =	rddreg [dreg:$0x10];
	[sflag:s12] =	ssyncadd.s32 $0xFFFFE900  }
0x112: {  	[hbm4b:s25+s1] =	stream.linear.scatter [tilespmem:s11], [sflag:$0x2], $0x1700, $0x38;
	[tilespmem:$0x1E450] =	vst v63  }
0x113: {  	_ =	swait.ge [sflag:s12], $0x1700  }
0x114: {  	[sflag:s12] =	ssyncset.done $0x0  }
0x115: {  	[sflag:s12] =	ssyncadd.s32 $0xFFFFE900  }
0x116: {  	[tilespmem:s11], [sflag:$0x2] =	stream.linear.gather [spmem:s5], $0x1700, $0x38;
	[tilespmem:$0x1E450] =	vst v63  }
0x117: {  	_ =	swait.ge [sflag:s12], $0x1700  }
0x118: {  	[sflag:s12] =	ssyncset.done $0x0  }
0x119: {  	s19 =	rddreg [dreg:$0x11];
	[sflag:s12] =	ssyncadd.s32 $0xFFFFE900  }
0x11a: {  	[hbm4b:s19+s1] =	stream.linear.scatter [tilespmem:s11], [sflag:$0x2], $0x1700, $0x38;
	[tilespmem:$0x1E450] =	vst v63  }
0x11b: {  	_ =	swait.ge [sflag:s12], $0x1700  }
0x11c: {  	[sflag:s12] =	ssyncset.done $0x0  }
0x11d: {  	[sflag:s12] =	ssyncadd.s32 $0xFFFFE900  }
0x11e: {  	[tilespmem:s11], [sflag:$0x2] =	stream.linear.gather [spmem:s6], $0x1700, $0x38;
	[tilespmem:$0x1E450] =	vst v63  }
0x11f: {  	_ =	swait.ge [sflag:s12], $0x1700  }
0x120: {  	[sflag:s12] =	ssyncset.done $0x0  }
0x121: {  	s20 =	rddreg [dreg:$0x12];
	[sflag:s12] =	ssyncadd.s32 $0xFFFFE900  }
0x122: {  	[hbm4b:s20+s1] =	stream.linear.scatter [tilespmem:s11], [sflag:$0x2], $0x1700, $0x38;
	[tilespmem:$0x1E450] =	vst v63  }
0x123: {  	_ =	swait.ge [sflag:s12], $0x1700  }
0x124: {  	[sflag:s12] =	ssyncset.done $0x0  }
0x125: {  	[sflag:s12] =	ssyncadd.s32 $0xFFFFE900  }
0x126: {  	[tilespmem:s11], [sflag:$0x2] =	stream.linear.gather [spmem:s7], $0x1700, $0x38;
	[tilespmem:$0x1E450] =	vst v63  }
0x127: {  	_ =	swait.ge [sflag:s12], $0x1700  }
0x128: {  	[sflag:s12] =	ssyncset.done $0x0  }
0x129: {  	s24 =	rddreg [dreg:$0x13];
	[sflag:s12] =	ssyncadd.s32 $0xFFFFE900  }
0x12a: {  	[hbm4b:s24+s1] =	stream.linear.scatter [tilespmem:s11], [sflag:$0x2], $0x1700, $0x38;
	[tilespmem:$0x1E450] =	vst v63  }
0x12b: {  	_ =	swait.ge [sflag:s12], $0x1700  }
0x12c: {  	s17 =	sadd.s32 $0x1, s17;
	s25 =	rddreg [dreg:$0x16]  }
0x12d: {  	p0 =	sne.s32 s17, s25  }
.Ltmp2:
0x12e: {  	_ = 	snop;
	(pc) =	sbr.rel @p0 .LBB2_1-.Ltmp2, $3  }
0x12f: {  	_ =	sdelay $0x1  }
0x130: {  	[sflag:s12] =	ssyncset.done $0x0  }
0x131: {  	[sflag:s12] =	ssyncadd.s32 $0xFFFFE900  }
0x132: {  	_ =	sfence.sel $0x180000  }
0x133: {  	[bflag:$0x0] =	sbarrier.arrive $0xFFFF  }
0x134: {  	_ =	strace $0x9000004D  }
0x135: {  	s0 =	stileid.u32;
	[bflag:$0x2] =	sbarrier.arrive $0xFFFF  }
0x136: {  	p0 =	sne.s32 s0, $0x0;
	s0 =	rddreg [dreg:$0x2]  }
0x137: {  	s0 =	sadd.s32 @!p0 $0x100000, s0  }
0x138: {  	[sflag:s0] =	ssyncadd.tile.s32 @!p0 $0x1;
	_ =	shalt  }
.Lfunc_end2:
_tile_overlayer_lowered:
.L_overlay_start_2:
0x139: {  	(tag) =	ssettag $0x2  }
0x13a: {  	s0 =	rddreg [dreg:$0x0];
	s2 =	stileid.u32  }
0x13b: {  	s1 =	rddreg [dreg:$0x1];
	p0 =	sne.s32 s2, $0x0  }
0x13c: {  	s3 =	rddreg [dreg:$0x2];
	[bflag:$0x3] =	sbarrier.arrive $0xFFFF;
	s2 =	simm.s32 @!p0 $0x1C02  }
0x13d: {  	[timem:s3], [sflag:s2] =	dma.local @!p0 [hbm:s0], s1  }
0x13e: {  	s0 =	simm.s32 @!p0 $0x2  }
0x13f: {  	_ =	swait.ge @!p0 [sflag:s0], s1  }
0x140: {  	s1 =	ssub.s32 @!p0 $0x0, s1;
	[sflag:s0] =	ssyncset.done @!p0 $0x0  }
0x141: {  	[sflag:s0] =	ssyncadd.s32 @!p0 s1  }
0x142: {  	[bflag:$0x3] =	sbarrier.arrive $0xFFFF  }
0x143: {  	_ =	shalt  }

// kernel: kernel.8.cloned.1.call-start
scs
__scs_entry_jumppad:
0x0: {  	(pc) =	sbr.rel $0x88, $3  }
0x1: {  	(tag) =	ssettag $0x0;
	lr =	simm.s32 $0x1  }
0x2: {  	[smem:$0x3F99] =	sst lr;
	_ =	strace $0xD0000000  }
0x3: {  	_ = 	snop  }
0x4: {  	_ = 	snop  }
0x5: {  	_ = 	snop  }
0x6: {  	_ = 	snop  }
0x7: {  	_ = 	snop  }
__scs_overlays_trampoline_lowered:
0x8: {  	[smem:$0x3FA8] =	sst s0  }
0x9: {  	[smem:$0x3FA9] =	sst s1  }
0xa: {  	[smem:$0x3FAA] =	sst s2  }
0xb: {  	[smem:$0x3FAB] =	sst s3  }
0xc: {  	[smem:$0x3FAC] =	sst s4  }
0xd: {  	[smem:$0x3FAD] =	sst s5  }
0xe: {  	[smem:$0x3FAE] =	sst s6  }
0xf: {  	[smem:$0x3FAF] =	sst s7  }
0x10: {  	[smem:$0x3FB0] =	sst s8  }
0x11: {  	[smem:$0x3FB1] =	sst s9;
	s0 =	simm.s32 @!p0 $0x0  }
0x12: {  	s1 =	sld [smem:$0x3F97];
	s0 =	simm.s32 @p0 $0x1  }
0x13: {  	[smem:$0x3FB2] =	sst s0;
	s0 =	simm.s32 @!p1 $0x0  }
0x14: {  	s2 =	sld [smem:$0x3F96];
	s0 =	simm.s32 @p1 $0x1  }
0x15: {  	[smem:$0x3FB3] =	sst s0;
	s0 =	simm.s32 @!p2 $0x0  }
0x16: {  	s3 =	sld [smem:$0x3FDB];
	s0 =	simm.s32 @p2 $0x1  }
0x17: {  	s4 =	simm.s32 $0x1BF5;
	[smem:$0x3FB5] =	sst s0  }
0x18: {  	s0 =	sld [smem:$0x3F98];
	_ =	swait.ge [sflag:s4], $0x0  }
0x19: {  	s7 =	sld [smem:$0x3F99]  }
0x1a: {  	s8 =	sadd.s32 $0xFFFFE003, lr  }
0x1b: {  	s9 =	sadd.s32 $0xFFFFFEF7, lr;
	s5 =	simm.s32 $0xFFFFFFFF;
	p2 =	slt.u32 s8, $0xFFFFF086  }
0x1c: {  	p1 =	slt.u32 s9, $0xF7A;
	s5 =	simm.s32 @!p2 $0x0  }
0x1d: {  	s5 =	simm.s32 @p1 $0x1;
	p0 =	seq.s32 s7, s2  }
0x1e: {  	s7 =	smul.u32 @!p0 $0xF7A, s2;
	p2 =	seq.s32 @!p0 s5, $0x0  }
0x1f: {  	s9 =	smul.u32 $0xF7A, s1;
	s8 =	simm.s32 @!p0 $0x1BF5;
	p2 =	por !p2, p0  }
0x20: {  	[sflag:s8] =	ssyncset.s32 @!p0 $0xFFFFF086;
	s6 =	sadd.s32 @!p0 s3, s7;
	s7 =	simm.s32 @!p0 $0x108  }
0x21: {  	s3 =	sadd.s32 s3, s9;
	s6 =	sadd.s32 @!p0 $0x88, s6;
	s7 =	simm.s32 @p2 $0x1082  }
0x22: {  	[simem:s7], [sflag:s8] =	dma.local @!p0 [hbm:s6], $0xF7A  }
0x23: {  	s9 =	sor.u32 $0xD0000000, s2;
	s6 =	simm.s32 $0x108;
	_ =	swait.ge @!p0 [sflag:s8], $0x0  }
0x24: {  	s3 =	sadd.s32 $0x88, s3;
	s6 =	simm.s32 @!p1 $0x1082;
	[sflag:s4] =	ssyncset.s32 $0xFFFFF086  }
0x25: {  	[simem:s6], [sflag:s4] =	dma.local [hbm:s3], $0xF7A  }
0x26: {  	[smem:$0x3F99] =	sst s1;
	(tag) =	ssettag s2;
	_ =	strace s9  }
0x27: {  	s1 =	sld [smem:$0x3FA9]  }
0x28: {  	s2 =	sld [smem:$0x3FAA]  }
0x29: {  	s4 =	sld [smem:$0x3FAC]  }
0x2a: {  	p0 =	seq.s32 s5, $0x0;
	s5 =	sld [smem:$0x3FAD]  }
0x2b: {  	s6 =	sld [smem:$0x3FAE]  }
0x2c: {  	s7 =	sld [smem:$0x3FAF]  }
0x2d: {  	s3 =	simm.s32 $0x108;
	s8 =	sld [smem:$0x3FB0]  }
0x2e: {  	s3 =	simm.s32 @!p0 $0x1082;
	s9 =	sld [smem:$0x3FB1]  }
0x2f: {  	lr =	sadd.s32 s0, s3;
	s0 =	sld [smem:$0x3FA8]  }
0x30: {  	s3 =	sld [smem:$0x3FAB]  }
0x31: {  	[smem:$0x3FB4] =	sst s10  }
0x32: {  	s10 =	sld [smem:$0x3FB2];
	_ =	sdelay $0x3  }
0x33: {  	p0 =	seq.s32 s10, $0x1;
	s10 =	sld [smem:$0x3FB4];
	_ =	sdelay $0x3  }
0x34: {  	[smem:$0x3FB4] =	sst s10  }
0x35: {  	s10 =	sld [smem:$0x3FB3];
	_ =	sdelay $0x3  }
0x36: {  	p1 =	seq.s32 s10, $0x1;
	s10 =	sld [smem:$0x3FB4];
	_ =	sdelay $0x3  }
0x37: {  	[smem:$0x3FB4] =	sst s10  }
0x38: {  	s10 =	sld [smem:$0x3FB5]  }
0x39: {  	_ = 	snop;
	(pc) =	sbr.ind lr, $3  }
0x3a: {  	_ = 	snop  }
0x3b: {  	_ = 	snop  }
0x3c: {  	p2 =	seq.s32 s10, $0x1;
	s10 =	sld [smem:$0x3FB4]  }
0x3d: {  	_ =	shalt  }
0x3e: {  	_ =	shalt  }
0x3f: {  	_ =	shalt  }
0x40: {  	_ =	shalt  }
0x41: {  	_ =	shalt  }
0x42: {  	_ =	shalt  }
0x43: {  	_ =	shalt  }
0x44: {  	_ =	shalt  }
0x45: {  	_ =	shalt  }
0x46: {  	_ =	shalt  }
0x47: {  	_ =	shalt  }
0x48: {  	_ =	shalt  }
0x49: {  	_ =	shalt  }
0x4a: {  	_ =	shalt  }
0x4b: {  	_ =	shalt  }
0x4c: {  	_ =	shalt  }
0x4d: {  	_ =	shalt  }
0x4e: {  	_ =	shalt  }
0x4f: {  	_ =	shalt  }
0x50: {  	_ =	shalt  }
0x51: {  	_ =	shalt  }
0x52: {  	_ =	shalt  }
0x53: {  	_ =	shalt  }
0x54: {  	_ =	shalt  }
0x55: {  	_ =	shalt  }
0x56: {  	_ =	shalt  }
0x57: {  	_ =	shalt  }
0x58: {  	_ =	shalt  }
0x59: {  	_ =	shalt  }
0x5a: {  	_ =	shalt  }
0x5b: {  	_ =	shalt  }
0x5c: {  	_ =	shalt  }
0x5d: {  	_ =	shalt  }
0x5e: {  	_ =	shalt  }
0x5f: {  	_ =	shalt  }
0x60: {  	_ =	shalt  }
0x61: {  	_ =	shalt  }
0x62: {  	_ =	shalt  }
0x63: {  	_ =	shalt  }
0x64: {  	_ =	shalt  }
0x65: {  	_ =	shalt  }
0x66: {  	_ =	shalt  }
0x67: {  	_ =	shalt  }
0x68: {  	_ =	shalt  }
0x69: {  	_ =	shalt  }
0x6a: {  	_ =	shalt  }
0x6b: {  	_ =	shalt  }
0x6c: {  	_ =	shalt  }
0x6d: {  	_ =	shalt  }
0x6e: {  	_ =	shalt  }
0x6f: {  	_ =	shalt  }
0x70: {  	_ =	shalt  }
0x71: {  	_ =	shalt  }
0x72: {  	_ =	shalt  }
0x73: {  	_ =	shalt  }
0x74: {  	_ =	shalt  }
0x75: {  	_ =	shalt  }
0x76: {  	_ =	shalt  }
0x77: {  	_ =	shalt  }
0x78: {  	_ =	shalt  }
0x79: {  	_ =	shalt  }
0x7a: {  	_ =	shalt  }
0x7b: {  	_ =	shalt  }
0x7c: {  	_ =	shalt  }
0x7d: {  	_ =	shalt  }
0x7e: {  	_ =	shalt  }
0x7f: {  	_ =	shalt  }
0x80: {  	_ =	shalt  }
0x81: {  	_ =	shalt  }
0x82: {  	_ =	shalt  }
0x83: {  	_ =	shalt  }
0x84: {  	_ =	shalt  }
0x85: {  	_ =	shalt  }
0x86: {  	_ =	shalt  }
0x87: {  	_ =	shalt  }
.Lfunc_end0:
.L_simem_size_0:
called_computation_lowered:
.L_overlay_start_0:
0x88: {  	s2 =	sld [smem:$0x3FD9]  }
0x89: {  	s3 =	sld [smem:$0x3FFE];
	_ =	sdelay $0x1  }
0x8a: {  	s1 =	srdreg.scid  }
0x8b: {  	s0 =	sand.u32 $0x1, s1  }
0x8c: {  	s16 =	sshll.u32 s0, $0xA;
	s2 =	sadd.s32 s3, s2  }
0x8d: {  	s2 =	sadd.s32 s2, s16  }
0x8e: {  	[smem:$0x3FC0] =	sst s2  }
0x8f: {  	_ = 	snop  }
0x90: {  	(tm) =	ssettm $0x1  }
0x91: {  	s17 =	sld [smem:$0x3FFB];
	_ =	sdelay $0x3  }
0x92: {  	_ =	strace s17  }
0x93: {  	s2 =	sld [smem:$0x3FFC];
	_ =	sdelay $0x3  }
0x94: {  	_ =	strace s2  }
0x95: {  	s2 =	sld [smem:$0x3FFD];
	_ =	sdelay $0x3  }
0x96: {  	_ =	strace s2  }
0x97: {  	_ =	strace $0x8FFFFFFF  }
0x98: {  	s18 =	sld [smem:$0x3FDB];
	_ =	sdelay $0x1  }
0x99: {  	s19 =	simm.s32 $_scs_section_size  }
0x9a: {  	s4 =	simm.s32 $_size__tile_overlayer_lowered;
	s5 =	simm.s32 $_tile_overlayer_lowered  }
0x9b: {  	s22 =	simm.s32 $0x1BFF;
	s21 =	sshll.u32 s5, $0x1;
	s2 =	sadd.s32 s19, s18  }
0x9c: {  	s6 =	simm.s32 $0x0;
	s20 =	sshll.u32 s4, $0x1;
	s4 =	sadd.s32 s21, s2  }
0x9d: {  	[timem:s6], [sflag:s22] =	dma.local [hbm:s4], s20  }
0x9e: {  	_ =	swait.ge [sflag:s22], s20  }
0x9f: {  	s3 =	ssub.s32 $0x0, s20;
	[sflag:s22] =	ssyncset.done $0x0  }
0xa0: {  	[sflag:s22] =	ssyncadd.s32 s3;
	_ =	sdelay $0x1  }
0xa1: {  	s23 =	simm.s32 $0x1B8B  }
0xa2: {  	_ =	swait.ge [sflag:s23], $0x1  }
0xa3: {  	[sflag:s23] =	ssyncset.done $0x0  }
0xa4: {  	s25 =	simm.s32 $0x1B8E;
	s24 =	sld [smem:$0x3FFE];
	[sflag:s23] =	ssyncadd.s32 $0xFFFFFFFF  }
0xa5: {  	s26 =	simm.s32 $execute0_lowered;
	[smem:$0x3FD2] =	sst s25  }
0xa6: {  	s4 =	sshll.u32 s26, $0x1;
	_ =	strace $0x80000046;
	[dreg:$0x1] =	wrdreg $0xFFFFFFFF  }
0xa7: {  	s28 =	simm.s32 $_size_execute0_lowered;
	s2 =	sadd.s32 s2, s4;
	[dreg:$0x0] =	wrdreg $0x0  }
0xa8: {  	s4 =	sshll.u32 s28, $0x1;
	[dreg:$0x2] =	wrdreg s2  }
0xa9: {  	[dreg:$0x3] =	wrdreg s4  }
0xaa: {  	[dreg:$0x4] =	wrdreg $0xC0  }
0xab: {  	_ =	task [dreg:s6], $0x5FFFF  }
0xac: {  	[dreg:$0x1] =	wrdreg $0xFFFFFFFF  }
0xad: {  	[dreg:$0x0] =	wrdreg $0x60  }
0xae: {  	[dreg:$0x2] =	wrdreg s24  }
0xaf: {  	[dreg:$0x3] =	wrdreg $0x37B00  }
0xb0: {  	[dreg:$0x4] =	wrdreg $0x9  }
0xb1: {  	_ =	task.clear_ibuf [dreg:s6], $0x5FFFF;
	_ =	strace $0x90000046  }
0xb2: {  	s29 =	simm.s32 $0x9;
	_ =	strace $0x80000048  }
0xb3: {  	_ =	swait.ge [sflag:s29], $0x1  }
0xb4: {  	[sflag:s29] =	ssyncadd.s32 $0xFFFFFFFF  }
0xb5: {  	_ =	strace $0x90000048  }
0xb6: {  	_ =	sfence  }
0xb7: {  	s30 =	sld [smem:$0x0];
	_ =	sdelay $0x2  }
0xb8: {  	s31 =	sshll.u32 s1, $0xD;
	s1 =	sshrl.u32 s1, $0x2  }
0xb9: {  	s3 =	sand.u32 $0x4000, s31;
	s1 =	sadd.s32 s1, s30  }
0xba: {  	s0 =	sor.u32 s3, s0;
	s1 =	sshll.u32 s1, $0x11  }
0xbb: {  	s0 =	sor.u32 s1, s0  }
0xbc: {  	s0 =	sadd.s32 $0x8F2B, s0  }
0xbd: {  	[sflag:s0] =	ssyncadd.remote.s32 $0x1  }
0xbe: {  	_ =	sfence.sel $0xFFFF  }
0xbf: {  	[dreg:$0x0] =	wrdreg $0xFFFFFFFF;
	(pc) =	sbr.abs _section_cstart, $3  }
0xc0: {  	[dreg:$0x1] =	wrdreg $0xFFFFFFFF  }
0xc1: {  	_ =	task.clear_ibuf [dreg:s6], $0x2FFFF;
	_ =	strace $0x9FFFFFFF  }
0xc2: {  	(tm) =	ssettm $0x7FFFFFFF  }
0xc3: {  	_ =	shalt  }
tec
execute0_lowered:
.L_overlay_start_1:
0x0: {  	(tag) =	ssettag $0x1  }
0x1: {  	s6 =	rddreg [dreg:$0x0]  }
0x2: {  	s2 =	rddreg [dreg:$0x1]  }
0x3: {  	s0 =	srdreg.scid;
	s1 =	rddreg [dreg:$0x2]  }
0x4: {  	s3 =	simm.s32 $0x0;
	s4 =	sand.u32 $0x1, s0;
	s0 =	stileid.u32  }
0x5: {  	s10 =	simm.s32 $0xC6800;
	[smem:$0x7FF] =	sst s3;
	s5 =	smul.u32 $0x186A00, s4  }
0x6: {  	s11 =	simm.s32 $0x0;
	s7 =	smul.u32 $0x186A0, s0;
	_ =	strace $0x80000047  }
0x7: {  	s31 =	ssub.s32 $0x2, s4;
	s8 =	smul.u32 $0x1870, s0;
	p0 =	seq.s32 s4, $0x1  }
0x8: {  	s9 =	sshrl.u32 s31, $0x1;
	s10 =	simm.s32 @!p0 $0xC9A00;
	s5 =	sadd.s32 s7, s5  }
0x9: {  	s4 =	sadd.s32 s8, s2;
	s8 =	sshrl.u32 s8, $0x3;
	s5 =	sshrl.u32 s5, $0x3  }
0xa: {  	s30 =	sadd.s32 s5, s6;
	s5 =	ssub.s32 s31, s9;
	s6 =	sadd.s32 s10, s6  }
0xb: {  	s9 =	simm.s32 $0x1;
	s10 =	simm.s32 $0xFA0;
	s5 =	smax.u32 s5, $0x1  }
0xc: {  	v0 =	vimm.f32 $1.000000000e+00;
	v1 =	vimm.f32 $0.0e+00;
	s6 =	sadd.s32 s6, s8;
	s7 =	sadd.s32 $0x3000, s30;
	s8 =	simm.s32 $0x1F40  }
.LBB2_1:
0xd: {  	s12 =	simm.s32 $0x0  }
.LBB2_2:
0xe: {  	p0 =	sne.s32 s12, $0x3E40  }
.Ltmp0:
0xf: {  	_ = 	snop;
	(pc) =	sbr.rel @p0 .LBB2_2-.Ltmp0, $3  }
0x10: {  	_ =	sdelay $0x1  }
0x11: {  	s13 =	sshra.s32 s12, $0x2  }
0x12: {  	s12 =	sadd.s32 $0x40, s12;
	[tilespmem:s13+$0xFA0] =	vst v0  }
0x13: {  	s12 =	simm.s32 $0x40;
	s13 =	simm.s32 $0x0  }
.LBB2_4:
0x14: {  	p0 =	sne.s32 s12, $0x6180;
	[tilespmem:s13+$0x1F40] =	vst v1;
	s13 =	smov.u32 s12;
	s12 =	sadd.s32 $0x40, s12  }
.Ltmp1:
0x15: {  	(pc) =	sbr.rel @p0 .LBB2_4-.Ltmp1, $2  }
0x16: {  	_ =	sdelay $0x2  }
0x17: {  	s13 =	sshra.s32 s13, $0x2  }
0x18: {  	[tilespmem:s13+$0x1F40] =	vst v1  }
0x19: {  	[spmem:s4] =	stream.linear.scatter [tilespmem:s8], [sflag:$0x1], $0x1870, $0x38;
	[tilespmem:$0x5020] =	vst v63  }
0x1a: {  	_ =	swait.ge [sflag:s9], $0x1870  }
0x1b: {  	[sflag:s9] =	ssyncset.done $0x0  }
0x1c: {  	[sflag:s9] =	ssyncadd.s32 $0xFFFFE790  }
0x1d: {  	s12 =	sadd.s32 $0x0, s7;
	[bflag:$0x0] =	sbarrier.arrive $0xFFFF  }
0x1e: {  	[tilespmem:s3], [sflag:$0x1] =	stream.linear.gather [hbm4b:s12+s3], $0xFA0, $0x38;
	[tilespmem:$0x5020] =	vst v63  }
0x1f: {  	_ =	swait.ge [sflag:s9], $0xFA0  }
0x20: {  	[sflag:s9] =	ssyncset.done $0x0  }
0x21: {  	[sflag:s9] =	ssyncadd.s32 $0xFFFFF060  }
0x22: {  	[spmem:s2] =	stream.indirect.scatter.add.f32 [tilespmem:s10], [sflag:$0x1], $0x1, s3, s10, $0xb8;
	[tilespmem:$0x5020] =	vst v63  }
0x23: {  	_ =	swait.ge [sflag:s9], $0xFA0  }
0x24: {  	s13 =	simm.s32 $0x3E8;
	s12 =	simm.s32 $0x1F4;
	[sflag:s9] =	ssyncset.done $0x0  }
.LBB2_6:
0x25: {  	s14 =	sadd.s32 s12, s7  }
0x26: {  	[sflag:s9] =	ssyncadd.s32 $0xFFFFF060;
	s12 =	smov.u32 s13;
	s15 =	sadd.s32 $0x1F4, s13  }
0x27: {  	[tilespmem:s3], [sflag:$0x1] =	stream.linear.gather [hbm4b:s14+s3], $0xFA0, $0x38;
	[tilespmem:$0x5020] =	vst v63  }
0x28: {  	p0 =	sne.s32 s13, $0x2EE0;
	_ =	swait.ge [sflag:s9], $0xFA0  }
.Ltmp2:
0x29: {  	[sflag:s9] =	ssyncset.done $0x0;
	(pc) =	sbr.rel @p0 .LBB2_6-.Ltmp2, $4  }
0x2a: {  	[sflag:s9] =	ssyncadd.s32 $0xFFFFF060  }
0x2b: {  	[spmem:s2] =	stream.indirect.scatter.add.f32 [tilespmem:s10], [sflag:$0x1], $0x1, s3, s10, $0xb8;
	[tilespmem:$0x5020] =	vst v63  }
0x2c: {  	_ =	swait.ge [sflag:s9], $0xFA0  }
0x2d: {  	s13 =	smov.u32 s15;
	[sflag:s9] =	ssyncset.done $0x0  }
0x2e: {  	s12 =	sadd.s32 s12, s7;
	[sflag:s9] =	ssyncadd.s32 $0xFFFFF060  }
0x2f: {  	[tilespmem:s3], [sflag:$0x1] =	stream.linear.gather [hbm4b:s12+s3], $0xFA0, $0x38;
	[tilespmem:$0x5020] =	vst v63  }
0x30: {  	_ =	swait.ge [sflag:s9], $0xFA0  }
0x31: {  	[sflag:s9] =	ssyncset.done $0x0  }
0x32: {  	[sflag:s9] =	ssyncadd.s32 $0xFFFFF060  }
0x33: {  	[spmem:s2] =	stream.indirect.scatter.add.f32 [tilespmem:s10], [sflag:$0x1], $0x1, s3, s10, $0xb8;
	[tilespmem:$0x5020] =	vst v63  }
0x34: {  	_ =	swait.ge [sflag:s9], $0xFA0  }
0x35: {  	[sflag:s9] =	ssyncset.done $0x0  }
0x36: {  	[sflag:s9] =	ssyncadd.s32 $0xFFFFF060  }
0x37: {  	[bflag:$0x0] =	sbarrier.arrive $0xFFFF  }
0x38: {  	[tilespmem:s8], [sflag:$0x1] =	stream.linear.gather [spmem:s4], $0x1870, $0x38;
	[tilespmem:$0x5020] =	vst v63  }
0x39: {  	s11 =	sadd.s32 $0x1, s11;
	_ =	swait.ge [sflag:s9], $0x1870  }
0x3a: {  	p0 =	sne.s32 s11, s5;
	[sflag:s9] =	ssyncset.done $0x0  }
.Ltmp3:
0x3b: {  	[sflag:s9] =	ssyncadd.s32 $0xFFFFE790;
	(pc) =	sbr.rel @p0 .LBB2_1-.Ltmp3, $4  }
0x3c: {  	[hbm4b:s6+s3] =	stream.linear.scatter [tilespmem:s8], [sflag:$0x1], $0x1870, $0x38;
	[tilespmem:$0x5020] =	vst v63  }
0x3d: {  	_ =	swait.ge [sflag:s9], $0x1870  }
0x3e: {  	[sflag:s9] =	ssyncset.done $0x0  }
0x3f: {  	[sflag:s9] =	ssyncadd.s32 $0xFFFFE790  }
0x40: {  	_ =	sfence.sel $0x180000  }
0x41: {  	[bflag:$0x0] =	sbarrier.arrive $0xFFFF  }
0x42: {  	p0 =	sne.s32 s0, $0x0;
	_ =	strace $0x90000047  }
0x43: {  	s0 =	sadd.s32 @!p0 $0x100000, s1;
	[bflag:$0x2] =	sbarrier.arrive $0xFFFF  }
0x44: {  	[sflag:s0] =	ssyncadd.tile.s32 @!p0 $0x1;
	_ =	shalt  }
.Lfunc_end2:
_tile_overlayer_lowered:
.L_overlay_start_2:
0x45: {  	(tag) =	ssettag $0x2  }
0x46: {  	s0 =	rddreg [dreg:$0x0];
	s2 =	stileid.u32  }
0x47: {  	s1 =	rddreg [dreg:$0x1];
	p0 =	sne.s32 s2, $0x0  }
0x48: {  	s3 =	rddreg [dreg:$0x2];
	[bflag:$0x3] =	sbarrier.arrive $0xFFFF;
	s2 =	simm.s32 @!p0 $0x1C01  }
0x49: {  	[timem:s3], [sflag:s2] =	dma.local @!p0 [hbm:s0], s1  }
0x4a: {  	s0 =	simm.s32 @!p0 $0x1  }
0x4b: {  	_ =	swait.ge @!p0 [sflag:s0], s1  }
0x4c: {  	s1 =	ssub.s32 @!p0 $0x0, s1;
	[sflag:s0] =	ssyncset.done @!p0 $0x0  }
0x4d: {  	[sflag:s0] =	ssyncadd.s32 @!p0 s1  }
0x4e: {  	[bflag:$0x3] =	sbarrier.arrive $0xFFFF  }
0x4f: {  	_ =	shalt  }

</sc_bundles>
